<compile_context>
chip_gen: v7x
topology: tpu7x:2x2x1
jax: 0.10.2.dev20260603
libtpu: 0.0.44.dev20260713+nightly
codegen_flags: <defaults>
</compile_context>

<pallas_src>
import functools

import jax
import jax.numpy as jnp
from jax import lax
from jax.experimental import pallas as pl
from jax.experimental.pallas import tpu as pltpu
from jax.experimental.pallas import tpu_sc as plsc

N = 10000
E = 320000
D = 128
K = 10
ALPHA = 0.1

NW = 32
N2 = 10240
CHUNK = 112
NCH = 90
EPW = CHUNK * NCH
E2 = NW * EPW
RPT = N2 // 16
NBUF = 2
NI = 2 * NBUF

_mesh = plsc.VectorSubcoreMesh(core_axis_name="c", subcore_axis_name="s")


@functools.partial(
    pl.kernel,
    mesh=_mesh,
    out_type=jax.ShapeDtypeStruct((2, 2, N2), jnp.float32),
    scratch_types=[
        pltpu.VMEM((NCH, 2, CHUNK), jnp.int32),
        pltpu.VMEM((CHUNK,), jnp.float32),
        pltpu.VMEM_SHARED((N2,), jnp.float32),
        pltpu.VMEM_SHARED((N2,), jnp.float32),
    ],
)
def _deg_kernel(ei_hbm, zd_hbm, degout_hbm,
                idx_v, ones_v, dsrc_sh, ddst_sh):
    c = lax.axis_index("c")
    s = lax.axis_index("s")
    w = s * 2 + c
    for i in range(7):
        ones_v[pl.ds(i * 16, 16)] = jnp.ones((16,), jnp.float32)
    pltpu.sync_copy(zd_hbm.at[0, pl.ds(s * RPT, RPT)],
                    dsrc_sh.at[pl.ds(s * RPT, RPT)])
    pltpu.sync_copy(zd_hbm.at[1, pl.ds(s * RPT, RPT)],
                    ddst_sh.at[pl.ds(s * RPT, RPT)])
    plsc.subcore_barrier()

    pltpu.sync_copy(ei_hbm.at[w], idx_v)

    def body(j, carry):
        pltpu.sync_copy(ones_v, dsrc_sh.at[idx_v.at[j, 0]], add=True)
        pltpu.sync_copy(ones_v, ddst_sh.at[idx_v.at[j, 1]], add=True)
        return carry

    lax.fori_loop(0, NCH, body, 0)
    plsc.subcore_barrier()

    pltpu.sync_copy(dsrc_sh.at[pl.ds(s * RPT, RPT)],
                    degout_hbm.at[c, 0, pl.ds(s * RPT, RPT)])
    pltpu.sync_copy(ddst_sh.at[pl.ds(s * RPT, RPT)],
                    degout_hbm.at[c, 1, pl.ds(s * RPT, RPT)])


@functools.partial(
    pl.kernel,
    mesh=_mesh,
    out_type=jax.ShapeDtypeStruct((2, N2, D), jnp.float32),
    scratch_types=[
        pltpu.VMEM((NI, 2, CHUNK), jnp.int32),
        pltpu.VMEM((NBUF, CHUNK, D), jnp.float32),
        pltpu.VMEM_SHARED((N2, D), jnp.float32),
    ]
    + [pltpu.SemaphoreType.DMA] * (NI + NBUF),
)
def _prop_kernel(g_hbm, ei_hbm, znd_hbm, pout_hbm,
                 ring, rowbuf, agg_sh, *sems):
    isem = sems[:NI]
    gsem = sems[NI:]
    c = lax.axis_index("c")
    s = lax.axis_index("s")
    w = s * 2 + c
    pltpu.sync_copy(znd_hbm.at[pl.ds(s * RPT, RPT)],
                    agg_sh.at[pl.ds(s * RPT, RPT)])
    plsc.subcore_barrier()

    def group_body(j, carry):
        pltpu.sync_copy(ei_hbm.at[w, j], ring.at[0])
        pltpu.async_copy(g_hbm.at[ring.at[0, 0]], rowbuf.at[0],
                         gsem[0]).wait()
        pltpu.sync_copy(rowbuf.at[0], agg_sh.at[ring.at[0, 1]], add=True)
        return carry

    lax.fori_loop(0, NCH, group_body, 0)
    plsc.subcore_barrier()

    pltpu.sync_copy(agg_sh.at[pl.ds(s * RPT, RPT)],
                    pout_hbm.at[c, pl.ds(s * RPT, RPT)])


def _norm_body(degp_ref, f0_ref, srcn_ref, dstn_ref, af0_ref, g0_ref):
    dsrc = degp_ref[0, 0] + degp_ref[1, 0]
    ddst = degp_ref[0, 1] + degp_ref[1, 1]
    srcn = lax.rsqrt(jnp.maximum(dsrc, 1.0))[:, None]
    dstn = lax.rsqrt(jnp.maximum(ddst, 1.0))[:, None]
    f0 = f0_ref[...]
    srcn_b = jnp.broadcast_to(srcn, (N2, D))
    srcn_ref[...] = srcn_b
    dstn_ref[...] = jnp.broadcast_to((1.0 - ALPHA) * dstn, (N2, D))
    af0_ref[...] = ALPHA * f0
    g0_ref[...] = f0 * srcn_b


_norm_call = pl.pallas_call(
    _norm_body,
    out_shape=[
        jax.ShapeDtypeStruct((N2, D), jnp.float32),
        jax.ShapeDtypeStruct((N2, D), jnp.float32),
        jax.ShapeDtypeStruct((N2, D), jnp.float32),
        jax.ShapeDtypeStruct((N2, D), jnp.float32),
    ],
)


_MIXB = 1024


def _mix_body(p0_ref, p1_ref, srcn_ref, dstn_ref, af0_ref, feat_ref, g_ref):
    feat = dstn_ref[...] * (p0_ref[...] + p1_ref[...]) + af0_ref[...]
    feat_ref[...] = feat
    g_ref[...] = feat * srcn_ref[...]


_mix_call = pl.pallas_call(
    _mix_body,
    grid=(N2 // _MIXB,),
    in_specs=[pl.BlockSpec((_MIXB, D), lambda i: (i, 0))] * 5,
    out_specs=[pl.BlockSpec((_MIXB, D), lambda i: (i, 0))] * 2,
    out_shape=[
        jax.ShapeDtypeStruct((N2, D), jnp.float32),
        jax.ShapeDtypeStruct((N2, D), jnp.float32),
    ],
)


@jax.jit
def kernel(features, edge_index):
    pad = jnp.full((2, E2 - E), N, jnp.int32)
    ei = jnp.concatenate([edge_index, pad], axis=1)
    ei4 = ei.reshape(2, NW, NCH, CHUNK).transpose(1, 2, 0, 3)
    zd = jnp.zeros((2, N2), jnp.float32)
    znd = jnp.zeros((N2, D), jnp.float32)
    f0 = jnp.pad(features, ((0, N2 - N), (0, 0)))

    degp = _deg_kernel(ei4, zd)
    srcn_b, dstn_b, af0, g = _norm_call(degp, f0)

    feat = f0
    for _ in range(K):
        p = _prop_kernel(g, ei4, znd)
        feat, g = _mix_call(p[0], p[1], srcn_b, dstn_b, af0)
    return feat[:N]

# --- scband reference (transcript-rebuilt; emitter-appended) ---
"""Pipeline reference for scband-appnp-19413252178060 (READ-ONLY COPY).

The authoritative reference and input builder live on the scoring server;
editing this copy changes nothing except your own understanding.
"""

import jax, jax.numpy as jnp
import numpy as np

N = 10000
E = 320000
D = 128
K = 10
ALPHA = 0.1


def setup_inputs(seed: int = 0) -> dict:
    key = jax.random.key(seed)
    k1, k2 = jax.random.split(key)
    features = jax.random.normal(k1, (N, D), dtype=jnp.float32)
    edge_index = jax.random.randint(k2, (2, E), 0, N, dtype=jnp.int32)
    return {"features": features, "edge_index": edge_index}


def reference(features, edge_index):
    # Dropouts are identity in eval / with p=0.0, edge_weight is None.
    src = edge_index[0]
    dst = edge_index[1]
    ones_e = jnp.ones((E,), dtype=jnp.float32)
    out_deg = jnp.zeros((N,), dtype=jnp.float32).at[src].add(ones_e)
    in_deg = jnp.zeros((N,), dtype=jnp.float32).at[dst].add(ones_e)
    src_norm = jnp.power(jnp.clip(out_deg, 1.0, None), -0.5)[:, None]
    dst_norm = jnp.power(jnp.clip(in_deg, 1.0, None), -0.5)[:, None]
    feat_0 = features
    feat = features
    for _ in range(K):
        feat = feat * src_norm
        # message: u_mul_e('h','w') with w = ones -> gather src features
        m = jnp.take(feat, src, axis=0)
        # sum aggregation at dst
        agg = jnp.zeros((N, D), dtype=feat.dtype).at[dst].add(m)
        feat = agg * dst_norm
        feat = (1.0 - ALPHA) * feat + ALPHA * feat_0
    return feat

if __name__ == "__main__":
    import jax
    _d = setup_inputs()
    print(jax.jit(kernel)(*tuple(_d.values())))

</pallas_src>

<mosaic_0001>
#map = affine_map<(d0, d1) -> (0, 0)>
#map1 = affine_map<(d0, d1) -> (0, 0, 0, 0)>
#map2 = affine_map<(d0, d1) -> (0, 0, 0)>
module attributes {stable_mosaic.version = 14 : i64} {
  func.func @_prop_kernel(%arg0: i32, %arg1: i32, %arg2: memref<10240x128xf32, #tpu.memory_space<hbm>>, %arg3: memref<32x90x2x112xi32, #tpu.memory_space<hbm>>, %arg4: memref<10240x128xf32, #tpu.memory_space<hbm>>, %arg5: memref<2x10240x128xf32, #tpu.memory_space<hbm>>, %arg6: memref<4x2x112xi32, #tpu.memory_space<vmem>>, %arg7: memref<2x112x128xf32, #tpu.memory_space<vmem>>, %arg8: memref<10240x128xf32, #tpu.memory_space<vmem_shared>>, %arg9: memref<!tpu.dma_semaphore, #tpu.memory_space<semaphore_mem>>, %arg10: memref<!tpu.dma_semaphore, #tpu.memory_space<semaphore_mem>>, %arg11: memref<!tpu.dma_semaphore, #tpu.memory_space<semaphore_mem>>, %arg12: memref<!tpu.dma_semaphore, #tpu.memory_space<semaphore_mem>>, %arg13: memref<!tpu.dma_semaphore, #tpu.memory_space<semaphore_mem>>, %arg14: memref<!tpu.dma_semaphore, #tpu.memory_space<semaphore_mem>>) attributes {dimension_semantics = [#tpu.dimension_semantics<core_parallel>, #tpu.dimension_semantics<subcore_parallel>], iteration_bounds = array<i64: 2, 16>, scalar_prefetch = 0 : i64, scratch_operands = 9 : i64, tpu.core_type = #tpu.core_type<sc_vector_subcore>, window_params = [{transform_indices = #map}, {transform_indices = #map1}, {transform_indices = #map}, {transform_indices = #map2}]} {
    %mul3A = arith.constant 2 : i32
    %mul3A_0 = arith.muli %arg1, %mul3A : i32
    %add3A = arith.addi %mul3A_0, %arg0 : i32
    %mul3A_1 = arith.constant 640 : i32
    %mul3A_2 = arith.muli %arg1, %mul3A_1 : i32
    %mul3A_3 = arith.constant 640 : i32
    %mul3A_4 = arith.muli %arg1, %mul3A_3 : i32
    "tpu.region"() ({
      %run_scoped3A = tpu.sem_alloc : memref<!tpu.dma_semaphore, #tpu.memory_space<semaphore_mem>>
      %dma_start3A = arith.constant 0 : i32
      %dma_start3A_15 = tpu.memref_slice %arg8[%mul3A_4, %dma_start3A] : memref<10240x128xf32, #tpu.memory_space<vmem_shared>> -> memref<640x128xf32, #tpu.memory_space<vmem_shared>>
      %dma_start3A_16 = arith.constant 0 : i32
      %dma_start3A_17 = tpu.memref_slice %arg4[%mul3A_2, %dma_start3A_16] : memref<10240x128xf32, #tpu.memory_space<hbm>> -> memref<640x128xf32, #tpu.memory_space<hbm>>
      tpu.enqueue_dma source(%dma_start3A_17 : memref<640x128xf32, #tpu.memory_space<hbm>>) target(%dma_start3A_15 : memref<640x128xf32, #tpu.memory_space<vmem_shared>>) target_semaphore(%run_scoped3A : memref<!tpu.dma_semaphore, #tpu.memory_space<semaphore_mem>>)
      %dma_wait3A = arith.constant 0 : i32
      %dma_wait3A_18 = tpu.memref_slice %arg8[%mul3A_4, %dma_wait3A] : memref<10240x128xf32, #tpu.memory_space<vmem_shared>> -> memref<640x128xf32, #tpu.memory_space<vmem_shared>>
      %dma_wait3A_19 = arith.constant 0 : i32
      %dma_wait3A_20 = tpu.memref_slice %arg4[%mul3A_2, %dma_wait3A_19] : memref<10240x128xf32, #tpu.memory_space<hbm>> -> memref<640x128xf32, #tpu.memory_space<hbm>>
      tpu.wait_dma2 semaphore(%run_scoped3A : memref<!tpu.dma_semaphore, #tpu.memory_space<semaphore_mem>>) src(%dma_wait3A_20 : memref<640x128xf32, #tpu.memory_space<hbm>>) dst(%dma_wait3A_18 : memref<640x128xf32, #tpu.memory_space<vmem_shared>>)
      tpu.yield
    }) : () -> ()
    %barrier3A = arith.constant 0 : index
    tpu.barrier barrier_id(%barrier3A)
    %scan3A = arith.constant 0 : i32
    %scan3A_5 = arith.constant 0 : i32
    %scan3A_6 = arith.constant 90 : i32
    %scan3A_7 = arith.addi %scan3A_5, %scan3A_6 : i32
    %scan3A_8 = arith.constant 1 : i32
    scf.for %scan3A_15 = %scan3A_5 to %scan3A_7 step %scan3A_8  : i32 {
      %run_scoped3A = arith.constant 0 : i32
      "tpu.region"() ({
        %run_scoped3A_43 = tpu.sem_alloc : memref<!tpu.dma_semaphore, #tpu.memory_space<semaphore_mem>>
        %dma_start3A_44 = arith.constant 0 : i32
        %dma_start3A_45 = arith.constant 0 : i32
        %dma_start3A_46 = tpu.memref_slice %arg6[%run_scoped3A, %dma_start3A_44, %dma_start3A_45] : memref<4x2x112xi32, #tpu.memory_space<vmem>> -> memref<1x2x112xi32, #tpu.memory_space<vmem>>
        %dma_start3A_47 = tpu.memref_squeeze %dma_start3A_46 : memref<1x2x112xi32, #tpu.memory_space<vmem>> -> memref<2x112xi32, #tpu.memory_space<vmem>>
        %dma_start3A_48 = arith.constant 0 : i32
        %dma_start3A_49 = arith.constant 0 : i32
        %dma_start3A_50 = tpu.memref_slice %arg3[%add3A, %scan3A_15, %dma_start3A_48, %dma_start3A_49] : memref<32x90x2x112xi32, #tpu.memory_space<hbm>> -> memref<1x1x2x112xi32, #tpu.memory_space<hbm>>
        %dma_start3A_51 = tpu.memref_squeeze %dma_start3A_50 : memref<1x1x2x112xi32, #tpu.memory_space<hbm>> -> memref<2x112xi32, #tpu.memory_space<hbm>>
        %dma_start3A_52 = arith.constant 0 : i32
        %dma_start3A_53 = arith.constant 0 : i32
        %dma_start3A_54 = tpu.memref_slice %arg6[%run_scoped3A, %dma_start3A_52, %dma_start3A_53] : memref<4x2x112xi32, #tpu.memory_space<vmem>> -> memref<1x2x112xi32, #tpu.memory_space<vmem>>
        %dma_start3A_55 = tpu.memref_squeeze %dma_start3A_54 : memref<1x2x112xi32, #tpu.memory_space<vmem>> -> memref<2x112xi32, #tpu.memory_space<vmem>>
        %dma_start3A_56 = arith.constant 0 : i32
        %dma_start3A_57 = arith.constant 0 : i32
        %dma_start3A_58 = tpu.memref_slice %arg3[%add3A, %scan3A_15, %dma_start3A_56, %dma_start3A_57] : memref<32x90x2x112xi32, #tpu.memory_space<hbm>> -> memref<1x1x2x112xi32, #tpu.memory_space<hbm>>
        %dma_start3A_59 = tpu.memref_squeeze %dma_start3A_58 : memref<1x1x2x112xi32, #tpu.memory_space<hbm>> -> memref<2x112xi32, #tpu.memory_space<hbm>>
        tpu.enqueue_dma source(%dma_start3A_59 : memref<2x112xi32, #tpu.memory_space<hbm>>) target(%dma_start3A_55 : memref<2x112xi32, #tpu.memory_space<vmem>>) target_semaphore(%run_scoped3A_43 : memref<!tpu.dma_semaphore, #tpu.memory_space<semaphore_mem>>)
        %dma_wait3A_60 = arith.constant 0 : i32
        %dma_wait3A_61 = arith.constant 0 : i32
        %dma_wait3A_62 = tpu.memref_slice %arg6[%run_scoped3A, %dma_wait3A_60, %dma_wait3A_61] : memref<4x2x112xi32, #tpu.memory_space<vmem>> -> memref<1x2x112xi32, #tpu.memory_space<vmem>>
        %dma_wait3A_63 = tpu.memref_squeeze %dma_wait3A_62 : memref<1x2x112xi32, #tpu.memory_space<vmem>> -> memref<2x112xi32, #tpu.memory_space<vmem>>
        %dma_wait3A_64 = arith.constant 0 : i32
        %dma_wait3A_65 = arith.constant 0 : i32
        %dma_wait3A_66 = tpu.memref_slice %arg3[%add3A, %scan3A_15, %dma_wait3A_64, %dma_wait3A_65] : memref<32x90x2x112xi32, #tpu.memory_space<hbm>> -> memref<1x1x2x112xi32, #tpu.memory_space<hbm>>
        %dma_wait3A_67 = tpu.memref_squeeze %dma_wait3A_66 : memref<1x1x2x112xi32, #tpu.memory_space<hbm>> -> memref<2x112xi32, #tpu.memory_space<hbm>>
        %dma_wait3A_68 = arith.constant 0 : i32
        %dma_wait3A_69 = arith.constant 0 : i32
        %dma_wait3A_70 = tpu.memref_slice %arg6[%run_scoped3A, %dma_wait3A_68, %dma_wait3A_69] : memref<4x2x112xi32, #tpu.memory_space<vmem>> -> memref<1x2x112xi32, #tpu.memory_space<vmem>>
        %dma_wait3A_71 = tpu.memref_squeeze %dma_wait3A_70 : memref<1x2x112xi32, #tpu.memory_space<vmem>> -> memref<2x112xi32, #tpu.memory_space<vmem>>
        %dma_wait3A_72 = arith.constant 0 : i32
        %dma_wait3A_73 = arith.constant 0 : i32
        %dma_wait3A_74 = tpu.memref_slice %arg3[%add3A, %scan3A_15, %dma_wait3A_72, %dma_wait3A_73] : memref<32x90x2x112xi32, #tpu.memory_space<hbm>> -> memref<1x1x2x112xi32, #tpu.memory_space<hbm>>
        %dma_wait3A_75 = tpu.memref_squeeze %dma_wait3A_74 : memref<1x1x2x112xi32, #tpu.memory_space<hbm>> -> memref<2x112xi32, #tpu.memory_space<hbm>>
        tpu.wait_dma2 semaphore(%run_scoped3A_43 : memref<!tpu.dma_semaphore, #tpu.memory_space<semaphore_mem>>) src(%dma_wait3A_75 : memref<2x112xi32, #tpu.memory_space<hbm>>) dst(%dma_wait3A_71 : memref<2x112xi32, #tpu.memory_space<vmem>>)
        tpu.yield
      }) : () -> ()
      %dma_start3A = arith.constant 0 : i32
      %dma_start3A_16 = arith.constant 0 : i32
      %dma_start3A_17 = arith.constant 0 : i32
      %dma_start3A_18 = arith.constant 0 : i32
      %dma_start3A_19 = arith.constant 0 : i32
      %dma_start3A_20 = tpu.memref_slice %arg7[%dma_start3A_17, %dma_start3A_18, %dma_start3A_19] : memref<2x112x128xf32, #tpu.memory_space<vmem>> -> memref<1x112x128xf32, #tpu.memory_space<vmem>>
      %dma_start3A_21 = tpu.memref_squeeze %dma_start3A_20 : memref<1x112x128xf32, #tpu.memory_space<vmem>> -> memref<112x128xf32, #tpu.memory_space<vmem>>
      %dma_start3A_22 = arith.constant 0 : i32
      %dma_start3A_23 = tpu.memref_slice %arg6[%dma_start3A, %dma_start3A_16, %dma_start3A_22] : memref<4x2x112xi32, #tpu.memory_space<vmem>> -> memref<1x1x112xi32, #tpu.memory_space<vmem>>
      %dma_start3A_24 = tpu.memref_squeeze %dma_start3A_23 : memref<1x1x112xi32, #tpu.memory_space<vmem>> -> memref<112xi32, #tpu.memory_space<vmem>>
      %dma_start3A_25 = arith.constant 0 : i32
      %dma_start3A_26 = arith.constant 0 : i32
      %dma_start3A_27 = tpu.memref_slice %arg2[%dma_start3A_25, %dma_start3A_26] : memref<10240x128xf32, #tpu.memory_space<hbm>> -> memref<10240x128xf32, #tpu.memory_space<hbm>>
      tpu.enqueue_indirect_dma source(%dma_start3A_27 : memref<10240x128xf32, #tpu.memory_space<hbm>>) target(%dma_start3A_21 : memref<112x128xf32, #tpu.memory_space<vmem>>) offsets(%dma_start3A_24 : memref<112xi32, #tpu.memory_space<vmem>>) semaphore(%arg13 : memref<!tpu.dma_semaphore, #tpu.memory_space<semaphore_mem>>)
      %dma_wait3A = arith.constant 0 : i32
      %dma_wait3A_28 = arith.constant 0 : i32
      %dma_wait3A_29 = arith.constant 0 : i32
      %dma_wait3A_30 = arith.constant 0 : i32
      %dma_wait3A_31 = arith.constant 0 : i32
      %dma_wait3A_32 = tpu.memref_slice %arg7[%dma_wait3A_29, %dma_wait3A_30, %dma_wait3A_31] : memref<2x112x128xf32, #tpu.memory_space<vmem>> -> memref<1x112x128xf32, #tpu.memory_space<vmem>>
      %dma_wait3A_33 = tpu.memref_squeeze %dma_wait3A_32 : memref<1x112x128xf32, #tpu.memory_space<vmem>> -> memref<112x128xf32, #tpu.memory_space<vmem>>
      %dma_wait3A_34 = arith.constant 0 : i32
      %dma_wait3A_35 = tpu.memref_slice %arg6[%dma_wait3A, %dma_wait3A_28, %dma_wait3A_34] : memref<4x2x112xi32, #tpu.memory_space<vmem>> -> memref<1x1x112xi32, #tpu.memory_space<vmem>>
      %dma_wait3A_36 = tpu.memref_squeeze %dma_wait3A_35 : memref<1x1x112xi32, #tpu.memory_space<vmem>> -> memref<112xi32, #tpu.memory_space<vmem>>
      %dma_wait3A_37 = arith.constant 0 : i32
      %dma_wait3A_38 = arith.constant 0 : i32
      %dma_wait3A_39 = tpu.memref_slice %arg2[%dma_wait3A_37, %dma_wait3A_38] : memref<10240x128xf32, #tpu.memory_space<hbm>> -> memref<10240x128xf32, #tpu.memory_space<hbm>>
      tpu.wait_indirect_dma semaphore(%arg13 : memref<!tpu.dma_semaphore, #tpu.memory_space<semaphore_mem>>) src(%dma_wait3A_39 : memref<10240x128xf32, #tpu.memory_space<hbm>>) dst(%dma_wait3A_33 : memref<112x128xf32, #tpu.memory_space<vmem>>)
      %run_scoped3A_40 = arith.constant 0 : i32
      %run_scoped3A_41 = arith.constant 0 : i32
      %run_scoped3A_42 = arith.constant 1 : i32
      "tpu.region"() ({
        %run_scoped3A_43 = tpu.sem_alloc : memref<!tpu.dma_semaphore, #tpu.memory_space<semaphore_mem>>
        %dma_start3A_44 = arith.constant 0 : i32
        %dma_start3A_45 = arith.constant 0 : i32
        %dma_start3A_46 = tpu.memref_slice %arg7[%run_scoped3A_40, %dma_start3A_44, %dma_start3A_45] : memref<2x112x128xf32, #tpu.memory_space<vmem>> -> memref<1x112x128xf32, #tpu.memory_space<vmem>>
        %dma_start3A_47 = tpu.memref_squeeze %dma_start3A_46 : memref<1x112x128xf32, #tpu.memory_space<vmem>> -> memref<112x128xf32, #tpu.memory_space<vmem>>
        %dma_start3A_48 = arith.constant 0 : i32
        %dma_start3A_49 = tpu.memref_slice %arg6[%run_scoped3A_41, %run_scoped3A_42, %dma_start3A_48] : memref<4x2x112xi32, #tpu.memory_space<vmem>> -> memref<1x1x112xi32, #tpu.memory_space<vmem>>
        %dma_start3A_50 = tpu.memref_squeeze %dma_start3A_49 : memref<1x1x112xi32, #tpu.memory_space<vmem>> -> memref<112xi32, #tpu.memory_space<vmem>>
        %dma_start3A_51 = arith.constant 0 : i32
        %dma_start3A_52 = arith.constant 0 : i32
        %dma_start3A_53 = tpu.memref_slice %arg8[%dma_start3A_51, %dma_start3A_52] : memref<10240x128xf32, #tpu.memory_space<vmem_shared>> -> memref<10240x128xf32, #tpu.memory_space<vmem_shared>>
        tpu.enqueue_indirect_dma source(%dma_start3A_47 : memref<112x128xf32, #tpu.memory_space<vmem>>) target(%dma_start3A_53 : memref<10240x128xf32, #tpu.memory_space<vmem_shared>>) offsets(%dma_start3A_50 : memref<112xi32, #tpu.memory_space<vmem>>) semaphore(%run_scoped3A_43 : memref<!tpu.dma_semaphore, #tpu.memory_space<semaphore_mem>>) {add = true}
        %dma_wait3A_54 = arith.constant 0 : i32
        %dma_wait3A_55 = arith.constant 0 : i32
        %dma_wait3A_56 = tpu.memref_slice %arg7[%run_scoped3A_40, %dma_wait3A_54, %dma_wait3A_55] : memref<2x112x128xf32, #tpu.memory_space<vmem>> -> memref<1x112x128xf32, #tpu.memory_space<vmem>>
        %dma_wait3A_57 = tpu.memref_squeeze %dma_wait3A_56 : memref<1x112x128xf32, #tpu.memory_space<vmem>> -> memref<112x128xf32, #tpu.memory_space<vmem>>
        %dma_wait3A_58 = arith.constant 0 : i32
        %dma_wait3A_59 = tpu.memref_slice %arg6[%run_scoped3A_41, %run_scoped3A_42, %dma_wait3A_58] : memref<4x2x112xi32, #tpu.memory_space<vmem>> -> memref<1x1x112xi32, #tpu.memory_space<vmem>>
        %dma_wait3A_60 = tpu.memref_squeeze %dma_wait3A_59 : memref<1x1x112xi32, #tpu.memory_space<vmem>> -> memref<112xi32, #tpu.memory_space<vmem>>
        %dma_wait3A_61 = arith.constant 0 : i32
        %dma_wait3A_62 = arith.constant 0 : i32
        %dma_wait3A_63 = tpu.memref_slice %arg8[%dma_wait3A_61, %dma_wait3A_62] : memref<10240x128xf32, #tpu.memory_space<vmem_shared>> -> memref<10240x128xf32, #tpu.memory_space<vmem_shared>>
        tpu.wait_indirect_dma semaphore(%run_scoped3A_43 : memref<!tpu.dma_semaphore, #tpu.memory_space<semaphore_mem>>) src(%dma_wait3A_57 : memref<112x128xf32, #tpu.memory_space<vmem>>) dst(%dma_wait3A_63 : memref<10240x128xf32, #tpu.memory_space<vmem_shared>>)
        tpu.yield
      }) : () -> ()
    }
    %scan3A_9 = arith.constant 90 : i32
    %barrier3A_10 = arith.constant 0 : index
    tpu.barrier barrier_id(%barrier3A_10)
    %mul3A_11 = arith.constant 640 : i32
    %mul3A_12 = arith.muli %arg1, %mul3A_11 : i32
    %mul3A_13 = arith.constant 640 : i32
    %mul3A_14 = arith.muli %arg1, %mul3A_13 : i32
    "tpu.region"() ({
      %run_scoped3A = tpu.sem_alloc : memref<!tpu.dma_semaphore, #tpu.memory_space<semaphore_mem>>
      %dma_start3A = arith.constant 0 : i32
      %dma_start3A_15 = tpu.memref_slice %arg5[%arg0, %mul3A_14, %dma_start3A] : memref<2x10240x128xf32, #tpu.memory_space<hbm>> -> memref<1x640x128xf32, #tpu.memory_space<hbm>>
      %dma_start3A_16 = tpu.memref_squeeze %dma_start3A_15 : memref<1x640x128xf32, #tpu.memory_space<hbm>> -> memref<640x128xf32, #tpu.memory_space<hbm>>
      %dma_start3A_17 = arith.constant 0 : i32
      %dma_start3A_18 = tpu.memref_slice %arg8[%mul3A_12, %dma_start3A_17] : memref<10240x128xf32, #tpu.memory_space<vmem_shared>> -> memref<640x128xf32, #tpu.memory_space<vmem_shared>>
      tpu.enqueue_dma source(%dma_start3A_18 : memref<640x128xf32, #tpu.memory_space<vmem_shared>>) target(%dma_start3A_16 : memref<640x128xf32, #tpu.memory_space<hbm>>) target_semaphore(%run_scoped3A : memref<!tpu.dma_semaphore, #tpu.memory_space<semaphore_mem>>)
      %dma_wait3A = arith.constant 0 : i32
      %dma_wait3A_19 = tpu.memref_slice %arg5[%arg0, %mul3A_14, %dma_wait3A] : memref<2x10240x128xf32, #tpu.memory_space<hbm>> -> memref<1x640x128xf32, #tpu.memory_space<hbm>>
      %dma_wait3A_20 = tpu.memref_squeeze %dma_wait3A_19 : memref<1x640x128xf32, #tpu.memory_space<hbm>> -> memref<640x128xf32, #tpu.memory_space<hbm>>
      %dma_wait3A_21 = arith.constant 0 : i32
      %dma_wait3A_22 = tpu.memref_slice %arg8[%mul3A_12, %dma_wait3A_21] : memref<10240x128xf32, #tpu.memory_space<vmem_shared>> -> memref<640x128xf32, #tpu.memory_space<vmem_shared>>
      tpu.wait_dma2 semaphore(%run_scoped3A : memref<!tpu.dma_semaphore, #tpu.memory_space<semaphore_mem>>) src(%dma_wait3A_22 : memref<640x128xf32, #tpu.memory_space<vmem_shared>>) dst(%dma_wait3A_20 : memref<640x128xf32, #tpu.memory_space<hbm>>)
      tpu.yield
    }) : () -> ()
    return
  }
}

#map = affine_map<(d0, d1) -> (0, 0)>
#map1 = affine_map<(d0, d1) -> (0, 0, 0, 0)>
#map2 = affine_map<(d0, d1) -> (0, 0, 0)>
module attributes {stable_mosaic.version = 14 : i64} {
  func.func @_prop_kernel(%arg0: i32, %arg1: i32, %arg2: memref<10240x128xf32, #tpu.memory_space<hbm>>, %arg3: memref<32x90x2x112xi32, #tpu.memory_space<hbm>>, %arg4: memref<10240x128xf32, #tpu.memory_space<hbm>>, %arg5: memref<2x10240x128xf32, #tpu.memory_space<hbm>>, %arg6: memref<4x2x112xi32, #tpu.memory_space<vmem>>, %arg7: memref<2x112x128xf32, #tpu.memory_space<vmem>>, %arg8: memref<10240x128xf32, #tpu.memory_space<vmem_shared>>, %arg9: memref<!tpu.dma_semaphore, #tpu.memory_space<semaphore_mem>>, %arg10: memref<!tpu.dma_semaphore, #tpu.memory_space<semaphore_mem>>, %arg11: memref<!tpu.dma_semaphore, #tpu.memory_space<semaphore_mem>>, %arg12: memref<!tpu.dma_semaphore, #tpu.memory_space<semaphore_mem>>, %arg13: memref<!tpu.dma_semaphore, #tpu.memory_space<semaphore_mem>>, %arg14: memref<!tpu.dma_semaphore, #tpu.memory_space<semaphore_mem>>) attributes {dimension_semantics = [#tpu.dimension_semantics<core_parallel>, #tpu.dimension_semantics<subcore_parallel>], iteration_bounds = array<i64: 2, 16>, scalar_prefetch = 0 : i64, scratch_operands = 9 : i64, tpu.core_type = #tpu.core_type<sc_vector_subcore>, window_params = [{transform_indices = #map}, {transform_indices = #map1}, {transform_indices = #map}, {transform_indices = #map2}]} {
    %mul3A = arith.constant 2 : i32
    %mul3A_0 = arith.muli %arg1, %mul3A : i32
    %add3A = arith.addi %mul3A_0, %arg0 : i32
    %mul3A_1 = arith.constant 640 : i32
    %mul3A_2 = arith.muli %arg1, %mul3A_1 : i32
    %mul3A_3 = arith.constant 640 : i32
    %mul3A_4 = arith.muli %arg1, %mul3A_3 : i32
    "tpu.region"() ({
      %run_scoped3A = tpu.sem_alloc : memref<!tpu.dma_semaphore, #tpu.memory_space<semaphore_mem>>
      %dma_start3A = arith.constant 0 : i32
      %dma_start3A_15 = tpu.memref_slice %arg8[%mul3A_4, %dma_start3A] : memref<10240x128xf32, #tpu.memory_space<vmem_shared>> -> memref<640x128xf32, #tpu.memory_space<vmem_shared>>
      %dma_start3A_16 = arith.constant 0 : i32
      %dma_start3A_17 = tpu.memref_slice %arg4[%mul3A_2, %dma_start3A_16] : memref<10240x128xf32, #tpu.memory_space<hbm>> -> memref<640x128xf32, #tpu.memory_space<hbm>>
      tpu.enqueue_dma source(%dma_start3A_17 : memref<640x128xf32, #tpu.memory_space<hbm>>) target(%dma_start3A_15 : memref<640x128xf32, #tpu.memory_space<vmem_shared>>) target_semaphore(%run_scoped3A : memref<!tpu.dma_semaphore, #tpu.memory_space<semaphore_mem>>)
      %dma_wait3A = arith.constant 0 : i32
      %dma_wait3A_18 = tpu.memref_slice %arg8[%mul3A_4, %dma_wait3A] : memref<10240x128xf32, #tpu.memory_space<vmem_shared>> -> memref<640x128xf32, #tpu.memory_space<vmem_shared>>
      %dma_wait3A_19 = arith.constant 0 : i32
      %dma_wait3A_20 = tpu.memref_slice %arg4[%mul3A_2, %dma_wait3A_19] : memref<10240x128xf32, #tpu.memory_space<hbm>> -> memref<640x128xf32, #tpu.memory_space<hbm>>
      tpu.wait_dma2 semaphore(%run_scoped3A : memref<!tpu.dma_semaphore, #tpu.memory_space<semaphore_mem>>) src(%dma_wait3A_20 : memref<640x128xf32, #tpu.memory_space<hbm>>) dst(%dma_wait3A_18 : memref<640x128xf32, #tpu.memory_space<vmem_shared>>)
      tpu.yield
    }) : () -> ()
    %barrier3A = arith.constant 0 : index
    tpu.barrier barrier_id(%barrier3A)
    %scan3A = arith.constant 0 : i32
    %scan3A_5 = arith.constant 0 : i32
    %scan3A_6 = arith.constant 90 : i32
    %scan3A_7 = arith.addi %scan3A_5, %scan3A_6 : i32
    %scan3A_8 = arith.constant 1 : i32
    scf.for %scan3A_15 = %scan3A_5 to %scan3A_7 step %scan3A_8  : i32 {
      %run_scoped3A = arith.constant 0 : i32
      "tpu.region"() ({
        %run_scoped3A_43 = tpu.sem_alloc : memref<!tpu.dma_semaphore, #tpu.memory_space<semaphore_mem>>
        %dma_start3A_44 = arith.constant 0 : i32
        %dma_start3A_45 = arith.constant 0 : i32
        %dma_start3A_46 = tpu.memref_slice %arg6[%run_scoped3A, %dma_start3A_44, %dma_start3A_45] : memref<4x2x112xi32, #tpu.memory_space<vmem>> -> memref<1x2x112xi32, #tpu.memory_space<vmem>>
        %dma_start3A_47 = tpu.memref_squeeze %dma_start3A_46 : memref<1x2x112xi32, #tpu.memory_space<vmem>> -> memref<2x112xi32, #tpu.memory_space<vmem>>
        %dma_start3A_48 = arith.constant 0 : i32
        %dma_start3A_49 = arith.constant 0 : i32
        %dma_start3A_50 = tpu.memref_slice %arg3[%add3A, %scan3A_15, %dma_start3A_48, %dma_start3A_49] : memref<32x90x2x112xi32, #tpu.memory_space<hbm>> -> memref<1x1x2x112xi32, #tpu.memory_space<hbm>>
        %dma_start3A_51 = tpu.memref_squeeze %dma_start3A_50 : memref<1x1x2x112xi32, #tpu.memory_space<hbm>> -> memref<2x112xi32, #tpu.memory_space<hbm>>
        %dma_start3A_52 = arith.constant 0 : i32
        %dma_start3A_53 = arith.constant 0 : i32
        %dma_start3A_54 = tpu.memref_slice %arg6[%run_scoped3A, %dma_start3A_52, %dma_start3A_53] : memref<4x2x112xi32, #tpu.memory_space<vmem>> -> memref<1x2x112xi32, #tpu.memory_space<vmem>>
        %dma_start3A_55 = tpu.memref_squeeze %dma_start3A_54 : memref<1x2x112xi32, #tpu.memory_space<vmem>> -> memref<2x112xi32, #tpu.memory_space<vmem>>
        %dma_start3A_56 = arith.constant 0 : i32
        %dma_start3A_57 = arith.constant 0 : i32
        %dma_start3A_58 = tpu.memref_slice %arg3[%add3A, %scan3A_15, %dma_start3A_56, %dma_start3A_57] : memref<32x90x2x112xi32, #tpu.memory_space<hbm>> -> memref<1x1x2x112xi32, #tpu.memory_space<hbm>>
        %dma_start3A_59 = tpu.memref_squeeze %dma_start3A_58 : memref<1x1x2x112xi32, #tpu.memory_space<hbm>> -> memref<2x112xi32, #tpu.memory_space<hbm>>
        tpu.enqueue_dma source(%dma_start3A_59 : memref<2x112xi32, #tpu.memory_space<hbm>>) target(%dma_start3A_55 : memref<2x112xi32, #tpu.memory_space<vmem>>) target_semaphore(%run_scoped3A_43 : memref<!tpu.dma_semaphore, #tpu.memory_space<semaphore_mem>>)
        %dma_wait3A_60 = arith.constant 0 : i32
        %dma_wait3A_61 = arith.constant 0 : i32
        %dma_wait3A_62 = tpu.memref_slice %arg6[%run_scoped3A, %dma_wait3A_60, %dma_wait3A_61] : memref<4x2x112xi32, #tpu.memory_space<vmem>> -> memref<1x2x112xi32, #tpu.memory_space<vmem>>
        %dma_wait3A_63 = tpu.memref_squeeze %dma_wait3A_62 : memref<1x2x112xi32, #tpu.memory_space<vmem>> -> memref<2x112xi32, #tpu.memory_space<vmem>>
        %dma_wait3A_64 = arith.constant 0 : i32
        %dma_wait3A_65 = arith.constant 0 : i32
        %dma_wait3A_66 = tpu.memref_slice %arg3[%add3A, %scan3A_15, %dma_wait3A_64, %dma_wait3A_65] : memref<32x90x2x112xi32, #tpu.memory_space<hbm>> -> memref<1x1x2x112xi32, #tpu.memory_space<hbm>>
        %dma_wait3A_67 = tpu.memref_squeeze %dma_wait3A_66 : memref<1x1x2x112xi32, #tpu.memory_space<hbm>> -> memref<2x112xi32, #tpu.memory_space<hbm>>
        %dma_wait3A_68 = arith.constant 0 : i32
        %dma_wait3A_69 = arith.constant 0 : i32
        %dma_wait3A_70 = tpu.memref_slice %arg6[%run_scoped3A, %dma_wait3A_68, %dma_wait3A_69] : memref<4x2x112xi32, #tpu.memory_space<vmem>> -> memref<1x2x112xi32, #tpu.memory_space<vmem>>
        %dma_wait3A_71 = tpu.memref_squeeze %dma_wait3A_70 : memref<1x2x112xi32, #tpu.memory_space<vmem>> -> memref<2x112xi32, #tpu.memory_space<vmem>>
        %dma_wait3A_72 = arith.constant 0 : i32
        %dma_wait3A_73 = arith.constant 0 : i32
        %dma_wait3A_74 = tpu.memref_slice %arg3[%add3A, %scan3A_15, %dma_wait3A_72, %dma_wait3A_73] : memref<32x90x2x112xi32, #tpu.memory_space<hbm>> -> memref<1x1x2x112xi32, #tpu.memory_space<hbm>>
        %dma_wait3A_75 = tpu.memref_squeeze %dma_wait3A_74 : memref<1x1x2x112xi32, #tpu.memory_space<hbm>> -> memref<2x112xi32, #tpu.memory_space<hbm>>
        tpu.wait_dma2 semaphore(%run_scoped3A_43 : memref<!tpu.dma_semaphore, #tpu.memory_space<semaphore_mem>>) src(%dma_wait3A_75 : memref<2x112xi32, #tpu.memory_space<hbm>>) dst(%dma_wait3A_71 : memref<2x112xi32, #tpu.memory_space<vmem>>)
        tpu.yield
      }) : () -> ()
      %dma_start3A = arith.constant 0 : i32
      %dma_start3A_16 = arith.constant 0 : i32
      %dma_start3A_17 = arith.constant 0 : i32
      %dma_start3A_18 = arith.constant 0 : i32
      %dma_start3A_19 = arith.constant 0 : i32
      %dma_start3A_20 = tpu.memref_slice %arg7[%dma_start3A_17, %dma_start3A_18, %dma_start3A_19] : memref<2x112x128xf32, #tpu.memory_space<vmem>> -> memref<1x112x128xf32, #tpu.memory_space<vmem>>
      %dma_start3A_21 = tpu.memref_squeeze %dma_start3A_20 : memref<1x112x128xf32, #tpu.memory_space<vmem>> -> memref<112x128xf32, #tpu.memory_space<vmem>>
      %dma_start3A_22 = arith.constant 0 : i32
      %dma_start3A_23 = tpu.memref_slice %arg6[%dma_start3A, %dma_start3A_16, %dma_start3A_22] : memref<4x2x112xi32, #tpu.memory_space<vmem>> -> memref<1x1x112xi32, #tpu.memory_space<vmem>>
      %dma_start3A_24 = tpu.memref_squeeze %dma_start3A_23 : memref<1x1x112xi32, #tpu.memory_space<vmem>> -> memref<112xi32, #tpu.memory_space<vmem>>
      %dma_start3A_25 = arith.constant 0 : i32
      %dma_start3A_26 = arith.constant 0 : i32
      %dma_start3A_27 = tpu.memref_slice %arg2[%dma_start3A_25, %dma_start3A_26] : memref<10240x128xf32, #tpu.memory_space<hbm>> -> memref<10240x128xf32, #tpu.memory_space<hbm>>
      tpu.enqueue_indirect_dma source(%dma_start3A_27 : memref<10240x128xf32, #tpu.memory_space<hbm>>) target(%dma_start3A_21 : memref<112x128xf32, #tpu.memory_space<vmem>>) offsets(%dma_start3A_24 : memref<112xi32, #tpu.memory_space<vmem>>) semaphore(%arg13 : memref<!tpu.dma_semaphore, #tpu.memory_space<semaphore_mem>>)
      %dma_wait3A = arith.constant 0 : i32
      %dma_wait3A_28 = arith.constant 0 : i32
      %dma_wait3A_29 = arith.constant 0 : i32
      %dma_wait3A_30 = arith.constant 0 : i32
      %dma_wait3A_31 = arith.constant 0 : i32
      %dma_wait3A_32 = tpu.memref_slice %arg7[%dma_wait3A_29, %dma_wait3A_30, %dma_wait3A_31] : memref<2x112x128xf32, #tpu.memory_space<vmem>> -> memref<1x112x128xf32, #tpu.memory_space<vmem>>
      %dma_wait3A_33 = tpu.memref_squeeze %dma_wait3A_32 : memref<1x112x128xf32, #tpu.memory_space<vmem>> -> memref<112x128xf32, #tpu.memory_space<vmem>>
      %dma_wait3A_34 = arith.constant 0 : i32
      %dma_wait3A_35 = tpu.memref_slice %arg6[%dma_wait3A, %dma_wait3A_28, %dma_wait3A_34] : memref<4x2x112xi32, #tpu.memory_space<vmem>> -> memref<1x1x112xi32, #tpu.memory_space<vmem>>
      %dma_wait3A_36 = tpu.memref_squeeze %dma_wait3A_35 : memref<1x1x112xi32, #tpu.memory_space<vmem>> -> memref<112xi32, #tpu.memory_space<vmem>>
      %dma_wait3A_37 = arith.constant 0 : i32
      %dma_wait3A_38 = arith.constant 0 : i32
      %dma_wait3A_39 = tpu.memref_slice %arg2[%dma_wait3A_37, %dma_wait3A_38] : memref<10240x128xf32, #tpu.memory_space<hbm>> -> memref<10240x128xf32, #tpu.memory_space<hbm>>
      tpu.wait_indirect_dma semaphore(%arg13 : memref<!tpu.dma_semaphore, #tpu.memory_space<semaphore_mem>>) src(%dma_wait3A_39 : memref<10240x128xf32, #tpu.memory_space<hbm>>) dst(%dma_wait3A_33 : memref<112x128xf32, #tpu.memory_space<vmem>>)
      %run_scoped3A_40 = arith.constant 0 : i32
      %run_scoped3A_41 = arith.constant 0 : i32
      %run_scoped3A_42 = arith.constant 1 : i32
      "tpu.region"() ({
        %run_scoped3A_43 = tpu.sem_alloc : memref<!tpu.dma_semaphore, #tpu.memory_space<semaphore_mem>>
        %dma_start3A_44 = arith.constant 0 : i32
        %dma_start3A_45 = arith.constant 0 : i32
        %dma_start3A_46 = tpu.memref_slice %arg7[%run_scoped3A_40, %dma_start3A_44, %dma_start3A_45] : memref<2x112x128xf32, #tpu.memory_space<vmem>> -> memref<1x112x128xf32, #tpu.memory_space<vmem>>
        %dma_start3A_47 = tpu.memref_squeeze %dma_start3A_46 : memref<1x112x128xf32, #tpu.memory_space<vmem>> -> memref<112x128xf32, #tpu.memory_space<vmem>>
        %dma_start3A_48 = arith.constant 0 : i32
        %dma_start3A_49 = tpu.memref_slice %arg6[%run_scoped3A_41, %run_scoped3A_42, %dma_start3A_48] : memref<4x2x112xi32, #tpu.memory_space<vmem>> -> memref<1x1x112xi32, #tpu.memory_space<vmem>>
        %dma_start3A_50 = tpu.memref_squeeze %dma_start3A_49 : memref<1x1x112xi32, #tpu.memory_space<vmem>> -> memref<112xi32, #tpu.memory_space<vmem>>
        %dma_start3A_51 = arith.constant 0 : i32
        %dma_start3A_52 = arith.constant 0 : i32
        %dma_start3A_53 = tpu.memref_slice %arg8[%dma_start3A_51, %dma_start3A_52] : memref<10240x128xf32, #tpu.memory_space<vmem_shared>> -> memref<10240x128xf32, #tpu.memory_space<vmem_shared>>
        tpu.enqueue_indirect_dma source(%dma_start3A_47 : memref<112x128xf32, #tpu.memory_space<vmem>>) target(%dma_start3A_53 : memref<10240x128xf32, #tpu.memory_space<vmem_shared>>) offsets(%dma_start3A_50 : memref<112xi32, #tpu.memory_space<vmem>>) semaphore(%run_scoped3A_43 : memref<!tpu.dma_semaphore, #tpu.memory_space<semaphore_mem>>) {add = true}
        %dma_wait3A_54 = arith.constant 0 : i32
        %dma_wait3A_55 = arith.constant 0 : i32
        %dma_wait3A_56 = tpu.memref_slice %arg7[%run_scoped3A_40, %dma_wait3A_54, %dma_wait3A_55] : memref<2x112x128xf32, #tpu.memory_space<vmem>> -> memref<1x112x128xf32, #tpu.memory_space<vmem>>
        %dma_wait3A_57 = tpu.memref_squeeze %dma_wait3A_56 : memref<1x112x128xf32, #tpu.memory_space<vmem>> -> memref<112x128xf32, #tpu.memory_space<vmem>>
        %dma_wait3A_58 = arith.constant 0 : i32
        %dma_wait3A_59 = tpu.memref_slice %arg6[%run_scoped3A_41, %run_scoped3A_42, %dma_wait3A_58] : memref<4x2x112xi32, #tpu.memory_space<vmem>> -> memref<1x1x112xi32, #tpu.memory_space<vmem>>
        %dma_wait3A_60 = tpu.memref_squeeze %dma_wait3A_59 : memref<1x1x112xi32, #tpu.memory_space<vmem>> -> memref<112xi32, #tpu.memory_space<vmem>>
        %dma_wait3A_61 = arith.constant 0 : i32
        %dma_wait3A_62 = arith.constant 0 : i32
        %dma_wait3A_63 = tpu.memref_slice %arg8[%dma_wait3A_61, %dma_wait3A_62] : memref<10240x128xf32, #tpu.memory_space<vmem_shared>> -> memref<10240x128xf32, #tpu.memory_space<vmem_shared>>
        tpu.wait_indirect_dma semaphore(%run_scoped3A_43 : memref<!tpu.dma_semaphore, #tpu.memory_space<semaphore_mem>>) src(%dma_wait3A_57 : memref<112x128xf32, #tpu.memory_space<vmem>>) dst(%dma_wait3A_63 : memref<10240x128xf32, #tpu.memory_space<vmem_shared>>)
        tpu.yield
      }) : () -> ()
    }
    %scan3A_9 = arith.constant 90 : i32
    %barrier3A_10 = arith.constant 0 : index
    tpu.barrier barrier_id(%barrier3A_10)
    %mul3A_11 = arith.constant 640 : i32
    %mul3A_12 = arith.muli %arg1, %mul3A_11 : i32
    %mul3A_13 = arith.constant 640 : i32
    %mul3A_14 = arith.muli %arg1, %mul3A_13 : i32
    "tpu.region"() ({
      %run_scoped3A = tpu.sem_alloc : memref<!tpu.dma_semaphore, #tpu.memory_space<semaphore_mem>>
      %dma_start3A = arith.constant 0 : i32
      %dma_start3A_15 = tpu.memref_slice %arg5[%arg0, %mul3A_14, %dma_start3A] : memref<2x10240x128xf32, #tpu.memory_space<hbm>> -> memref<1x640x128xf32, #tpu.memory_space<hbm>>
      %dma_start3A_16 = tpu.memref_squeeze %dma_start3A_15 : memref<1x640x128xf32, #tpu.memory_space<hbm>> -> memref<640x128xf32, #tpu.memory_space<hbm>>
      %dma_start3A_17 = arith.constant 0 : i32
      %dma_start3A_18 = tpu.memref_slice %arg8[%mul3A_12, %dma_start3A_17] : memref<10240x128xf32, #tpu.memory_space<vmem_shared>> -> memref<640x128xf32, #tpu.memory_space<vmem_shared>>
      tpu.enqueue_dma source(%dma_start3A_18 : memref<640x128xf32, #tpu.memory_space<vmem_shared>>) target(%dma_start3A_16 : memref<640x128xf32, #tpu.memory_space<hbm>>) target_semaphore(%run_scoped3A : memref<!tpu.dma_semaphore, #tpu.memory_space<semaphore_mem>>)
      %dma_wait3A = arith.constant 0 : i32
      %dma_wait3A_19 = tpu.memref_slice %arg5[%arg0, %mul3A_14, %dma_wait3A] : memref<2x10240x128xf32, #tpu.memory_space<hbm>> -> memref<1x640x128xf32, #tpu.memory_space<hbm>>
      %dma_wait3A_20 = tpu.memref_squeeze %dma_wait3A_19 : memref<1x640x128xf32, #tpu.memory_space<hbm>> -> memref<640x128xf32, #tpu.memory_space<hbm>>
      %dma_wait3A_21 = arith.constant 0 : i32
      %dma_wait3A_22 = tpu.memref_slice %arg8[%mul3A_12, %dma_wait3A_21] : memref<10240x128xf32, #tpu.memory_space<vmem_shared>> -> memref<640x128xf32, #tpu.memory_space<vmem_shared>>
      tpu.wait_dma2 semaphore(%run_scoped3A : memref<!tpu.dma_semaphore, #tpu.memory_space<semaphore_mem>>) src(%dma_wait3A_22 : memref<640x128xf32, #tpu.memory_space<vmem_shared>>) dst(%dma_wait3A_20 : memref<640x128xf32, #tpu.memory_space<hbm>>)
      tpu.yield
    }) : () -> ()
    return
  }
}

#map = affine_map<(d0, d1) -> (0, 0, 0, 0)>
#map1 = affine_map<(d0, d1) -> (0, 0)>
#map2 = affine_map<(d0, d1) -> (0, 0, 0)>
module attributes {stable_mosaic.version = 14 : i64} {
  func.func @_deg_kernel(%arg0: i32, %arg1: i32, %arg2: memref<32x90x2x112xi32, #tpu.memory_space<hbm>>, %arg3: memref<2x10240xf32, #tpu.memory_space<hbm>>, %arg4: memref<2x2x10240xf32, #tpu.memory_space<hbm>>, %arg5: memref<90x2x112xi32, #tpu.memory_space<vmem>>, %arg6: memref<112xf32, #tpu.memory_space<vmem>>, %arg7: memref<10240xf32, #tpu.memory_space<vmem_shared>>, %arg8: memref<10240xf32, #tpu.memory_space<vmem_shared>>) attributes {dimension_semantics = [#tpu.dimension_semantics<core_parallel>, #tpu.dimension_semantics<subcore_parallel>], iteration_bounds = array<i64: 2, 16>, scalar_prefetch = 0 : i64, scratch_operands = 4 : i64, tpu.core_type = #tpu.core_type<sc_vector_subcore>, window_params = [{transform_indices = #map}, {transform_indices = #map1}, {transform_indices = #map2}]} {
    %mul3A = arith.constant 2 : i32
    %mul3A_0 = arith.muli %arg1, %mul3A : i32
    %add3A = arith.addi %mul3A_0, %arg0 : i32
    %broadcast_in_dim3A = arith.constant 1.000000e+00 : f32
    %broadcast_in_dim3A_1 = vector.broadcast %broadcast_in_dim3A : f32 to vector<16xf32>
    %swap3A = arith.constant 0 : index
    %swap3A_2 = tpu.vector_load %arg6[%swap3A] {strides = array<i32>} : memref<112xf32, #tpu.memory_space<vmem>>, vector<16xf32>,
    %swap3A_3 = vector.shape_cast %swap3A_2 : vector<16xf32> to vector<16xf32>
    %swap3A_4 = vector.shape_cast %broadcast_in_dim3A_1 : vector<16xf32> to vector<16xf32>
    tpu.vector_store %arg6[%swap3A], %swap3A_4 {strides = array<i32>} : memref<112xf32, #tpu.memory_space<vmem>>, vector<16xf32>,
    %broadcast_in_dim3A_5 = arith.constant 1.000000e+00 : f32
    %broadcast_in_dim3A_6 = vector.broadcast %broadcast_in_dim3A_5 : f32 to vector<16xf32>
    %swap3A_7 = arith.constant 16 : index
    %swap3A_8 = tpu.vector_load %arg6[%swap3A_7] {strides = array<i32>} : memref<112xf32, #tpu.memory_space<vmem>>, vector<16xf32>,
    %swap3A_9 = vector.shape_cast %swap3A_8 : vector<16xf32> to vector<16xf32>
    %swap3A_10 = vector.shape_cast %broadcast_in_dim3A_6 : vector<16xf32> to vector<16xf32>
    tpu.vector_store %arg6[%swap3A_7], %swap3A_10 {strides = array<i32>} : memref<112xf32, #tpu.memory_space<vmem>>, vector<16xf32>,
    %broadcast_in_dim3A_11 = arith.constant 1.000000e+00 : f32
    %broadcast_in_dim3A_12 = vector.broadcast %broadcast_in_dim3A_11 : f32 to vector<16xf32>
    %swap3A_13 = arith.constant 32 : index
    %swap3A_14 = tpu.vector_load %arg6[%swap3A_13] {strides = array<i32>} : memref<112xf32, #tpu.memory_space<vmem>>, vector<16xf32>,
    %swap3A_15 = vector.shape_cast %swap3A_14 : vector<16xf32> to vector<16xf32>
    %swap3A_16 = vector.shape_cast %broadcast_in_dim3A_12 : vector<16xf32> to vector<16xf32>
    tpu.vector_store %arg6[%swap3A_13], %swap3A_16 {strides = array<i32>} : memref<112xf32, #tpu.memory_space<vmem>>, vector<16xf32>,
    %broadcast_in_dim3A_17 = arith.constant 1.000000e+00 : f32
    %broadcast_in_dim3A_18 = vector.broadcast %broadcast_in_dim3A_17 : f32 to vector<16xf32>
    %swap3A_19 = arith.constant 48 : index
    %swap3A_20 = tpu.vector_load %arg6[%swap3A_19] {strides = array<i32>} : memref<112xf32, #tpu.memory_space<vmem>>, vector<16xf32>,
    %swap3A_21 = vector.shape_cast %swap3A_20 : vector<16xf32> to vector<16xf32>
    %swap3A_22 = vector.shape_cast %broadcast_in_dim3A_18 : vector<16xf32> to vector<16xf32>
    tpu.vector_store %arg6[%swap3A_19], %swap3A_22 {strides = array<i32>} : memref<112xf32, #tpu.memory_space<vmem>>, vector<16xf32>,
    %broadcast_in_dim3A_23 = arith.constant 1.000000e+00 : f32
    %broadcast_in_dim3A_24 = vector.broadcast %broadcast_in_dim3A_23 : f32 to vector<16xf32>
    %swap3A_25 = arith.constant 64 : index
    %swap3A_26 = tpu.vector_load %arg6[%swap3A_25] {strides = array<i32>} : memref<112xf32, #tpu.memory_space<vmem>>, vector<16xf32>,
    %swap3A_27 = vector.shape_cast %swap3A_26 : vector<16xf32> to vector<16xf32>
    %swap3A_28 = vector.shape_cast %broadcast_in_dim3A_24 : vector<16xf32> to vector<16xf32>
    tpu.vector_store %arg6[%swap3A_25], %swap3A_28 {strides = array<i32>} : memref<112xf32, #tpu.memory_space<vmem>>, vector<16xf32>,
    %broadcast_in_dim3A_29 = arith.constant 1.000000e+00 : f32
    %broadcast_in_dim3A_30 = vector.broadcast %broadcast_in_dim3A_29 : f32 to vector<16xf32>
    %swap3A_31 = arith.constant 80 : index
    %swap3A_32 = tpu.vector_load %arg6[%swap3A_31] {strides = array<i32>} : memref<112xf32, #tpu.memory_space<vmem>>, vector<16xf32>,
    %swap3A_33 = vector.shape_cast %swap3A_32 : vector<16xf32> to vector<16xf32>
    %swap3A_34 = vector.shape_cast %broadcast_in_dim3A_30 : vector<16xf32> to vector<16xf32>
    tpu.vector_store %arg6[%swap3A_31], %swap3A_34 {strides = array<i32>} : memref<112xf32, #tpu.memory_space<vmem>>, vector<16xf32>,
    %broadcast_in_dim3A_35 = arith.constant 1.000000e+00 : f32
    %broadcast_in_dim3A_36 = vector.broadcast %broadcast_in_dim3A_35 : f32 to vector<16xf32>
    %swap3A_37 = arith.constant 96 : index
    %swap3A_38 = tpu.vector_load %arg6[%swap3A_37] {strides = array<i32>} : memref<112xf32, #tpu.memory_space<vmem>>, vector<16xf32>,
    %swap3A_39 = vector.shape_cast %swap3A_38 : vector<16xf32> to vector<16xf32>
    %swap3A_40 = vector.shape_cast %broadcast_in_dim3A_36 : vector<16xf32> to vector<16xf32>
    tpu.vector_store %arg6[%swap3A_37], %swap3A_40 {strides = array<i32>} : memref<112xf32, #tpu.memory_space<vmem>>, vector<16xf32>,
    %mul3A_41 = arith.constant 640 : i32
    %mul3A_42 = arith.muli %arg1, %mul3A_41 : i32
    %mul3A_43 = arith.constant 640 : i32
    %mul3A_44 = arith.muli %arg1, %mul3A_43 : i32
    %run_scoped3A = arith.constant 0 : i32
    "tpu.region"() ({
      %run_scoped3A_66 = tpu.sem_alloc : memref<!tpu.dma_semaphore, #tpu.memory_space<semaphore_mem>>
      %dma_start3A = tpu.memref_slice %arg7[%mul3A_44] : memref<10240xf32, #tpu.memory_space<vmem_shared>> -> memref<640xf32, #tpu.memory_space<vmem_shared>>
      %dma_start3A_67 = tpu.memref_slice %arg3[%run_scoped3A, %mul3A_42] : memref<2x10240xf32, #tpu.memory_space<hbm>> -> memref<1x640xf32, #tpu.memory_space<hbm>>
      %dma_start3A_68 = tpu.memref_squeeze %dma_start3A_67 : memref<1x640xf32, #tpu.memory_space<hbm>> -> memref<640xf32, #tpu.memory_space<hbm>>
      tpu.enqueue_dma source(%dma_start3A_68 : memref<640xf32, #tpu.memory_space<hbm>>) target(%dma_start3A : memref<640xf32, #tpu.memory_space<vmem_shared>>) target_semaphore(%run_scoped3A_66 : memref<!tpu.dma_semaphore, #tpu.memory_space<semaphore_mem>>)
      %dma_wait3A = tpu.memref_slice %arg7[%mul3A_44] : memref<10240xf32, #tpu.memory_space<vmem_shared>> -> memref<640xf32, #tpu.memory_space<vmem_shared>>
      %dma_wait3A_69 = tpu.memref_slice %arg3[%run_scoped3A, %mul3A_42] : memref<2x10240xf32, #tpu.memory_space<hbm>> -> memref<1x640xf32, #tpu.memory_space<hbm>>
      %dma_wait3A_70 = tpu.memref_squeeze %dma_wait3A_69 : memref<1x640xf32, #tpu.memory_space<hbm>> -> memref<640xf32, #tpu.memory_space<hbm>>
      tpu.wait_dma2 semaphore(%run_scoped3A_66 : memref<!tpu.dma_semaphore, #tpu.memory_space<semaphore_mem>>) src(%dma_wait3A_70 : memref<640xf32, #tpu.memory_space<hbm>>) dst(%dma_wait3A : memref<640xf32, #tpu.memory_space<vmem_shared>>)
      tpu.yield
    }) : () -> ()
    %mul3A_45 = arith.constant 640 : i32
    %mul3A_46 = arith.muli %arg1, %mul3A_45 : i32
    %mul3A_47 = arith.constant 640 : i32
    %mul3A_48 = arith.muli %arg1, %mul3A_47 : i32
    %run_scoped3A_49 = arith.constant 1 : i32
    "tpu.region"() ({
      %run_scoped3A_66 = tpu.sem_alloc : memref<!tpu.dma_semaphore, #tpu.memory_space<semaphore_mem>>
      %dma_start3A = tpu.memref_slice %arg8[%mul3A_48] : memref<10240xf32, #tpu.memory_space<vmem_shared>> -> memref<640xf32, #tpu.memory_space<vmem_shared>>
      %dma_start3A_67 = tpu.memref_slice %arg3[%run_scoped3A_49, %mul3A_46] : memref<2x10240xf32, #tpu.memory_space<hbm>> -> memref<1x640xf32, #tpu.memory_space<hbm>>
      %dma_start3A_68 = tpu.memref_squeeze %dma_start3A_67 : memref<1x640xf32, #tpu.memory_space<hbm>> -> memref<640xf32, #tpu.memory_space<hbm>>
      tpu.enqueue_dma source(%dma_start3A_68 : memref<640xf32, #tpu.memory_space<hbm>>) target(%dma_start3A : memref<640xf32, #tpu.memory_space<vmem_shared>>) target_semaphore(%run_scoped3A_66 : memref<!tpu.dma_semaphore, #tpu.memory_space<semaphore_mem>>)
      %dma_wait3A = tpu.memref_slice %arg8[%mul3A_48] : memref<10240xf32, #tpu.memory_space<vmem_shared>> -> memref<640xf32, #tpu.memory_space<vmem_shared>>
      %dma_wait3A_69 = tpu.memref_slice %arg3[%run_scoped3A_49, %mul3A_46] : memref<2x10240xf32, #tpu.memory_space<hbm>> -> memref<1x640xf32, #tpu.memory_space<hbm>>
      %dma_wait3A_70 = tpu.memref_squeeze %dma_wait3A_69 : memref<1x640xf32, #tpu.memory_space<hbm>> -> memref<640xf32, #tpu.memory_space<hbm>>
      tpu.wait_dma2 semaphore(%run_scoped3A_66 : memref<!tpu.dma_semaphore, #tpu.memory_space<semaphore_mem>>) src(%dma_wait3A_70 : memref<640xf32, #tpu.memory_space<hbm>>) dst(%dma_wait3A : memref<640xf32, #tpu.memory_space<vmem_shared>>)
      tpu.yield
    }) : () -> ()
    %barrier3A = arith.constant 0 : index
    tpu.barrier barrier_id(%barrier3A)
    "tpu.region"() ({
      %run_scoped3A_66 = tpu.sem_alloc : memref<!tpu.dma_semaphore, #tpu.memory_space<semaphore_mem>>
      %dma_start3A = arith.constant 0 : i32
      %dma_start3A_67 = arith.constant 0 : i32
      %dma_start3A_68 = arith.constant 0 : i32
      %dma_start3A_69 = tpu.memref_slice %arg2[%add3A, %dma_start3A, %dma_start3A_67, %dma_start3A_68] : memref<32x90x2x112xi32, #tpu.memory_space<hbm>> -> memref<1x90x2x112xi32, #tpu.memory_space<hbm>>
      %dma_start3A_70 = tpu.memref_squeeze %dma_start3A_69 : memref<1x90x2x112xi32, #tpu.memory_space<hbm>> -> memref<90x2x112xi32, #tpu.memory_space<hbm>>
      %dma_start3A_71 = arith.constant 0 : i32
      %dma_start3A_72 = arith.constant 0 : i32
      %dma_start3A_73 = arith.constant 0 : i32
      %dma_start3A_74 = tpu.memref_slice %arg2[%add3A, %dma_start3A_71, %dma_start3A_72, %dma_start3A_73] : memref<32x90x2x112xi32, #tpu.memory_space<hbm>> -> memref<1x90x2x112xi32, #tpu.memory_space<hbm>>
      %dma_start3A_75 = tpu.memref_squeeze %dma_start3A_74 : memref<1x90x2x112xi32, #tpu.memory_space<hbm>> -> memref<90x2x112xi32, #tpu.memory_space<hbm>>
      tpu.enqueue_dma source(%dma_start3A_75 : memref<90x2x112xi32, #tpu.memory_space<hbm>>) target(%arg5 : memref<90x2x112xi32, #tpu.memory_space<vmem>>) target_semaphore(%run_scoped3A_66 : memref<!tpu.dma_semaphore, #tpu.memory_space<semaphore_mem>>)
      %dma_wait3A = arith.constant 0 : i32
      %dma_wait3A_76 = arith.constant 0 : i32
      %dma_wait3A_77 = arith.constant 0 : i32
      %dma_wait3A_78 = tpu.memref_slice %arg2[%add3A, %dma_wait3A, %dma_wait3A_76, %dma_wait3A_77] : memref<32x90x2x112xi32, #tpu.memory_space<hbm>> -> memref<1x90x2x112xi32, #tpu.memory_space<hbm>>
      %dma_wait3A_79 = tpu.memref_squeeze %dma_wait3A_78 : memref<1x90x2x112xi32, #tpu.memory_space<hbm>> -> memref<90x2x112xi32, #tpu.memory_space<hbm>>
      %dma_wait3A_80 = arith.constant 0 : i32
      %dma_wait3A_81 = arith.constant 0 : i32
      %dma_wait3A_82 = arith.constant 0 : i32
      %dma_wait3A_83 = tpu.memref_slice %arg2[%add3A, %dma_wait3A_80, %dma_wait3A_81, %dma_wait3A_82] : memref<32x90x2x112xi32, #tpu.memory_space<hbm>> -> memref<1x90x2x112xi32, #tpu.memory_space<hbm>>
      %dma_wait3A_84 = tpu.memref_squeeze %dma_wait3A_83 : memref<1x90x2x112xi32, #tpu.memory_space<hbm>> -> memref<90x2x112xi32, #tpu.memory_space<hbm>>
      tpu.wait_dma2 semaphore(%run_scoped3A_66 : memref<!tpu.dma_semaphore, #tpu.memory_space<semaphore_mem>>) src(%dma_wait3A_84 : memref<90x2x112xi32, #tpu.memory_space<hbm>>) dst(%arg5 : memref<90x2x112xi32, #tpu.memory_space<vmem>>)
      tpu.yield
    }) : () -> ()
    %scan3A = arith.constant 0 : i32
    %scan3A_50 = arith.constant 0 : i32
    %scan3A_51 = arith.constant 90 : i32
    %scan3A_52 = arith.addi %scan3A_50, %scan3A_51 : i32
    %scan3A_53 = arith.constant 1 : i32
    scf.for %scan3A_66 = %scan3A_50 to %scan3A_52 step %scan3A_53  : i32 {
      %run_scoped3A_67 = arith.constant 0 : i32
      "tpu.region"() ({
        %run_scoped3A_69 = tpu.sem_alloc : memref<!tpu.dma_semaphore, #tpu.memory_space<semaphore_mem>>
        %dma_start3A = arith.constant 0 : i32
        %dma_start3A_70 = tpu.memref_slice %arg5[%scan3A_66, %run_scoped3A_67, %dma_start3A] : memref<90x2x112xi32, #tpu.memory_space<vmem>> -> memref<1x1x112xi32, #tpu.memory_space<vmem>>
        %dma_start3A_71 = tpu.memref_squeeze %dma_start3A_70 : memref<1x1x112xi32, #tpu.memory_space<vmem>> -> memref<112xi32, #tpu.memory_space<vmem>>
        %dma_start3A_72 = arith.constant 0 : i32
        %dma_start3A_73 = tpu.memref_slice %arg7[%dma_start3A_72] : memref<10240xf32, #tpu.memory_space<vmem_shared>> -> memref<10240xf32, #tpu.memory_space<vmem_shared>>
        tpu.enqueue_indirect_dma source(%arg6 : memref<112xf32, #tpu.memory_space<vmem>>) target(%dma_start3A_73 : memref<10240xf32, #tpu.memory_space<vmem_shared>>) offsets(%dma_start3A_71 : memref<112xi32, #tpu.memory_space<vmem>>) semaphore(%run_scoped3A_69 : memref<!tpu.dma_semaphore, #tpu.memory_space<semaphore_mem>>) {add = true}
        %dma_wait3A = arith.constant 0 : i32
        %dma_wait3A_74 = tpu.memref_slice %arg5[%scan3A_66, %run_scoped3A_67, %dma_wait3A] : memref<90x2x112xi32, #tpu.memory_space<vmem>> -> memref<1x1x112xi32, #tpu.memory_space<vmem>>
        %dma_wait3A_75 = tpu.memref_squeeze %dma_wait3A_74 : memref<1x1x112xi32, #tpu.memory_space<vmem>> -> memref<112xi32, #tpu.memory_space<vmem>>
        %dma_wait3A_76 = arith.constant 0 : i32
        %dma_wait3A_77 = tpu.memref_slice %arg7[%dma_wait3A_76] : memref<10240xf32, #tpu.memory_space<vmem_shared>> -> memref<10240xf32, #tpu.memory_space<vmem_shared>>
        tpu.wait_indirect_dma semaphore(%run_scoped3A_69 : memref<!tpu.dma_semaphore, #tpu.memory_space<semaphore_mem>>) src(%arg6 : memref<112xf32, #tpu.memory_space<vmem>>) dst(%dma_wait3A_77 : memref<10240xf32, #tpu.memory_space<vmem_shared>>)
        tpu.yield
      }) : () -> ()
      %run_scoped3A_68 = arith.constant 1 : i32
      "tpu.region"() ({
        %run_scoped3A_69 = tpu.sem_alloc : memref<!tpu.dma_semaphore, #tpu.memory_space<semaphore_mem>>
        %dma_start3A = arith.constant 0 : i32
        %dma_start3A_70 = tpu.memref_slice %arg5[%scan3A_66, %run_scoped3A_68, %dma_start3A] : memref<90x2x112xi32, #tpu.memory_space<vmem>> -> memref<1x1x112xi32, #tpu.memory_space<vmem>>
        %dma_start3A_71 = tpu.memref_squeeze %dma_start3A_70 : memref<1x1x112xi32, #tpu.memory_space<vmem>> -> memref<112xi32, #tpu.memory_space<vmem>>
        %dma_start3A_72 = arith.constant 0 : i32
        %dma_start3A_73 = tpu.memref_slice %arg8[%dma_start3A_72] : memref<10240xf32, #tpu.memory_space<vmem_shared>> -> memref<10240xf32, #tpu.memory_space<vmem_shared>>
        tpu.enqueue_indirect_dma source(%arg6 : memref<112xf32, #tpu.memory_space<vmem>>) target(%dma_start3A_73 : memref<10240xf32, #tpu.memory_space<vmem_shared>>) offsets(%dma_start3A_71 : memref<112xi32, #tpu.memory_space<vmem>>) semaphore(%run_scoped3A_69 : memref<!tpu.dma_semaphore, #tpu.memory_space<semaphore_mem>>) {add = true}
        %dma_wait3A = arith.constant 0 : i32
        %dma_wait3A_74 = tpu.memref_slice %arg5[%scan3A_66, %run_scoped3A_68, %dma_wait3A] : memref<90x2x112xi32, #tpu.memory_space<vmem>> -> memref<1x1x112xi32, #tpu.memory_space<vmem>>
        %dma_wait3A_75 = tpu.memref_squeeze %dma_wait3A_74 : memref<1x1x112xi32, #tpu.memory_space<vmem>> -> memref<112xi32, #tpu.memory_space<vmem>>
        %dma_wait3A_76 = arith.constant 0 : i32
        %dma_wait3A_77 = tpu.memref_slice %arg8[%dma_wait3A_76] : memref<10240xf32, #tpu.memory_space<vmem_shared>> -> memref<10240xf32, #tpu.memory_space<vmem_shared>>
        tpu.wait_indirect_dma semaphore(%run_scoped3A_69 : memref<!tpu.dma_semaphore, #tpu.memory_space<semaphore_mem>>) src(%arg6 : memref<112xf32, #tpu.memory_space<vmem>>) dst(%dma_wait3A_77 : memref<10240xf32, #tpu.memory_space<vmem_shared>>)
        tpu.yield
      }) : () -> ()
    }
    %scan3A_54 = arith.constant 90 : i32
    %barrier3A_55 = arith.constant 0 : index
    tpu.barrier barrier_id(%barrier3A_55)
    %mul3A_56 = arith.constant 640 : i32
    %mul3A_57 = arith.muli %arg1, %mul3A_56 : i32
    %mul3A_58 = arith.constant 640 : i32
    %mul3A_59 = arith.muli %arg1, %mul3A_58 : i32
    %run_scoped3A_60 = arith.constant 0 : i32
    "tpu.region"() ({
      %run_scoped3A_66 = tpu.sem_alloc : memref<!tpu.dma_semaphore, #tpu.memory_space<semaphore_mem>>
      %dma_start3A = tpu.memref_slice %arg4[%arg0, %run_scoped3A_60, %mul3A_59] : memref<2x2x10240xf32, #tpu.memory_space<hbm>> -> memref<1x1x640xf32, #tpu.memory_space<hbm>>
      %dma_start3A_67 = tpu.memref_squeeze %dma_start3A : memref<1x1x640xf32, #tpu.memory_space<hbm>> -> memref<640xf32, #tpu.memory_space<hbm>>
      %dma_start3A_68 = tpu.memref_slice %arg7[%mul3A_57] : memref<10240xf32, #tpu.memory_space<vmem_shared>> -> memref<640xf32, #tpu.memory_space<vmem_shared>>
      tpu.enqueue_dma source(%dma_start3A_68 : memref<640xf32, #tpu.memory_space<vmem_shared>>) target(%dma_start3A_67 : memref<640xf32, #tpu.memory_space<hbm>>) target_semaphore(%run_scoped3A_66 : memref<!tpu.dma_semaphore, #tpu.memory_space<semaphore_mem>>)
      %dma_wait3A = tpu.memref_slice %arg4[%arg0, %run_scoped3A_60, %mul3A_59] : memref<2x2x10240xf32, #tpu.memory_space<hbm>> -> memref<1x1x640xf32, #tpu.memory_space<hbm>>
      %dma_wait3A_69 = tpu.memref_squeeze %dma_wait3A : memref<1x1x640xf32, #tpu.memory_space<hbm>> -> memref<640xf32, #tpu.memory_space<hbm>>
      %dma_wait3A_70 = tpu.memref_slice %arg7[%mul3A_57] : memref<10240xf32, #tpu.memory_space<vmem_shared>> -> memref<640xf32, #tpu.memory_space<vmem_shared>>
      tpu.wait_dma2 semaphore(%run_scoped3A_66 : memref<!tpu.dma_semaphore, #tpu.memory_space<semaphore_mem>>) src(%dma_wait3A_70 : memref<640xf32, #tpu.memory_space<vmem_shared>>) dst(%dma_wait3A_69 : memref<640xf32, #tpu.memory_space<hbm>>)
      tpu.yield
    }) : () -> ()
    %mul3A_61 = arith.constant 640 : i32
    %mul3A_62 = arith.muli %arg1, %mul3A_61 : i32
    %mul3A_63 = arith.constant 640 : i32
    %mul3A_64 = arith.muli %arg1, %mul3A_63 : i32
    %run_scoped3A_65 = arith.constant 1 : i32
    "tpu.region"() ({
      %run_scoped3A_66 = tpu.sem_alloc : memref<!tpu.dma_semaphore, #tpu.memory_space<semaphore_mem>>
      %dma_start3A = tpu.memref_slice %arg4[%arg0, %run_scoped3A_65, %mul3A_64] : memref<2x2x10240xf32, #tpu.memory_space<hbm>> -> memref<1x1x640xf32, #tpu.memory_space<hbm>>
      %dma_start3A_67 = tpu.memref_squeeze %dma_start3A : memref<1x1x640xf32, #tpu.memory_space<hbm>> -> memref<640xf32, #tpu.memory_space<hbm>>
      %dma_start3A_68 = tpu.memref_slice %arg8[%mul3A_62] : memref<10240xf32, #tpu.memory_space<vmem_shared>> -> memref<640xf32, #tpu.memory_space<vmem_shared>>
      tpu.enqueue_dma source(%dma_start3A_68 : memref<640xf32, #tpu.memory_space<vmem_shared>>) target(%dma_start3A_67 : memref<640xf32, #tpu.memory_space<hbm>>) target_semaphore(%run_scoped3A_66 : memref<!tpu.dma_semaphore, #tpu.memory_space<semaphore_mem>>)
      %dma_wait3A = tpu.memref_slice %arg4[%arg0, %run_scoped3A_65, %mul3A_64] : memref<2x2x10240xf32, #tpu.memory_space<hbm>> -> memref<1x1x640xf32, #tpu.memory_space<hbm>>
      %dma_wait3A_69 = tpu.memref_squeeze %dma_wait3A : memref<1x1x640xf32, #tpu.memory_space<hbm>> -> memref<640xf32, #tpu.memory_space<hbm>>
      %dma_wait3A_70 = tpu.memref_slice %arg8[%mul3A_62] : memref<10240xf32, #tpu.memory_space<vmem_shared>> -> memref<640xf32, #tpu.memory_space<vmem_shared>>
      tpu.wait_dma2 semaphore(%run_scoped3A_66 : memref<!tpu.dma_semaphore, #tpu.memory_space<semaphore_mem>>) src(%dma_wait3A_70 : memref<640xf32, #tpu.memory_space<vmem_shared>>) dst(%dma_wait3A_69 : memref<640xf32, #tpu.memory_space<hbm>>)
      tpu.yield
    }) : () -> ()
    return
  }
}

#map = affine_map<(d0, d1) -> (0, 0)>
#map1 = affine_map<(d0, d1) -> (0, 0, 0, 0)>
#map2 = affine_map<(d0, d1) -> (0, 0, 0)>
module attributes {stable_mosaic.version = 14 : i64} {
  func.func @_prop_kernel(%arg0: i32, %arg1: i32, %arg2: memref<10240x128xf32, #tpu.memory_space<hbm>>, %arg3: memref<32x90x2x112xi32, #tpu.memory_space<hbm>>, %arg4: memref<10240x128xf32, #tpu.memory_space<hbm>>, %arg5: memref<2x10240x128xf32, #tpu.memory_space<hbm>>, %arg6: memref<4x2x112xi32, #tpu.memory_space<vmem>>, %arg7: memref<2x112x128xf32, #tpu.memory_space<vmem>>, %arg8: memref<10240x128xf32, #tpu.memory_space<vmem_shared>>, %arg9: memref<!tpu.dma_semaphore, #tpu.memory_space<semaphore_mem>>, %arg10: memref<!tpu.dma_semaphore, #tpu.memory_space<semaphore_mem>>, %arg11: memref<!tpu.dma_semaphore, #tpu.memory_space<semaphore_mem>>, %arg12: memref<!tpu.dma_semaphore, #tpu.memory_space<semaphore_mem>>, %arg13: memref<!tpu.dma_semaphore, #tpu.memory_space<semaphore_mem>>, %arg14: memref<!tpu.dma_semaphore, #tpu.memory_space<semaphore_mem>>) attributes {dimension_semantics = [#tpu.dimension_semantics<core_parallel>, #tpu.dimension_semantics<subcore_parallel>], iteration_bounds = array<i64: 2, 16>, scalar_prefetch = 0 : i64, scratch_operands = 9 : i64, tpu.core_type = #tpu.core_type<sc_vector_subcore>, window_params = [{transform_indices = #map}, {transform_indices = #map1}, {transform_indices = #map}, {transform_indices = #map2}]} {
    %mul3A = arith.constant 2 : i32
    %mul3A_0 = arith.muli %arg1, %mul3A : i32
    %add3A = arith.addi %mul3A_0, %arg0 : i32
    %mul3A_1 = arith.constant 640 : i32
    %mul3A_2 = arith.muli %arg1, %mul3A_1 : i32
    %mul3A_3 = arith.constant 640 : i32
    %mul3A_4 = arith.muli %arg1, %mul3A_3 : i32
    "tpu.region"() ({
      %run_scoped3A = tpu.sem_alloc : memref<!tpu.dma_semaphore, #tpu.memory_space<semaphore_mem>>
      %dma_start3A = arith.constant 0 : i32
      %dma_start3A_15 = tpu.memref_slice %arg8[%mul3A_4, %dma_start3A] : memref<10240x128xf32, #tpu.memory_space<vmem_shared>> -> memref<640x128xf32, #tpu.memory_space<vmem_shared>>
      %dma_start3A_16 = arith.constant 0 : i32
      %dma_start3A_17 = tpu.memref_slice %arg4[%mul3A_2, %dma_start3A_16] : memref<10240x128xf32, #tpu.memory_space<hbm>> -> memref<640x128xf32, #tpu.memory_space<hbm>>
      tpu.enqueue_dma source(%dma_start3A_17 : memref<640x128xf32, #tpu.memory_space<hbm>>) target(%dma_start3A_15 : memref<640x128xf32, #tpu.memory_space<vmem_shared>>) target_semaphore(%run_scoped3A : memref<!tpu.dma_semaphore, #tpu.memory_space<semaphore_mem>>)
      %dma_wait3A = arith.constant 0 : i32
      %dma_wait3A_18 = tpu.memref_slice %arg8[%mul3A_4, %dma_wait3A] : memref<10240x128xf32, #tpu.memory_space<vmem_shared>> -> memref<640x128xf32, #tpu.memory_space<vmem_shared>>
      %dma_wait3A_19 = arith.constant 0 : i32
      %dma_wait3A_20 = tpu.memref_slice %arg4[%mul3A_2, %dma_wait3A_19] : memref<10240x128xf32, #tpu.memory_space<hbm>> -> memref<640x128xf32, #tpu.memory_space<hbm>>
      tpu.wait_dma2 semaphore(%run_scoped3A : memref<!tpu.dma_semaphore, #tpu.memory_space<semaphore_mem>>) src(%dma_wait3A_20 : memref<640x128xf32, #tpu.memory_space<hbm>>) dst(%dma_wait3A_18 : memref<640x128xf32, #tpu.memory_space<vmem_shared>>)
      tpu.yield
    }) : () -> ()
    %barrier3A = arith.constant 0 : index
    tpu.barrier barrier_id(%barrier3A)
    %scan3A = arith.constant 0 : i32
    %scan3A_5 = arith.constant 0 : i32
    %scan3A_6 = arith.constant 90 : i32
    %scan3A_7 = arith.addi %scan3A_5, %scan3A_6 : i32
    %scan3A_8 = arith.constant 1 : i32
    scf.for %scan3A_15 = %scan3A_5 to %scan3A_7 step %scan3A_8  : i32 {
      %run_scoped3A = arith.constant 0 : i32
      "tpu.region"() ({
        %run_scoped3A_43 = tpu.sem_alloc : memref<!tpu.dma_semaphore, #tpu.memory_space<semaphore_mem>>
        %dma_start3A_44 = arith.constant 0 : i32
        %dma_start3A_45 = arith.constant 0 : i32
        %dma_start3A_46 = tpu.memref_slice %arg6[%run_scoped3A, %dma_start3A_44, %dma_start3A_45] : memref<4x2x112xi32, #tpu.memory_space<vmem>> -> memref<1x2x112xi32, #tpu.memory_space<vmem>>
        %dma_start3A_47 = tpu.memref_squeeze %dma_start3A_46 : memref<1x2x112xi32, #tpu.memory_space<vmem>> -> memref<2x112xi32, #tpu.memory_space<vmem>>
        %dma_start3A_48 = arith.constant 0 : i32
        %dma_start3A_49 = arith.constant 0 : i32
        %dma_start3A_50 = tpu.memref_slice %arg3[%add3A, %scan3A_15, %dma_start3A_48, %dma_start3A_49] : memref<32x90x2x112xi32, #tpu.memory_space<hbm>> -> memref<1x1x2x112xi32, #tpu.memory_space<hbm>>
        %dma_start3A_51 = tpu.memref_squeeze %dma_start3A_50 : memref<1x1x2x112xi32, #tpu.memory_space<hbm>> -> memref<2x112xi32, #tpu.memory_space<hbm>>
        %dma_start3A_52 = arith.constant 0 : i32
        %dma_start3A_53 = arith.constant 0 : i32
        %dma_start3A_54 = tpu.memref_slice %arg6[%run_scoped3A, %dma_start3A_52, %dma_start3A_53] : memref<4x2x112xi32, #tpu.memory_space<vmem>> -> memref<1x2x112xi32, #tpu.memory_space<vmem>>
        %dma_start3A_55 = tpu.memref_squeeze %dma_start3A_54 : memref<1x2x112xi32, #tpu.memory_space<vmem>> -> memref<2x112xi32, #tpu.memory_space<vmem>>
        %dma_start3A_56 = arith.constant 0 : i32
        %dma_start3A_57 = arith.constant 0 : i32
        %dma_start3A_58 = tpu.memref_slice %arg3[%add3A, %scan3A_15, %dma_start3A_56, %dma_start3A_57] : memref<32x90x2x112xi32, #tpu.memory_space<hbm>> -> memref<1x1x2x112xi32, #tpu.memory_space<hbm>>
        %dma_start3A_59 = tpu.memref_squeeze %dma_start3A_58 : memref<1x1x2x112xi32, #tpu.memory_space<hbm>> -> memref<2x112xi32, #tpu.memory_space<hbm>>
        tpu.enqueue_dma source(%dma_start3A_59 : memref<2x112xi32, #tpu.memory_space<hbm>>) target(%dma_start3A_55 : memref<2x112xi32, #tpu.memory_space<vmem>>) target_semaphore(%run_scoped3A_43 : memref<!tpu.dma_semaphore, #tpu.memory_space<semaphore_mem>>)
        %dma_wait3A_60 = arith.constant 0 : i32
        %dma_wait3A_61 = arith.constant 0 : i32
        %dma_wait3A_62 = tpu.memref_slice %arg6[%run_scoped3A, %dma_wait3A_60, %dma_wait3A_61] : memref<4x2x112xi32, #tpu.memory_space<vmem>> -> memref<1x2x112xi32, #tpu.memory_space<vmem>>
        %dma_wait3A_63 = tpu.memref_squeeze %dma_wait3A_62 : memref<1x2x112xi32, #tpu.memory_space<vmem>> -> memref<2x112xi32, #tpu.memory_space<vmem>>
        %dma_wait3A_64 = arith.constant 0 : i32
        %dma_wait3A_65 = arith.constant 0 : i32
        %dma_wait3A_66 = tpu.memref_slice %arg3[%add3A, %scan3A_15, %dma_wait3A_64, %dma_wait3A_65] : memref<32x90x2x112xi32, #tpu.memory_space<hbm>> -> memref<1x1x2x112xi32, #tpu.memory_space<hbm>>
        %dma_wait3A_67 = tpu.memref_squeeze %dma_wait3A_66 : memref<1x1x2x112xi32, #tpu.memory_space<hbm>> -> memref<2x112xi32, #tpu.memory_space<hbm>>
        %dma_wait3A_68 = arith.constant 0 : i32
        %dma_wait3A_69 = arith.constant 0 : i32
        %dma_wait3A_70 = tpu.memref_slice %arg6[%run_scoped3A, %dma_wait3A_68, %dma_wait3A_69] : memref<4x2x112xi32, #tpu.memory_space<vmem>> -> memref<1x2x112xi32, #tpu.memory_space<vmem>>
        %dma_wait3A_71 = tpu.memref_squeeze %dma_wait3A_70 : memref<1x2x112xi32, #tpu.memory_space<vmem>> -> memref<2x112xi32, #tpu.memory_space<vmem>>
        %dma_wait3A_72 = arith.constant 0 : i32
        %dma_wait3A_73 = arith.constant 0 : i32
        %dma_wait3A_74 = tpu.memref_slice %arg3[%add3A, %scan3A_15, %dma_wait3A_72, %dma_wait3A_73] : memref<32x90x2x112xi32, #tpu.memory_space<hbm>> -> memref<1x1x2x112xi32, #tpu.memory_space<hbm>>
        %dma_wait3A_75 = tpu.memref_squeeze %dma_wait3A_74 : memref<1x1x2x112xi32, #tpu.memory_space<hbm>> -> memref<2x112xi32, #tpu.memory_space<hbm>>
        tpu.wait_dma2 semaphore(%run_scoped3A_43 : memref<!tpu.dma_semaphore, #tpu.memory_space<semaphore_mem>>) src(%dma_wait3A_75 : memref<2x112xi32, #tpu.memory_space<hbm>>) dst(%dma_wait3A_71 : memref<2x112xi32, #tpu.memory_space<vmem>>)
        tpu.yield
      }) : () -> ()
      %dma_start3A = arith.constant 0 : i32
      %dma_start3A_16 = arith.constant 0 : i32
      %dma_start3A_17 = arith.constant 0 : i32
      %dma_start3A_18 = arith.constant 0 : i32
      %dma_start3A_19 = arith.constant 0 : i32
      %dma_start3A_20 = tpu.memref_slice %arg7[%dma_start3A_17, %dma_start3A_18, %dma_start3A_19] : memref<2x112x128xf32, #tpu.memory_space<vmem>> -> memref<1x112x128xf32, #tpu.memory_space<vmem>>
      %dma_start3A_21 = tpu.memref_squeeze %dma_start3A_20 : memref<1x112x128xf32, #tpu.memory_space<vmem>> -> memref<112x128xf32, #tpu.memory_space<vmem>>
      %dma_start3A_22 = arith.constant 0 : i32
      %dma_start3A_23 = tpu.memref_slice %arg6[%dma_start3A, %dma_start3A_16, %dma_start3A_22] : memref<4x2x112xi32, #tpu.memory_space<vmem>> -> memref<1x1x112xi32, #tpu.memory_space<vmem>>
      %dma_start3A_24 = tpu.memref_squeeze %dma_start3A_23 : memref<1x1x112xi32, #tpu.memory_space<vmem>> -> memref<112xi32, #tpu.memory_space<vmem>>
      %dma_start3A_25 = arith.constant 0 : i32
      %dma_start3A_26 = arith.constant 0 : i32
      %dma_start3A_27 = tpu.memref_slice %arg2[%dma_start3A_25, %dma_start3A_26] : memref<10240x128xf32, #tpu.memory_space<hbm>> -> memref<10240x128xf32, #tpu.memory_space<hbm>>
      tpu.enqueue_indirect_dma source(%dma_start3A_27 : memref<10240x128xf32, #tpu.memory_space<hbm>>) target(%dma_start3A_21 : memref<112x128xf32, #tpu.memory_space<vmem>>) offsets(%dma_start3A_24 : memref<112xi32, #tpu.memory_space<vmem>>) semaphore(%arg13 : memref<!tpu.dma_semaphore, #tpu.memory_space<semaphore_mem>>)
      %dma_wait3A = arith.constant 0 : i32
      %dma_wait3A_28 = arith.constant 0 : i32
      %dma_wait3A_29 = arith.constant 0 : i32
      %dma_wait3A_30 = arith.constant 0 : i32
      %dma_wait3A_31 = arith.constant 0 : i32
      %dma_wait3A_32 = tpu.memref_slice %arg7[%dma_wait3A_29, %dma_wait3A_30, %dma_wait3A_31] : memref<2x112x128xf32, #tpu.memory_space<vmem>> -> memref<1x112x128xf32, #tpu.memory_space<vmem>>
      %dma_wait3A_33 = tpu.memref_squeeze %dma_wait3A_32 : memref<1x112x128xf32, #tpu.memory_space<vmem>> -> memref<112x128xf32, #tpu.memory_space<vmem>>
      %dma_wait3A_34 = arith.constant 0 : i32
      %dma_wait3A_35 = tpu.memref_slice %arg6[%dma_wait3A, %dma_wait3A_28, %dma_wait3A_34] : memref<4x2x112xi32, #tpu.memory_space<vmem>> -> memref<1x1x112xi32, #tpu.memory_space<vmem>>
      %dma_wait3A_36 = tpu.memref_squeeze %dma_wait3A_35 : memref<1x1x112xi32, #tpu.memory_space<vmem>> -> memref<112xi32, #tpu.memory_space<vmem>>
      %dma_wait3A_37 = arith.constant 0 : i32
      %dma_wait3A_38 = arith.constant 0 : i32
      %dma_wait3A_39 = tpu.memref_slice %arg2[%dma_wait3A_37, %dma_wait3A_38] : memref<10240x128xf32, #tpu.memory_space<hbm>> -> memref<10240x128xf32, #tpu.memory_space<hbm>>
      tpu.wait_indirect_dma semaphore(%arg13 : memref<!tpu.dma_semaphore, #tpu.memory_space<semaphore_mem>>) src(%dma_wait3A_39 : memref<10240x128xf32, #tpu.memory_space<hbm>>) dst(%dma_wait3A_33 : memref<112x128xf32, #tpu.memory_space<vmem>>)
      %run_scoped3A_40 = arith.constant 0 : i32
      %run_scoped3A_41 = arith.constant 0 : i32
      %run_scoped3A_42 = arith.constant 1 : i32
      "tpu.region"() ({
        %run_scoped3A_43 = tpu.sem_alloc : memref<!tpu.dma_semaphore, #tpu.memory_space<semaphore_mem>>
        %dma_start3A_44 = arith.constant 0 : i32
        %dma_start3A_45 = arith.constant 0 : i32
        %dma_start3A_46 = tpu.memref_slice %arg7[%run_scoped3A_40, %dma_start3A_44, %dma_start3A_45] : memref<2x112x128xf32, #tpu.memory_space<vmem>> -> memref<1x112x128xf32, #tpu.memory_space<vmem>>
        %dma_start3A_47 = tpu.memref_squeeze %dma_start3A_46 : memref<1x112x128xf32, #tpu.memory_space<vmem>> -> memref<112x128xf32, #tpu.memory_space<vmem>>
        %dma_start3A_48 = arith.constant 0 : i32
        %dma_start3A_49 = tpu.memref_slice %arg6[%run_scoped3A_41, %run_scoped3A_42, %dma_start3A_48] : memref<4x2x112xi32, #tpu.memory_space<vmem>> -> memref<1x1x112xi32, #tpu.memory_space<vmem>>
        %dma_start3A_50 = tpu.memref_squeeze %dma_start3A_49 : memref<1x1x112xi32, #tpu.memory_space<vmem>> -> memref<112xi32, #tpu.memory_space<vmem>>
        %dma_start3A_51 = arith.constant 0 : i32
        %dma_start3A_52 = arith.constant 0 : i32
        %dma_start3A_53 = tpu.memref_slice %arg8[%dma_start3A_51, %dma_start3A_52] : memref<10240x128xf32, #tpu.memory_space<vmem_shared>> -> memref<10240x128xf32, #tpu.memory_space<vmem_shared>>
        tpu.enqueue_indirect_dma source(%dma_start3A_47 : memref<112x128xf32, #tpu.memory_space<vmem>>) target(%dma_start3A_53 : memref<10240x128xf32, #tpu.memory_space<vmem_shared>>) offsets(%dma_start3A_50 : memref<112xi32, #tpu.memory_space<vmem>>) semaphore(%run_scoped3A_43 : memref<!tpu.dma_semaphore, #tpu.memory_space<semaphore_mem>>) {add = true}
        %dma_wait3A_54 = arith.constant 0 : i32
        %dma_wait3A_55 = arith.constant 0 : i32
        %dma_wait3A_56 = tpu.memref_slice %arg7[%run_scoped3A_40, %dma_wait3A_54, %dma_wait3A_55] : memref<2x112x128xf32, #tpu.memory_space<vmem>> -> memref<1x112x128xf32, #tpu.memory_space<vmem>>
        %dma_wait3A_57 = tpu.memref_squeeze %dma_wait3A_56 : memref<1x112x128xf32, #tpu.memory_space<vmem>> -> memref<112x128xf32, #tpu.memory_space<vmem>>
        %dma_wait3A_58 = arith.constant 0 : i32
        %dma_wait3A_59 = tpu.memref_slice %arg6[%run_scoped3A_41, %run_scoped3A_42, %dma_wait3A_58] : memref<4x2x112xi32, #tpu.memory_space<vmem>> -> memref<1x1x112xi32, #tpu.memory_space<vmem>>
        %dma_wait3A_60 = tpu.memref_squeeze %dma_wait3A_59 : memref<1x1x112xi32, #tpu.memory_space<vmem>> -> memref<112xi32, #tpu.memory_space<vmem>>
        %dma_wait3A_61 = arith.constant 0 : i32
        %dma_wait3A_62 = arith.constant 0 : i32
        %dma_wait3A_63 = tpu.memref_slice %arg8[%dma_wait3A_61, %dma_wait3A_62] : memref<10240x128xf32, #tpu.memory_space<vmem_shared>> -> memref<10240x128xf32, #tpu.memory_space<vmem_shared>>
        tpu.wait_indirect_dma semaphore(%run_scoped3A_43 : memref<!tpu.dma_semaphore, #tpu.memory_space<semaphore_mem>>) src(%dma_wait3A_57 : memref<112x128xf32, #tpu.memory_space<vmem>>) dst(%dma_wait3A_63 : memref<10240x128xf32, #tpu.memory_space<vmem_shared>>)
        tpu.yield
      }) : () -> ()
    }
    %scan3A_9 = arith.constant 90 : i32
    %barrier3A_10 = arith.constant 0 : index
    tpu.barrier barrier_id(%barrier3A_10)
    %mul3A_11 = arith.constant 640 : i32
    %mul3A_12 = arith.muli %arg1, %mul3A_11 : i32
    %mul3A_13 = arith.constant 640 : i32
    %mul3A_14 = arith.muli %arg1, %mul3A_13 : i32
    "tpu.region"() ({
      %run_scoped3A = tpu.sem_alloc : memref<!tpu.dma_semaphore, #tpu.memory_space<semaphore_mem>>
      %dma_start3A = arith.constant 0 : i32
      %dma_start3A_15 = tpu.memref_slice %arg5[%arg0, %mul3A_14, %dma_start3A] : memref<2x10240x128xf32, #tpu.memory_space<hbm>> -> memref<1x640x128xf32, #tpu.memory_space<hbm>>
      %dma_start3A_16 = tpu.memref_squeeze %dma_start3A_15 : memref<1x640x128xf32, #tpu.memory_space<hbm>> -> memref<640x128xf32, #tpu.memory_space<hbm>>
      %dma_start3A_17 = arith.constant 0 : i32
      %dma_start3A_18 = tpu.memref_slice %arg8[%mul3A_12, %dma_start3A_17] : memref<10240x128xf32, #tpu.memory_space<vmem_shared>> -> memref<640x128xf32, #tpu.memory_space<vmem_shared>>
      tpu.enqueue_dma source(%dma_start3A_18 : memref<640x128xf32, #tpu.memory_space<vmem_shared>>) target(%dma_start3A_16 : memref<640x128xf32, #tpu.memory_space<hbm>>) target_semaphore(%run_scoped3A : memref<!tpu.dma_semaphore, #tpu.memory_space<semaphore_mem>>)
      %dma_wait3A = arith.constant 0 : i32
      %dma_wait3A_19 = tpu.memref_slice %arg5[%arg0, %mul3A_14, %dma_wait3A] : memref<2x10240x128xf32, #tpu.memory_space<hbm>> -> memref<1x640x128xf32, #tpu.memory_space<hbm>>
      %dma_wait3A_20 = tpu.memref_squeeze %dma_wait3A_19 : memref<1x640x128xf32, #tpu.memory_space<hbm>> -> memref<640x128xf32, #tpu.memory_space<hbm>>
      %dma_wait3A_21 = arith.constant 0 : i32
      %dma_wait3A_22 = tpu.memref_slice %arg8[%mul3A_12, %dma_wait3A_21] : memref<10240x128xf32, #tpu.memory_space<vmem_shared>> -> memref<640x128xf32, #tpu.memory_space<vmem_shared>>
      tpu.wait_dma2 semaphore(%run_scoped3A : memref<!tpu.dma_semaphore, #tpu.memory_space<semaphore_mem>>) src(%dma_wait3A_22 : memref<640x128xf32, #tpu.memory_space<vmem_shared>>) dst(%dma_wait3A_20 : memref<640x128xf32, #tpu.memory_space<hbm>>)
      tpu.yield
    }) : () -> ()
    return
  }
}

#map = affine_map<(d0, d1) -> (0, 0)>
#map1 = affine_map<(d0, d1) -> (0, 0, 0, 0)>
#map2 = affine_map<(d0, d1) -> (0, 0, 0)>
module attributes {stable_mosaic.version = 14 : i64} {
  func.func @_prop_kernel(%arg0: i32, %arg1: i32, %arg2: memref<10240x128xf32, #tpu.memory_space<hbm>>, %arg3: memref<32x90x2x112xi32, #tpu.memory_space<hbm>>, %arg4: memref<10240x128xf32, #tpu.memory_space<hbm>>, %arg5: memref<2x10240x128xf32, #tpu.memory_space<hbm>>, %arg6: memref<4x2x112xi32, #tpu.memory_space<vmem>>, %arg7: memref<2x112x128xf32, #tpu.memory_space<vmem>>, %arg8: memref<10240x128xf32, #tpu.memory_space<vmem_shared>>, %arg9: memref<!tpu.dma_semaphore, #tpu.memory_space<semaphore_mem>>, %arg10: memref<!tpu.dma_semaphore, #tpu.memory_space<semaphore_mem>>, %arg11: memref<!tpu.dma_semaphore, #tpu.memory_space<semaphore_mem>>, %arg12: memref<!tpu.dma_semaphore, #tpu.memory_space<semaphore_mem>>, %arg13: memref<!tpu.dma_semaphore, #tpu.memory_space<semaphore_mem>>, %arg14: memref<!tpu.dma_semaphore, #tpu.memory_space<semaphore_mem>>) attributes {dimension_semantics = [#tpu.dimension_semantics<core_parallel>, #tpu.dimension_semantics<subcore_parallel>], iteration_bounds = array<i64: 2, 16>, scalar_prefetch = 0 : i64, scratch_operands = 9 : i64, tpu.core_type = #tpu.core_type<sc_vector_subcore>, window_params = [{transform_indices = #map}, {transform_indices = #map1}, {transform_indices = #map}, {transform_indices = #map2}]} {
    %mul3A = arith.constant 2 : i32
    %mul3A_0 = arith.muli %arg1, %mul3A : i32
    %add3A = arith.addi %mul3A_0, %arg0 : i32
    %mul3A_1 = arith.constant 640 : i32
    %mul3A_2 = arith.muli %arg1, %mul3A_1 : i32
    %mul3A_3 = arith.constant 640 : i32
    %mul3A_4 = arith.muli %arg1, %mul3A_3 : i32
    "tpu.region"() ({
      %run_scoped3A = tpu.sem_alloc : memref<!tpu.dma_semaphore, #tpu.memory_space<semaphore_mem>>
      %dma_start3A = arith.constant 0 : i32
      %dma_start3A_15 = tpu.memref_slice %arg8[%mul3A_4, %dma_start3A] : memref<10240x128xf32, #tpu.memory_space<vmem_shared>> -> memref<640x128xf32, #tpu.memory_space<vmem_shared>>
      %dma_start3A_16 = arith.constant 0 : i32
      %dma_start3A_17 = tpu.memref_slice %arg4[%mul3A_2, %dma_start3A_16] : memref<10240x128xf32, #tpu.memory_space<hbm>> -> memref<640x128xf32, #tpu.memory_space<hbm>>
      tpu.enqueue_dma source(%dma_start3A_17 : memref<640x128xf32, #tpu.memory_space<hbm>>) target(%dma_start3A_15 : memref<640x128xf32, #tpu.memory_space<vmem_shared>>) target_semaphore(%run_scoped3A : memref<!tpu.dma_semaphore, #tpu.memory_space<semaphore_mem>>)
      %dma_wait3A = arith.constant 0 : i32
      %dma_wait3A_18 = tpu.memref_slice %arg8[%mul3A_4, %dma_wait3A] : memref<10240x128xf32, #tpu.memory_space<vmem_shared>> -> memref<640x128xf32, #tpu.memory_space<vmem_shared>>
      %dma_wait3A_19 = arith.constant 0 : i32
      %dma_wait3A_20 = tpu.memref_slice %arg4[%mul3A_2, %dma_wait3A_19] : memref<10240x128xf32, #tpu.memory_space<hbm>> -> memref<640x128xf32, #tpu.memory_space<hbm>>
      tpu.wait_dma2 semaphore(%run_scoped3A : memref<!tpu.dma_semaphore, #tpu.memory_space<semaphore_mem>>) src(%dma_wait3A_20 : memref<640x128xf32, #tpu.memory_space<hbm>>) dst(%dma_wait3A_18 : memref<640x128xf32, #tpu.memory_space<vmem_shared>>)
      tpu.yield
    }) : () -> ()
    %barrier3A = arith.constant 0 : index
    tpu.barrier barrier_id(%barrier3A)
    %scan3A = arith.constant 0 : i32
    %scan3A_5 = arith.constant 0 : i32
    %scan3A_6 = arith.constant 90 : i32
    %scan3A_7 = arith.addi %scan3A_5, %scan3A_6 : i32
    %scan3A_8 = arith.constant 1 : i32
    scf.for %scan3A_15 = %scan3A_5 to %scan3A_7 step %scan3A_8  : i32 {
      %run_scoped3A = arith.constant 0 : i32
      "tpu.region"() ({
        %run_scoped3A_43 = tpu.sem_alloc : memref<!tpu.dma_semaphore, #tpu.memory_space<semaphore_mem>>
        %dma_start3A_44 = arith.constant 0 : i32
        %dma_start3A_45 = arith.constant 0 : i32
        %dma_start3A_46 = tpu.memref_slice %arg6[%run_scoped3A, %dma_start3A_44, %dma_start3A_45] : memref<4x2x112xi32, #tpu.memory_space<vmem>> -> memref<1x2x112xi32, #tpu.memory_space<vmem>>
        %dma_start3A_47 = tpu.memref_squeeze %dma_start3A_46 : memref<1x2x112xi32, #tpu.memory_space<vmem>> -> memref<2x112xi32, #tpu.memory_space<vmem>>
        %dma_start3A_48 = arith.constant 0 : i32
        %dma_start3A_49 = arith.constant 0 : i32
        %dma_start3A_50 = tpu.memref_slice %arg3[%add3A, %scan3A_15, %dma_start3A_48, %dma_start3A_49] : memref<32x90x2x112xi32, #tpu.memory_space<hbm>> -> memref<1x1x2x112xi32, #tpu.memory_space<hbm>>
        %dma_start3A_51 = tpu.memref_squeeze %dma_start3A_50 : memref<1x1x2x112xi32, #tpu.memory_space<hbm>> -> memref<2x112xi32, #tpu.memory_space<hbm>>
        %dma_start3A_52 = arith.constant 0 : i32
        %dma_start3A_53 = arith.constant 0 : i32
        %dma_start3A_54 = tpu.memref_slice %arg6[%run_scoped3A, %dma_start3A_52, %dma_start3A_53] : memref<4x2x112xi32, #tpu.memory_space<vmem>> -> memref<1x2x112xi32, #tpu.memory_space<vmem>>
        %dma_start3A_55 = tpu.memref_squeeze %dma_start3A_54 : memref<1x2x112xi32, #tpu.memory_space<vmem>> -> memref<2x112xi32, #tpu.memory_space<vmem>>
        %dma_start3A_56 = arith.constant 0 : i32
        %dma_start3A_57 = arith.constant 0 : i32
        %dma_start3A_58 = tpu.memref_slice %arg3[%add3A, %scan3A_15, %dma_start3A_56, %dma_start3A_57] : memref<32x90x2x112xi32, #tpu.memory_space<hbm>> -> memref<1x1x2x112xi32, #tpu.memory_space<hbm>>
        %dma_start3A_59 = tpu.memref_squeeze %dma_start3A_58 : memref<1x1x2x112xi32, #tpu.memory_space<hbm>> -> memref<2x112xi32, #tpu.memory_space<hbm>>
        tpu.enqueue_dma source(%dma_start3A_59 : memref<2x112xi32, #tpu.memory_space<hbm>>) target(%dma_start3A_55 : memref<2x112xi32, #tpu.memory_space<vmem>>) target_semaphore(%run_scoped3A_43 : memref<!tpu.dma_semaphore, #tpu.memory_space<semaphore_mem>>)
        %dma_wait3A_60 = arith.constant 0 : i32
        %dma_wait3A_61 = arith.constant 0 : i32
        %dma_wait3A_62 = tpu.memref_slice %arg6[%run_scoped3A, %dma_wait3A_60, %dma_wait3A_61] : memref<4x2x112xi32, #tpu.memory_space<vmem>> -> memref<1x2x112xi32, #tpu.memory_space<vmem>>
        %dma_wait3A_63 = tpu.memref_squeeze %dma_wait3A_62 : memref<1x2x112xi32, #tpu.memory_space<vmem>> -> memref<2x112xi32, #tpu.memory_space<vmem>>
        %dma_wait3A_64 = arith.constant 0 : i32
        %dma_wait3A_65 = arith.constant 0 : i32
        %dma_wait3A_66 = tpu.memref_slice %arg3[%add3A, %scan3A_15, %dma_wait3A_64, %dma_wait3A_65] : memref<32x90x2x112xi32, #tpu.memory_space<hbm>> -> memref<1x1x2x112xi32, #tpu.memory_space<hbm>>
        %dma_wait3A_67 = tpu.memref_squeeze %dma_wait3A_66 : memref<1x1x2x112xi32, #tpu.memory_space<hbm>> -> memref<2x112xi32, #tpu.memory_space<hbm>>
        %dma_wait3A_68 = arith.constant 0 : i32
        %dma_wait3A_69 = arith.constant 0 : i32
        %dma_wait3A_70 = tpu.memref_slice %arg6[%run_scoped3A, %dma_wait3A_68, %dma_wait3A_69] : memref<4x2x112xi32, #tpu.memory_space<vmem>> -> memref<1x2x112xi32, #tpu.memory_space<vmem>>
        %dma_wait3A_71 = tpu.memref_squeeze %dma_wait3A_70 : memref<1x2x112xi32, #tpu.memory_space<vmem>> -> memref<2x112xi32, #tpu.memory_space<vmem>>
        %dma_wait3A_72 = arith.constant 0 : i32
        %dma_wait3A_73 = arith.constant 0 : i32
        %dma_wait3A_74 = tpu.memref_slice %arg3[%add3A, %scan3A_15, %dma_wait3A_72, %dma_wait3A_73] : memref<32x90x2x112xi32, #tpu.memory_space<hbm>> -> memref<1x1x2x112xi32, #tpu.memory_space<hbm>>
        %dma_wait3A_75 = tpu.memref_squeeze %dma_wait3A_74 : memref<1x1x2x112xi32, #tpu.memory_space<hbm>> -> memref<2x112xi32, #tpu.memory_space<hbm>>
        tpu.wait_dma2 semaphore(%run_scoped3A_43 : memref<!tpu.dma_semaphore, #tpu.memory_space<semaphore_mem>>) src(%dma_wait3A_75 : memref<2x112xi32, #tpu.memory_space<hbm>>) dst(%dma_wait3A_71 : memref<2x112xi32, #tpu.memory_space<vmem>>)
        tpu.yield
      }) : () -> ()
      %dma_start3A = arith.constant 0 : i32
      %dma_start3A_16 = arith.constant 0 : i32
      %dma_start3A_17 = arith.constant 0 : i32
      %dma_start3A_18 = arith.constant 0 : i32
      %dma_start3A_19 = arith.constant 0 : i32
      %dma_start3A_20 = tpu.memref_slice %arg7[%dma_start3A_17, %dma_start3A_18, %dma_start3A_19] : memref<2x112x128xf32, #tpu.memory_space<vmem>> -> memref<1x112x128xf32, #tpu.memory_space<vmem>>
      %dma_start3A_21 = tpu.memref_squeeze %dma_start3A_20 : memref<1x112x128xf32, #tpu.memory_space<vmem>> -> memref<112x128xf32, #tpu.memory_space<vmem>>
      %dma_start3A_22 = arith.constant 0 : i32
      %dma_start3A_23 = tpu.memref_slice %arg6[%dma_start3A, %dma_start3A_16, %dma_start3A_22] : memref<4x2x112xi32, #tpu.memory_space<vmem>> -> memref<1x1x112xi32, #tpu.memory_space<vmem>>
      %dma_start3A_24 = tpu.memref_squeeze %dma_start3A_23 : memref<1x1x112xi32, #tpu.memory_space<vmem>> -> memref<112xi32, #tpu.memory_space<vmem>>
      %dma_start3A_25 = arith.constant 0 : i32
      %dma_start3A_26 = arith.constant 0 : i32
      %dma_start3A_27 = tpu.memref_slice %arg2[%dma_start3A_25, %dma_start3A_26] : memref<10240x128xf32, #tpu.memory_space<hbm>> -> memref<10240x128xf32, #tpu.memory_space<hbm>>
      tpu.enqueue_indirect_dma source(%dma_start3A_27 : memref<10240x128xf32, #tpu.memory_space<hbm>>) target(%dma_start3A_21 : memref<112x128xf32, #tpu.memory_space<vmem>>) offsets(%dma_start3A_24 : memref<112xi32, #tpu.memory_space<vmem>>) semaphore(%arg13 : memref<!tpu.dma_semaphore, #tpu.memory_space<semaphore_mem>>)
      %dma_wait3A = arith.constant 0 : i32
      %dma_wait3A_28 = arith.constant 0 : i32
      %dma_wait3A_29 = arith.constant 0 : i32
      %dma_wait3A_30 = arith.constant 0 : i32
      %dma_wait3A_31 = arith.constant 0 : i32
      %dma_wait3A_32 = tpu.memref_slice %arg7[%dma_wait3A_29, %dma_wait3A_30, %dma_wait3A_31] : memref<2x112x128xf32, #tpu.memory_space<vmem>> -> memref<1x112x128xf32, #tpu.memory_space<vmem>>
      %dma_wait3A_33 = tpu.memref_squeeze %dma_wait3A_32 : memref<1x112x128xf32, #tpu.memory_space<vmem>> -> memref<112x128xf32, #tpu.memory_space<vmem>>
      %dma_wait3A_34 = arith.constant 0 : i32
      %dma_wait3A_35 = tpu.memref_slice %arg6[%dma_wait3A, %dma_wait3A_28, %dma_wait3A_34] : memref<4x2x112xi32, #tpu.memory_space<vmem>> -> memref<1x1x112xi32, #tpu.memory_space<vmem>>
      %dma_wait3A_36 = tpu.memref_squeeze %dma_wait3A_35 : memref<1x1x112xi32, #tpu.memory_space<vmem>> -> memref<112xi32, #tpu.memory_space<vmem>>
      %dma_wait3A_37 = arith.constant 0 : i32
      %dma_wait3A_38 = arith.constant 0 : i32
      %dma_wait3A_39 = tpu.memref_slice %arg2[%dma_wait3A_37, %dma_wait3A_38] : memref<10240x128xf32, #tpu.memory_space<hbm>> -> memref<10240x128xf32, #tpu.memory_space<hbm>>
      tpu.wait_indirect_dma semaphore(%arg13 : memref<!tpu.dma_semaphore, #tpu.memory_space<semaphore_mem>>) src(%dma_wait3A_39 : memref<10240x128xf32, #tpu.memory_space<hbm>>) dst(%dma_wait3A_33 : memref<112x128xf32, #tpu.memory_space<vmem>>)
      %run_scoped3A_40 = arith.constant 0 : i32
      %run_scoped3A_41 = arith.constant 0 : i32
      %run_scoped3A_42 = arith.constant 1 : i32
      "tpu.region"() ({
        %run_scoped3A_43 = tpu.sem_alloc : memref<!tpu.dma_semaphore, #tpu.memory_space<semaphore_mem>>
        %dma_start3A_44 = arith.constant 0 : i32
        %dma_start3A_45 = arith.constant 0 : i32
        %dma_start3A_46 = tpu.memref_slice %arg7[%run_scoped3A_40, %dma_start3A_44, %dma_start3A_45] : memref<2x112x128xf32, #tpu.memory_space<vmem>> -> memref<1x112x128xf32, #tpu.memory_space<vmem>>
        %dma_start3A_47 = tpu.memref_squeeze %dma_start3A_46 : memref<1x112x128xf32, #tpu.memory_space<vmem>> -> memref<112x128xf32, #tpu.memory_space<vmem>>
        %dma_start3A_48 = arith.constant 0 : i32
        %dma_start3A_49 = tpu.memref_slice %arg6[%run_scoped3A_41, %run_scoped3A_42, %dma_start3A_48] : memref<4x2x112xi32, #tpu.memory_space<vmem>> -> memref<1x1x112xi32, #tpu.memory_space<vmem>>
        %dma_start3A_50 = tpu.memref_squeeze %dma_start3A_49 : memref<1x1x112xi32, #tpu.memory_space<vmem>> -> memref<112xi32, #tpu.memory_space<vmem>>
        %dma_start3A_51 = arith.constant 0 : i32
        %dma_start3A_52 = arith.constant 0 : i32
        %dma_start3A_53 = tpu.memref_slice %arg8[%dma_start3A_51, %dma_start3A_52] : memref<10240x128xf32, #tpu.memory_space<vmem_shared>> -> memref<10240x128xf32, #tpu.memory_space<vmem_shared>>
        tpu.enqueue_indirect_dma source(%dma_start3A_47 : memref<112x128xf32, #tpu.memory_space<vmem>>) target(%dma_start3A_53 : memref<10240x128xf32, #tpu.memory_space<vmem_shared>>) offsets(%dma_start3A_50 : memref<112xi32, #tpu.memory_space<vmem>>) semaphore(%run_scoped3A_43 : memref<!tpu.dma_semaphore, #tpu.memory_space<semaphore_mem>>) {add = true}
        %dma_wait3A_54 = arith.constant 0 : i32
        %dma_wait3A_55 = arith.constant 0 : i32
        %dma_wait3A_56 = tpu.memref_slice %arg7[%run_scoped3A_40, %dma_wait3A_54, %dma_wait3A_55] : memref<2x112x128xf32, #tpu.memory_space<vmem>> -> memref<1x112x128xf32, #tpu.memory_space<vmem>>
        %dma_wait3A_57 = tpu.memref_squeeze %dma_wait3A_56 : memref<1x112x128xf32, #tpu.memory_space<vmem>> -> memref<112x128xf32, #tpu.memory_space<vmem>>
        %dma_wait3A_58 = arith.constant 0 : i32
        %dma_wait3A_59 = tpu.memref_slice %arg6[%run_scoped3A_41, %run_scoped3A_42, %dma_wait3A_58] : memref<4x2x112xi32, #tpu.memory_space<vmem>> -> memref<1x1x112xi32, #tpu.memory_space<vmem>>
        %dma_wait3A_60 = tpu.memref_squeeze %dma_wait3A_59 : memref<1x1x112xi32, #tpu.memory_space<vmem>> -> memref<112xi32, #tpu.memory_space<vmem>>
        %dma_wait3A_61 = arith.constant 0 : i32
        %dma_wait3A_62 = arith.constant 0 : i32
        %dma_wait3A_63 = tpu.memref_slice %arg8[%dma_wait3A_61, %dma_wait3A_62] : memref<10240x128xf32, #tpu.memory_space<vmem_shared>> -> memref<10240x128xf32, #tpu.memory_space<vmem_shared>>
        tpu.wait_indirect_dma semaphore(%run_scoped3A_43 : memref<!tpu.dma_semaphore, #tpu.memory_space<semaphore_mem>>) src(%dma_wait3A_57 : memref<112x128xf32, #tpu.memory_space<vmem>>) dst(%dma_wait3A_63 : memref<10240x128xf32, #tpu.memory_space<vmem_shared>>)
        tpu.yield
      }) : () -> ()
    }
    %scan3A_9 = arith.constant 90 : i32
    %barrier3A_10 = arith.constant 0 : index
    tpu.barrier barrier_id(%barrier3A_10)
    %mul3A_11 = arith.constant 640 : i32
    %mul3A_12 = arith.muli %arg1, %mul3A_11 : i32
    %mul3A_13 = arith.constant 640 : i32
    %mul3A_14 = arith.muli %arg1, %mul3A_13 : i32
    "tpu.region"() ({
      %run_scoped3A = tpu.sem_alloc : memref<!tpu.dma_semaphore, #tpu.memory_space<semaphore_mem>>
      %dma_start3A = arith.constant 0 : i32
      %dma_start3A_15 = tpu.memref_slice %arg5[%arg0, %mul3A_14, %dma_start3A] : memref<2x10240x128xf32, #tpu.memory_space<hbm>> -> memref<1x640x128xf32, #tpu.memory_space<hbm>>
      %dma_start3A_16 = tpu.memref_squeeze %dma_start3A_15 : memref<1x640x128xf32, #tpu.memory_space<hbm>> -> memref<640x128xf32, #tpu.memory_space<hbm>>
      %dma_start3A_17 = arith.constant 0 : i32
      %dma_start3A_18 = tpu.memref_slice %arg8[%mul3A_12, %dma_start3A_17] : memref<10240x128xf32, #tpu.memory_space<vmem_shared>> -> memref<640x128xf32, #tpu.memory_space<vmem_shared>>
      tpu.enqueue_dma source(%dma_start3A_18 : memref<640x128xf32, #tpu.memory_space<vmem_shared>>) target(%dma_start3A_16 : memref<640x128xf32, #tpu.memory_space<hbm>>) target_semaphore(%run_scoped3A : memref<!tpu.dma_semaphore, #tpu.memory_space<semaphore_mem>>)
      %dma_wait3A = arith.constant 0 : i32
      %dma_wait3A_19 = tpu.memref_slice %arg5[%arg0, %mul3A_14, %dma_wait3A] : memref<2x10240x128xf32, #tpu.memory_space<hbm>> -> memref<1x640x128xf32, #tpu.memory_space<hbm>>
      %dma_wait3A_20 = tpu.memref_squeeze %dma_wait3A_19 : memref<1x640x128xf32, #tpu.memory_space<hbm>> -> memref<640x128xf32, #tpu.memory_space<hbm>>
      %dma_wait3A_21 = arith.constant 0 : i32
      %dma_wait3A_22 = tpu.memref_slice %arg8[%mul3A_12, %dma_wait3A_21] : memref<10240x128xf32, #tpu.memory_space<vmem_shared>> -> memref<640x128xf32, #tpu.memory_space<vmem_shared>>
      tpu.wait_dma2 semaphore(%run_scoped3A : memref<!tpu.dma_semaphore, #tpu.memory_space<semaphore_mem>>) src(%dma_wait3A_22 : memref<640x128xf32, #tpu.memory_space<vmem_shared>>) dst(%dma_wait3A_20 : memref<640x128xf32, #tpu.memory_space<hbm>>)
      tpu.yield
    }) : () -> ()
    return
  }
}

#map = affine_map<(d0, d1) -> (0, 0)>
#map1 = affine_map<(d0, d1) -> (0, 0, 0, 0)>
#map2 = affine_map<(d0, d1) -> (0, 0, 0)>
module attributes {stable_mosaic.version = 14 : i64} {
  func.func @_prop_kernel(%arg0: i32, %arg1: i32, %arg2: memref<10240x128xf32, #tpu.memory_space<hbm>>, %arg3: memref<32x90x2x112xi32, #tpu.memory_space<hbm>>, %arg4: memref<10240x128xf32, #tpu.memory_space<hbm>>, %arg5: memref<2x10240x128xf32, #tpu.memory_space<hbm>>, %arg6: memref<4x2x112xi32, #tpu.memory_space<vmem>>, %arg7: memref<2x112x128xf32, #tpu.memory_space<vmem>>, %arg8: memref<10240x128xf32, #tpu.memory_space<vmem_shared>>, %arg9: memref<!tpu.dma_semaphore, #tpu.memory_space<semaphore_mem>>, %arg10: memref<!tpu.dma_semaphore, #tpu.memory_space<semaphore_mem>>, %arg11: memref<!tpu.dma_semaphore, #tpu.memory_space<semaphore_mem>>, %arg12: memref<!tpu.dma_semaphore, #tpu.memory_space<semaphore_mem>>, %arg13: memref<!tpu.dma_semaphore, #tpu.memory_space<semaphore_mem>>, %arg14: memref<!tpu.dma_semaphore, #tpu.memory_space<semaphore_mem>>) attributes {dimension_semantics = [#tpu.dimension_semantics<core_parallel>, #tpu.dimension_semantics<subcore_parallel>], iteration_bounds = array<i64: 2, 16>, scalar_prefetch = 0 : i64, scratch_operands = 9 : i64, tpu.core_type = #tpu.core_type<sc_vector_subcore>, window_params = [{transform_indices = #map}, {transform_indices = #map1}, {transform_indices = #map}, {transform_indices = #map2}]} {
    %mul3A = arith.constant 2 : i32
    %mul3A_0 = arith.muli %arg1, %mul3A : i32
    %add3A = arith.addi %mul3A_0, %arg0 : i32
    %mul3A_1 = arith.constant 640 : i32
    %mul3A_2 = arith.muli %arg1, %mul3A_1 : i32
    %mul3A_3 = arith.constant 640 : i32
    %mul3A_4 = arith.muli %arg1, %mul3A_3 : i32
    "tpu.region"() ({
      %run_scoped3A = tpu.sem_alloc : memref<!tpu.dma_semaphore, #tpu.memory_space<semaphore_mem>>
      %dma_start3A = arith.constant 0 : i32
      %dma_start3A_15 = tpu.memref_slice %arg8[%mul3A_4, %dma_start3A] : memref<10240x128xf32, #tpu.memory_space<vmem_shared>> -> memref<640x128xf32, #tpu.memory_space<vmem_shared>>
      %dma_start3A_16 = arith.constant 0 : i32
      %dma_start3A_17 = tpu.memref_slice %arg4[%mul3A_2, %dma_start3A_16] : memref<10240x128xf32, #tpu.memory_space<hbm>> -> memref<640x128xf32, #tpu.memory_space<hbm>>
      tpu.enqueue_dma source(%dma_start3A_17 : memref<640x128xf32, #tpu.memory_space<hbm>>) target(%dma_start3A_15 : memref<640x128xf32, #tpu.memory_space<vmem_shared>>) target_semaphore(%run_scoped3A : memref<!tpu.dma_semaphore, #tpu.memory_space<semaphore_mem>>)
      %dma_wait3A = arith.constant 0 : i32
      %dma_wait3A_18 = tpu.memref_slice %arg8[%mul3A_4, %dma_wait3A] : memref<10240x128xf32, #tpu.memory_space<vmem_shared>> -> memref<640x128xf32, #tpu.memory_space<vmem_shared>>
      %dma_wait3A_19 = arith.constant 0 : i32
      %dma_wait3A_20 = tpu.memref_slice %arg4[%mul3A_2, %dma_wait3A_19] : memref<10240x128xf32, #tpu.memory_space<hbm>> -> memref<640x128xf32, #tpu.memory_space<hbm>>
      tpu.wait_dma2 semaphore(%run_scoped3A : memref<!tpu.dma_semaphore, #tpu.memory_space<semaphore_mem>>) src(%dma_wait3A_20 : memref<640x128xf32, #tpu.memory_space<hbm>>) dst(%dma_wait3A_18 : memref<640x128xf32, #tpu.memory_space<vmem_shared>>)
      tpu.yield
    }) : () -> ()
    %barrier3A = arith.constant 0 : index
    tpu.barrier barrier_id(%barrier3A)
    %scan3A = arith.constant 0 : i32
    %scan3A_5 = arith.constant 0 : i32
    %scan3A_6 = arith.constant 90 : i32
    %scan3A_7 = arith.addi %scan3A_5, %scan3A_6 : i32
    %scan3A_8 = arith.constant 1 : i32
    scf.for %scan3A_15 = %scan3A_5 to %scan3A_7 step %scan3A_8  : i32 {
      %run_scoped3A = arith.constant 0 : i32
      "tpu.region"() ({
        %run_scoped3A_43 = tpu.sem_alloc : memref<!tpu.dma_semaphore, #tpu.memory_space<semaphore_mem>>
        %dma_start3A_44 = arith.constant 0 : i32
        %dma_start3A_45 = arith.constant 0 : i32
        %dma_start3A_46 = tpu.memref_slice %arg6[%run_scoped3A, %dma_start3A_44, %dma_start3A_45] : memref<4x2x112xi32, #tpu.memory_space<vmem>> -> memref<1x2x112xi32, #tpu.memory_space<vmem>>
        %dma_start3A_47 = tpu.memref_squeeze %dma_start3A_46 : memref<1x2x112xi32, #tpu.memory_space<vmem>> -> memref<2x112xi32, #tpu.memory_space<vmem>>
        %dma_start3A_48 = arith.constant 0 : i32
        %dma_start3A_49 = arith.constant 0 : i32
        %dma_start3A_50 = tpu.memref_slice %arg3[%add3A, %scan3A_15, %dma_start3A_48, %dma_start3A_49] : memref<32x90x2x112xi32, #tpu.memory_space<hbm>> -> memref<1x1x2x112xi32, #tpu.memory_space<hbm>>
        %dma_start3A_51 = tpu.memref_squeeze %dma_start3A_50 : memref<1x1x2x112xi32, #tpu.memory_space<hbm>> -> memref<2x112xi32, #tpu.memory_space<hbm>>
        %dma_start3A_52 = arith.constant 0 : i32
        %dma_start3A_53 = arith.constant 0 : i32
        %dma_start3A_54 = tpu.memref_slice %arg6[%run_scoped3A, %dma_start3A_52, %dma_start3A_53] : memref<4x2x112xi32, #tpu.memory_space<vmem>> -> memref<1x2x112xi32, #tpu.memory_space<vmem>>
        %dma_start3A_55 = tpu.memref_squeeze %dma_start3A_54 : memref<1x2x112xi32, #tpu.memory_space<vmem>> -> memref<2x112xi32, #tpu.memory_space<vmem>>
        %dma_start3A_56 = arith.constant 0 : i32
        %dma_start3A_57 = arith.constant 0 : i32
        %dma_start3A_58 = tpu.memref_slice %arg3[%add3A, %scan3A_15, %dma_start3A_56, %dma_start3A_57] : memref<32x90x2x112xi32, #tpu.memory_space<hbm>> -> memref<1x1x2x112xi32, #tpu.memory_space<hbm>>
        %dma_start3A_59 = tpu.memref_squeeze %dma_start3A_58 : memref<1x1x2x112xi32, #tpu.memory_space<hbm>> -> memref<2x112xi32, #tpu.memory_space<hbm>>
        tpu.enqueue_dma source(%dma_start3A_59 : memref<2x112xi32, #tpu.memory_space<hbm>>) target(%dma_start3A_55 : memref<2x112xi32, #tpu.memory_space<vmem>>) target_semaphore(%run_scoped3A_43 : memref<!tpu.dma_semaphore, #tpu.memory_space<semaphore_mem>>)
        %dma_wait3A_60 = arith.constant 0 : i32
        %dma_wait3A_61 = arith.constant 0 : i32
        %dma_wait3A_62 = tpu.memref_slice %arg6[%run_scoped3A, %dma_wait3A_60, %dma_wait3A_61] : memref<4x2x112xi32, #tpu.memory_space<vmem>> -> memref<1x2x112xi32, #tpu.memory_space<vmem>>
        %dma_wait3A_63 = tpu.memref_squeeze %dma_wait3A_62 : memref<1x2x112xi32, #tpu.memory_space<vmem>> -> memref<2x112xi32, #tpu.memory_space<vmem>>
        %dma_wait3A_64 = arith.constant 0 : i32
        %dma_wait3A_65 = arith.constant 0 : i32
        %dma_wait3A_66 = tpu.memref_slice %arg3[%add3A, %scan3A_15, %dma_wait3A_64, %dma_wait3A_65] : memref<32x90x2x112xi32, #tpu.memory_space<hbm>> -> memref<1x1x2x112xi32, #tpu.memory_space<hbm>>
        %dma_wait3A_67 = tpu.memref_squeeze %dma_wait3A_66 : memref<1x1x2x112xi32, #tpu.memory_space<hbm>> -> memref<2x112xi32, #tpu.memory_space<hbm>>
        %dma_wait3A_68 = arith.constant 0 : i32
        %dma_wait3A_69 = arith.constant 0 : i32
        %dma_wait3A_70 = tpu.memref_slice %arg6[%run_scoped3A, %dma_wait3A_68, %dma_wait3A_69] : memref<4x2x112xi32, #tpu.memory_space<vmem>> -> memref<1x2x112xi32, #tpu.memory_space<vmem>>
        %dma_wait3A_71 = tpu.memref_squeeze %dma_wait3A_70 : memref<1x2x112xi32, #tpu.memory_space<vmem>> -> memref<2x112xi32, #tpu.memory_space<vmem>>
        %dma_wait3A_72 = arith.constant 0 : i32
        %dma_wait3A_73 = arith.constant 0 : i32
        %dma_wait3A_74 = tpu.memref_slice %arg3[%add3A, %scan3A_15, %dma_wait3A_72, %dma_wait3A_73] : memref<32x90x2x112xi32, #tpu.memory_space<hbm>> -> memref<1x1x2x112xi32, #tpu.memory_space<hbm>>
        %dma_wait3A_75 = tpu.memref_squeeze %dma_wait3A_74 : memref<1x1x2x112xi32, #tpu.memory_space<hbm>> -> memref<2x112xi32, #tpu.memory_space<hbm>>
        tpu.wait_dma2 semaphore(%run_scoped3A_43 : memref<!tpu.dma_semaphore, #tpu.memory_space<semaphore_mem>>) src(%dma_wait3A_75 : memref<2x112xi32, #tpu.memory_space<hbm>>) dst(%dma_wait3A_71 : memref<2x112xi32, #tpu.memory_space<vmem>>)
        tpu.yield
      }) : () -> ()
      %dma_start3A = arith.constant 0 : i32
      %dma_start3A_16 = arith.constant 0 : i32
      %dma_start3A_17 = arith.constant 0 : i32
      %dma_start3A_18 = arith.constant 0 : i32
      %dma_start3A_19 = arith.constant 0 : i32
      %dma_start3A_20 = tpu.memref_slice %arg7[%dma_start3A_17, %dma_start3A_18, %dma_start3A_19] : memref<2x112x128xf32, #tpu.memory_space<vmem>> -> memref<1x112x128xf32, #tpu.memory_space<vmem>>
      %dma_start3A_21 = tpu.memref_squeeze %dma_start3A_20 : memref<1x112x128xf32, #tpu.memory_space<vmem>> -> memref<112x128xf32, #tpu.memory_space<vmem>>
      %dma_start3A_22 = arith.constant 0 : i32
      %dma_start3A_23 = tpu.memref_slice %arg6[%dma_start3A, %dma_start3A_16, %dma_start3A_22] : memref<4x2x112xi32, #tpu.memory_space<vmem>> -> memref<1x1x112xi32, #tpu.memory_space<vmem>>
      %dma_start3A_24 = tpu.memref_squeeze %dma_start3A_23 : memref<1x1x112xi32, #tpu.memory_space<vmem>> -> memref<112xi32, #tpu.memory_space<vmem>>
      %dma_start3A_25 = arith.constant 0 : i32
      %dma_start3A_26 = arith.constant 0 : i32
      %dma_start3A_27 = tpu.memref_slice %arg2[%dma_start3A_25, %dma_start3A_26] : memref<10240x128xf32, #tpu.memory_space<hbm>> -> memref<10240x128xf32, #tpu.memory_space<hbm>>
      tpu.enqueue_indirect_dma source(%dma_start3A_27 : memref<10240x128xf32, #tpu.memory_space<hbm>>) target(%dma_start3A_21 : memref<112x128xf32, #tpu.memory_space<vmem>>) offsets(%dma_start3A_24 : memref<112xi32, #tpu.memory_space<vmem>>) semaphore(%arg13 : memref<!tpu.dma_semaphore, #tpu.memory_space<semaphore_mem>>)
      %dma_wait3A = arith.constant 0 : i32
      %dma_wait3A_28 = arith.constant 0 : i32
      %dma_wait3A_29 = arith.constant 0 : i32
      %dma_wait3A_30 = arith.constant 0 : i32
      %dma_wait3A_31 = arith.constant 0 : i32
      %dma_wait3A_32 = tpu.memref_slice %arg7[%dma_wait3A_29, %dma_wait3A_30, %dma_wait3A_31] : memref<2x112x128xf32, #tpu.memory_space<vmem>> -> memref<1x112x128xf32, #tpu.memory_space<vmem>>
      %dma_wait3A_33 = tpu.memref_squeeze %dma_wait3A_32 : memref<1x112x128xf32, #tpu.memory_space<vmem>> -> memref<112x128xf32, #tpu.memory_space<vmem>>
      %dma_wait3A_34 = arith.constant 0 : i32
      %dma_wait3A_35 = tpu.memref_slice %arg6[%dma_wait3A, %dma_wait3A_28, %dma_wait3A_34] : memref<4x2x112xi32, #tpu.memory_space<vmem>> -> memref<1x1x112xi32, #tpu.memory_space<vmem>>
      %dma_wait3A_36 = tpu.memref_squeeze %dma_wait3A_35 : memref<1x1x112xi32, #tpu.memory_space<vmem>> -> memref<112xi32, #tpu.memory_space<vmem>>
      %dma_wait3A_37 = arith.constant 0 : i32
      %dma_wait3A_38 = arith.constant 0 : i32
      %dma_wait3A_39 = tpu.memref_slice %arg2[%dma_wait3A_37, %dma_wait3A_38] : memref<10240x128xf32, #tpu.memory_space<hbm>> -> memref<10240x128xf32, #tpu.memory_space<hbm>>
      tpu.wait_indirect_dma semaphore(%arg13 : memref<!tpu.dma_semaphore, #tpu.memory_space<semaphore_mem>>) src(%dma_wait3A_39 : memref<10240x128xf32, #tpu.memory_space<hbm>>) dst(%dma_wait3A_33 : memref<112x128xf32, #tpu.memory_space<vmem>>)
      %run_scoped3A_40 = arith.constant 0 : i32
      %run_scoped3A_41 = arith.constant 0 : i32
      %run_scoped3A_42 = arith.constant 1 : i32
      "tpu.region"() ({
        %run_scoped3A_43 = tpu.sem_alloc : memref<!tpu.dma_semaphore, #tpu.memory_space<semaphore_mem>>
        %dma_start3A_44 = arith.constant 0 : i32
        %dma_start3A_45 = arith.constant 0 : i32
        %dma_start3A_46 = tpu.memref_slice %arg7[%run_scoped3A_40, %dma_start3A_44, %dma_start3A_45] : memref<2x112x128xf32, #tpu.memory_space<vmem>> -> memref<1x112x128xf32, #tpu.memory_space<vmem>>
        %dma_start3A_47 = tpu.memref_squeeze %dma_start3A_46 : memref<1x112x128xf32, #tpu.memory_space<vmem>> -> memref<112x128xf32, #tpu.memory_space<vmem>>
        %dma_start3A_48 = arith.constant 0 : i32
        %dma_start3A_49 = tpu.memref_slice %arg6[%run_scoped3A_41, %run_scoped3A_42, %dma_start3A_48] : memref<4x2x112xi32, #tpu.memory_space<vmem>> -> memref<1x1x112xi32, #tpu.memory_space<vmem>>
        %dma_start3A_50 = tpu.memref_squeeze %dma_start3A_49 : memref<1x1x112xi32, #tpu.memory_space<vmem>> -> memref<112xi32, #tpu.memory_space<vmem>>
        %dma_start3A_51 = arith.constant 0 : i32
        %dma_start3A_52 = arith.constant 0 : i32
        %dma_start3A_53 = tpu.memref_slice %arg8[%dma_start3A_51, %dma_start3A_52] : memref<10240x128xf32, #tpu.memory_space<vmem_shared>> -> memref<10240x128xf32, #tpu.memory_space<vmem_shared>>
        tpu.enqueue_indirect_dma source(%dma_start3A_47 : memref<112x128xf32, #tpu.memory_space<vmem>>) target(%dma_start3A_53 : memref<10240x128xf32, #tpu.memory_space<vmem_shared>>) offsets(%dma_start3A_50 : memref<112xi32, #tpu.memory_space<vmem>>) semaphore(%run_scoped3A_43 : memref<!tpu.dma_semaphore, #tpu.memory_space<semaphore_mem>>) {add = true}
        %dma_wait3A_54 = arith.constant 0 : i32
        %dma_wait3A_55 = arith.constant 0 : i32
        %dma_wait3A_56 = tpu.memref_slice %arg7[%run_scoped3A_40, %dma_wait3A_54, %dma_wait3A_55] : memref<2x112x128xf32, #tpu.memory_space<vmem>> -> memref<1x112x128xf32, #tpu.memory_space<vmem>>
        %dma_wait3A_57 = tpu.memref_squeeze %dma_wait3A_56 : memref<1x112x128xf32, #tpu.memory_space<vmem>> -> memref<112x128xf32, #tpu.memory_space<vmem>>
        %dma_wait3A_58 = arith.constant 0 : i32
        %dma_wait3A_59 = tpu.memref_slice %arg6[%run_scoped3A_41, %run_scoped3A_42, %dma_wait3A_58] : memref<4x2x112xi32, #tpu.memory_space<vmem>> -> memref<1x1x112xi32, #tpu.memory_space<vmem>>
        %dma_wait3A_60 = tpu.memref_squeeze %dma_wait3A_59 : memref<1x1x112xi32, #tpu.memory_space<vmem>> -> memref<112xi32, #tpu.memory_space<vmem>>
        %dma_wait3A_61 = arith.constant 0 : i32
        %dma_wait3A_62 = arith.constant 0 : i32
        %dma_wait3A_63 = tpu.memref_slice %arg8[%dma_wait3A_61, %dma_wait3A_62] : memref<10240x128xf32, #tpu.memory_space<vmem_shared>> -> memref<10240x128xf32, #tpu.memory_space<vmem_shared>>
        tpu.wait_indirect_dma semaphore(%run_scoped3A_43 : memref<!tpu.dma_semaphore, #tpu.memory_space<semaphore_mem>>) src(%dma_wait3A_57 : memref<112x128xf32, #tpu.memory_space<vmem>>) dst(%dma_wait3A_63 : memref<10240x128xf32, #tpu.memory_space<vmem_shared>>)
        tpu.yield
      }) : () -> ()
    }
    %scan3A_9 = arith.constant 90 : i32
    %barrier3A_10 = arith.constant 0 : index
    tpu.barrier barrier_id(%barrier3A_10)
    %mul3A_11 = arith.constant 640 : i32
    %mul3A_12 = arith.muli %arg1, %mul3A_11 : i32
    %mul3A_13 = arith.constant 640 : i32
    %mul3A_14 = arith.muli %arg1, %mul3A_13 : i32
    "tpu.region"() ({
      %run_scoped3A = tpu.sem_alloc : memref<!tpu.dma_semaphore, #tpu.memory_space<semaphore_mem>>
      %dma_start3A = arith.constant 0 : i32
      %dma_start3A_15 = tpu.memref_slice %arg5[%arg0, %mul3A_14, %dma_start3A] : memref<2x10240x128xf32, #tpu.memory_space<hbm>> -> memref<1x640x128xf32, #tpu.memory_space<hbm>>
      %dma_start3A_16 = tpu.memref_squeeze %dma_start3A_15 : memref<1x640x128xf32, #tpu.memory_space<hbm>> -> memref<640x128xf32, #tpu.memory_space<hbm>>
      %dma_start3A_17 = arith.constant 0 : i32
      %dma_start3A_18 = tpu.memref_slice %arg8[%mul3A_12, %dma_start3A_17] : memref<10240x128xf32, #tpu.memory_space<vmem_shared>> -> memref<640x128xf32, #tpu.memory_space<vmem_shared>>
      tpu.enqueue_dma source(%dma_start3A_18 : memref<640x128xf32, #tpu.memory_space<vmem_shared>>) target(%dma_start3A_16 : memref<640x128xf32, #tpu.memory_space<hbm>>) target_semaphore(%run_scoped3A : memref<!tpu.dma_semaphore, #tpu.memory_space<semaphore_mem>>)
      %dma_wait3A = arith.constant 0 : i32
      %dma_wait3A_19 = tpu.memref_slice %arg5[%arg0, %mul3A_14, %dma_wait3A] : memref<2x10240x128xf32, #tpu.memory_space<hbm>> -> memref<1x640x128xf32, #tpu.memory_space<hbm>>
      %dma_wait3A_20 = tpu.memref_squeeze %dma_wait3A_19 : memref<1x640x128xf32, #tpu.memory_space<hbm>> -> memref<640x128xf32, #tpu.memory_space<hbm>>
      %dma_wait3A_21 = arith.constant 0 : i32
      %dma_wait3A_22 = tpu.memref_slice %arg8[%mul3A_12, %dma_wait3A_21] : memref<10240x128xf32, #tpu.memory_space<vmem_shared>> -> memref<640x128xf32, #tpu.memory_space<vmem_shared>>
      tpu.wait_dma2 semaphore(%run_scoped3A : memref<!tpu.dma_semaphore, #tpu.memory_space<semaphore_mem>>) src(%dma_wait3A_22 : memref<640x128xf32, #tpu.memory_space<vmem_shared>>) dst(%dma_wait3A_20 : memref<640x128xf32, #tpu.memory_space<hbm>>)
      tpu.yield
    }) : () -> ()
    return
  }
}

#map = affine_map<(d0, d1) -> (0, 0)>
#map1 = affine_map<(d0, d1) -> (0, 0, 0, 0)>
#map2 = affine_map<(d0, d1) -> (0, 0, 0)>
module attributes {stable_mosaic.version = 14 : i64} {
  func.func @_prop_kernel(%arg0: i32, %arg1: i32, %arg2: memref<10240x128xf32, #tpu.memory_space<hbm>>, %arg3: memref<32x90x2x112xi32, #tpu.memory_space<hbm>>, %arg4: memref<10240x128xf32, #tpu.memory_space<hbm>>, %arg5: memref<2x10240x128xf32, #tpu.memory_space<hbm>>, %arg6: memref<4x2x112xi32, #tpu.memory_space<vmem>>, %arg7: memref<2x112x128xf32, #tpu.memory_space<vmem>>, %arg8: memref<10240x128xf32, #tpu.memory_space<vmem_shared>>, %arg9: memref<!tpu.dma_semaphore, #tpu.memory_space<semaphore_mem>>, %arg10: memref<!tpu.dma_semaphore, #tpu.memory_space<semaphore_mem>>, %arg11: memref<!tpu.dma_semaphore, #tpu.memory_space<semaphore_mem>>, %arg12: memref<!tpu.dma_semaphore, #tpu.memory_space<semaphore_mem>>, %arg13: memref<!tpu.dma_semaphore, #tpu.memory_space<semaphore_mem>>, %arg14: memref<!tpu.dma_semaphore, #tpu.memory_space<semaphore_mem>>) attributes {dimension_semantics = [#tpu.dimension_semantics<core_parallel>, #tpu.dimension_semantics<subcore_parallel>], iteration_bounds = array<i64: 2, 16>, scalar_prefetch = 0 : i64, scratch_operands = 9 : i64, tpu.core_type = #tpu.core_type<sc_vector_subcore>, window_params = [{transform_indices = #map}, {transform_indices = #map1}, {transform_indices = #map}, {transform_indices = #map2}]} {
    %mul3A = arith.constant 2 : i32
    %mul3A_0 = arith.muli %arg1, %mul3A : i32
    %add3A = arith.addi %mul3A_0, %arg0 : i32
    %mul3A_1 = arith.constant 640 : i32
    %mul3A_2 = arith.muli %arg1, %mul3A_1 : i32
    %mul3A_3 = arith.constant 640 : i32
    %mul3A_4 = arith.muli %arg1, %mul3A_3 : i32
    "tpu.region"() ({
      %run_scoped3A = tpu.sem_alloc : memref<!tpu.dma_semaphore, #tpu.memory_space<semaphore_mem>>
      %dma_start3A = arith.constant 0 : i32
      %dma_start3A_15 = tpu.memref_slice %arg8[%mul3A_4, %dma_start3A] : memref<10240x128xf32, #tpu.memory_space<vmem_shared>> -> memref<640x128xf32, #tpu.memory_space<vmem_shared>>
      %dma_start3A_16 = arith.constant 0 : i32
      %dma_start3A_17 = tpu.memref_slice %arg4[%mul3A_2, %dma_start3A_16] : memref<10240x128xf32, #tpu.memory_space<hbm>> -> memref<640x128xf32, #tpu.memory_space<hbm>>
      tpu.enqueue_dma source(%dma_start3A_17 : memref<640x128xf32, #tpu.memory_space<hbm>>) target(%dma_start3A_15 : memref<640x128xf32, #tpu.memory_space<vmem_shared>>) target_semaphore(%run_scoped3A : memref<!tpu.dma_semaphore, #tpu.memory_space<semaphore_mem>>)
      %dma_wait3A = arith.constant 0 : i32
      %dma_wait3A_18 = tpu.memref_slice %arg8[%mul3A_4, %dma_wait3A] : memref<10240x128xf32, #tpu.memory_space<vmem_shared>> -> memref<640x128xf32, #tpu.memory_space<vmem_shared>>
      %dma_wait3A_19 = arith.constant 0 : i32
      %dma_wait3A_20 = tpu.memref_slice %arg4[%mul3A_2, %dma_wait3A_19] : memref<10240x128xf32, #tpu.memory_space<hbm>> -> memref<640x128xf32, #tpu.memory_space<hbm>>
      tpu.wait_dma2 semaphore(%run_scoped3A : memref<!tpu.dma_semaphore, #tpu.memory_space<semaphore_mem>>) src(%dma_wait3A_20 : memref<640x128xf32, #tpu.memory_space<hbm>>) dst(%dma_wait3A_18 : memref<640x128xf32, #tpu.memory_space<vmem_shared>>)
      tpu.yield
    }) : () -> ()
    %barrier3A = arith.constant 0 : index
    tpu.barrier barrier_id(%barrier3A)
    %scan3A = arith.constant 0 : i32
    %scan3A_5 = arith.constant 0 : i32
    %scan3A_6 = arith.constant 90 : i32
    %scan3A_7 = arith.addi %scan3A_5, %scan3A_6 : i32
    %scan3A_8 = arith.constant 1 : i32
    scf.for %scan3A_15 = %scan3A_5 to %scan3A_7 step %scan3A_8  : i32 {
      %run_scoped3A = arith.constant 0 : i32
      "tpu.region"() ({
        %run_scoped3A_43 = tpu.sem_alloc : memref<!tpu.dma_semaphore, #tpu.memory_space<semaphore_mem>>
        %dma_start3A_44 = arith.constant 0 : i32
        %dma_start3A_45 = arith.constant 0 : i32
        %dma_start3A_46 = tpu.memref_slice %arg6[%run_scoped3A, %dma_start3A_44, %dma_start3A_45] : memref<4x2x112xi32, #tpu.memory_space<vmem>> -> memref<1x2x112xi32, #tpu.memory_space<vmem>>
        %dma_start3A_47 = tpu.memref_squeeze %dma_start3A_46 : memref<1x2x112xi32, #tpu.memory_space<vmem>> -> memref<2x112xi32, #tpu.memory_space<vmem>>
        %dma_start3A_48 = arith.constant 0 : i32
        %dma_start3A_49 = arith.constant 0 : i32
        %dma_start3A_50 = tpu.memref_slice %arg3[%add3A, %scan3A_15, %dma_start3A_48, %dma_start3A_49] : memref<32x90x2x112xi32, #tpu.memory_space<hbm>> -> memref<1x1x2x112xi32, #tpu.memory_space<hbm>>
        %dma_start3A_51 = tpu.memref_squeeze %dma_start3A_50 : memref<1x1x2x112xi32, #tpu.memory_space<hbm>> -> memref<2x112xi32, #tpu.memory_space<hbm>>
        %dma_start3A_52 = arith.constant 0 : i32
        %dma_start3A_53 = arith.constant 0 : i32
        %dma_start3A_54 = tpu.memref_slice %arg6[%run_scoped3A, %dma_start3A_52, %dma_start3A_53] : memref<4x2x112xi32, #tpu.memory_space<vmem>> -> memref<1x2x112xi32, #tpu.memory_space<vmem>>
        %dma_start3A_55 = tpu.memref_squeeze %dma_start3A_54 : memref<1x2x112xi32, #tpu.memory_space<vmem>> -> memref<2x112xi32, #tpu.memory_space<vmem>>
        %dma_start3A_56 = arith.constant 0 : i32
        %dma_start3A_57 = arith.constant 0 : i32
        %dma_start3A_58 = tpu.memref_slice %arg3[%add3A, %scan3A_15, %dma_start3A_56, %dma_start3A_57] : memref<32x90x2x112xi32, #tpu.memory_space<hbm>> -> memref<1x1x2x112xi32, #tpu.memory_space<hbm>>
        %dma_start3A_59 = tpu.memref_squeeze %dma_start3A_58 : memref<1x1x2x112xi32, #tpu.memory_space<hbm>> -> memref<2x112xi32, #tpu.memory_space<hbm>>
        tpu.enqueue_dma source(%dma_start3A_59 : memref<2x112xi32, #tpu.memory_space<hbm>>) target(%dma_start3A_55 : memref<2x112xi32, #tpu.memory_space<vmem>>) target_semaphore(%run_scoped3A_43 : memref<!tpu.dma_semaphore, #tpu.memory_space<semaphore_mem>>)
        %dma_wait3A_60 = arith.constant 0 : i32
        %dma_wait3A_61 = arith.constant 0 : i32
        %dma_wait3A_62 = tpu.memref_slice %arg6[%run_scoped3A, %dma_wait3A_60, %dma_wait3A_61] : memref<4x2x112xi32, #tpu.memory_space<vmem>> -> memref<1x2x112xi32, #tpu.memory_space<vmem>>
        %dma_wait3A_63 = tpu.memref_squeeze %dma_wait3A_62 : memref<1x2x112xi32, #tpu.memory_space<vmem>> -> memref<2x112xi32, #tpu.memory_space<vmem>>
        %dma_wait3A_64 = arith.constant 0 : i32
        %dma_wait3A_65 = arith.constant 0 : i32
        %dma_wait3A_66 = tpu.memref_slice %arg3[%add3A, %scan3A_15, %dma_wait3A_64, %dma_wait3A_65] : memref<32x90x2x112xi32, #tpu.memory_space<hbm>> -> memref<1x1x2x112xi32, #tpu.memory_space<hbm>>
        %dma_wait3A_67 = tpu.memref_squeeze %dma_wait3A_66 : memref<1x1x2x112xi32, #tpu.memory_space<hbm>> -> memref<2x112xi32, #tpu.memory_space<hbm>>
        %dma_wait3A_68 = arith.constant 0 : i32
        %dma_wait3A_69 = arith.constant 0 : i32
        %dma_wait3A_70 = tpu.memref_slice %arg6[%run_scoped3A, %dma_wait3A_68, %dma_wait3A_69] : memref<4x2x112xi32, #tpu.memory_space<vmem>> -> memref<1x2x112xi32, #tpu.memory_space<vmem>>
        %dma_wait3A_71 = tpu.memref_squeeze %dma_wait3A_70 : memref<1x2x112xi32, #tpu.memory_space<vmem>> -> memref<2x112xi32, #tpu.memory_space<vmem>>
        %dma_wait3A_72 = arith.constant 0 : i32
        %dma_wait3A_73 = arith.constant 0 : i32
        %dma_wait3A_74 = tpu.memref_slice %arg3[%add3A, %scan3A_15, %dma_wait3A_72, %dma_wait3A_73] : memref<32x90x2x112xi32, #tpu.memory_space<hbm>> -> memref<1x1x2x112xi32, #tpu.memory_space<hbm>>
        %dma_wait3A_75 = tpu.memref_squeeze %dma_wait3A_74 : memref<1x1x2x112xi32, #tpu.memory_space<hbm>> -> memref<2x112xi32, #tpu.memory_space<hbm>>
        tpu.wait_dma2 semaphore(%run_scoped3A_43 : memref<!tpu.dma_semaphore, #tpu.memory_space<semaphore_mem>>) src(%dma_wait3A_75 : memref<2x112xi32, #tpu.memory_space<hbm>>) dst(%dma_wait3A_71 : memref<2x112xi32, #tpu.memory_space<vmem>>)
        tpu.yield
      }) : () -> ()
      %dma_start3A = arith.constant 0 : i32
      %dma_start3A_16 = arith.constant 0 : i32
      %dma_start3A_17 = arith.constant 0 : i32
      %dma_start3A_18 = arith.constant 0 : i32
      %dma_start3A_19 = arith.constant 0 : i32
      %dma_start3A_20 = tpu.memref_slice %arg7[%dma_start3A_17, %dma_start3A_18, %dma_start3A_19] : memref<2x112x128xf32, #tpu.memory_space<vmem>> -> memref<1x112x128xf32, #tpu.memory_space<vmem>>
      %dma_start3A_21 = tpu.memref_squeeze %dma_start3A_20 : memref<1x112x128xf32, #tpu.memory_space<vmem>> -> memref<112x128xf32, #tpu.memory_space<vmem>>
      %dma_start3A_22 = arith.constant 0 : i32
      %dma_start3A_23 = tpu.memref_slice %arg6[%dma_start3A, %dma_start3A_16, %dma_start3A_22] : memref<4x2x112xi32, #tpu.memory_space<vmem>> -> memref<1x1x112xi32, #tpu.memory_space<vmem>>
      %dma_start3A_24 = tpu.memref_squeeze %dma_start3A_23 : memref<1x1x112xi32, #tpu.memory_space<vmem>> -> memref<112xi32, #tpu.memory_space<vmem>>
      %dma_start3A_25 = arith.constant 0 : i32
      %dma_start3A_26 = arith.constant 0 : i32
      %dma_start3A_27 = tpu.memref_slice %arg2[%dma_start3A_25, %dma_start3A_26] : memref<10240x128xf32, #tpu.memory_space<hbm>> -> memref<10240x128xf32, #tpu.memory_space<hbm>>
      tpu.enqueue_indirect_dma source(%dma_start3A_27 : memref<10240x128xf32, #tpu.memory_space<hbm>>) target(%dma_start3A_21 : memref<112x128xf32, #tpu.memory_space<vmem>>) offsets(%dma_start3A_24 : memref<112xi32, #tpu.memory_space<vmem>>) semaphore(%arg13 : memref<!tpu.dma_semaphore, #tpu.memory_space<semaphore_mem>>)
      %dma_wait3A = arith.constant 0 : i32
      %dma_wait3A_28 = arith.constant 0 : i32
      %dma_wait3A_29 = arith.constant 0 : i32
      %dma_wait3A_30 = arith.constant 0 : i32
      %dma_wait3A_31 = arith.constant 0 : i32
      %dma_wait3A_32 = tpu.memref_slice %arg7[%dma_wait3A_29, %dma_wait3A_30, %dma_wait3A_31] : memref<2x112x128xf32, #tpu.memory_space<vmem>> -> memref<1x112x128xf32, #tpu.memory_space<vmem>>
      %dma_wait3A_33 = tpu.memref_squeeze %dma_wait3A_32 : memref<1x112x128xf32, #tpu.memory_space<vmem>> -> memref<112x128xf32, #tpu.memory_space<vmem>>
      %dma_wait3A_34 = arith.constant 0 : i32
      %dma_wait3A_35 = tpu.memref_slice %arg6[%dma_wait3A, %dma_wait3A_28, %dma_wait3A_34] : memref<4x2x112xi32, #tpu.memory_space<vmem>> -> memref<1x1x112xi32, #tpu.memory_space<vmem>>
      %dma_wait3A_36 = tpu.memref_squeeze %dma_wait3A_35 : memref<1x1x112xi32, #tpu.memory_space<vmem>> -> memref<112xi32, #tpu.memory_space<vmem>>
      %dma_wait3A_37 = arith.constant 0 : i32
      %dma_wait3A_38 = arith.constant 0 : i32
      %dma_wait3A_39 = tpu.memref_slice %arg2[%dma_wait3A_37, %dma_wait3A_38] : memref<10240x128xf32, #tpu.memory_space<hbm>> -> memref<10240x128xf32, #tpu.memory_space<hbm>>
      tpu.wait_indirect_dma semaphore(%arg13 : memref<!tpu.dma_semaphore, #tpu.memory_space<semaphore_mem>>) src(%dma_wait3A_39 : memref<10240x128xf32, #tpu.memory_space<hbm>>) dst(%dma_wait3A_33 : memref<112x128xf32, #tpu.memory_space<vmem>>)
      %run_scoped3A_40 = arith.constant 0 : i32
      %run_scoped3A_41 = arith.constant 0 : i32
      %run_scoped3A_42 = arith.constant 1 : i32
      "tpu.region"() ({
        %run_scoped3A_43 = tpu.sem_alloc : memref<!tpu.dma_semaphore, #tpu.memory_space<semaphore_mem>>
        %dma_start3A_44 = arith.constant 0 : i32
        %dma_start3A_45 = arith.constant 0 : i32
        %dma_start3A_46 = tpu.memref_slice %arg7[%run_scoped3A_40, %dma_start3A_44, %dma_start3A_45] : memref<2x112x128xf32, #tpu.memory_space<vmem>> -> memref<1x112x128xf32, #tpu.memory_space<vmem>>
        %dma_start3A_47 = tpu.memref_squeeze %dma_start3A_46 : memref<1x112x128xf32, #tpu.memory_space<vmem>> -> memref<112x128xf32, #tpu.memory_space<vmem>>
        %dma_start3A_48 = arith.constant 0 : i32
        %dma_start3A_49 = tpu.memref_slice %arg6[%run_scoped3A_41, %run_scoped3A_42, %dma_start3A_48] : memref<4x2x112xi32, #tpu.memory_space<vmem>> -> memref<1x1x112xi32, #tpu.memory_space<vmem>>
        %dma_start3A_50 = tpu.memref_squeeze %dma_start3A_49 : memref<1x1x112xi32, #tpu.memory_space<vmem>> -> memref<112xi32, #tpu.memory_space<vmem>>
        %dma_start3A_51 = arith.constant 0 : i32
        %dma_start3A_52 = arith.constant 0 : i32
        %dma_start3A_53 = tpu.memref_slice %arg8[%dma_start3A_51, %dma_start3A_52] : memref<10240x128xf32, #tpu.memory_space<vmem_shared>> -> memref<10240x128xf32, #tpu.memory_space<vmem_shared>>
        tpu.enqueue_indirect_dma source(%dma_start3A_47 : memref<112x128xf32, #tpu.memory_space<vmem>>) target(%dma_start3A_53 : memref<10240x128xf32, #tpu.memory_space<vmem_shared>>) offsets(%dma_start3A_50 : memref<112xi32, #tpu.memory_space<vmem>>) semaphore(%run_scoped3A_43 : memref<!tpu.dma_semaphore, #tpu.memory_space<semaphore_mem>>) {add = true}
        %dma_wait3A_54 = arith.constant 0 : i32
        %dma_wait3A_55 = arith.constant 0 : i32
        %dma_wait3A_56 = tpu.memref_slice %arg7[%run_scoped3A_40, %dma_wait3A_54, %dma_wait3A_55] : memref<2x112x128xf32, #tpu.memory_space<vmem>> -> memref<1x112x128xf32, #tpu.memory_space<vmem>>
        %dma_wait3A_57 = tpu.memref_squeeze %dma_wait3A_56 : memref<1x112x128xf32, #tpu.memory_space<vmem>> -> memref<112x128xf32, #tpu.memory_space<vmem>>
        %dma_wait3A_58 = arith.constant 0 : i32
        %dma_wait3A_59 = tpu.memref_slice %arg6[%run_scoped3A_41, %run_scoped3A_42, %dma_wait3A_58] : memref<4x2x112xi32, #tpu.memory_space<vmem>> -> memref<1x1x112xi32, #tpu.memory_space<vmem>>
        %dma_wait3A_60 = tpu.memref_squeeze %dma_wait3A_59 : memref<1x1x112xi32, #tpu.memory_space<vmem>> -> memref<112xi32, #tpu.memory_space<vmem>>
        %dma_wait3A_61 = arith.constant 0 : i32
        %dma_wait3A_62 = arith.constant 0 : i32
        %dma_wait3A_63 = tpu.memref_slice %arg8[%dma_wait3A_61, %dma_wait3A_62] : memref<10240x128xf32, #tpu.memory_space<vmem_shared>> -> memref<10240x128xf32, #tpu.memory_space<vmem_shared>>
        tpu.wait_indirect_dma semaphore(%run_scoped3A_43 : memref<!tpu.dma_semaphore, #tpu.memory_space<semaphore_mem>>) src(%dma_wait3A_57 : memref<112x128xf32, #tpu.memory_space<vmem>>) dst(%dma_wait3A_63 : memref<10240x128xf32, #tpu.memory_space<vmem_shared>>)
        tpu.yield
      }) : () -> ()
    }
    %scan3A_9 = arith.constant 90 : i32
    %barrier3A_10 = arith.constant 0 : index
    tpu.barrier barrier_id(%barrier3A_10)
    %mul3A_11 = arith.constant 640 : i32
    %mul3A_12 = arith.muli %arg1, %mul3A_11 : i32
    %mul3A_13 = arith.constant 640 : i32
    %mul3A_14 = arith.muli %arg1, %mul3A_13 : i32
    "tpu.region"() ({
      %run_scoped3A = tpu.sem_alloc : memref<!tpu.dma_semaphore, #tpu.memory_space<semaphore_mem>>
      %dma_start3A = arith.constant 0 : i32
      %dma_start3A_15 = tpu.memref_slice %arg5[%arg0, %mul3A_14, %dma_start3A] : memref<2x10240x128xf32, #tpu.memory_space<hbm>> -> memref<1x640x128xf32, #tpu.memory_space<hbm>>
      %dma_start3A_16 = tpu.memref_squeeze %dma_start3A_15 : memref<1x640x128xf32, #tpu.memory_space<hbm>> -> memref<640x128xf32, #tpu.memory_space<hbm>>
      %dma_start3A_17 = arith.constant 0 : i32
      %dma_start3A_18 = tpu.memref_slice %arg8[%mul3A_12, %dma_start3A_17] : memref<10240x128xf32, #tpu.memory_space<vmem_shared>> -> memref<640x128xf32, #tpu.memory_space<vmem_shared>>
      tpu.enqueue_dma source(%dma_start3A_18 : memref<640x128xf32, #tpu.memory_space<vmem_shared>>) target(%dma_start3A_16 : memref<640x128xf32, #tpu.memory_space<hbm>>) target_semaphore(%run_scoped3A : memref<!tpu.dma_semaphore, #tpu.memory_space<semaphore_mem>>)
      %dma_wait3A = arith.constant 0 : i32
      %dma_wait3A_19 = tpu.memref_slice %arg5[%arg0, %mul3A_14, %dma_wait3A] : memref<2x10240x128xf32, #tpu.memory_space<hbm>> -> memref<1x640x128xf32, #tpu.memory_space<hbm>>
      %dma_wait3A_20 = tpu.memref_squeeze %dma_wait3A_19 : memref<1x640x128xf32, #tpu.memory_space<hbm>> -> memref<640x128xf32, #tpu.memory_space<hbm>>
      %dma_wait3A_21 = arith.constant 0 : i32
      %dma_wait3A_22 = tpu.memref_slice %arg8[%mul3A_12, %dma_wait3A_21] : memref<10240x128xf32, #tpu.memory_space<vmem_shared>> -> memref<640x128xf32, #tpu.memory_space<vmem_shared>>
      tpu.wait_dma2 semaphore(%run_scoped3A : memref<!tpu.dma_semaphore, #tpu.memory_space<semaphore_mem>>) src(%dma_wait3A_22 : memref<640x128xf32, #tpu.memory_space<vmem_shared>>) dst(%dma_wait3A_20 : memref<640x128xf32, #tpu.memory_space<hbm>>)
      tpu.yield
    }) : () -> ()
    return
  }
}

#map = affine_map<(d0, d1) -> (0, 0)>
#map1 = affine_map<(d0, d1) -> (0, 0, 0, 0)>
#map2 = affine_map<(d0, d1) -> (0, 0, 0)>
module attributes {stable_mosaic.version = 14 : i64} {
  func.func @_prop_kernel(%arg0: i32, %arg1: i32, %arg2: memref<10240x128xf32, #tpu.memory_space<hbm>>, %arg3: memref<32x90x2x112xi32, #tpu.memory_space<hbm>>, %arg4: memref<10240x128xf32, #tpu.memory_space<hbm>>, %arg5: memref<2x10240x128xf32, #tpu.memory_space<hbm>>, %arg6: memref<4x2x112xi32, #tpu.memory_space<vmem>>, %arg7: memref<2x112x128xf32, #tpu.memory_space<vmem>>, %arg8: memref<10240x128xf32, #tpu.memory_space<vmem_shared>>, %arg9: memref<!tpu.dma_semaphore, #tpu.memory_space<semaphore_mem>>, %arg10: memref<!tpu.dma_semaphore, #tpu.memory_space<semaphore_mem>>, %arg11: memref<!tpu.dma_semaphore, #tpu.memory_space<semaphore_mem>>, %arg12: memref<!tpu.dma_semaphore, #tpu.memory_space<semaphore_mem>>, %arg13: memref<!tpu.dma_semaphore, #tpu.memory_space<semaphore_mem>>, %arg14: memref<!tpu.dma_semaphore, #tpu.memory_space<semaphore_mem>>) attributes {dimension_semantics = [#tpu.dimension_semantics<core_parallel>, #tpu.dimension_semantics<subcore_parallel>], iteration_bounds = array<i64: 2, 16>, scalar_prefetch = 0 : i64, scratch_operands = 9 : i64, tpu.core_type = #tpu.core_type<sc_vector_subcore>, window_params = [{transform_indices = #map}, {transform_indices = #map1}, {transform_indices = #map}, {transform_indices = #map2}]} {
    %mul3A = arith.constant 2 : i32
    %mul3A_0 = arith.muli %arg1, %mul3A : i32
    %add3A = arith.addi %mul3A_0, %arg0 : i32
    %mul3A_1 = arith.constant 640 : i32
    %mul3A_2 = arith.muli %arg1, %mul3A_1 : i32
    %mul3A_3 = arith.constant 640 : i32
    %mul3A_4 = arith.muli %arg1, %mul3A_3 : i32
    "tpu.region"() ({
      %run_scoped3A = tpu.sem_alloc : memref<!tpu.dma_semaphore, #tpu.memory_space<semaphore_mem>>
      %dma_start3A = arith.constant 0 : i32
      %dma_start3A_15 = tpu.memref_slice %arg8[%mul3A_4, %dma_start3A] : memref<10240x128xf32, #tpu.memory_space<vmem_shared>> -> memref<640x128xf32, #tpu.memory_space<vmem_shared>>
      %dma_start3A_16 = arith.constant 0 : i32
      %dma_start3A_17 = tpu.memref_slice %arg4[%mul3A_2, %dma_start3A_16] : memref<10240x128xf32, #tpu.memory_space<hbm>> -> memref<640x128xf32, #tpu.memory_space<hbm>>
      tpu.enqueue_dma source(%dma_start3A_17 : memref<640x128xf32, #tpu.memory_space<hbm>>) target(%dma_start3A_15 : memref<640x128xf32, #tpu.memory_space<vmem_shared>>) target_semaphore(%run_scoped3A : memref<!tpu.dma_semaphore, #tpu.memory_space<semaphore_mem>>)
      %dma_wait3A = arith.constant 0 : i32
      %dma_wait3A_18 = tpu.memref_slice %arg8[%mul3A_4, %dma_wait3A] : memref<10240x128xf32, #tpu.memory_space<vmem_shared>> -> memref<640x128xf32, #tpu.memory_space<vmem_shared>>
      %dma_wait3A_19 = arith.constant 0 : i32
      %dma_wait3A_20 = tpu.memref_slice %arg4[%mul3A_2, %dma_wait3A_19] : memref<10240x128xf32, #tpu.memory_space<hbm>> -> memref<640x128xf32, #tpu.memory_space<hbm>>
      tpu.wait_dma2 semaphore(%run_scoped3A : memref<!tpu.dma_semaphore, #tpu.memory_space<semaphore_mem>>) src(%dma_wait3A_20 : memref<640x128xf32, #tpu.memory_space<hbm>>) dst(%dma_wait3A_18 : memref<640x128xf32, #tpu.memory_space<vmem_shared>>)
      tpu.yield
    }) : () -> ()
    %barrier3A = arith.constant 0 : index
    tpu.barrier barrier_id(%barrier3A)
    %scan3A = arith.constant 0 : i32
    %scan3A_5 = arith.constant 0 : i32
    %scan3A_6 = arith.constant 90 : i32
    %scan3A_7 = arith.addi %scan3A_5, %scan3A_6 : i32
    %scan3A_8 = arith.constant 1 : i32
    scf.for %scan3A_15 = %scan3A_5 to %scan3A_7 step %scan3A_8  : i32 {
      %run_scoped3A = arith.constant 0 : i32
      "tpu.region"() ({
        %run_scoped3A_43 = tpu.sem_alloc : memref<!tpu.dma_semaphore, #tpu.memory_space<semaphore_mem>>
        %dma_start3A_44 = arith.constant 0 : i32
        %dma_start3A_45 = arith.constant 0 : i32
        %dma_start3A_46 = tpu.memref_slice %arg6[%run_scoped3A, %dma_start3A_44, %dma_start3A_45] : memref<4x2x112xi32, #tpu.memory_space<vmem>> -> memref<1x2x112xi32, #tpu.memory_space<vmem>>
        %dma_start3A_47 = tpu.memref_squeeze %dma_start3A_46 : memref<1x2x112xi32, #tpu.memory_space<vmem>> -> memref<2x112xi32, #tpu.memory_space<vmem>>
        %dma_start3A_48 = arith.constant 0 : i32
        %dma_start3A_49 = arith.constant 0 : i32
        %dma_start3A_50 = tpu.memref_slice %arg3[%add3A, %scan3A_15, %dma_start3A_48, %dma_start3A_49] : memref<32x90x2x112xi32, #tpu.memory_space<hbm>> -> memref<1x1x2x112xi32, #tpu.memory_space<hbm>>
        %dma_start3A_51 = tpu.memref_squeeze %dma_start3A_50 : memref<1x1x2x112xi32, #tpu.memory_space<hbm>> -> memref<2x112xi32, #tpu.memory_space<hbm>>
        %dma_start3A_52 = arith.constant 0 : i32
        %dma_start3A_53 = arith.constant 0 : i32
        %dma_start3A_54 = tpu.memref_slice %arg6[%run_scoped3A, %dma_start3A_52, %dma_start3A_53] : memref<4x2x112xi32, #tpu.memory_space<vmem>> -> memref<1x2x112xi32, #tpu.memory_space<vmem>>
        %dma_start3A_55 = tpu.memref_squeeze %dma_start3A_54 : memref<1x2x112xi32, #tpu.memory_space<vmem>> -> memref<2x112xi32, #tpu.memory_space<vmem>>
        %dma_start3A_56 = arith.constant 0 : i32
        %dma_start3A_57 = arith.constant 0 : i32
        %dma_start3A_58 = tpu.memref_slice %arg3[%add3A, %scan3A_15, %dma_start3A_56, %dma_start3A_57] : memref<32x90x2x112xi32, #tpu.memory_space<hbm>> -> memref<1x1x2x112xi32, #tpu.memory_space<hbm>>
        %dma_start3A_59 = tpu.memref_squeeze %dma_start3A_58 : memref<1x1x2x112xi32, #tpu.memory_space<hbm>> -> memref<2x112xi32, #tpu.memory_space<hbm>>
        tpu.enqueue_dma source(%dma_start3A_59 : memref<2x112xi32, #tpu.memory_space<hbm>>) target(%dma_start3A_55 : memref<2x112xi32, #tpu.memory_space<vmem>>) target_semaphore(%run_scoped3A_43 : memref<!tpu.dma_semaphore, #tpu.memory_space<semaphore_mem>>)
        %dma_wait3A_60 = arith.constant 0 : i32
        %dma_wait3A_61 = arith.constant 0 : i32
        %dma_wait3A_62 = tpu.memref_slice %arg6[%run_scoped3A, %dma_wait3A_60, %dma_wait3A_61] : memref<4x2x112xi32, #tpu.memory_space<vmem>> -> memref<1x2x112xi32, #tpu.memory_space<vmem>>
        %dma_wait3A_63 = tpu.memref_squeeze %dma_wait3A_62 : memref<1x2x112xi32, #tpu.memory_space<vmem>> -> memref<2x112xi32, #tpu.memory_space<vmem>>
        %dma_wait3A_64 = arith.constant 0 : i32
        %dma_wait3A_65 = arith.constant 0 : i32
        %dma_wait3A_66 = tpu.memref_slice %arg3[%add3A, %scan3A_15, %dma_wait3A_64, %dma_wait3A_65] : memref<32x90x2x112xi32, #tpu.memory_space<hbm>> -> memref<1x1x2x112xi32, #tpu.memory_space<hbm>>
        %dma_wait3A_67 = tpu.memref_squeeze %dma_wait3A_66 : memref<1x1x2x112xi32, #tpu.memory_space<hbm>> -> memref<2x112xi32, #tpu.memory_space<hbm>>
        %dma_wait3A_68 = arith.constant 0 : i32
        %dma_wait3A_69 = arith.constant 0 : i32
        %dma_wait3A_70 = tpu.memref_slice %arg6[%run_scoped3A, %dma_wait3A_68, %dma_wait3A_69] : memref<4x2x112xi32, #tpu.memory_space<vmem>> -> memref<1x2x112xi32, #tpu.memory_space<vmem>>
        %dma_wait3A_71 = tpu.memref_squeeze %dma_wait3A_70 : memref<1x2x112xi32, #tpu.memory_space<vmem>> -> memref<2x112xi32, #tpu.memory_space<vmem>>
        %dma_wait3A_72 = arith.constant 0 : i32
        %dma_wait3A_73 = arith.constant 0 : i32
        %dma_wait3A_74 = tpu.memref_slice %arg3[%add3A, %scan3A_15, %dma_wait3A_72, %dma_wait3A_73] : memref<32x90x2x112xi32, #tpu.memory_space<hbm>> -> memref<1x1x2x112xi32, #tpu.memory_space<hbm>>
        %dma_wait3A_75 = tpu.memref_squeeze %dma_wait3A_74 : memref<1x1x2x112xi32, #tpu.memory_space<hbm>> -> memref<2x112xi32, #tpu.memory_space<hbm>>
        tpu.wait_dma2 semaphore(%run_scoped3A_43 : memref<!tpu.dma_semaphore, #tpu.memory_space<semaphore_mem>>) src(%dma_wait3A_75 : memref<2x112xi32, #tpu.memory_space<hbm>>) dst(%dma_wait3A_71 : memref<2x112xi32, #tpu.memory_space<vmem>>)
        tpu.yield
      }) : () -> ()
      %dma_start3A = arith.constant 0 : i32
      %dma_start3A_16 = arith.constant 0 : i32
      %dma_start3A_17 = arith.constant 0 : i32
      %dma_start3A_18 = arith.constant 0 : i32
      %dma_start3A_19 = arith.constant 0 : i32
      %dma_start3A_20 = tpu.memref_slice %arg7[%dma_start3A_17, %dma_start3A_18, %dma_start3A_19] : memref<2x112x128xf32, #tpu.memory_space<vmem>> -> memref<1x112x128xf32, #tpu.memory_space<vmem>>
      %dma_start3A_21 = tpu.memref_squeeze %dma_start3A_20 : memref<1x112x128xf32, #tpu.memory_space<vmem>> -> memref<112x128xf32, #tpu.memory_space<vmem>>
      %dma_start3A_22 = arith.constant 0 : i32
      %dma_start3A_23 = tpu.memref_slice %arg6[%dma_start3A, %dma_start3A_16, %dma_start3A_22] : memref<4x2x112xi32, #tpu.memory_space<vmem>> -> memref<1x1x112xi32, #tpu.memory_space<vmem>>
      %dma_start3A_24 = tpu.memref_squeeze %dma_start3A_23 : memref<1x1x112xi32, #tpu.memory_space<vmem>> -> memref<112xi32, #tpu.memory_space<vmem>>
      %dma_start3A_25 = arith.constant 0 : i32
      %dma_start3A_26 = arith.constant 0 : i32
      %dma_start3A_27 = tpu.memref_slice %arg2[%dma_start3A_25, %dma_start3A_26] : memref<10240x128xf32, #tpu.memory_space<hbm>> -> memref<10240x128xf32, #tpu.memory_space<hbm>>
      tpu.enqueue_indirect_dma source(%dma_start3A_27 : memref<10240x128xf32, #tpu.memory_space<hbm>>) target(%dma_start3A_21 : memref<112x128xf32, #tpu.memory_space<vmem>>) offsets(%dma_start3A_24 : memref<112xi32, #tpu.memory_space<vmem>>) semaphore(%arg13 : memref<!tpu.dma_semaphore, #tpu.memory_space<semaphore_mem>>)
      %dma_wait3A = arith.constant 0 : i32
      %dma_wait3A_28 = arith.constant 0 : i32
      %dma_wait3A_29 = arith.constant 0 : i32
      %dma_wait3A_30 = arith.constant 0 : i32
      %dma_wait3A_31 = arith.constant 0 : i32
      %dma_wait3A_32 = tpu.memref_slice %arg7[%dma_wait3A_29, %dma_wait3A_30, %dma_wait3A_31] : memref<2x112x128xf32, #tpu.memory_space<vmem>> -> memref<1x112x128xf32, #tpu.memory_space<vmem>>
      %dma_wait3A_33 = tpu.memref_squeeze %dma_wait3A_32 : memref<1x112x128xf32, #tpu.memory_space<vmem>> -> memref<112x128xf32, #tpu.memory_space<vmem>>
      %dma_wait3A_34 = arith.constant 0 : i32
      %dma_wait3A_35 = tpu.memref_slice %arg6[%dma_wait3A, %dma_wait3A_28, %dma_wait3A_34] : memref<4x2x112xi32, #tpu.memory_space<vmem>> -> memref<1x1x112xi32, #tpu.memory_space<vmem>>
      %dma_wait3A_36 = tpu.memref_squeeze %dma_wait3A_35 : memref<1x1x112xi32, #tpu.memory_space<vmem>> -> memref<112xi32, #tpu.memory_space<vmem>>
      %dma_wait3A_37 = arith.constant 0 : i32
      %dma_wait3A_38 = arith.constant 0 : i32
      %dma_wait3A_39 = tpu.memref_slice %arg2[%dma_wait3A_37, %dma_wait3A_38] : memref<10240x128xf32, #tpu.memory_space<hbm>> -> memref<10240x128xf32, #tpu.memory_space<hbm>>
      tpu.wait_indirect_dma semaphore(%arg13 : memref<!tpu.dma_semaphore, #tpu.memory_space<semaphore_mem>>) src(%dma_wait3A_39 : memref<10240x128xf32, #tpu.memory_space<hbm>>) dst(%dma_wait3A_33 : memref<112x128xf32, #tpu.memory_space<vmem>>)
      %run_scoped3A_40 = arith.constant 0 : i32
      %run_scoped3A_41 = arith.constant 0 : i32
      %run_scoped3A_42 = arith.constant 1 : i32
      "tpu.region"() ({
        %run_scoped3A_43 = tpu.sem_alloc : memref<!tpu.dma_semaphore, #tpu.memory_space<semaphore_mem>>
        %dma_start3A_44 = arith.constant 0 : i32
        %dma_start3A_45 = arith.constant 0 : i32
        %dma_start3A_46 = tpu.memref_slice %arg7[%run_scoped3A_40, %dma_start3A_44, %dma_start3A_45] : memref<2x112x128xf32, #tpu.memory_space<vmem>> -> memref<1x112x128xf32, #tpu.memory_space<vmem>>
        %dma_start3A_47 = tpu.memref_squeeze %dma_start3A_46 : memref<1x112x128xf32, #tpu.memory_space<vmem>> -> memref<112x128xf32, #tpu.memory_space<vmem>>
        %dma_start3A_48 = arith.constant 0 : i32
        %dma_start3A_49 = tpu.memref_slice %arg6[%run_scoped3A_41, %run_scoped3A_42, %dma_start3A_48] : memref<4x2x112xi32, #tpu.memory_space<vmem>> -> memref<1x1x112xi32, #tpu.memory_space<vmem>>
        %dma_start3A_50 = tpu.memref_squeeze %dma_start3A_49 : memref<1x1x112xi32, #tpu.memory_space<vmem>> -> memref<112xi32, #tpu.memory_space<vmem>>
        %dma_start3A_51 = arith.constant 0 : i32
        %dma_start3A_52 = arith.constant 0 : i32
        %dma_start3A_53 = tpu.memref_slice %arg8[%dma_start3A_51, %dma_start3A_52] : memref<10240x128xf32, #tpu.memory_space<vmem_shared>> -> memref<10240x128xf32, #tpu.memory_space<vmem_shared>>
        tpu.enqueue_indirect_dma source(%dma_start3A_47 : memref<112x128xf32, #tpu.memory_space<vmem>>) target(%dma_start3A_53 : memref<10240x128xf32, #tpu.memory_space<vmem_shared>>) offsets(%dma_start3A_50 : memref<112xi32, #tpu.memory_space<vmem>>) semaphore(%run_scoped3A_43 : memref<!tpu.dma_semaphore, #tpu.memory_space<semaphore_mem>>) {add = true}
        %dma_wait3A_54 = arith.constant 0 : i32
        %dma_wait3A_55 = arith.constant 0 : i32
        %dma_wait3A_56 = tpu.memref_slice %arg7[%run_scoped3A_40, %dma_wait3A_54, %dma_wait3A_55] : memref<2x112x128xf32, #tpu.memory_space<vmem>> -> memref<1x112x128xf32, #tpu.memory_space<vmem>>
        %dma_wait3A_57 = tpu.memref_squeeze %dma_wait3A_56 : memref<1x112x128xf32, #tpu.memory_space<vmem>> -> memref<112x128xf32, #tpu.memory_space<vmem>>
        %dma_wait3A_58 = arith.constant 0 : i32
        %dma_wait3A_59 = tpu.memref_slice %arg6[%run_scoped3A_41, %run_scoped3A_42, %dma_wait3A_58] : memref<4x2x112xi32, #tpu.memory_space<vmem>> -> memref<1x1x112xi32, #tpu.memory_space<vmem>>
        %dma_wait3A_60 = tpu.memref_squeeze %dma_wait3A_59 : memref<1x1x112xi32, #tpu.memory_space<vmem>> -> memref<112xi32, #tpu.memory_space<vmem>>
        %dma_wait3A_61 = arith.constant 0 : i32
        %dma_wait3A_62 = arith.constant 0 : i32
        %dma_wait3A_63 = tpu.memref_slice %arg8[%dma_wait3A_61, %dma_wait3A_62] : memref<10240x128xf32, #tpu.memory_space<vmem_shared>> -> memref<10240x128xf32, #tpu.memory_space<vmem_shared>>
        tpu.wait_indirect_dma semaphore(%run_scoped3A_43 : memref<!tpu.dma_semaphore, #tpu.memory_space<semaphore_mem>>) src(%dma_wait3A_57 : memref<112x128xf32, #tpu.memory_space<vmem>>) dst(%dma_wait3A_63 : memref<10240x128xf32, #tpu.memory_space<vmem_shared>>)
        tpu.yield
      }) : () -> ()
    }
    %scan3A_9 = arith.constant 90 : i32
    %barrier3A_10 = arith.constant 0 : index
    tpu.barrier barrier_id(%barrier3A_10)
    %mul3A_11 = arith.constant 640 : i32
    %mul3A_12 = arith.muli %arg1, %mul3A_11 : i32
    %mul3A_13 = arith.constant 640 : i32
    %mul3A_14 = arith.muli %arg1, %mul3A_13 : i32
    "tpu.region"() ({
      %run_scoped3A = tpu.sem_alloc : memref<!tpu.dma_semaphore, #tpu.memory_space<semaphore_mem>>
      %dma_start3A = arith.constant 0 : i32
      %dma_start3A_15 = tpu.memref_slice %arg5[%arg0, %mul3A_14, %dma_start3A] : memref<2x10240x128xf32, #tpu.memory_space<hbm>> -> memref<1x640x128xf32, #tpu.memory_space<hbm>>
      %dma_start3A_16 = tpu.memref_squeeze %dma_start3A_15 : memref<1x640x128xf32, #tpu.memory_space<hbm>> -> memref<640x128xf32, #tpu.memory_space<hbm>>
      %dma_start3A_17 = arith.constant 0 : i32
      %dma_start3A_18 = tpu.memref_slice %arg8[%mul3A_12, %dma_start3A_17] : memref<10240x128xf32, #tpu.memory_space<vmem_shared>> -> memref<640x128xf32, #tpu.memory_space<vmem_shared>>
      tpu.enqueue_dma source(%dma_start3A_18 : memref<640x128xf32, #tpu.memory_space<vmem_shared>>) target(%dma_start3A_16 : memref<640x128xf32, #tpu.memory_space<hbm>>) target_semaphore(%run_scoped3A : memref<!tpu.dma_semaphore, #tpu.memory_space<semaphore_mem>>)
      %dma_wait3A = arith.constant 0 : i32
      %dma_wait3A_19 = tpu.memref_slice %arg5[%arg0, %mul3A_14, %dma_wait3A] : memref<2x10240x128xf32, #tpu.memory_space<hbm>> -> memref<1x640x128xf32, #tpu.memory_space<hbm>>
      %dma_wait3A_20 = tpu.memref_squeeze %dma_wait3A_19 : memref<1x640x128xf32, #tpu.memory_space<hbm>> -> memref<640x128xf32, #tpu.memory_space<hbm>>
      %dma_wait3A_21 = arith.constant 0 : i32
      %dma_wait3A_22 = tpu.memref_slice %arg8[%mul3A_12, %dma_wait3A_21] : memref<10240x128xf32, #tpu.memory_space<vmem_shared>> -> memref<640x128xf32, #tpu.memory_space<vmem_shared>>
      tpu.wait_dma2 semaphore(%run_scoped3A : memref<!tpu.dma_semaphore, #tpu.memory_space<semaphore_mem>>) src(%dma_wait3A_22 : memref<640x128xf32, #tpu.memory_space<vmem_shared>>) dst(%dma_wait3A_20 : memref<640x128xf32, #tpu.memory_space<hbm>>)
      tpu.yield
    }) : () -> ()
    return
  }
}

#map = affine_map<(d0, d1) -> (0, 0)>
#map1 = affine_map<(d0, d1) -> (0, 0, 0, 0)>
#map2 = affine_map<(d0, d1) -> (0, 0, 0)>
module attributes {stable_mosaic.version = 14 : i64} {
  func.func @_prop_kernel(%arg0: i32, %arg1: i32, %arg2: memref<10240x128xf32, #tpu.memory_space<hbm>>, %arg3: memref<32x90x2x112xi32, #tpu.memory_space<hbm>>, %arg4: memref<10240x128xf32, #tpu.memory_space<hbm>>, %arg5: memref<2x10240x128xf32, #tpu.memory_space<hbm>>, %arg6: memref<4x2x112xi32, #tpu.memory_space<vmem>>, %arg7: memref<2x112x128xf32, #tpu.memory_space<vmem>>, %arg8: memref<10240x128xf32, #tpu.memory_space<vmem_shared>>, %arg9: memref<!tpu.dma_semaphore, #tpu.memory_space<semaphore_mem>>, %arg10: memref<!tpu.dma_semaphore, #tpu.memory_space<semaphore_mem>>, %arg11: memref<!tpu.dma_semaphore, #tpu.memory_space<semaphore_mem>>, %arg12: memref<!tpu.dma_semaphore, #tpu.memory_space<semaphore_mem>>, %arg13: memref<!tpu.dma_semaphore, #tpu.memory_space<semaphore_mem>>, %arg14: memref<!tpu.dma_semaphore, #tpu.memory_space<semaphore_mem>>) attributes {dimension_semantics = [#tpu.dimension_semantics<core_parallel>, #tpu.dimension_semantics<subcore_parallel>], iteration_bounds = array<i64: 2, 16>, scalar_prefetch = 0 : i64, scratch_operands = 9 : i64, tpu.core_type = #tpu.core_type<sc_vector_subcore>, window_params = [{transform_indices = #map}, {transform_indices = #map1}, {transform_indices = #map}, {transform_indices = #map2}]} {
    %mul3A = arith.constant 2 : i32
    %mul3A_0 = arith.muli %arg1, %mul3A : i32
    %add3A = arith.addi %mul3A_0, %arg0 : i32
    %mul3A_1 = arith.constant 640 : i32
    %mul3A_2 = arith.muli %arg1, %mul3A_1 : i32
    %mul3A_3 = arith.constant 640 : i32
    %mul3A_4 = arith.muli %arg1, %mul3A_3 : i32
    "tpu.region"() ({
      %run_scoped3A = tpu.sem_alloc : memref<!tpu.dma_semaphore, #tpu.memory_space<semaphore_mem>>
      %dma_start3A = arith.constant 0 : i32
      %dma_start3A_15 = tpu.memref_slice %arg8[%mul3A_4, %dma_start3A] : memref<10240x128xf32, #tpu.memory_space<vmem_shared>> -> memref<640x128xf32, #tpu.memory_space<vmem_shared>>
      %dma_start3A_16 = arith.constant 0 : i32
      %dma_start3A_17 = tpu.memref_slice %arg4[%mul3A_2, %dma_start3A_16] : memref<10240x128xf32, #tpu.memory_space<hbm>> -> memref<640x128xf32, #tpu.memory_space<hbm>>
      tpu.enqueue_dma source(%dma_start3A_17 : memref<640x128xf32, #tpu.memory_space<hbm>>) target(%dma_start3A_15 : memref<640x128xf32, #tpu.memory_space<vmem_shared>>) target_semaphore(%run_scoped3A : memref<!tpu.dma_semaphore, #tpu.memory_space<semaphore_mem>>)
      %dma_wait3A = arith.constant 0 : i32
      %dma_wait3A_18 = tpu.memref_slice %arg8[%mul3A_4, %dma_wait3A] : memref<10240x128xf32, #tpu.memory_space<vmem_shared>> -> memref<640x128xf32, #tpu.memory_space<vmem_shared>>
      %dma_wait3A_19 = arith.constant 0 : i32
      %dma_wait3A_20 = tpu.memref_slice %arg4[%mul3A_2, %dma_wait3A_19] : memref<10240x128xf32, #tpu.memory_space<hbm>> -> memref<640x128xf32, #tpu.memory_space<hbm>>
      tpu.wait_dma2 semaphore(%run_scoped3A : memref<!tpu.dma_semaphore, #tpu.memory_space<semaphore_mem>>) src(%dma_wait3A_20 : memref<640x128xf32, #tpu.memory_space<hbm>>) dst(%dma_wait3A_18 : memref<640x128xf32, #tpu.memory_space<vmem_shared>>)
      tpu.yield
    }) : () -> ()
    %barrier3A = arith.constant 0 : index
    tpu.barrier barrier_id(%barrier3A)
    %scan3A = arith.constant 0 : i32
    %scan3A_5 = arith.constant 0 : i32
    %scan3A_6 = arith.constant 90 : i32
    %scan3A_7 = arith.addi %scan3A_5, %scan3A_6 : i32
    %scan3A_8 = arith.constant 1 : i32
    scf.for %scan3A_15 = %scan3A_5 to %scan3A_7 step %scan3A_8  : i32 {
      %run_scoped3A = arith.constant 0 : i32
      "tpu.region"() ({
        %run_scoped3A_43 = tpu.sem_alloc : memref<!tpu.dma_semaphore, #tpu.memory_space<semaphore_mem>>
        %dma_start3A_44 = arith.constant 0 : i32
        %dma_start3A_45 = arith.constant 0 : i32
        %dma_start3A_46 = tpu.memref_slice %arg6[%run_scoped3A, %dma_start3A_44, %dma_start3A_45] : memref<4x2x112xi32, #tpu.memory_space<vmem>> -> memref<1x2x112xi32, #tpu.memory_space<vmem>>
        %dma_start3A_47 = tpu.memref_squeeze %dma_start3A_46 : memref<1x2x112xi32, #tpu.memory_space<vmem>> -> memref<2x112xi32, #tpu.memory_space<vmem>>
        %dma_start3A_48 = arith.constant 0 : i32
        %dma_start3A_49 = arith.constant 0 : i32
        %dma_start3A_50 = tpu.memref_slice %arg3[%add3A, %scan3A_15, %dma_start3A_48, %dma_start3A_49] : memref<32x90x2x112xi32, #tpu.memory_space<hbm>> -> memref<1x1x2x112xi32, #tpu.memory_space<hbm>>
        %dma_start3A_51 = tpu.memref_squeeze %dma_start3A_50 : memref<1x1x2x112xi32, #tpu.memory_space<hbm>> -> memref<2x112xi32, #tpu.memory_space<hbm>>
        %dma_start3A_52 = arith.constant 0 : i32
        %dma_start3A_53 = arith.constant 0 : i32
        %dma_start3A_54 = tpu.memref_slice %arg6[%run_scoped3A, %dma_start3A_52, %dma_start3A_53] : memref<4x2x112xi32, #tpu.memory_space<vmem>> -> memref<1x2x112xi32, #tpu.memory_space<vmem>>
        %dma_start3A_55 = tpu.memref_squeeze %dma_start3A_54 : memref<1x2x112xi32, #tpu.memory_space<vmem>> -> memref<2x112xi32, #tpu.memory_space<vmem>>
        %dma_start3A_56 = arith.constant 0 : i32
        %dma_start3A_57 = arith.constant 0 : i32
        %dma_start3A_58 = tpu.memref_slice %arg3[%add3A, %scan3A_15, %dma_start3A_56, %dma_start3A_57] : memref<32x90x2x112xi32, #tpu.memory_space<hbm>> -> memref<1x1x2x112xi32, #tpu.memory_space<hbm>>
        %dma_start3A_59 = tpu.memref_squeeze %dma_start3A_58 : memref<1x1x2x112xi32, #tpu.memory_space<hbm>> -> memref<2x112xi32, #tpu.memory_space<hbm>>
        tpu.enqueue_dma source(%dma_start3A_59 : memref<2x112xi32, #tpu.memory_space<hbm>>) target(%dma_start3A_55 : memref<2x112xi32, #tpu.memory_space<vmem>>) target_semaphore(%run_scoped3A_43 : memref<!tpu.dma_semaphore, #tpu.memory_space<semaphore_mem>>)
        %dma_wait3A_60 = arith.constant 0 : i32
        %dma_wait3A_61 = arith.constant 0 : i32
        %dma_wait3A_62 = tpu.memref_slice %arg6[%run_scoped3A, %dma_wait3A_60, %dma_wait3A_61] : memref<4x2x112xi32, #tpu.memory_space<vmem>> -> memref<1x2x112xi32, #tpu.memory_space<vmem>>
        %dma_wait3A_63 = tpu.memref_squeeze %dma_wait3A_62 : memref<1x2x112xi32, #tpu.memory_space<vmem>> -> memref<2x112xi32, #tpu.memory_space<vmem>>
        %dma_wait3A_64 = arith.constant 0 : i32
        %dma_wait3A_65 = arith.constant 0 : i32
        %dma_wait3A_66 = tpu.memref_slice %arg3[%add3A, %scan3A_15, %dma_wait3A_64, %dma_wait3A_65] : memref<32x90x2x112xi32, #tpu.memory_space<hbm>> -> memref<1x1x2x112xi32, #tpu.memory_space<hbm>>
        %dma_wait3A_67 = tpu.memref_squeeze %dma_wait3A_66 : memref<1x1x2x112xi32, #tpu.memory_space<hbm>> -> memref<2x112xi32, #tpu.memory_space<hbm>>
        %dma_wait3A_68 = arith.constant 0 : i32
        %dma_wait3A_69 = arith.constant 0 : i32
        %dma_wait3A_70 = tpu.memref_slice %arg6[%run_scoped3A, %dma_wait3A_68, %dma_wait3A_69] : memref<4x2x112xi32, #tpu.memory_space<vmem>> -> memref<1x2x112xi32, #tpu.memory_space<vmem>>
        %dma_wait3A_71 = tpu.memref_squeeze %dma_wait3A_70 : memref<1x2x112xi32, #tpu.memory_space<vmem>> -> memref<2x112xi32, #tpu.memory_space<vmem>>
        %dma_wait3A_72 = arith.constant 0 : i32
        %dma_wait3A_73 = arith.constant 0 : i32
        %dma_wait3A_74 = tpu.memref_slice %arg3[%add3A, %scan3A_15, %dma_wait3A_72, %dma_wait3A_73] : memref<32x90x2x112xi32, #tpu.memory_space<hbm>> -> memref<1x1x2x112xi32, #tpu.memory_space<hbm>>
        %dma_wait3A_75 = tpu.memref_squeeze %dma_wait3A_74 : memref<1x1x2x112xi32, #tpu.memory_space<hbm>> -> memref<2x112xi32, #tpu.memory_space<hbm>>
        tpu.wait_dma2 semaphore(%run_scoped3A_43 : memref<!tpu.dma_semaphore, #tpu.memory_space<semaphore_mem>>) src(%dma_wait3A_75 : memref<2x112xi32, #tpu.memory_space<hbm>>) dst(%dma_wait3A_71 : memref<2x112xi32, #tpu.memory_space<vmem>>)
        tpu.yield
      }) : () -> ()
      %dma_start3A = arith.constant 0 : i32
      %dma_start3A_16 = arith.constant 0 : i32
      %dma_start3A_17 = arith.constant 0 : i32
      %dma_start3A_18 = arith.constant 0 : i32
      %dma_start3A_19 = arith.constant 0 : i32
      %dma_start3A_20 = tpu.memref_slice %arg7[%dma_start3A_17, %dma_start3A_18, %dma_start3A_19] : memref<2x112x128xf32, #tpu.memory_space<vmem>> -> memref<1x112x128xf32, #tpu.memory_space<vmem>>
      %dma_start3A_21 = tpu.memref_squeeze %dma_start3A_20 : memref<1x112x128xf32, #tpu.memory_space<vmem>> -> memref<112x128xf32, #tpu.memory_space<vmem>>
      %dma_start3A_22 = arith.constant 0 : i32
      %dma_start3A_23 = tpu.memref_slice %arg6[%dma_start3A, %dma_start3A_16, %dma_start3A_22] : memref<4x2x112xi32, #tpu.memory_space<vmem>> -> memref<1x1x112xi32, #tpu.memory_space<vmem>>
      %dma_start3A_24 = tpu.memref_squeeze %dma_start3A_23 : memref<1x1x112xi32, #tpu.memory_space<vmem>> -> memref<112xi32, #tpu.memory_space<vmem>>
      %dma_start3A_25 = arith.constant 0 : i32
      %dma_start3A_26 = arith.constant 0 : i32
      %dma_start3A_27 = tpu.memref_slice %arg2[%dma_start3A_25, %dma_start3A_26] : memref<10240x128xf32, #tpu.memory_space<hbm>> -> memref<10240x128xf32, #tpu.memory_space<hbm>>
      tpu.enqueue_indirect_dma source(%dma_start3A_27 : memref<10240x128xf32, #tpu.memory_space<hbm>>) target(%dma_start3A_21 : memref<112x128xf32, #tpu.memory_space<vmem>>) offsets(%dma_start3A_24 : memref<112xi32, #tpu.memory_space<vmem>>) semaphore(%arg13 : memref<!tpu.dma_semaphore, #tpu.memory_space<semaphore_mem>>)
      %dma_wait3A = arith.constant 0 : i32
      %dma_wait3A_28 = arith.constant 0 : i32
      %dma_wait3A_29 = arith.constant 0 : i32
      %dma_wait3A_30 = arith.constant 0 : i32
      %dma_wait3A_31 = arith.constant 0 : i32
      %dma_wait3A_32 = tpu.memref_slice %arg7[%dma_wait3A_29, %dma_wait3A_30, %dma_wait3A_31] : memref<2x112x128xf32, #tpu.memory_space<vmem>> -> memref<1x112x128xf32, #tpu.memory_space<vmem>>
      %dma_wait3A_33 = tpu.memref_squeeze %dma_wait3A_32 : memref<1x112x128xf32, #tpu.memory_space<vmem>> -> memref<112x128xf32, #tpu.memory_space<vmem>>
      %dma_wait3A_34 = arith.constant 0 : i32
      %dma_wait3A_35 = tpu.memref_slice %arg6[%dma_wait3A, %dma_wait3A_28, %dma_wait3A_34] : memref<4x2x112xi32, #tpu.memory_space<vmem>> -> memref<1x1x112xi32, #tpu.memory_space<vmem>>
      %dma_wait3A_36 = tpu.memref_squeeze %dma_wait3A_35 : memref<1x1x112xi32, #tpu.memory_space<vmem>> -> memref<112xi32, #tpu.memory_space<vmem>>
      %dma_wait3A_37 = arith.constant 0 : i32
      %dma_wait3A_38 = arith.constant 0 : i32
      %dma_wait3A_39 = tpu.memref_slice %arg2[%dma_wait3A_37, %dma_wait3A_38] : memref<10240x128xf32, #tpu.memory_space<hbm>> -> memref<10240x128xf32, #tpu.memory_space<hbm>>
      tpu.wait_indirect_dma semaphore(%arg13 : memref<!tpu.dma_semaphore, #tpu.memory_space<semaphore_mem>>) src(%dma_wait3A_39 : memref<10240x128xf32, #tpu.memory_space<hbm>>) dst(%dma_wait3A_33 : memref<112x128xf32, #tpu.memory_space<vmem>>)
      %run_scoped3A_40 = arith.constant 0 : i32
      %run_scoped3A_41 = arith.constant 0 : i32
      %run_scoped3A_42 = arith.constant 1 : i32
      "tpu.region"() ({
        %run_scoped3A_43 = tpu.sem_alloc : memref<!tpu.dma_semaphore, #tpu.memory_space<semaphore_mem>>
        %dma_start3A_44 = arith.constant 0 : i32
        %dma_start3A_45 = arith.constant 0 : i32
        %dma_start3A_46 = tpu.memref_slice %arg7[%run_scoped3A_40, %dma_start3A_44, %dma_start3A_45] : memref<2x112x128xf32, #tpu.memory_space<vmem>> -> memref<1x112x128xf32, #tpu.memory_space<vmem>>
        %dma_start3A_47 = tpu.memref_squeeze %dma_start3A_46 : memref<1x112x128xf32, #tpu.memory_space<vmem>> -> memref<112x128xf32, #tpu.memory_space<vmem>>
        %dma_start3A_48 = arith.constant 0 : i32
        %dma_start3A_49 = tpu.memref_slice %arg6[%run_scoped3A_41, %run_scoped3A_42, %dma_start3A_48] : memref<4x2x112xi32, #tpu.memory_space<vmem>> -> memref<1x1x112xi32, #tpu.memory_space<vmem>>
        %dma_start3A_50 = tpu.memref_squeeze %dma_start3A_49 : memref<1x1x112xi32, #tpu.memory_space<vmem>> -> memref<112xi32, #tpu.memory_space<vmem>>
        %dma_start3A_51 = arith.constant 0 : i32
        %dma_start3A_52 = arith.constant 0 : i32
        %dma_start3A_53 = tpu.memref_slice %arg8[%dma_start3A_51, %dma_start3A_52] : memref<10240x128xf32, #tpu.memory_space<vmem_shared>> -> memref<10240x128xf32, #tpu.memory_space<vmem_shared>>
        tpu.enqueue_indirect_dma source(%dma_start3A_47 : memref<112x128xf32, #tpu.memory_space<vmem>>) target(%dma_start3A_53 : memref<10240x128xf32, #tpu.memory_space<vmem_shared>>) offsets(%dma_start3A_50 : memref<112xi32, #tpu.memory_space<vmem>>) semaphore(%run_scoped3A_43 : memref<!tpu.dma_semaphore, #tpu.memory_space<semaphore_mem>>) {add = true}
        %dma_wait3A_54 = arith.constant 0 : i32
        %dma_wait3A_55 = arith.constant 0 : i32
        %dma_wait3A_56 = tpu.memref_slice %arg7[%run_scoped3A_40, %dma_wait3A_54, %dma_wait3A_55] : memref<2x112x128xf32, #tpu.memory_space<vmem>> -> memref<1x112x128xf32, #tpu.memory_space<vmem>>
        %dma_wait3A_57 = tpu.memref_squeeze %dma_wait3A_56 : memref<1x112x128xf32, #tpu.memory_space<vmem>> -> memref<112x128xf32, #tpu.memory_space<vmem>>
        %dma_wait3A_58 = arith.constant 0 : i32
        %dma_wait3A_59 = tpu.memref_slice %arg6[%run_scoped3A_41, %run_scoped3A_42, %dma_wait3A_58] : memref<4x2x112xi32, #tpu.memory_space<vmem>> -> memref<1x1x112xi32, #tpu.memory_space<vmem>>
        %dma_wait3A_60 = tpu.memref_squeeze %dma_wait3A_59 : memref<1x1x112xi32, #tpu.memory_space<vmem>> -> memref<112xi32, #tpu.memory_space<vmem>>
        %dma_wait3A_61 = arith.constant 0 : i32
        %dma_wait3A_62 = arith.constant 0 : i32
        %dma_wait3A_63 = tpu.memref_slice %arg8[%dma_wait3A_61, %dma_wait3A_62] : memref<10240x128xf32, #tpu.memory_space<vmem_shared>> -> memref<10240x128xf32, #tpu.memory_space<vmem_shared>>
        tpu.wait_indirect_dma semaphore(%run_scoped3A_43 : memref<!tpu.dma_semaphore, #tpu.memory_space<semaphore_mem>>) src(%dma_wait3A_57 : memref<112x128xf32, #tpu.memory_space<vmem>>) dst(%dma_wait3A_63 : memref<10240x128xf32, #tpu.memory_space<vmem_shared>>)
        tpu.yield
      }) : () -> ()
    }
    %scan3A_9 = arith.constant 90 : i32
    %barrier3A_10 = arith.constant 0 : index
    tpu.barrier barrier_id(%barrier3A_10)
    %mul3A_11 = arith.constant 640 : i32
    %mul3A_12 = arith.muli %arg1, %mul3A_11 : i32
    %mul3A_13 = arith.constant 640 : i32
    %mul3A_14 = arith.muli %arg1, %mul3A_13 : i32
    "tpu.region"() ({
      %run_scoped3A = tpu.sem_alloc : memref<!tpu.dma_semaphore, #tpu.memory_space<semaphore_mem>>
      %dma_start3A = arith.constant 0 : i32
      %dma_start3A_15 = tpu.memref_slice %arg5[%arg0, %mul3A_14, %dma_start3A] : memref<2x10240x128xf32, #tpu.memory_space<hbm>> -> memref<1x640x128xf32, #tpu.memory_space<hbm>>
      %dma_start3A_16 = tpu.memref_squeeze %dma_start3A_15 : memref<1x640x128xf32, #tpu.memory_space<hbm>> -> memref<640x128xf32, #tpu.memory_space<hbm>>
      %dma_start3A_17 = arith.constant 0 : i32
      %dma_start3A_18 = tpu.memref_slice %arg8[%mul3A_12, %dma_start3A_17] : memref<10240x128xf32, #tpu.memory_space<vmem_shared>> -> memref<640x128xf32, #tpu.memory_space<vmem_shared>>
      tpu.enqueue_dma source(%dma_start3A_18 : memref<640x128xf32, #tpu.memory_space<vmem_shared>>) target(%dma_start3A_16 : memref<640x128xf32, #tpu.memory_space<hbm>>) target_semaphore(%run_scoped3A : memref<!tpu.dma_semaphore, #tpu.memory_space<semaphore_mem>>)
      %dma_wait3A = arith.constant 0 : i32
      %dma_wait3A_19 = tpu.memref_slice %arg5[%arg0, %mul3A_14, %dma_wait3A] : memref<2x10240x128xf32, #tpu.memory_space<hbm>> -> memref<1x640x128xf32, #tpu.memory_space<hbm>>
      %dma_wait3A_20 = tpu.memref_squeeze %dma_wait3A_19 : memref<1x640x128xf32, #tpu.memory_space<hbm>> -> memref<640x128xf32, #tpu.memory_space<hbm>>
      %dma_wait3A_21 = arith.constant 0 : i32
      %dma_wait3A_22 = tpu.memref_slice %arg8[%mul3A_12, %dma_wait3A_21] : memref<10240x128xf32, #tpu.memory_space<vmem_shared>> -> memref<640x128xf32, #tpu.memory_space<vmem_shared>>
      tpu.wait_dma2 semaphore(%run_scoped3A : memref<!tpu.dma_semaphore, #tpu.memory_space<semaphore_mem>>) src(%dma_wait3A_22 : memref<640x128xf32, #tpu.memory_space<vmem_shared>>) dst(%dma_wait3A_20 : memref<640x128xf32, #tpu.memory_space<hbm>>)
      tpu.yield
    }) : () -> ()
    return
  }
}

#map = affine_map<(d0, d1) -> (0, 0)>
#map1 = affine_map<(d0, d1) -> (0, 0, 0, 0)>
#map2 = affine_map<(d0, d1) -> (0, 0, 0)>
module attributes {stable_mosaic.version = 14 : i64} {
  func.func @_prop_kernel(%arg0: i32, %arg1: i32, %arg2: memref<10240x128xf32, #tpu.memory_space<hbm>>, %arg3: memref<32x90x2x112xi32, #tpu.memory_space<hbm>>, %arg4: memref<10240x128xf32, #tpu.memory_space<hbm>>, %arg5: memref<2x10240x128xf32, #tpu.memory_space<hbm>>, %arg6: memref<4x2x112xi32, #tpu.memory_space<vmem>>, %arg7: memref<2x112x128xf32, #tpu.memory_space<vmem>>, %arg8: memref<10240x128xf32, #tpu.memory_space<vmem_shared>>, %arg9: memref<!tpu.dma_semaphore, #tpu.memory_space<semaphore_mem>>, %arg10: memref<!tpu.dma_semaphore, #tpu.memory_space<semaphore_mem>>, %arg11: memref<!tpu.dma_semaphore, #tpu.memory_space<semaphore_mem>>, %arg12: memref<!tpu.dma_semaphore, #tpu.memory_space<semaphore_mem>>, %arg13: memref<!tpu.dma_semaphore, #tpu.memory_space<semaphore_mem>>, %arg14: memref<!tpu.dma_semaphore, #tpu.memory_space<semaphore_mem>>) attributes {dimension_semantics = [#tpu.dimension_semantics<core_parallel>, #tpu.dimension_semantics<subcore_parallel>], iteration_bounds = array<i64: 2, 16>, scalar_prefetch = 0 : i64, scratch_operands = 9 : i64, tpu.core_type = #tpu.core_type<sc_vector_subcore>, window_params = [{transform_indices = #map}, {transform_indices = #map1}, {transform_indices = #map}, {transform_indices = #map2}]} {
    %mul3A = arith.constant 2 : i32
    %mul3A_0 = arith.muli %arg1, %mul3A : i32
    %add3A = arith.addi %mul3A_0, %arg0 : i32
    %mul3A_1 = arith.constant 640 : i32
    %mul3A_2 = arith.muli %arg1, %mul3A_1 : i32
    %mul3A_3 = arith.constant 640 : i32
    %mul3A_4 = arith.muli %arg1, %mul3A_3 : i32
    "tpu.region"() ({
      %run_scoped3A = tpu.sem_alloc : memref<!tpu.dma_semaphore, #tpu.memory_space<semaphore_mem>>
      %dma_start3A = arith.constant 0 : i32
      %dma_start3A_15 = tpu.memref_slice %arg8[%mul3A_4, %dma_start3A] : memref<10240x128xf32, #tpu.memory_space<vmem_shared>> -> memref<640x128xf32, #tpu.memory_space<vmem_shared>>
      %dma_start3A_16 = arith.constant 0 : i32
      %dma_start3A_17 = tpu.memref_slice %arg4[%mul3A_2, %dma_start3A_16] : memref<10240x128xf32, #tpu.memory_space<hbm>> -> memref<640x128xf32, #tpu.memory_space<hbm>>
      tpu.enqueue_dma source(%dma_start3A_17 : memref<640x128xf32, #tpu.memory_space<hbm>>) target(%dma_start3A_15 : memref<640x128xf32, #tpu.memory_space<vmem_shared>>) target_semaphore(%run_scoped3A : memref<!tpu.dma_semaphore, #tpu.memory_space<semaphore_mem>>)
      %dma_wait3A = arith.constant 0 : i32
      %dma_wait3A_18 = tpu.memref_slice %arg8[%mul3A_4, %dma_wait3A] : memref<10240x128xf32, #tpu.memory_space<vmem_shared>> -> memref<640x128xf32, #tpu.memory_space<vmem_shared>>
      %dma_wait3A_19 = arith.constant 0 : i32
      %dma_wait3A_20 = tpu.memref_slice %arg4[%mul3A_2, %dma_wait3A_19] : memref<10240x128xf32, #tpu.memory_space<hbm>> -> memref<640x128xf32, #tpu.memory_space<hbm>>
      tpu.wait_dma2 semaphore(%run_scoped3A : memref<!tpu.dma_semaphore, #tpu.memory_space<semaphore_mem>>) src(%dma_wait3A_20 : memref<640x128xf32, #tpu.memory_space<hbm>>) dst(%dma_wait3A_18 : memref<640x128xf32, #tpu.memory_space<vmem_shared>>)
      tpu.yield
    }) : () -> ()
    %barrier3A = arith.constant 0 : index
    tpu.barrier barrier_id(%barrier3A)
    %scan3A = arith.constant 0 : i32
    %scan3A_5 = arith.constant 0 : i32
    %scan3A_6 = arith.constant 90 : i32
    %scan3A_7 = arith.addi %scan3A_5, %scan3A_6 : i32
    %scan3A_8 = arith.constant 1 : i32
    scf.for %scan3A_15 = %scan3A_5 to %scan3A_7 step %scan3A_8  : i32 {
      %run_scoped3A = arith.constant 0 : i32
      "tpu.region"() ({
        %run_scoped3A_43 = tpu.sem_alloc : memref<!tpu.dma_semaphore, #tpu.memory_space<semaphore_mem>>
        %dma_start3A_44 = arith.constant 0 : i32
        %dma_start3A_45 = arith.constant 0 : i32
        %dma_start3A_46 = tpu.memref_slice %arg6[%run_scoped3A, %dma_start3A_44, %dma_start3A_45] : memref<4x2x112xi32, #tpu.memory_space<vmem>> -> memref<1x2x112xi32, #tpu.memory_space<vmem>>
        %dma_start3A_47 = tpu.memref_squeeze %dma_start3A_46 : memref<1x2x112xi32, #tpu.memory_space<vmem>> -> memref<2x112xi32, #tpu.memory_space<vmem>>
        %dma_start3A_48 = arith.constant 0 : i32
        %dma_start3A_49 = arith.constant 0 : i32
        %dma_start3A_50 = tpu.memref_slice %arg3[%add3A, %scan3A_15, %dma_start3A_48, %dma_start3A_49] : memref<32x90x2x112xi32, #tpu.memory_space<hbm>> -> memref<1x1x2x112xi32, #tpu.memory_space<hbm>>
        %dma_start3A_51 = tpu.memref_squeeze %dma_start3A_50 : memref<1x1x2x112xi32, #tpu.memory_space<hbm>> -> memref<2x112xi32, #tpu.memory_space<hbm>>
        %dma_start3A_52 = arith.constant 0 : i32
        %dma_start3A_53 = arith.constant 0 : i32
        %dma_start3A_54 = tpu.memref_slice %arg6[%run_scoped3A, %dma_start3A_52, %dma_start3A_53] : memref<4x2x112xi32, #tpu.memory_space<vmem>> -> memref<1x2x112xi32, #tpu.memory_space<vmem>>
        %dma_start3A_55 = tpu.memref_squeeze %dma_start3A_54 : memref<1x2x112xi32, #tpu.memory_space<vmem>> -> memref<2x112xi32, #tpu.memory_space<vmem>>
        %dma_start3A_56 = arith.constant 0 : i32
        %dma_start3A_57 = arith.constant 0 : i32
        %dma_start3A_58 = tpu.memref_slice %arg3[%add3A, %scan3A_15, %dma_start3A_56, %dma_start3A_57] : memref<32x90x2x112xi32, #tpu.memory_space<hbm>> -> memref<1x1x2x112xi32, #tpu.memory_space<hbm>>
        %dma_start3A_59 = tpu.memref_squeeze %dma_start3A_58 : memref<1x1x2x112xi32, #tpu.memory_space<hbm>> -> memref<2x112xi32, #tpu.memory_space<hbm>>
        tpu.enqueue_dma source(%dma_start3A_59 : memref<2x112xi32, #tpu.memory_space<hbm>>) target(%dma_start3A_55 : memref<2x112xi32, #tpu.memory_space<vmem>>) target_semaphore(%run_scoped3A_43 : memref<!tpu.dma_semaphore, #tpu.memory_space<semaphore_mem>>)
        %dma_wait3A_60 = arith.constant 0 : i32
        %dma_wait3A_61 = arith.constant 0 : i32
        %dma_wait3A_62 = tpu.memref_slice %arg6[%run_scoped3A, %dma_wait3A_60, %dma_wait3A_61] : memref<4x2x112xi32, #tpu.memory_space<vmem>> -> memref<1x2x112xi32, #tpu.memory_space<vmem>>
        %dma_wait3A_63 = tpu.memref_squeeze %dma_wait3A_62 : memref<1x2x112xi32, #tpu.memory_space<vmem>> -> memref<2x112xi32, #tpu.memory_space<vmem>>
        %dma_wait3A_64 = arith.constant 0 : i32
        %dma_wait3A_65 = arith.constant 0 : i32
        %dma_wait3A_66 = tpu.memref_slice %arg3[%add3A, %scan3A_15, %dma_wait3A_64, %dma_wait3A_65] : memref<32x90x2x112xi32, #tpu.memory_space<hbm>> -> memref<1x1x2x112xi32, #tpu.memory_space<hbm>>
        %dma_wait3A_67 = tpu.memref_squeeze %dma_wait3A_66 : memref<1x1x2x112xi32, #tpu.memory_space<hbm>> -> memref<2x112xi32, #tpu.memory_space<hbm>>
        %dma_wait3A_68 = arith.constant 0 : i32
        %dma_wait3A_69 = arith.constant 0 : i32
        %dma_wait3A_70 = tpu.memref_slice %arg6[%run_scoped3A, %dma_wait3A_68, %dma_wait3A_69] : memref<4x2x112xi32, #tpu.memory_space<vmem>> -> memref<1x2x112xi32, #tpu.memory_space<vmem>>
        %dma_wait3A_71 = tpu.memref_squeeze %dma_wait3A_70 : memref<1x2x112xi32, #tpu.memory_space<vmem>> -> memref<2x112xi32, #tpu.memory_space<vmem>>
        %dma_wait3A_72 = arith.constant 0 : i32
        %dma_wait3A_73 = arith.constant 0 : i32
        %dma_wait3A_74 = tpu.memref_slice %arg3[%add3A, %scan3A_15, %dma_wait3A_72, %dma_wait3A_73] : memref<32x90x2x112xi32, #tpu.memory_space<hbm>> -> memref<1x1x2x112xi32, #tpu.memory_space<hbm>>
        %dma_wait3A_75 = tpu.memref_squeeze %dma_wait3A_74 : memref<1x1x2x112xi32, #tpu.memory_space<hbm>> -> memref<2x112xi32, #tpu.memory_space<hbm>>
        tpu.wait_dma2 semaphore(%run_scoped3A_43 : memref<!tpu.dma_semaphore, #tpu.memory_space<semaphore_mem>>) src(%dma_wait3A_75 : memref<2x112xi32, #tpu.memory_space<hbm>>) dst(%dma_wait3A_71 : memref<2x112xi32, #tpu.memory_space<vmem>>)
        tpu.yield
      }) : () -> ()
      %dma_start3A = arith.constant 0 : i32
      %dma_start3A_16 = arith.constant 0 : i32
      %dma_start3A_17 = arith.constant 0 : i32
      %dma_start3A_18 = arith.constant 0 : i32
      %dma_start3A_19 = arith.constant 0 : i32
      %dma_start3A_20 = tpu.memref_slice %arg7[%dma_start3A_17, %dma_start3A_18, %dma_start3A_19] : memref<2x112x128xf32, #tpu.memory_space<vmem>> -> memref<1x112x128xf32, #tpu.memory_space<vmem>>
      %dma_start3A_21 = tpu.memref_squeeze %dma_start3A_20 : memref<1x112x128xf32, #tpu.memory_space<vmem>> -> memref<112x128xf32, #tpu.memory_space<vmem>>
      %dma_start3A_22 = arith.constant 0 : i32
      %dma_start3A_23 = tpu.memref_slice %arg6[%dma_start3A, %dma_start3A_16, %dma_start3A_22] : memref<4x2x112xi32, #tpu.memory_space<vmem>> -> memref<1x1x112xi32, #tpu.memory_space<vmem>>
      %dma_start3A_24 = tpu.memref_squeeze %dma_start3A_23 : memref<1x1x112xi32, #tpu.memory_space<vmem>> -> memref<112xi32, #tpu.memory_space<vmem>>
      %dma_start3A_25 = arith.constant 0 : i32
      %dma_start3A_26 = arith.constant 0 : i32
      %dma_start3A_27 = tpu.memref_slice %arg2[%dma_start3A_25, %dma_start3A_26] : memref<10240x128xf32, #tpu.memory_space<hbm>> -> memref<10240x128xf32, #tpu.memory_space<hbm>>
      tpu.enqueue_indirect_dma source(%dma_start3A_27 : memref<10240x128xf32, #tpu.memory_space<hbm>>) target(%dma_start3A_21 : memref<112x128xf32, #tpu.memory_space<vmem>>) offsets(%dma_start3A_24 : memref<112xi32, #tpu.memory_space<vmem>>) semaphore(%arg13 : memref<!tpu.dma_semaphore, #tpu.memory_space<semaphore_mem>>)
      %dma_wait3A = arith.constant 0 : i32
      %dma_wait3A_28 = arith.constant 0 : i32
      %dma_wait3A_29 = arith.constant 0 : i32
      %dma_wait3A_30 = arith.constant 0 : i32
      %dma_wait3A_31 = arith.constant 0 : i32
      %dma_wait3A_32 = tpu.memref_slice %arg7[%dma_wait3A_29, %dma_wait3A_30, %dma_wait3A_31] : memref<2x112x128xf32, #tpu.memory_space<vmem>> -> memref<1x112x128xf32, #tpu.memory_space<vmem>>
      %dma_wait3A_33 = tpu.memref_squeeze %dma_wait3A_32 : memref<1x112x128xf32, #tpu.memory_space<vmem>> -> memref<112x128xf32, #tpu.memory_space<vmem>>
      %dma_wait3A_34 = arith.constant 0 : i32
      %dma_wait3A_35 = tpu.memref_slice %arg6[%dma_wait3A, %dma_wait3A_28, %dma_wait3A_34] : memref<4x2x112xi32, #tpu.memory_space<vmem>> -> memref<1x1x112xi32, #tpu.memory_space<vmem>>
      %dma_wait3A_36 = tpu.memref_squeeze %dma_wait3A_35 : memref<1x1x112xi32, #tpu.memory_space<vmem>> -> memref<112xi32, #tpu.memory_space<vmem>>
      %dma_wait3A_37 = arith.constant 0 : i32
      %dma_wait3A_38 = arith.constant 0 : i32
      %dma_wait3A_39 = tpu.memref_slice %arg2[%dma_wait3A_37, %dma_wait3A_38] : memref<10240x128xf32, #tpu.memory_space<hbm>> -> memref<10240x128xf32, #tpu.memory_space<hbm>>
      tpu.wait_indirect_dma semaphore(%arg13 : memref<!tpu.dma_semaphore, #tpu.memory_space<semaphore_mem>>) src(%dma_wait3A_39 : memref<10240x128xf32, #tpu.memory_space<hbm>>) dst(%dma_wait3A_33 : memref<112x128xf32, #tpu.memory_space<vmem>>)
      %run_scoped3A_40 = arith.constant 0 : i32
      %run_scoped3A_41 = arith.constant 0 : i32
      %run_scoped3A_42 = arith.constant 1 : i32
      "tpu.region"() ({
        %run_scoped3A_43 = tpu.sem_alloc : memref<!tpu.dma_semaphore, #tpu.memory_space<semaphore_mem>>
        %dma_start3A_44 = arith.constant 0 : i32
        %dma_start3A_45 = arith.constant 0 : i32
        %dma_start3A_46 = tpu.memref_slice %arg7[%run_scoped3A_40, %dma_start3A_44, %dma_start3A_45] : memref<2x112x128xf32, #tpu.memory_space<vmem>> -> memref<1x112x128xf32, #tpu.memory_space<vmem>>
        %dma_start3A_47 = tpu.memref_squeeze %dma_start3A_46 : memref<1x112x128xf32, #tpu.memory_space<vmem>> -> memref<112x128xf32, #tpu.memory_space<vmem>>
        %dma_start3A_48 = arith.constant 0 : i32
        %dma_start3A_49 = tpu.memref_slice %arg6[%run_scoped3A_41, %run_scoped3A_42, %dma_start3A_48] : memref<4x2x112xi32, #tpu.memory_space<vmem>> -> memref<1x1x112xi32, #tpu.memory_space<vmem>>
        %dma_start3A_50 = tpu.memref_squeeze %dma_start3A_49 : memref<1x1x112xi32, #tpu.memory_space<vmem>> -> memref<112xi32, #tpu.memory_space<vmem>>
        %dma_start3A_51 = arith.constant 0 : i32
        %dma_start3A_52 = arith.constant 0 : i32
        %dma_start3A_53 = tpu.memref_slice %arg8[%dma_start3A_51, %dma_start3A_52] : memref<10240x128xf32, #tpu.memory_space<vmem_shared>> -> memref<10240x128xf32, #tpu.memory_space<vmem_shared>>
        tpu.enqueue_indirect_dma source(%dma_start3A_47 : memref<112x128xf32, #tpu.memory_space<vmem>>) target(%dma_start3A_53 : memref<10240x128xf32, #tpu.memory_space<vmem_shared>>) offsets(%dma_start3A_50 : memref<112xi32, #tpu.memory_space<vmem>>) semaphore(%run_scoped3A_43 : memref<!tpu.dma_semaphore, #tpu.memory_space<semaphore_mem>>) {add = true}
        %dma_wait3A_54 = arith.constant 0 : i32
        %dma_wait3A_55 = arith.constant 0 : i32
        %dma_wait3A_56 = tpu.memref_slice %arg7[%run_scoped3A_40, %dma_wait3A_54, %dma_wait3A_55] : memref<2x112x128xf32, #tpu.memory_space<vmem>> -> memref<1x112x128xf32, #tpu.memory_space<vmem>>
        %dma_wait3A_57 = tpu.memref_squeeze %dma_wait3A_56 : memref<1x112x128xf32, #tpu.memory_space<vmem>> -> memref<112x128xf32, #tpu.memory_space<vmem>>
        %dma_wait3A_58 = arith.constant 0 : i32
        %dma_wait3A_59 = tpu.memref_slice %arg6[%run_scoped3A_41, %run_scoped3A_42, %dma_wait3A_58] : memref<4x2x112xi32, #tpu.memory_space<vmem>> -> memref<1x1x112xi32, #tpu.memory_space<vmem>>
        %dma_wait3A_60 = tpu.memref_squeeze %dma_wait3A_59 : memref<1x1x112xi32, #tpu.memory_space<vmem>> -> memref<112xi32, #tpu.memory_space<vmem>>
        %dma_wait3A_61 = arith.constant 0 : i32
        %dma_wait3A_62 = arith.constant 0 : i32
        %dma_wait3A_63 = tpu.memref_slice %arg8[%dma_wait3A_61, %dma_wait3A_62] : memref<10240x128xf32, #tpu.memory_space<vmem_shared>> -> memref<10240x128xf32, #tpu.memory_space<vmem_shared>>
        tpu.wait_indirect_dma semaphore(%run_scoped3A_43 : memref<!tpu.dma_semaphore, #tpu.memory_space<semaphore_mem>>) src(%dma_wait3A_57 : memref<112x128xf32, #tpu.memory_space<vmem>>) dst(%dma_wait3A_63 : memref<10240x128xf32, #tpu.memory_space<vmem_shared>>)
        tpu.yield
      }) : () -> ()
    }
    %scan3A_9 = arith.constant 90 : i32
    %barrier3A_10 = arith.constant 0 : index
    tpu.barrier barrier_id(%barrier3A_10)
    %mul3A_11 = arith.constant 640 : i32
    %mul3A_12 = arith.muli %arg1, %mul3A_11 : i32
    %mul3A_13 = arith.constant 640 : i32
    %mul3A_14 = arith.muli %arg1, %mul3A_13 : i32
    "tpu.region"() ({
      %run_scoped3A = tpu.sem_alloc : memref<!tpu.dma_semaphore, #tpu.memory_space<semaphore_mem>>
      %dma_start3A = arith.constant 0 : i32
      %dma_start3A_15 = tpu.memref_slice %arg5[%arg0, %mul3A_14, %dma_start3A] : memref<2x10240x128xf32, #tpu.memory_space<hbm>> -> memref<1x640x128xf32, #tpu.memory_space<hbm>>
      %dma_start3A_16 = tpu.memref_squeeze %dma_start3A_15 : memref<1x640x128xf32, #tpu.memory_space<hbm>> -> memref<640x128xf32, #tpu.memory_space<hbm>>
      %dma_start3A_17 = arith.constant 0 : i32
      %dma_start3A_18 = tpu.memref_slice %arg8[%mul3A_12, %dma_start3A_17] : memref<10240x128xf32, #tpu.memory_space<vmem_shared>> -> memref<640x128xf32, #tpu.memory_space<vmem_shared>>
      tpu.enqueue_dma source(%dma_start3A_18 : memref<640x128xf32, #tpu.memory_space<vmem_shared>>) target(%dma_start3A_16 : memref<640x128xf32, #tpu.memory_space<hbm>>) target_semaphore(%run_scoped3A : memref<!tpu.dma_semaphore, #tpu.memory_space<semaphore_mem>>)
      %dma_wait3A = arith.constant 0 : i32
      %dma_wait3A_19 = tpu.memref_slice %arg5[%arg0, %mul3A_14, %dma_wait3A] : memref<2x10240x128xf32, #tpu.memory_space<hbm>> -> memref<1x640x128xf32, #tpu.memory_space<hbm>>
      %dma_wait3A_20 = tpu.memref_squeeze %dma_wait3A_19 : memref<1x640x128xf32, #tpu.memory_space<hbm>> -> memref<640x128xf32, #tpu.memory_space<hbm>>
      %dma_wait3A_21 = arith.constant 0 : i32
      %dma_wait3A_22 = tpu.memref_slice %arg8[%mul3A_12, %dma_wait3A_21] : memref<10240x128xf32, #tpu.memory_space<vmem_shared>> -> memref<640x128xf32, #tpu.memory_space<vmem_shared>>
      tpu.wait_dma2 semaphore(%run_scoped3A : memref<!tpu.dma_semaphore, #tpu.memory_space<semaphore_mem>>) src(%dma_wait3A_22 : memref<640x128xf32, #tpu.memory_space<vmem_shared>>) dst(%dma_wait3A_20 : memref<640x128xf32, #tpu.memory_space<hbm>>)
      tpu.yield
    }) : () -> ()
    return
  }
}

#map = affine_map<(d0, d1) -> (0, 0)>
#map1 = affine_map<(d0, d1) -> (0, 0, 0, 0)>
#map2 = affine_map<(d0, d1) -> (0, 0, 0)>
module attributes {stable_mosaic.version = 14 : i64} {
  func.func @_prop_kernel(%arg0: i32, %arg1: i32, %arg2: memref<10240x128xf32, #tpu.memory_space<hbm>>, %arg3: memref<32x90x2x112xi32, #tpu.memory_space<hbm>>, %arg4: memref<10240x128xf32, #tpu.memory_space<hbm>>, %arg5: memref<2x10240x128xf32, #tpu.memory_space<hbm>>, %arg6: memref<4x2x112xi32, #tpu.memory_space<vmem>>, %arg7: memref<2x112x128xf32, #tpu.memory_space<vmem>>, %arg8: memref<10240x128xf32, #tpu.memory_space<vmem_shared>>, %arg9: memref<!tpu.dma_semaphore, #tpu.memory_space<semaphore_mem>>, %arg10: memref<!tpu.dma_semaphore, #tpu.memory_space<semaphore_mem>>, %arg11: memref<!tpu.dma_semaphore, #tpu.memory_space<semaphore_mem>>, %arg12: memref<!tpu.dma_semaphore, #tpu.memory_space<semaphore_mem>>, %arg13: memref<!tpu.dma_semaphore, #tpu.memory_space<semaphore_mem>>, %arg14: memref<!tpu.dma_semaphore, #tpu.memory_space<semaphore_mem>>) attributes {dimension_semantics = [#tpu.dimension_semantics<core_parallel>, #tpu.dimension_semantics<subcore_parallel>], iteration_bounds = array<i64: 2, 16>, scalar_prefetch = 0 : i64, scratch_operands = 9 : i64, tpu.core_type = #tpu.core_type<sc_vector_subcore>, window_params = [{transform_indices = #map}, {transform_indices = #map1}, {transform_indices = #map}, {transform_indices = #map2}]} {
    %mul3A = arith.constant 2 : i32
    %mul3A_0 = arith.muli %arg1, %mul3A : i32
    %add3A = arith.addi %mul3A_0, %arg0 : i32
    %mul3A_1 = arith.constant 640 : i32
    %mul3A_2 = arith.muli %arg1, %mul3A_1 : i32
    %mul3A_3 = arith.constant 640 : i32
    %mul3A_4 = arith.muli %arg1, %mul3A_3 : i32
    "tpu.region"() ({
      %run_scoped3A = tpu.sem_alloc : memref<!tpu.dma_semaphore, #tpu.memory_space<semaphore_mem>>
      %dma_start3A = arith.constant 0 : i32
      %dma_start3A_15 = tpu.memref_slice %arg8[%mul3A_4, %dma_start3A] : memref<10240x128xf32, #tpu.memory_space<vmem_shared>> -> memref<640x128xf32, #tpu.memory_space<vmem_shared>>
      %dma_start3A_16 = arith.constant 0 : i32
      %dma_start3A_17 = tpu.memref_slice %arg4[%mul3A_2, %dma_start3A_16] : memref<10240x128xf32, #tpu.memory_space<hbm>> -> memref<640x128xf32, #tpu.memory_space<hbm>>
      tpu.enqueue_dma source(%dma_start3A_17 : memref<640x128xf32, #tpu.memory_space<hbm>>) target(%dma_start3A_15 : memref<640x128xf32, #tpu.memory_space<vmem_shared>>) target_semaphore(%run_scoped3A : memref<!tpu.dma_semaphore, #tpu.memory_space<semaphore_mem>>)
      %dma_wait3A = arith.constant 0 : i32
      %dma_wait3A_18 = tpu.memref_slice %arg8[%mul3A_4, %dma_wait3A] : memref<10240x128xf32, #tpu.memory_space<vmem_shared>> -> memref<640x128xf32, #tpu.memory_space<vmem_shared>>
      %dma_wait3A_19 = arith.constant 0 : i32
      %dma_wait3A_20 = tpu.memref_slice %arg4[%mul3A_2, %dma_wait3A_19] : memref<10240x128xf32, #tpu.memory_space<hbm>> -> memref<640x128xf32, #tpu.memory_space<hbm>>
      tpu.wait_dma2 semaphore(%run_scoped3A : memref<!tpu.dma_semaphore, #tpu.memory_space<semaphore_mem>>) src(%dma_wait3A_20 : memref<640x128xf32, #tpu.memory_space<hbm>>) dst(%dma_wait3A_18 : memref<640x128xf32, #tpu.memory_space<vmem_shared>>)
      tpu.yield
    }) : () -> ()
    %barrier3A = arith.constant 0 : index
    tpu.barrier barrier_id(%barrier3A)
    %scan3A = arith.constant 0 : i32
    %scan3A_5 = arith.constant 0 : i32
    %scan3A_6 = arith.constant 90 : i32
    %scan3A_7 = arith.addi %scan3A_5, %scan3A_6 : i32
    %scan3A_8 = arith.constant 1 : i32
    scf.for %scan3A_15 = %scan3A_5 to %scan3A_7 step %scan3A_8  : i32 {
      %run_scoped3A = arith.constant 0 : i32
      "tpu.region"() ({
        %run_scoped3A_43 = tpu.sem_alloc : memref<!tpu.dma_semaphore, #tpu.memory_space<semaphore_mem>>
        %dma_start3A_44 = arith.constant 0 : i32
        %dma_start3A_45 = arith.constant 0 : i32
        %dma_start3A_46 = tpu.memref_slice %arg6[%run_scoped3A, %dma_start3A_44, %dma_start3A_45] : memref<4x2x112xi32, #tpu.memory_space<vmem>> -> memref<1x2x112xi32, #tpu.memory_space<vmem>>
        %dma_start3A_47 = tpu.memref_squeeze %dma_start3A_46 : memref<1x2x112xi32, #tpu.memory_space<vmem>> -> memref<2x112xi32, #tpu.memory_space<vmem>>
        %dma_start3A_48 = arith.constant 0 : i32
        %dma_start3A_49 = arith.constant 0 : i32
        %dma_start3A_50 = tpu.memref_slice %arg3[%add3A, %scan3A_15, %dma_start3A_48, %dma_start3A_49] : memref<32x90x2x112xi32, #tpu.memory_space<hbm>> -> memref<1x1x2x112xi32, #tpu.memory_space<hbm>>
        %dma_start3A_51 = tpu.memref_squeeze %dma_start3A_50 : memref<1x1x2x112xi32, #tpu.memory_space<hbm>> -> memref<2x112xi32, #tpu.memory_space<hbm>>
        %dma_start3A_52 = arith.constant 0 : i32
        %dma_start3A_53 = arith.constant 0 : i32
        %dma_start3A_54 = tpu.memref_slice %arg6[%run_scoped3A, %dma_start3A_52, %dma_start3A_53] : memref<4x2x112xi32, #tpu.memory_space<vmem>> -> memref<1x2x112xi32, #tpu.memory_space<vmem>>
        %dma_start3A_55 = tpu.memref_squeeze %dma_start3A_54 : memref<1x2x112xi32, #tpu.memory_space<vmem>> -> memref<2x112xi32, #tpu.memory_space<vmem>>
        %dma_start3A_56 = arith.constant 0 : i32
        %dma_start3A_57 = arith.constant 0 : i32
        %dma_start3A_58 = tpu.memref_slice %arg3[%add3A, %scan3A_15, %dma_start3A_56, %dma_start3A_57] : memref<32x90x2x112xi32, #tpu.memory_space<hbm>> -> memref<1x1x2x112xi32, #tpu.memory_space<hbm>>
        %dma_start3A_59 = tpu.memref_squeeze %dma_start3A_58 : memref<1x1x2x112xi32, #tpu.memory_space<hbm>> -> memref<2x112xi32, #tpu.memory_space<hbm>>
        tpu.enqueue_dma source(%dma_start3A_59 : memref<2x112xi32, #tpu.memory_space<hbm>>) target(%dma_start3A_55 : memref<2x112xi32, #tpu.memory_space<vmem>>) target_semaphore(%run_scoped3A_43 : memref<!tpu.dma_semaphore, #tpu.memory_space<semaphore_mem>>)
        %dma_wait3A_60 = arith.constant 0 : i32
        %dma_wait3A_61 = arith.constant 0 : i32
        %dma_wait3A_62 = tpu.memref_slice %arg6[%run_scoped3A, %dma_wait3A_60, %dma_wait3A_61] : memref<4x2x112xi32, #tpu.memory_space<vmem>> -> memref<1x2x112xi32, #tpu.memory_space<vmem>>
        %dma_wait3A_63 = tpu.memref_squeeze %dma_wait3A_62 : memref<1x2x112xi32, #tpu.memory_space<vmem>> -> memref<2x112xi32, #tpu.memory_space<vmem>>
        %dma_wait3A_64 = arith.constant 0 : i32
        %dma_wait3A_65 = arith.constant 0 : i32
        %dma_wait3A_66 = tpu.memref_slice %arg3[%add3A, %scan3A_15, %dma_wait3A_64, %dma_wait3A_65] : memref<32x90x2x112xi32, #tpu.memory_space<hbm>> -> memref<1x1x2x112xi32, #tpu.memory_space<hbm>>
        %dma_wait3A_67 = tpu.memref_squeeze %dma_wait3A_66 : memref<1x1x2x112xi32, #tpu.memory_space<hbm>> -> memref<2x112xi32, #tpu.memory_space<hbm>>
        %dma_wait3A_68 = arith.constant 0 : i32
        %dma_wait3A_69 = arith.constant 0 : i32
        %dma_wait3A_70 = tpu.memref_slice %arg6[%run_scoped3A, %dma_wait3A_68, %dma_wait3A_69] : memref<4x2x112xi32, #tpu.memory_space<vmem>> -> memref<1x2x112xi32, #tpu.memory_space<vmem>>
        %dma_wait3A_71 = tpu.memref_squeeze %dma_wait3A_70 : memref<1x2x112xi32, #tpu.memory_space<vmem>> -> memref<2x112xi32, #tpu.memory_space<vmem>>
        %dma_wait3A_72 = arith.constant 0 : i32
        %dma_wait3A_73 = arith.constant 0 : i32
        %dma_wait3A_74 = tpu.memref_slice %arg3[%add3A, %scan3A_15, %dma_wait3A_72, %dma_wait3A_73] : memref<32x90x2x112xi32, #tpu.memory_space<hbm>> -> memref<1x1x2x112xi32, #tpu.memory_space<hbm>>
        %dma_wait3A_75 = tpu.memref_squeeze %dma_wait3A_74 : memref<1x1x2x112xi32, #tpu.memory_space<hbm>> -> memref<2x112xi32, #tpu.memory_space<hbm>>
        tpu.wait_dma2 semaphore(%run_scoped3A_43 : memref<!tpu.dma_semaphore, #tpu.memory_space<semaphore_mem>>) src(%dma_wait3A_75 : memref<2x112xi32, #tpu.memory_space<hbm>>) dst(%dma_wait3A_71 : memref<2x112xi32, #tpu.memory_space<vmem>>)
        tpu.yield
      }) : () -> ()
      %dma_start3A = arith.constant 0 : i32
      %dma_start3A_16 = arith.constant 0 : i32
      %dma_start3A_17 = arith.constant 0 : i32
      %dma_start3A_18 = arith.constant 0 : i32
      %dma_start3A_19 = arith.constant 0 : i32
      %dma_start3A_20 = tpu.memref_slice %arg7[%dma_start3A_17, %dma_start3A_18, %dma_start3A_19] : memref<2x112x128xf32, #tpu.memory_space<vmem>> -> memref<1x112x128xf32, #tpu.memory_space<vmem>>
      %dma_start3A_21 = tpu.memref_squeeze %dma_start3A_20 : memref<1x112x128xf32, #tpu.memory_space<vmem>> -> memref<112x128xf32, #tpu.memory_space<vmem>>
      %dma_start3A_22 = arith.constant 0 : i32
      %dma_start3A_23 = tpu.memref_slice %arg6[%dma_start3A, %dma_start3A_16, %dma_start3A_22] : memref<4x2x112xi32, #tpu.memory_space<vmem>> -> memref<1x1x112xi32, #tpu.memory_space<vmem>>
      %dma_start3A_24 = tpu.memref_squeeze %dma_start3A_23 : memref<1x1x112xi32, #tpu.memory_space<vmem>> -> memref<112xi32, #tpu.memory_space<vmem>>
      %dma_start3A_25 = arith.constant 0 : i32
      %dma_start3A_26 = arith.constant 0 : i32
      %dma_start3A_27 = tpu.memref_slice %arg2[%dma_start3A_25, %dma_start3A_26] : memref<10240x128xf32, #tpu.memory_space<hbm>> -> memref<10240x128xf32, #tpu.memory_space<hbm>>
      tpu.enqueue_indirect_dma source(%dma_start3A_27 : memref<10240x128xf32, #tpu.memory_space<hbm>>) target(%dma_start3A_21 : memref<112x128xf32, #tpu.memory_space<vmem>>) offsets(%dma_start3A_24 : memref<112xi32, #tpu.memory_space<vmem>>) semaphore(%arg13 : memref<!tpu.dma_semaphore, #tpu.memory_space<semaphore_mem>>)
      %dma_wait3A = arith.constant 0 : i32
      %dma_wait3A_28 = arith.constant 0 : i32
      %dma_wait3A_29 = arith.constant 0 : i32
      %dma_wait3A_30 = arith.constant 0 : i32
      %dma_wait3A_31 = arith.constant 0 : i32
      %dma_wait3A_32 = tpu.memref_slice %arg7[%dma_wait3A_29, %dma_wait3A_30, %dma_wait3A_31] : memref<2x112x128xf32, #tpu.memory_space<vmem>> -> memref<1x112x128xf32, #tpu.memory_space<vmem>>
      %dma_wait3A_33 = tpu.memref_squeeze %dma_wait3A_32 : memref<1x112x128xf32, #tpu.memory_space<vmem>> -> memref<112x128xf32, #tpu.memory_space<vmem>>
      %dma_wait3A_34 = arith.constant 0 : i32
      %dma_wait3A_35 = tpu.memref_slice %arg6[%dma_wait3A, %dma_wait3A_28, %dma_wait3A_34] : memref<4x2x112xi32, #tpu.memory_space<vmem>> -> memref<1x1x112xi32, #tpu.memory_space<vmem>>
      %dma_wait3A_36 = tpu.memref_squeeze %dma_wait3A_35 : memref<1x1x112xi32, #tpu.memory_space<vmem>> -> memref<112xi32, #tpu.memory_space<vmem>>
      %dma_wait3A_37 = arith.constant 0 : i32
      %dma_wait3A_38 = arith.constant 0 : i32
      %dma_wait3A_39 = tpu.memref_slice %arg2[%dma_wait3A_37, %dma_wait3A_38] : memref<10240x128xf32, #tpu.memory_space<hbm>> -> memref<10240x128xf32, #tpu.memory_space<hbm>>
      tpu.wait_indirect_dma semaphore(%arg13 : memref<!tpu.dma_semaphore, #tpu.memory_space<semaphore_mem>>) src(%dma_wait3A_39 : memref<10240x128xf32, #tpu.memory_space<hbm>>) dst(%dma_wait3A_33 : memref<112x128xf32, #tpu.memory_space<vmem>>)
      %run_scoped3A_40 = arith.constant 0 : i32
      %run_scoped3A_41 = arith.constant 0 : i32
      %run_scoped3A_42 = arith.constant 1 : i32
      "tpu.region"() ({
        %run_scoped3A_43 = tpu.sem_alloc : memref<!tpu.dma_semaphore, #tpu.memory_space<semaphore_mem>>
        %dma_start3A_44 = arith.constant 0 : i32
        %dma_start3A_45 = arith.constant 0 : i32
        %dma_start3A_46 = tpu.memref_slice %arg7[%run_scoped3A_40, %dma_start3A_44, %dma_start3A_45] : memref<2x112x128xf32, #tpu.memory_space<vmem>> -> memref<1x112x128xf32, #tpu.memory_space<vmem>>
        %dma_start3A_47 = tpu.memref_squeeze %dma_start3A_46 : memref<1x112x128xf32, #tpu.memory_space<vmem>> -> memref<112x128xf32, #tpu.memory_space<vmem>>
        %dma_start3A_48 = arith.constant 0 : i32
        %dma_start3A_49 = tpu.memref_slice %arg6[%run_scoped3A_41, %run_scoped3A_42, %dma_start3A_48] : memref<4x2x112xi32, #tpu.memory_space<vmem>> -> memref<1x1x112xi32, #tpu.memory_space<vmem>>
        %dma_start3A_50 = tpu.memref_squeeze %dma_start3A_49 : memref<1x1x112xi32, #tpu.memory_space<vmem>> -> memref<112xi32, #tpu.memory_space<vmem>>
        %dma_start3A_51 = arith.constant 0 : i32
        %dma_start3A_52 = arith.constant 0 : i32
        %dma_start3A_53 = tpu.memref_slice %arg8[%dma_start3A_51, %dma_start3A_52] : memref<10240x128xf32, #tpu.memory_space<vmem_shared>> -> memref<10240x128xf32, #tpu.memory_space<vmem_shared>>
        tpu.enqueue_indirect_dma source(%dma_start3A_47 : memref<112x128xf32, #tpu.memory_space<vmem>>) target(%dma_start3A_53 : memref<10240x128xf32, #tpu.memory_space<vmem_shared>>) offsets(%dma_start3A_50 : memref<112xi32, #tpu.memory_space<vmem>>) semaphore(%run_scoped3A_43 : memref<!tpu.dma_semaphore, #tpu.memory_space<semaphore_mem>>) {add = true}
        %dma_wait3A_54 = arith.constant 0 : i32
        %dma_wait3A_55 = arith.constant 0 : i32
        %dma_wait3A_56 = tpu.memref_slice %arg7[%run_scoped3A_40, %dma_wait3A_54, %dma_wait3A_55] : memref<2x112x128xf32, #tpu.memory_space<vmem>> -> memref<1x112x128xf32, #tpu.memory_space<vmem>>
        %dma_wait3A_57 = tpu.memref_squeeze %dma_wait3A_56 : memref<1x112x128xf32, #tpu.memory_space<vmem>> -> memref<112x128xf32, #tpu.memory_space<vmem>>
        %dma_wait3A_58 = arith.constant 0 : i32
        %dma_wait3A_59 = tpu.memref_slice %arg6[%run_scoped3A_41, %run_scoped3A_42, %dma_wait3A_58] : memref<4x2x112xi32, #tpu.memory_space<vmem>> -> memref<1x1x112xi32, #tpu.memory_space<vmem>>
        %dma_wait3A_60 = tpu.memref_squeeze %dma_wait3A_59 : memref<1x1x112xi32, #tpu.memory_space<vmem>> -> memref<112xi32, #tpu.memory_space<vmem>>
        %dma_wait3A_61 = arith.constant 0 : i32
        %dma_wait3A_62 = arith.constant 0 : i32
        %dma_wait3A_63 = tpu.memref_slice %arg8[%dma_wait3A_61, %dma_wait3A_62] : memref<10240x128xf32, #tpu.memory_space<vmem_shared>> -> memref<10240x128xf32, #tpu.memory_space<vmem_shared>>
        tpu.wait_indirect_dma semaphore(%run_scoped3A_43 : memref<!tpu.dma_semaphore, #tpu.memory_space<semaphore_mem>>) src(%dma_wait3A_57 : memref<112x128xf32, #tpu.memory_space<vmem>>) dst(%dma_wait3A_63 : memref<10240x128xf32, #tpu.memory_space<vmem_shared>>)
        tpu.yield
      }) : () -> ()
    }
    %scan3A_9 = arith.constant 90 : i32
    %barrier3A_10 = arith.constant 0 : index
    tpu.barrier barrier_id(%barrier3A_10)
    %mul3A_11 = arith.constant 640 : i32
    %mul3A_12 = arith.muli %arg1, %mul3A_11 : i32
    %mul3A_13 = arith.constant 640 : i32
    %mul3A_14 = arith.muli %arg1, %mul3A_13 : i32
    "tpu.region"() ({
      %run_scoped3A = tpu.sem_alloc : memref<!tpu.dma_semaphore, #tpu.memory_space<semaphore_mem>>
      %dma_start3A = arith.constant 0 : i32
      %dma_start3A_15 = tpu.memref_slice %arg5[%arg0, %mul3A_14, %dma_start3A] : memref<2x10240x128xf32, #tpu.memory_space<hbm>> -> memref<1x640x128xf32, #tpu.memory_space<hbm>>
      %dma_start3A_16 = tpu.memref_squeeze %dma_start3A_15 : memref<1x640x128xf32, #tpu.memory_space<hbm>> -> memref<640x128xf32, #tpu.memory_space<hbm>>
      %dma_start3A_17 = arith.constant 0 : i32
      %dma_start3A_18 = tpu.memref_slice %arg8[%mul3A_12, %dma_start3A_17] : memref<10240x128xf32, #tpu.memory_space<vmem_shared>> -> memref<640x128xf32, #tpu.memory_space<vmem_shared>>
      tpu.enqueue_dma source(%dma_start3A_18 : memref<640x128xf32, #tpu.memory_space<vmem_shared>>) target(%dma_start3A_16 : memref<640x128xf32, #tpu.memory_space<hbm>>) target_semaphore(%run_scoped3A : memref<!tpu.dma_semaphore, #tpu.memory_space<semaphore_mem>>)
      %dma_wait3A = arith.constant 0 : i32
      %dma_wait3A_19 = tpu.memref_slice %arg5[%arg0, %mul3A_14, %dma_wait3A] : memref<2x10240x128xf32, #tpu.memory_space<hbm>> -> memref<1x640x128xf32, #tpu.memory_space<hbm>>
      %dma_wait3A_20 = tpu.memref_squeeze %dma_wait3A_19 : memref<1x640x128xf32, #tpu.memory_space<hbm>> -> memref<640x128xf32, #tpu.memory_space<hbm>>
      %dma_wait3A_21 = arith.constant 0 : i32
      %dma_wait3A_22 = tpu.memref_slice %arg8[%mul3A_12, %dma_wait3A_21] : memref<10240x128xf32, #tpu.memory_space<vmem_shared>> -> memref<640x128xf32, #tpu.memory_space<vmem_shared>>
      tpu.wait_dma2 semaphore(%run_scoped3A : memref<!tpu.dma_semaphore, #tpu.memory_space<semaphore_mem>>) src(%dma_wait3A_22 : memref<640x128xf32, #tpu.memory_space<vmem_shared>>) dst(%dma_wait3A_20 : memref<640x128xf32, #tpu.memory_space<hbm>>)
      tpu.yield
    }) : () -> ()
    return
  }
}

module attributes {stable_mosaic.version = 14 : i64} {
  func.func @_norm_body(%arg0: memref<2x2x10240xf32, #tpu.memory_space<vmem>>, %arg1: memref<10240x128xf32, #tpu.memory_space<vmem>>, %arg2: memref<10240x128xf32, #tpu.memory_space<vmem>>, %arg3: memref<10240x128xf32, #tpu.memory_space<vmem>>, %arg4: memref<10240x128xf32, #tpu.memory_space<vmem>>, %arg5: memref<10240x128xf32, #tpu.memory_space<vmem>>) attributes {dimension_semantics = [], scalar_prefetch = 0 : i64, scratch_operands = 0 : i64, tpu.core_type = #tpu.core_type<tc>} {
    %get3A = arith.constant 0 : index
    %get3A_0 = arith.constant 0 : index
    %get3A_1 = arith.constant 0 : index
    %get3A_2 = vector.load %arg0[%get3A, %get3A_0, %get3A_1] : memref<2x2x10240xf32, #tpu.memory_space<vmem>>, vector<1x1x10240xf32>
    %get3A_3 = vector.shape_cast %get3A_2 : vector<1x1x10240xf32> to vector<10240xf32>
    %get3A_4 = arith.constant 1 : index
    %get3A_5 = arith.constant 0 : index
    %get3A_6 = arith.constant 0 : index
    %get3A_7 = vector.load %arg0[%get3A_4, %get3A_5, %get3A_6] : memref<2x2x10240xf32, #tpu.memory_space<vmem>>, vector<1x1x10240xf32>
    %get3A_8 = vector.shape_cast %get3A_7 : vector<1x1x10240xf32> to vector<10240xf32>
    %add3A = arith.addf %get3A_3, %get3A_8 : vector<10240xf32>
    %get3A_9 = arith.constant 0 : index
    %get3A_10 = arith.constant 1 : index
    %get3A_11 = arith.constant 0 : index
    %get3A_12 = vector.load %arg0[%get3A_9, %get3A_10, %get3A_11] : memref<2x2x10240xf32, #tpu.memory_space<vmem>>, vector<1x1x10240xf32>
    %get3A_13 = vector.shape_cast %get3A_12 : vector<1x1x10240xf32> to vector<10240xf32>
    %get3A_14 = arith.constant 1 : index
    %get3A_15 = arith.constant 1 : index
    %get3A_16 = arith.constant 0 : index
    %get3A_17 = vector.load %arg0[%get3A_14, %get3A_15, %get3A_16] : memref<2x2x10240xf32, #tpu.memory_space<vmem>>, vector<1x1x10240xf32>
    %get3A_18 = vector.shape_cast %get3A_17 : vector<1x1x10240xf32> to vector<10240xf32>
    %add3A_19 = arith.addf %get3A_13, %get3A_18 : vector<10240xf32>
    %max3A = arith.constant 1.000000e+00 : f32
    %max3A_20 = vector.broadcast %max3A : f32 to vector<10240xf32>
    %max3A_21 = arith.maximumf %add3A, %max3A_20 : vector<10240xf32>
    %rsqrt3A = math.rsqrt %max3A_21 : vector<10240xf32>
    %broadcast_in_dim3A = vector.shape_cast %rsqrt3A : vector<10240xf32> to vector<10240x1xf32>
    %max3A_22 = arith.constant 1.000000e+00 : f32
    %max3A_23 = vector.broadcast %max3A_22 : f32 to vector<10240xf32>
    %max3A_24 = arith.maximumf %add3A_19, %max3A_23 : vector<10240xf32>
    %rsqrt3A_25 = math.rsqrt %max3A_24 : vector<10240xf32>
    %broadcast_in_dim3A_26 = vector.shape_cast %rsqrt3A_25 : vector<10240xf32> to vector<10240x1xf32>
    %get3A_27 = arith.constant 0 : index
    %get3A_28 = arith.constant 0 : index
    %get3A_29 = vector.load %arg1[%get3A_27, %get3A_28] : memref<10240x128xf32, #tpu.memory_space<vmem>>, vector<10240x128xf32>
    %broadcast_in_dim3A_30 = vector.shape_cast %broadcast_in_dim3A : vector<10240x1xf32> to vector<10240x1xf32>
    %broadcast_in_dim3A_31 = vector.broadcast %broadcast_in_dim3A_30 : vector<10240x1xf32> to vector<10240x128xf32>
    %swap3A = arith.constant 0 : index
    %swap3A_32 = arith.constant 0 : index
    %swap3A_33 = vector.load %arg2[%swap3A, %swap3A_32] : memref<10240x128xf32, #tpu.memory_space<vmem>>, vector<10240x128xf32>
    tpu.vector_store %arg2[%swap3A, %swap3A_32], %broadcast_in_dim3A_31 {strides = array<i32>} : memref<10240x128xf32, #tpu.memory_space<vmem>>, vector<10240x128xf32>,
    %mul3A = arith.constant 0.899999976 : f32
    %mul3A_34 = vector.broadcast %mul3A : f32 to vector<10240x1xf32>
    %mul3A_35 = arith.mulf %mul3A_34, %broadcast_in_dim3A_26 : vector<10240x1xf32>
    %broadcast_in_dim3A_36 = vector.shape_cast %mul3A_35 : vector<10240x1xf32> to vector<10240x1xf32>
    %broadcast_in_dim3A_37 = vector.broadcast %broadcast_in_dim3A_36 : vector<10240x1xf32> to vector<10240x128xf32>
    %swap3A_38 = arith.constant 0 : index
    %swap3A_39 = arith.constant 0 : index
    %swap3A_40 = vector.load %arg3[%swap3A_38, %swap3A_39] : memref<10240x128xf32, #tpu.memory_space<vmem>>, vector<10240x128xf32>
    tpu.vector_store %arg3[%swap3A_38, %swap3A_39], %broadcast_in_dim3A_37 {strides = array<i32>} : memref<10240x128xf32, #tpu.memory_space<vmem>>, vector<10240x128xf32>,
    %mul3A_41 = arith.constant 1.000000e-01 : f32
    %mul3A_42 = vector.broadcast %mul3A_41 : f32 to vector<10240x128xf32>
    %mul3A_43 = arith.mulf %mul3A_42, %get3A_29 : vector<10240x128xf32>
    %swap3A_44 = arith.constant 0 : index
    %swap3A_45 = arith.constant 0 : index
    %swap3A_46 = vector.load %arg4[%swap3A_44, %swap3A_45] : memref<10240x128xf32, #tpu.memory_space<vmem>>, vector<10240x128xf32>
    tpu.vector_store %arg4[%swap3A_44, %swap3A_45], %mul3A_43 {strides = array<i32>} : memref<10240x128xf32, #tpu.memory_space<vmem>>, vector<10240x128xf32>,
    %mul3A_47 = arith.mulf %get3A_29, %broadcast_in_dim3A_31 : vector<10240x128xf32>
    %swap3A_48 = arith.constant 0 : index
    %swap3A_49 = arith.constant 0 : index
    %swap3A_50 = vector.load %arg5[%swap3A_48, %swap3A_49] : memref<10240x128xf32, #tpu.memory_space<vmem>>, vector<10240x128xf32>
    tpu.vector_store %arg5[%swap3A_48, %swap3A_49], %mul3A_47 {strides = array<i32>} : memref<10240x128xf32, #tpu.memory_space<vmem>>, vector<10240x128xf32>,
    return
  }
}

module attributes {stable_mosaic.version = 14 : i64} {
  func.func @_mix_body(%arg0: i32, %arg1: memref<1024x128xf32, #tpu.memory_space<vmem>>, %arg2: memref<1024x128xf32, #tpu.memory_space<vmem>>, %arg3: memref<1024x128xf32, #tpu.memory_space<vmem>>, %arg4: memref<1024x128xf32, #tpu.memory_space<vmem>>, %arg5: memref<1024x128xf32, #tpu.memory_space<vmem>>, %arg6: memref<1024x128xf32, #tpu.memory_space<vmem>>, %arg7: memref<1024x128xf32, #tpu.memory_space<vmem>>) attributes {dimension_semantics = [#tpu.dimension_semantics<arbitrary>], iteration_bounds = array<i64: 10>, scalar_prefetch = 0 : i64, scratch_operands = 0 : i64, tpu.core_type = #tpu.core_type<tc>, window_params = [{transform_indices = @transform_0, window_bounds = array<i64: 1024, 128>}, {transform_indices = @transform_1, window_bounds = array<i64: 1024, 128>}, {transform_indices = @transform_2, window_bounds = array<i64: 1024, 128>}, {transform_indices = @transform_3, window_bounds = array<i64: 1024, 128>}, {transform_indices = @transform_4, window_bounds = array<i64: 1024, 128>}, {transform_indices = @transform_5, window_bounds = array<i64: 1024, 128>}, {transform_indices = @transform_6, window_bounds = array<i64: 1024, 128>}]} {
    %get3A = arith.constant 0 : index
    %get3A_0 = arith.constant 0 : index
    %get3A_1 = vector.load %arg4[%get3A, %get3A_0] : memref<1024x128xf32, #tpu.memory_space<vmem>>, vector<1024x128xf32>
    %get3A_2 = arith.constant 0 : index
    %get3A_3 = arith.constant 0 : index
    %get3A_4 = vector.load %arg1[%get3A_2, %get3A_3] : memref<1024x128xf32, #tpu.memory_space<vmem>>, vector<1024x128xf32>
    %get3A_5 = arith.constant 0 : index
    %get3A_6 = arith.constant 0 : index
    %get3A_7 = vector.load %arg2[%get3A_5, %get3A_6] : memref<1024x128xf32, #tpu.memory_space<vmem>>, vector<1024x128xf32>
    %add3A = arith.addf %get3A_4, %get3A_7 : vector<1024x128xf32>
    %mul3A = arith.mulf %get3A_1, %add3A : vector<1024x128xf32>
    %get3A_8 = arith.constant 0 : index
    %get3A_9 = arith.constant 0 : index
    %get3A_10 = vector.load %arg5[%get3A_8, %get3A_9] : memref<1024x128xf32, #tpu.memory_space<vmem>>, vector<1024x128xf32>
    %add3A_11 = arith.addf %mul3A, %get3A_10 : vector<1024x128xf32>
    %swap3A = arith.constant 0 : index
    %swap3A_12 = arith.constant 0 : index
    %swap3A_13 = vector.load %arg6[%swap3A, %swap3A_12] : memref<1024x128xf32, #tpu.memory_space<vmem>>, vector<1024x128xf32>
    tpu.vector_store %arg6[%swap3A, %swap3A_12], %add3A_11 {strides = array<i32>} : memref<1024x128xf32, #tpu.memory_space<vmem>>, vector<1024x128xf32>,
    %get3A_14 = arith.constant 0 : index
    %get3A_15 = arith.constant 0 : index
    %get3A_16 = vector.load %arg3[%get3A_14, %get3A_15] : memref<1024x128xf32, #tpu.memory_space<vmem>>, vector<1024x128xf32>
    %mul3A_17 = arith.mulf %add3A_11, %get3A_16 : vector<1024x128xf32>
    %swap3A_18 = arith.constant 0 : index
    %swap3A_19 = arith.constant 0 : index
    %swap3A_20 = vector.load %arg7[%swap3A_18, %swap3A_19] : memref<1024x128xf32, #tpu.memory_space<vmem>>, vector<1024x128xf32>
    tpu.vector_store %arg7[%swap3A_18, %swap3A_19], %mul3A_17 {strides = array<i32>} : memref<1024x128xf32, #tpu.memory_space<vmem>>, vector<1024x128xf32>,
    return
  }
  func.func @transform_0(%arg0: i32) -> (i32, i32) {
    %c0_i32 = arith.constant 0 : i32
    %c0_i32_0 = arith.constant 0 : i32
    return %arg0, %c0_i32 : i32, i32
  }
  func.func @transform_1(%arg0: i32) -> (i32, i32) {
    %c0_i32 = arith.constant 0 : i32
    %c0_i32_0 = arith.constant 0 : i32
    return %arg0, %c0_i32 : i32, i32
  }
  func.func @transform_2(%arg0: i32) -> (i32, i32) {
    %c0_i32 = arith.constant 0 : i32
    %c0_i32_0 = arith.constant 0 : i32
    return %arg0, %c0_i32 : i32, i32
  }
  func.func @transform_3(%arg0: i32) -> (i32, i32) {
    %c0_i32 = arith.constant 0 : i32
    %c0_i32_0 = arith.constant 0 : i32
    return %arg0, %c0_i32 : i32, i32
  }
  func.func @transform_4(%arg0: i32) -> (i32, i32) {
    %c0_i32 = arith.constant 0 : i32
    %c0_i32_0 = arith.constant 0 : i32
    return %arg0, %c0_i32 : i32, i32
  }
  func.func @transform_5(%arg0: i32) -> (i32, i32) {
    %c0_i32 = arith.constant 0 : i32
    %c0_i32_0 = arith.constant 0 : i32
    return %arg0, %c0_i32 : i32, i32
  }
  func.func @transform_6(%arg0: i32) -> (i32, i32) {
    %c0_i32 = arith.constant 0 : i32
    %c0_i32_0 = arith.constant 0 : i32
    return %arg0, %c0_i32 : i32, i32
  }
}

module attributes {stable_mosaic.version = 14 : i64} {
  func.func @_mix_body(%arg0: i32, %arg1: memref<1024x128xf32, #tpu.memory_space<vmem>>, %arg2: memref<1024x128xf32, #tpu.memory_space<vmem>>, %arg3: memref<1024x128xf32, #tpu.memory_space<vmem>>, %arg4: memref<1024x128xf32, #tpu.memory_space<vmem>>, %arg5: memref<1024x128xf32, #tpu.memory_space<vmem>>, %arg6: memref<1024x128xf32, #tpu.memory_space<vmem>>, %arg7: memref<1024x128xf32, #tpu.memory_space<vmem>>) attributes {dimension_semantics = [#tpu.dimension_semantics<arbitrary>], iteration_bounds = array<i64: 10>, scalar_prefetch = 0 : i64, scratch_operands = 0 : i64, tpu.core_type = #tpu.core_type<tc>, window_params = [{transform_indices = @transform_0, window_bounds = array<i64: 1024, 128>}, {transform_indices = @transform_1, window_bounds = array<i64: 1024, 128>}, {transform_indices = @transform_2, window_bounds = array<i64: 1024, 128>}, {transform_indices = @transform_3, window_bounds = array<i64: 1024, 128>}, {transform_indices = @transform_4, window_bounds = array<i64: 1024, 128>}, {transform_indices = @transform_5, window_bounds = array<i64: 1024, 128>}, {transform_indices = @transform_6, window_bounds = array<i64: 1024, 128>}]} {
    %get3A = arith.constant 0 : index
    %get3A_0 = arith.constant 0 : index
    %get3A_1 = vector.load %arg4[%get3A, %get3A_0] : memref<1024x128xf32, #tpu.memory_space<vmem>>, vector<1024x128xf32>
    %get3A_2 = arith.constant 0 : index
    %get3A_3 = arith.constant 0 : index
    %get3A_4 = vector.load %arg1[%get3A_2, %get3A_3] : memref<1024x128xf32, #tpu.memory_space<vmem>>, vector<1024x128xf32>
    %get3A_5 = arith.constant 0 : index
    %get3A_6 = arith.constant 0 : index
    %get3A_7 = vector.load %arg2[%get3A_5, %get3A_6] : memref<1024x128xf32, #tpu.memory_space<vmem>>, vector<1024x128xf32>
    %add3A = arith.addf %get3A_4, %get3A_7 : vector<1024x128xf32>
    %mul3A = arith.mulf %get3A_1, %add3A : vector<1024x128xf32>
    %get3A_8 = arith.constant 0 : index
    %get3A_9 = arith.constant 0 : index
    %get3A_10 = vector.load %arg5[%get3A_8, %get3A_9] : memref<1024x128xf32, #tpu.memory_space<vmem>>, vector<1024x128xf32>
    %add3A_11 = arith.addf %mul3A, %get3A_10 : vector<1024x128xf32>
    %swap3A = arith.constant 0 : index
    %swap3A_12 = arith.constant 0 : index
    %swap3A_13 = vector.load %arg6[%swap3A, %swap3A_12] : memref<1024x128xf32, #tpu.memory_space<vmem>>, vector<1024x128xf32>
    tpu.vector_store %arg6[%swap3A, %swap3A_12], %add3A_11 {strides = array<i32>} : memref<1024x128xf32, #tpu.memory_space<vmem>>, vector<1024x128xf32>,
    %get3A_14 = arith.constant 0 : index
    %get3A_15 = arith.constant 0 : index
    %get3A_16 = vector.load %arg3[%get3A_14, %get3A_15] : memref<1024x128xf32, #tpu.memory_space<vmem>>, vector<1024x128xf32>
    %mul3A_17 = arith.mulf %add3A_11, %get3A_16 : vector<1024x128xf32>
    %swap3A_18 = arith.constant 0 : index
    %swap3A_19 = arith.constant 0 : index
    %swap3A_20 = vector.load %arg7[%swap3A_18, %swap3A_19] : memref<1024x128xf32, #tpu.memory_space<vmem>>, vector<1024x128xf32>
    tpu.vector_store %arg7[%swap3A_18, %swap3A_19], %mul3A_17 {strides = array<i32>} : memref<1024x128xf32, #tpu.memory_space<vmem>>, vector<1024x128xf32>,
    return
  }
  func.func @transform_0(%arg0: i32) -> (i32, i32) {
    %c0_i32 = arith.constant 0 : i32
    %c0_i32_0 = arith.constant 0 : i32
    return %arg0, %c0_i32 : i32, i32
  }
  func.func @transform_1(%arg0: i32) -> (i32, i32) {
    %c0_i32 = arith.constant 0 : i32
    %c0_i32_0 = arith.constant 0 : i32
    return %arg0, %c0_i32 : i32, i32
  }
  func.func @transform_2(%arg0: i32) -> (i32, i32) {
    %c0_i32 = arith.constant 0 : i32
    %c0_i32_0 = arith.constant 0 : i32
    return %arg0, %c0_i32 : i32, i32
  }
  func.func @transform_3(%arg0: i32) -> (i32, i32) {
    %c0_i32 = arith.constant 0 : i32
    %c0_i32_0 = arith.constant 0 : i32
    return %arg0, %c0_i32 : i32, i32
  }
  func.func @transform_4(%arg0: i32) -> (i32, i32) {
    %c0_i32 = arith.constant 0 : i32
    %c0_i32_0 = arith.constant 0 : i32
    return %arg0, %c0_i32 : i32, i32
  }
  func.func @transform_5(%arg0: i32) -> (i32, i32) {
    %c0_i32 = arith.constant 0 : i32
    %c0_i32_0 = arith.constant 0 : i32
    return %arg0, %c0_i32 : i32, i32
  }
  func.func @transform_6(%arg0: i32) -> (i32, i32) {
    %c0_i32 = arith.constant 0 : i32
    %c0_i32_0 = arith.constant 0 : i32
    return %arg0, %c0_i32 : i32, i32
  }
}

</mosaic_0001>

<sc_bundles>
// kernel: kernel.24.cloned.1.call-start
scs
__scs_entry_jumppad:
0x0: {  	(pc) =	sbr.rel $0x88, $3  }
0x1: {  	(tag) =	ssettag $0x0;
	lr =	simm.s32 $0x1  }
0x2: {  	[smem:$0x3F9F] =	sst lr;
	_ =	strace $0xD0000000  }
0x3: {  	_ = 	snop  }
0x4: {  	_ = 	snop  }
0x5: {  	_ = 	snop  }
0x6: {  	_ = 	snop  }
0x7: {  	_ = 	snop  }
__scs_overlays_trampoline_lowered:
0x8: {  	[smem:$0x3FAE] =	sst s0  }
0x9: {  	[smem:$0x3FAF] =	sst s1  }
0xa: {  	[smem:$0x3FB0] =	sst s2  }
0xb: {  	[smem:$0x3FB1] =	sst s3  }
0xc: {  	[smem:$0x3FB2] =	sst s4  }
0xd: {  	[smem:$0x3FB3] =	sst s5  }
0xe: {  	[smem:$0x3FB4] =	sst s6  }
0xf: {  	[smem:$0x3FB5] =	sst s7  }
0x10: {  	[smem:$0x3FB6] =	sst s8  }
0x11: {  	[smem:$0x3FB7] =	sst s9;
	s0 =	simm.s32 @!p0 $0x0  }
0x12: {  	s1 =	sld [smem:$0x3F9D];
	s0 =	simm.s32 @p0 $0x1  }
0x13: {  	[smem:$0x3FB8] =	sst s0;
	s0 =	simm.s32 @!p1 $0x0  }
0x14: {  	s2 =	sld [smem:$0x3F9C];
	s0 =	simm.s32 @p1 $0x1  }
0x15: {  	[smem:$0x3FB9] =	sst s0;
	s0 =	simm.s32 @!p2 $0x0  }
0x16: {  	s3 =	sld [smem:$0x3FDB];
	s0 =	simm.s32 @p2 $0x1  }
0x17: {  	s4 =	simm.s32 $0x1BF5;
	[smem:$0x3FBB] =	sst s0  }
0x18: {  	s0 =	sld [smem:$0x3F9E];
	_ =	swait.ge [sflag:s4], $0x0  }
0x19: {  	s7 =	sld [smem:$0x3F9F]  }
0x1a: {  	s8 =	sadd.s32 $0xFFFFE003, lr  }
0x1b: {  	s9 =	sadd.s32 $0xFFFFFEF7, lr;
	s5 =	simm.s32 $0xFFFFFFFF;
	p2 =	slt.u32 s8, $0xFFFFF086  }
0x1c: {  	p1 =	slt.u32 s9, $0xF7A;
	s5 =	simm.s32 @!p2 $0x0  }
0x1d: {  	s5 =	simm.s32 @p1 $0x1;
	p0 =	seq.s32 s7, s2  }
0x1e: {  	s7 =	smul.u32 @!p0 $0xF7A, s2;
	p2 =	seq.s32 @!p0 s5, $0x0  }
0x1f: {  	s9 =	smul.u32 $0xF7A, s1;
	s8 =	simm.s32 @!p0 $0x1BF5;
	p2 =	por !p2, p0  }
0x20: {  	[sflag:s8] =	ssyncset.s32 @!p0 $0xFFFFF086;
	s6 =	sadd.s32 @!p0 s3, s7;
	s7 =	simm.s32 @!p0 $0x108  }
0x21: {  	s3 =	sadd.s32 s3, s9;
	s6 =	sadd.s32 @!p0 $0x88, s6;
	s7 =	simm.s32 @p2 $0x1082  }
0x22: {  	[simem:s7], [sflag:s8] =	dma.local @!p0 [hbm:s6], $0xF7A  }
0x23: {  	s9 =	sor.u32 $0xD0000000, s2;
	s6 =	simm.s32 $0x108;
	_ =	swait.ge @!p0 [sflag:s8], $0x0  }
0x24: {  	s3 =	sadd.s32 $0x88, s3;
	s6 =	simm.s32 @!p1 $0x1082;
	[sflag:s4] =	ssyncset.s32 $0xFFFFF086  }
0x25: {  	[simem:s6], [sflag:s4] =	dma.local [hbm:s3], $0xF7A  }
0x26: {  	[smem:$0x3F9F] =	sst s1;
	(tag) =	ssettag s2;
	_ =	strace s9  }
0x27: {  	s1 =	sld [smem:$0x3FAF]  }
0x28: {  	s2 =	sld [smem:$0x3FB0]  }
0x29: {  	s4 =	sld [smem:$0x3FB2]  }
0x2a: {  	p0 =	seq.s32 s5, $0x0;
	s5 =	sld [smem:$0x3FB3]  }
0x2b: {  	s6 =	sld [smem:$0x3FB4]  }
0x2c: {  	s7 =	sld [smem:$0x3FB5]  }
0x2d: {  	s3 =	simm.s32 $0x108;
	s8 =	sld [smem:$0x3FB6]  }
0x2e: {  	s3 =	simm.s32 @!p0 $0x1082;
	s9 =	sld [smem:$0x3FB7]  }
0x2f: {  	lr =	sadd.s32 s0, s3;
	s0 =	sld [smem:$0x3FAE]  }
0x30: {  	s3 =	sld [smem:$0x3FB1]  }
0x31: {  	[smem:$0x3FBA] =	sst s10  }
0x32: {  	s10 =	sld [smem:$0x3FB8];
	_ =	sdelay $0x3  }
0x33: {  	p0 =	seq.s32 s10, $0x1;
	s10 =	sld [smem:$0x3FBA];
	_ =	sdelay $0x3  }
0x34: {  	[smem:$0x3FBA] =	sst s10  }
0x35: {  	s10 =	sld [smem:$0x3FB9];
	_ =	sdelay $0x3  }
0x36: {  	p1 =	seq.s32 s10, $0x1;
	s10 =	sld [smem:$0x3FBA];
	_ =	sdelay $0x3  }
0x37: {  	[smem:$0x3FBA] =	sst s10  }
0x38: {  	s10 =	sld [smem:$0x3FBB]  }
0x39: {  	_ = 	snop;
	(pc) =	sbr.ind lr, $3  }
0x3a: {  	_ = 	snop  }
0x3b: {  	_ = 	snop  }
0x3c: {  	p2 =	seq.s32 s10, $0x1;
	s10 =	sld [smem:$0x3FBA]  }
0x3d: {  	_ =	shalt  }
0x3e: {  	_ =	shalt  }
0x3f: {  	_ =	shalt  }
0x40: {  	_ =	shalt  }
0x41: {  	_ =	shalt  }
0x42: {  	_ =	shalt  }
0x43: {  	_ =	shalt  }
0x44: {  	_ =	shalt  }
0x45: {  	_ =	shalt  }
0x46: {  	_ =	shalt  }
0x47: {  	_ =	shalt  }
0x48: {  	_ =	shalt  }
0x49: {  	_ =	shalt  }
0x4a: {  	_ =	shalt  }
0x4b: {  	_ =	shalt  }
0x4c: {  	_ =	shalt  }
0x4d: {  	_ =	shalt  }
0x4e: {  	_ =	shalt  }
0x4f: {  	_ =	shalt  }
0x50: {  	_ =	shalt  }
0x51: {  	_ =	shalt  }
0x52: {  	_ =	shalt  }
0x53: {  	_ =	shalt  }
0x54: {  	_ =	shalt  }
0x55: {  	_ =	shalt  }
0x56: {  	_ =	shalt  }
0x57: {  	_ =	shalt  }
0x58: {  	_ =	shalt  }
0x59: {  	_ =	shalt  }
0x5a: {  	_ =	shalt  }
0x5b: {  	_ =	shalt  }
0x5c: {  	_ =	shalt  }
0x5d: {  	_ =	shalt  }
0x5e: {  	_ =	shalt  }
0x5f: {  	_ =	shalt  }
0x60: {  	_ =	shalt  }
0x61: {  	_ =	shalt  }
0x62: {  	_ =	shalt  }
0x63: {  	_ =	shalt  }
0x64: {  	_ =	shalt  }
0x65: {  	_ =	shalt  }
0x66: {  	_ =	shalt  }
0x67: {  	_ =	shalt  }
0x68: {  	_ =	shalt  }
0x69: {  	_ =	shalt  }
0x6a: {  	_ =	shalt  }
0x6b: {  	_ =	shalt  }
0x6c: {  	_ =	shalt  }
0x6d: {  	_ =	shalt  }
0x6e: {  	_ =	shalt  }
0x6f: {  	_ =	shalt  }
0x70: {  	_ =	shalt  }
0x71: {  	_ =	shalt  }
0x72: {  	_ =	shalt  }
0x73: {  	_ =	shalt  }
0x74: {  	_ =	shalt  }
0x75: {  	_ =	shalt  }
0x76: {  	_ =	shalt  }
0x77: {  	_ =	shalt  }
0x78: {  	_ =	shalt  }
0x79: {  	_ =	shalt  }
0x7a: {  	_ =	shalt  }
0x7b: {  	_ =	shalt  }
0x7c: {  	_ =	shalt  }
0x7d: {  	_ =	shalt  }
0x7e: {  	_ =	shalt  }
0x7f: {  	_ =	shalt  }
0x80: {  	_ =	shalt  }
0x81: {  	_ =	shalt  }
0x82: {  	_ =	shalt  }
0x83: {  	_ =	shalt  }
0x84: {  	_ =	shalt  }
0x85: {  	_ =	shalt  }
0x86: {  	_ =	shalt  }
0x87: {  	_ =	shalt  }
.Lfunc_end0:
.L_simem_size_0:
called_computation_lowered:
.L_overlay_start_0:
0x88: {  	s2 =	sld [smem:$0x3FD9]  }
0x89: {  	s3 =	sld [smem:$0x3FFE];
	_ =	sdelay $0x1  }
0x8a: {  	s1 =	srdreg.scid  }
0x8b: {  	s0 =	sand.u32 $0x1, s1  }
0x8c: {  	s17 =	sshll.u32 s0, $0xA;
	s2 =	sadd.s32 s3, s2  }
0x8d: {  	s2 =	sadd.s32 s2, s17  }
0x8e: {  	[smem:$0x3FC6] =	sst s2  }
0x8f: {  	_ = 	snop  }
0x90: {  	s2 =	sld [smem:$0x3FD0];
	(tm) =	ssettm $0x1  }
0x91: {  	s18 =	sld [smem:$0x3FFB];
	_ =	sdelay $0x3  }
0x92: {  	_ =	strace s18  }
0x93: {  	s3 =	sld [smem:$0x3FFC];
	_ =	sdelay $0x3  }
0x94: {  	_ =	strace s3  }
0x95: {  	s3 =	sld [smem:$0x3FFD];
	_ =	sdelay $0x3  }
0x96: {  	_ =	strace s3  }
0x97: {  	_ =	strace $0x8FFFFFFF  }
0x98: {  	s19 =	sld [smem:$0x3FDB];
	_ =	sdelay $0x1  }
0x99: {  	s4 =	simm.s32 $_scs_section_size  }
0x9a: {  	s5 =	simm.s32 $_size__tile_overlayer_lowered;
	s6 =	simm.s32 $_tile_overlayer_lowered  }
0x9b: {  	s22 =	simm.s32 $0x1BFF;
	s21 =	sshll.u32 s6, $0x1;
	s3 =	sadd.s32 s4, s19  }
0x9c: {  	s7 =	simm.s32 $0x0;
	s20 =	sshll.u32 s5, $0x1;
	s5 =	sadd.s32 s21, s3  }
0x9d: {  	[timem:s7], [sflag:s22] =	dma.local [hbm:s5], s20  }
0x9e: {  	_ =	swait.ge [sflag:s22], s20  }
0x9f: {  	s4 =	ssub.s32 $0x0, s20;
	[sflag:s22] =	ssyncset.done $0x0  }
0xa0: {  	[sflag:s22] =	ssyncadd.s32 s4;
	_ =	sdelay $0x1  }
0xa1: {  	s23 =	simm.s32 $0x1B8B  }
0xa2: {  	_ =	swait.ge [sflag:s23], $0x1  }
0xa3: {  	[sflag:s23] =	ssyncset.done $0x0  }
0xa4: {  	s25 =	simm.s32 $0x1B8E;
	s24 =	sld [smem:$0x3FFE];
	[sflag:s23] =	ssyncadd.s32 $0xFFFFFFFF  }
0xa5: {  	s26 =	simm.s32 $execute0_lowered;
	[smem:$0x3FD2] =	sst s25  }
0xa6: {  	s5 =	sshll.u32 s26, $0x1;
	_ =	strace $0x80000046;
	[dreg:$0x1] =	wrdreg $0xFFFFFFFF  }
0xa7: {  	s28 =	simm.s32 $_size_execute0_lowered;
	s3 =	sadd.s32 s3, s5;
	[dreg:$0x0] =	wrdreg $0x0  }
0xa8: {  	s5 =	sshll.u32 s28, $0x1;
	[dreg:$0x2] =	wrdreg s3  }
0xa9: {  	[dreg:$0x3] =	wrdreg s5  }
0xaa: {  	[dreg:$0x4] =	wrdreg $0xC0  }
0xab: {  	_ =	task [dreg:s7], $0x5FFFF  }
0xac: {  	[dreg:$0x1] =	wrdreg $0xFFFFFFFF  }
0xad: {  	[dreg:$0x0] =	wrdreg $0x60  }
0xae: {  	[dreg:$0x2] =	wrdreg s2  }
0xaf: {  	[dreg:$0x3] =	wrdreg s24  }
0xb0: {  	[dreg:$0x4] =	wrdreg $0x5A800  }
0xb1: {  	[dreg:$0x5] =	wrdreg $0x5D000  }
0xb2: {  	[dreg:$0x6] =	wrdreg $0x9  }
0xb3: {  	_ =	task.clear_ibuf [dreg:s7], $0x7FFFF;
	_ =	strace $0x90000046  }
0xb4: {  	s29 =	simm.s32 $0x9;
	_ =	strace $0x80000048  }
0xb5: {  	_ =	swait.ge [sflag:s29], $0x1  }
0xb6: {  	[sflag:s29] =	ssyncadd.s32 $0xFFFFFFFF  }
0xb7: {  	_ =	strace $0x90000048  }
0xb8: {  	_ =	sfence  }
0xb9: {  	s30 =	sld [smem:$0x0];
	_ =	sdelay $0x2  }
0xba: {  	s31 =	sshll.u32 s1, $0xD;
	s1 =	sshrl.u32 s1, $0x2  }
0xbb: {  	s3 =	sand.u32 $0x4000, s31;
	s1 =	sadd.s32 s1, s30  }
0xbc: {  	s0 =	sor.u32 s3, s0;
	s1 =	sshll.u32 s1, $0x11  }
0xbd: {  	s0 =	sor.u32 s1, s0  }
0xbe: {  	s0 =	sadd.s32 $0x8F2B, s0  }
0xbf: {  	[sflag:s0] =	ssyncadd.remote.s32 $0x1  }
0xc0: {  	_ =	sfence.sel $0xFFFF  }
0xc1: {  	[dreg:$0x0] =	wrdreg $0xFFFFFFFF;
	(pc) =	sbr.abs _section_cstart, $3  }
0xc2: {  	[dreg:$0x1] =	wrdreg $0xFFFFFFFF  }
0xc3: {  	_ =	task.clear_ibuf [dreg:s7], $0x2FFFF;
	_ =	strace $0x9FFFFFFF  }
0xc4: {  	(tm) =	ssettm $0x7FFFFFFF  }
0xc5: {  	_ =	shalt  }
tec
execute0_lowered:
.L_overlay_start_1:
0x0: {  	(tag) =	ssettag $0x1  }
0x1: {  	s8 =	rddreg [dreg:$0x0]  }
0x2: {  	s5 =	rddreg [dreg:$0x1]  }
0x3: {  	s2 =	rddreg [dreg:$0x2];
	s0 =	stileid.u32  }
0x4: {  	s1 =	srdreg.scid;
	s3 =	rddreg [dreg:$0x3];
	s4 =	simm.s32 $0x0  }
0x5: {  	s15 =	simm.s32 $0x20;
	s17 =	simm.s32 $0x70;
	s18 =	simm.s32 $0x5A00  }
0x6: {  	s6 =	smul.u32 $0x500, s0;
	s7 =	sand.u32 $0x1, s1;
	s1 =	rddreg [dreg:$0x4]  }
0x7: {  	s19 =	simm.s32 $0x0;
	[smem:$0x7FF] =	sst s4;
	s11 =	smul.u32 $0x280, s0  }
0x8: {  	s29 =	sshll.u32 s0, $0x1;
	s30 =	sshll.u32 s0, $0x6;
	s9 =	smul.u32 $0x5000, s7  }
0x9: {  	_ =	strace $0x80000047;
	s26 =	ssub.s32 $0x2, s7;
	s10 =	sshrl.u32 s6, $0x3  }
0xa: {  	s28 =	sshrl.u32 s26, $0x1;
	s14 =	sadd.s32 s11, s2;
	s16 =	sadd.s32 s11, s3  }
0xb: {  	s10 =	sadd.s32 s10, s5;
	s6 =	sadd.s32 s6, s9;
	s13 =	ssub.s32 s26, s28  }
0xc: {  	s16 =	sshrl.u32 s16, $0x3;
	s6 =	sshrl.u32 s6, $0x3;
	s11 =	smax.u32 s13, $0x1  }
0xd: {  	s13 =	simm.s32 $0x1;
	s12 =	sadd.s32 s6, s5;
	s6 =	sor.u32 s7, s29  }
0xe: {  	s5 =	sadd.s32 $0x7A00, s10;
	s7 =	sadd.s32 $0x7A10, s10;
	s31 =	smul.u32 $0xB40, s6  }
0xf: {  	s6 =	sor.u32 $0x1C01, s30;
	s9 =	sadd.s32 $0x8400, s12;
	s10 =	sadd.s32 $0x8410, s12  }
0x10: {  	v0 =	vimm.f32 $1.000000000e+00;
	s12 =	sshrl.u32 s14, $0x3;
	s14 =	simm.s32 $0x10;
	s8 =	sadd.s32 s8, s31  }
.LBB2_1:
0x11: {  	[tilespmem:$0x5A00] =	vst v0  }
0x12: {  	[tilespmem:$0x5A10] =	vst v0  }
0x13: {  	[tilespmem:$0x5A20] =	vst v0  }
0x14: {  	[tilespmem:$0x5A30] =	vst v0  }
0x15: {  	[tilespmem:$0x5A40] =	vst v0  }
0x16: {  	[tilespmem:$0x5A50] =	vst v0  }
0x17: {  	[tilespmem:$0x5A60] =	vst v0  }
0x18: {  	[spmem:s12@s14], [sflag:s6] =	dma.strided [hbm:s5@s15], $0x50, s13, $0x10   }
0x19: {  	_ =	swait.ge [sflag:s13], $0x50  }
0x1a: {  	[sflag:s13] =	ssyncset.done $0x0  }
0x1b: {  	[sflag:s13] =	ssyncadd.s32 $0xFFFFFFB0  }
0x1c: {  	[spmem:s16@s14], [sflag:s6] =	dma.strided [hbm:s7@s15], $0x50, s13, $0x10   }
0x1d: {  	_ =	swait.ge [sflag:s13], $0x50  }
0x1e: {  	[sflag:s13] =	ssyncset.done $0x0  }
0x1f: {  	[sflag:s13] =	ssyncadd.s32 $0xFFFFFFB0  }
0x20: {  	[bflag:$0x0] =	sbarrier.arrive $0xFFFF  }
0x21: {  	[tilespmem:s4], [sflag:$0x1] =	stream.linear.gather [hbm4b:s8+s4], $0x5A00, $0x38;
	[tilespmem:$0x5F80] =	vst v63  }
0x22: {  	_ =	swait.ge [sflag:s13], $0x5A00  }
0x23: {  	[sflag:s13] =	ssyncset.done $0x0  }
0x24: {  	s20 =	simm.s32 $0x0;
	[sflag:s13] =	ssyncadd.s32 $0xFFFFA600  }
0x25: {  	[spmem:s2] =	stream.indirect.scatter.add.f32 [tilespmem:s18], [sflag:$0x1], $0x1, s20, s17, $0xb8;
	[tilespmem:$0x5F80] =	vst v63  }
0x26: {  	_ =	swait.ge [sflag:s13], $0x70  }
0x27: {  	[sflag:s13] =	ssyncset.done $0x0  }
0x28: {  	s31 =	simm.s32 $0x80;
	[sflag:s13] =	ssyncadd.s32 $0xFFFFFF90  }
0x29: {  	[spmem:s3] =	stream.indirect.scatter.add.f32 [tilespmem:s18], [sflag:$0x1], $0x1, s31, s17, $0xb8;
	[tilespmem:$0x5F80] =	vst v63  }
0x2a: {  	_ =	swait.ge [sflag:s13], $0x70  }
0x2b: {  	s21 =	simm.s32 $0x800;
	s20 =	simm.s32 $0x400;
	[sflag:s13] =	ssyncset.done $0x0  }
.LBB2_2:
0x2c: {  	s22 =	sshra.s32 s20, $0x2  }
0x2d: {  	[sflag:s13] =	ssyncadd.s32 $0xFFFFFF90;
	s20 =	smov.u32 s21;
	s23 =	sadd.s32 $0x400, s21  }
0x2e: {  	[spmem:s2] =	stream.indirect.scatter.add.f32 [tilespmem:s18], [sflag:$0x1], $0x1, s22, s17, $0xb8;
	[tilespmem:$0x5F80] =	vst v63  }
0x2f: {  	p0 =	sne.s32 s21, $0x16400;
	_ =	swait.ge [sflag:s13], $0x70  }
.Ltmp0:
0x30: {  	[sflag:s13] =	ssyncset.done $0x0;
	(pc) =	sbr.rel @p0 .LBB2_2-.Ltmp0, $4  }
0x31: {  	s21 =	sadd.s32 $0x80, s22;
	[sflag:s13] =	ssyncadd.s32 $0xFFFFFF90  }
0x32: {  	[spmem:s3] =	stream.indirect.scatter.add.f32 [tilespmem:s18], [sflag:$0x1], $0x1, s21, s17, $0xb8;
	[tilespmem:$0x5F80] =	vst v63  }
0x33: {  	_ =	swait.ge [sflag:s13], $0x70  }
0x34: {  	s21 =	smov.u32 s23;
	[sflag:s13] =	ssyncset.done $0x0  }
0x35: {  	s20 =	sshra.s32 s20, $0x2;
	[sflag:s13] =	ssyncadd.s32 $0xFFFFFF90  }
0x36: {  	[spmem:s2] =	stream.indirect.scatter.add.f32 [tilespmem:s18], [sflag:$0x1], $0x1, s20, s17, $0xb8;
	[tilespmem:$0x5F80] =	vst v63  }
0x37: {  	_ =	swait.ge [sflag:s13], $0x70  }
0x38: {  	[sflag:s13] =	ssyncset.done $0x0  }
0x39: {  	s20 =	sadd.s32 $0x80, s20;
	[sflag:s13] =	ssyncadd.s32 $0xFFFFFF90  }
0x3a: {  	[spmem:s3] =	stream.indirect.scatter.add.f32 [tilespmem:s18], [sflag:$0x1], $0x1, s20, s17, $0xb8;
	[tilespmem:$0x5F80] =	vst v63  }
0x3b: {  	_ =	swait.ge [sflag:s13], $0x70  }
0x3c: {  	[sflag:s13] =	ssyncset.done $0x0  }
0x3d: {  	[sflag:s13] =	ssyncadd.s32 $0xFFFFFF90  }
0x3e: {  	[bflag:$0x0] =	sbarrier.arrive $0xFFFF  }
0x3f: {  	[hbm:s9@s15], [sflag:s6] =	dma.strided [spmem:s12@s14], $0x50, s13, $0x10   }
0x40: {  	s19 =	sadd.s32 $0x1, s19;
	_ =	swait.ge [sflag:s13], $0x50  }
0x41: {  	p0 =	sne.s32 s19, s11;
	[sflag:s13] =	ssyncset.done $0x0  }
.Ltmp1:
0x42: {  	[sflag:s13] =	ssyncadd.s32 $0xFFFFFFB0;
	(pc) =	sbr.rel @p0 .LBB2_1-.Ltmp1, $4  }
0x43: {  	[hbm:s10@s15], [sflag:s6] =	dma.strided [spmem:s16@s14], $0x50, s13, $0x10   }
0x44: {  	_ =	swait.ge [sflag:s13], $0x50  }
0x45: {  	[sflag:s13] =	ssyncset.done $0x0  }
0x46: {  	[sflag:s13] =	ssyncadd.s32 $0xFFFFFFB0  }
0x47: {  	_ =	sfence.sel $0x180000  }
0x48: {  	[bflag:$0x0] =	sbarrier.arrive $0xFFFF  }
0x49: {  	p0 =	sne.s32 s0, $0x0;
	_ =	strace $0x90000047  }
0x4a: {  	s0 =	sadd.s32 @!p0 $0x100000, s1;
	[bflag:$0x2] =	sbarrier.arrive $0xFFFF  }
0x4b: {  	[sflag:s0] =	ssyncadd.tile.s32 @!p0 $0x1;
	_ =	shalt  }
.Lfunc_end2:
_tile_overlayer_lowered:
.L_overlay_start_2:
0x4c: {  	(tag) =	ssettag $0x2  }
0x4d: {  	s0 =	rddreg [dreg:$0x0];
	s2 =	stileid.u32  }
0x4e: {  	s1 =	rddreg [dreg:$0x1];
	p0 =	sne.s32 s2, $0x0  }
0x4f: {  	s3 =	rddreg [dreg:$0x2];
	[bflag:$0x3] =	sbarrier.arrive $0xFFFF;
	s2 =	simm.s32 @!p0 $0x1C01  }
0x50: {  	[timem:s3], [sflag:s2] =	dma.local @!p0 [hbm:s0], s1  }
0x51: {  	s0 =	simm.s32 @!p0 $0x1  }
0x52: {  	_ =	swait.ge @!p0 [sflag:s0], s1  }
0x53: {  	s1 =	ssub.s32 @!p0 $0x0, s1;
	[sflag:s0] =	ssyncset.done @!p0 $0x0  }
0x54: {  	[sflag:s0] =	ssyncadd.s32 @!p0 s1  }
0x55: {  	[bflag:$0x3] =	sbarrier.arrive $0xFFFF  }
0x56: {  	_ =	shalt  }

// kernel: kernel.27.cloned.1.call-start
scs
__scs_entry_jumppad:
0x0: {  	(pc) =	sbr.rel $0x88, $3  }
0x1: {  	(tag) =	ssettag $0x0;
	lr =	simm.s32 $0x1  }
0x2: {  	[smem:$0x3F9F] =	sst lr;
	_ =	strace $0xD0000000  }
0x3: {  	_ = 	snop  }
0x4: {  	_ = 	snop  }
0x5: {  	_ = 	snop  }
0x6: {  	_ = 	snop  }
0x7: {  	_ = 	snop  }
__scs_overlays_trampoline_lowered:
0x8: {  	[smem:$0x3FAE] =	sst s0  }
0x9: {  	[smem:$0x3FAF] =	sst s1  }
0xa: {  	[smem:$0x3FB0] =	sst s2  }
0xb: {  	[smem:$0x3FB1] =	sst s3  }
0xc: {  	[smem:$0x3FB2] =	sst s4  }
0xd: {  	[smem:$0x3FB3] =	sst s5  }
0xe: {  	[smem:$0x3FB4] =	sst s6  }
0xf: {  	[smem:$0x3FB5] =	sst s7  }
0x10: {  	[smem:$0x3FB6] =	sst s8  }
0x11: {  	[smem:$0x3FB7] =	sst s9;
	s0 =	simm.s32 @!p0 $0x0  }
0x12: {  	s1 =	sld [smem:$0x3F9D];
	s0 =	simm.s32 @p0 $0x1  }
0x13: {  	[smem:$0x3FB8] =	sst s0;
	s0 =	simm.s32 @!p1 $0x0  }
0x14: {  	s2 =	sld [smem:$0x3F9C];
	s0 =	simm.s32 @p1 $0x1  }
0x15: {  	[smem:$0x3FB9] =	sst s0;
	s0 =	simm.s32 @!p2 $0x0  }
0x16: {  	s3 =	sld [smem:$0x3FDB];
	s0 =	simm.s32 @p2 $0x1  }
0x17: {  	s4 =	simm.s32 $0x1BF5;
	[smem:$0x3FBB] =	sst s0  }
0x18: {  	s0 =	sld [smem:$0x3F9E];
	_ =	swait.ge [sflag:s4], $0x0  }
0x19: {  	s7 =	sld [smem:$0x3F9F]  }
0x1a: {  	s8 =	sadd.s32 $0xFFFFE003, lr  }
0x1b: {  	s9 =	sadd.s32 $0xFFFFFEF7, lr;
	s5 =	simm.s32 $0xFFFFFFFF;
	p2 =	slt.u32 s8, $0xFFFFF086  }
0x1c: {  	p1 =	slt.u32 s9, $0xF7A;
	s5 =	simm.s32 @!p2 $0x0  }
0x1d: {  	s5 =	simm.s32 @p1 $0x1;
	p0 =	seq.s32 s7, s2  }
0x1e: {  	s7 =	smul.u32 @!p0 $0xF7A, s2;
	p2 =	seq.s32 @!p0 s5, $0x0  }
0x1f: {  	s9 =	smul.u32 $0xF7A, s1;
	s8 =	simm.s32 @!p0 $0x1BF5;
	p2 =	por !p2, p0  }
0x20: {  	[sflag:s8] =	ssyncset.s32 @!p0 $0xFFFFF086;
	s6 =	sadd.s32 @!p0 s3, s7;
	s7 =	simm.s32 @!p0 $0x108  }
0x21: {  	s3 =	sadd.s32 s3, s9;
	s6 =	sadd.s32 @!p0 $0x88, s6;
	s7 =	simm.s32 @p2 $0x1082  }
0x22: {  	[simem:s7], [sflag:s8] =	dma.local @!p0 [hbm:s6], $0xF7A  }
0x23: {  	s9 =	sor.u32 $0xD0000000, s2;
	s6 =	simm.s32 $0x108;
	_ =	swait.ge @!p0 [sflag:s8], $0x0  }
0x24: {  	s3 =	sadd.s32 $0x88, s3;
	s6 =	simm.s32 @!p1 $0x1082;
	[sflag:s4] =	ssyncset.s32 $0xFFFFF086  }
0x25: {  	[simem:s6], [sflag:s4] =	dma.local [hbm:s3], $0xF7A  }
0x26: {  	[smem:$0x3F9F] =	sst s1;
	(tag) =	ssettag s2;
	_ =	strace s9  }
0x27: {  	s1 =	sld [smem:$0x3FAF]  }
0x28: {  	s2 =	sld [smem:$0x3FB0]  }
0x29: {  	s4 =	sld [smem:$0x3FB2]  }
0x2a: {  	p0 =	seq.s32 s5, $0x0;
	s5 =	sld [smem:$0x3FB3]  }
0x2b: {  	s6 =	sld [smem:$0x3FB4]  }
0x2c: {  	s7 =	sld [smem:$0x3FB5]  }
0x2d: {  	s3 =	simm.s32 $0x108;
	s8 =	sld [smem:$0x3FB6]  }
0x2e: {  	s3 =	simm.s32 @!p0 $0x1082;
	s9 =	sld [smem:$0x3FB7]  }
0x2f: {  	lr =	sadd.s32 s0, s3;
	s0 =	sld [smem:$0x3FAE]  }
0x30: {  	s3 =	sld [smem:$0x3FB1]  }
0x31: {  	[smem:$0x3FBA] =	sst s10  }
0x32: {  	s10 =	sld [smem:$0x3FB8];
	_ =	sdelay $0x3  }
0x33: {  	p0 =	seq.s32 s10, $0x1;
	s10 =	sld [smem:$0x3FBA];
	_ =	sdelay $0x3  }
0x34: {  	[smem:$0x3FBA] =	sst s10  }
0x35: {  	s10 =	sld [smem:$0x3FB9];
	_ =	sdelay $0x3  }
0x36: {  	p1 =	seq.s32 s10, $0x1;
	s10 =	sld [smem:$0x3FBA];
	_ =	sdelay $0x3  }
0x37: {  	[smem:$0x3FBA] =	sst s10  }
0x38: {  	s10 =	sld [smem:$0x3FBB]  }
0x39: {  	_ = 	snop;
	(pc) =	sbr.ind lr, $3  }
0x3a: {  	_ = 	snop  }
0x3b: {  	_ = 	snop  }
0x3c: {  	p2 =	seq.s32 s10, $0x1;
	s10 =	sld [smem:$0x3FBA]  }
0x3d: {  	_ =	shalt  }
0x3e: {  	_ =	shalt  }
0x3f: {  	_ =	shalt  }
0x40: {  	_ =	shalt  }
0x41: {  	_ =	shalt  }
0x42: {  	_ =	shalt  }
0x43: {  	_ =	shalt  }
0x44: {  	_ =	shalt  }
0x45: {  	_ =	shalt  }
0x46: {  	_ =	shalt  }
0x47: {  	_ =	shalt  }
0x48: {  	_ =	shalt  }
0x49: {  	_ =	shalt  }
0x4a: {  	_ =	shalt  }
0x4b: {  	_ =	shalt  }
0x4c: {  	_ =	shalt  }
0x4d: {  	_ =	shalt  }
0x4e: {  	_ =	shalt  }
0x4f: {  	_ =	shalt  }
0x50: {  	_ =	shalt  }
0x51: {  	_ =	shalt  }
0x52: {  	_ =	shalt  }
0x53: {  	_ =	shalt  }
0x54: {  	_ =	shalt  }
0x55: {  	_ =	shalt  }
0x56: {  	_ =	shalt  }
0x57: {  	_ =	shalt  }
0x58: {  	_ =	shalt  }
0x59: {  	_ =	shalt  }
0x5a: {  	_ =	shalt  }
0x5b: {  	_ =	shalt  }
0x5c: {  	_ =	shalt  }
0x5d: {  	_ =	shalt  }
0x5e: {  	_ =	shalt  }
0x5f: {  	_ =	shalt  }
0x60: {  	_ =	shalt  }
0x61: {  	_ =	shalt  }
0x62: {  	_ =	shalt  }
0x63: {  	_ =	shalt  }
0x64: {  	_ =	shalt  }
0x65: {  	_ =	shalt  }
0x66: {  	_ =	shalt  }
0x67: {  	_ =	shalt  }
0x68: {  	_ =	shalt  }
0x69: {  	_ =	shalt  }
0x6a: {  	_ =	shalt  }
0x6b: {  	_ =	shalt  }
0x6c: {  	_ =	shalt  }
0x6d: {  	_ =	shalt  }
0x6e: {  	_ =	shalt  }
0x6f: {  	_ =	shalt  }
0x70: {  	_ =	shalt  }
0x71: {  	_ =	shalt  }
0x72: {  	_ =	shalt  }
0x73: {  	_ =	shalt  }
0x74: {  	_ =	shalt  }
0x75: {  	_ =	shalt  }
0x76: {  	_ =	shalt  }
0x77: {  	_ =	shalt  }
0x78: {  	_ =	shalt  }
0x79: {  	_ =	shalt  }
0x7a: {  	_ =	shalt  }
0x7b: {  	_ =	shalt  }
0x7c: {  	_ =	shalt  }
0x7d: {  	_ =	shalt  }
0x7e: {  	_ =	shalt  }
0x7f: {  	_ =	shalt  }
0x80: {  	_ =	shalt  }
0x81: {  	_ =	shalt  }
0x82: {  	_ =	shalt  }
0x83: {  	_ =	shalt  }
0x84: {  	_ =	shalt  }
0x85: {  	_ =	shalt  }
0x86: {  	_ =	shalt  }
0x87: {  	_ =	shalt  }
.Lfunc_end0:
.L_simem_size_0:
called_computation.1_lowered:
.L_overlay_start_0:
0x88: {  	s2 =	sld [smem:$0x3FD9]  }
0x89: {  	s3 =	sld [smem:$0x3FFE];
	_ =	sdelay $0x1  }
0x8a: {  	s1 =	srdreg.scid  }
0x8b: {  	s0 =	sand.u32 $0x1, s1  }
0x8c: {  	s17 =	sshll.u32 s0, $0xA;
	s2 =	sadd.s32 s3, s2  }
0x8d: {  	s2 =	sadd.s32 s2, s17  }
0x8e: {  	[smem:$0x3FC6] =	sst s2  }
0x8f: {  	_ = 	snop  }
0x90: {  	s2 =	sld [smem:$0x3FD0];
	(tm) =	ssettm $0x1  }
0x91: {  	s18 =	sld [smem:$0x3FFB];
	_ =	sdelay $0x3  }
0x92: {  	_ =	strace s18  }
0x93: {  	s3 =	sld [smem:$0x3FFC];
	_ =	sdelay $0x3  }
0x94: {  	_ =	strace s3  }
0x95: {  	s3 =	sld [smem:$0x3FFD];
	_ =	sdelay $0x3  }
0x96: {  	_ =	strace s3  }
0x97: {  	_ =	strace $0x8FFFFFFF  }
0x98: {  	s19 =	sld [smem:$0x3FDB];
	_ =	sdelay $0x1  }
0x99: {  	s4 =	simm.s32 $_scs_section_size  }
0x9a: {  	s5 =	simm.s32 $_size__tile_overlayer_lowered;
	s6 =	simm.s32 $_tile_overlayer_lowered  }
0x9b: {  	s22 =	simm.s32 $0x1BFF;
	s21 =	sshll.u32 s6, $0x1;
	s3 =	sadd.s32 s4, s19  }
0x9c: {  	s7 =	simm.s32 $0x0;
	s20 =	sshll.u32 s5, $0x1;
	s5 =	sadd.s32 s21, s3  }
0x9d: {  	[timem:s7], [sflag:s22] =	dma.local [hbm:s5], s20  }
0x9e: {  	_ =	swait.ge [sflag:s22], s20  }
0x9f: {  	s4 =	ssub.s32 $0x0, s20;
	[sflag:s22] =	ssyncset.done $0x0  }
0xa0: {  	[sflag:s22] =	ssyncadd.s32 s4;
	_ =	sdelay $0x1  }
0xa1: {  	s23 =	simm.s32 $0x1B8B  }
0xa2: {  	_ =	swait.ge [sflag:s23], $0x1  }
0xa3: {  	[sflag:s23] =	ssyncset.done $0x0  }
0xa4: {  	s25 =	simm.s32 $0x1B8E;
	s24 =	sld [smem:$0x3FFE];
	[sflag:s23] =	ssyncadd.s32 $0xFFFFFFFF  }
0xa5: {  	s26 =	simm.s32 $execute0_lowered;
	[smem:$0x3FD2] =	sst s25  }
0xa6: {  	s5 =	sshll.u32 s26, $0x1;
	_ =	strace $0x80000049;
	[dreg:$0x1] =	wrdreg $0xFFFFFFFF  }
0xa7: {  	s28 =	simm.s32 $_size_execute0_lowered;
	s3 =	sadd.s32 s3, s5;
	[dreg:$0x0] =	wrdreg $0x0  }
0xa8: {  	s5 =	sshll.u32 s28, $0x1;
	[dreg:$0x2] =	wrdreg s3  }
0xa9: {  	[dreg:$0x3] =	wrdreg s5  }
0xaa: {  	[dreg:$0x4] =	wrdreg $0xC0  }
0xab: {  	_ =	task [dreg:s7], $0x5FFFF  }
0xac: {  	[dreg:$0x1] =	wrdreg $0xFFFFFFFF  }
0xad: {  	[dreg:$0x0] =	wrdreg $0x60  }
0xae: {  	[dreg:$0x2] =	wrdreg s24  }
0xaf: {  	[dreg:$0x3] =	wrdreg s2  }
0xb0: {  	[dreg:$0x4] =	wrdreg $0x74000  }
0xb1: {  	[dreg:$0x5] =	wrdreg $0x9  }
0xb2: {  	_ =	task.clear_ibuf [dreg:s7], $0x6FFFF;
	_ =	strace $0x90000049  }
0xb3: {  	s29 =	simm.s32 $0x9;
	_ =	strace $0x8000004B  }
0xb4: {  	_ =	swait.ge [sflag:s29], $0x1  }
0xb5: {  	[sflag:s29] =	ssyncadd.s32 $0xFFFFFFFF  }
0xb6: {  	_ =	strace $0x9000004B  }
0xb7: {  	_ =	sfence  }
0xb8: {  	s30 =	sld [smem:$0x0];
	_ =	sdelay $0x2  }
0xb9: {  	s31 =	sshll.u32 s1, $0xD;
	s1 =	sshrl.u32 s1, $0x2  }
0xba: {  	s3 =	sand.u32 $0x4000, s31;
	s1 =	sadd.s32 s1, s30  }
0xbb: {  	s0 =	sor.u32 s3, s0;
	s1 =	sshll.u32 s1, $0x11  }
0xbc: {  	s0 =	sor.u32 s1, s0  }
0xbd: {  	s0 =	sadd.s32 $0x8F2B, s0  }
0xbe: {  	[sflag:s0] =	ssyncadd.remote.s32 $0x1  }
0xbf: {  	_ =	sfence.sel $0xFFFF  }
0xc0: {  	[dreg:$0x0] =	wrdreg $0xFFFFFFFF;
	(pc) =	sbr.abs _section_cstart, $3  }
0xc1: {  	[dreg:$0x1] =	wrdreg $0xFFFFFFFF  }
0xc2: {  	_ =	task.clear_ibuf [dreg:s7], $0x2FFFF;
	_ =	strace $0x9FFFFFFF  }
0xc3: {  	(tm) =	ssettm $0x7FFFFFFF  }
tec
execute0_lowered:
.L_overlay_start_1:
0x0: {  	(tag) =	ssettag $0x1  }
0x1: {  	s5 =	rddreg [dreg:$0x0]  }
0x2: {  	s9 =	rddreg [dreg:$0x1]  }
0x3: {  	s2 =	rddreg [dreg:$0x2]  }
0x4: {  	s0 =	rddreg [dreg:$0x3];
	s1 =	stileid.u32  }
0x5: {  	s4 =	srdreg.scid;
	s3 =	simm.s32 $0x0;
	s6 =	smul.u32 $0x14000, s1  }
0x6: {  	s15 =	simm.s32 $0x80;
	s16 =	simm.s32 $0x0;
	s26 =	smul.u32 $0x50000, s1  }
0x7: {  	s7 =	sand.u32 $0x1, s4;
	[smem:$0x7FF] =	sst s3;
	s12 =	smul.u32 $0xB400, s1  }
0x8: {  	s4 =	sadd.s32 $0x7A00, s5;
	s29 =	sshll.u32 s1, $0x6;
	s8 =	smul.u32 $0x140000, s7  }
0x9: {  	_ =	strace $0x8000004A;
	s11 =	ssub.s32 $0x2, s7;
	s10 =	sshrl.u32 s6, $0x3  }
0xa: {  	s7 =	smul.u32 $0x5A00, s7;
	s13 =	sshrl.u32 s11, $0x1;
	s10 =	sadd.s32 s10, s5  }
0xb: {  	s6 =	sadd.s32 s6, s8;
	s8 =	sshrl.u32 s26, $0x2;
	s11 =	ssub.s32 s11, s13  }
0xc: {  	s30 =	sadd.s32 s7, s12;
	s12 =	simm.s32 $0x70;
	s13 =	simm.s32 $0x400  }
0xd: {  	s6 =	sshrl.u32 s6, $0x3;
	s28 =	sadd.s32 s8, s2;
	s31 =	sshrl.u32 s30, $0x3  }
0xe: {  	s8 =	smax.u32 s11, $0x1;
	s11 =	simm.s32 $0x2;
	s14 =	sadd.s32 s6, s5  }
0xf: {  	s5 =	sadd.s32 $0xA7A00, s10;
	s6 =	sor.u32 $0x1C02, s29;
	s9 =	sadd.s32 s31, s9  }
0x10: {  	s10 =	sshrl.u32 s28, $0x3;
	s7 =	sadd.s32 $0xCFA00, s14;
	s14 =	simm.s32 $0x1  }
.LBB2_1:
0x11: {  	[spmem:s10], [sflag:s6] =	dma.local [hbm:s5], $0x2800  }
0x12: {  	_ =	swait.ge [sflag:s11], $0x2800  }
0x13: {  	[sflag:s11] =	ssyncset.done $0x0  }
0x14: {  	[sflag:s11] =	ssyncadd.s32 $0xFFFFD800  }
0x15: {  	s17 =	sadd.s32 $0x0, s9;
	[bflag:$0x0] =	sbarrier.arrive $0xFFFF  }
0x16: {  	[tilespmem:s3], [sflag:$0x2] =	stream.linear.gather [hbm4b:s17+s3], $0x100, $0x38;
	[tilespmem:$0x1B400] =	vst v63  }
0x17: {  	_ =	swait.ge [sflag:s11], $0x100  }
0x18: {  	[sflag:s11] =	ssyncset.done $0x0  }
0x19: {  	[sflag:s11] =	ssyncadd.s32 $0xFFFFFF00  }
0x1a: {  	[tilespmem:s13], [sflag:$0x1] =	stream.indirect.gather [hbm4b:s4+s12], $0x80, s3, s12, $0xb8;
	[tilespmem:$0x1B400] =	vst v63  }
0x1b: {  	_ =	swait.ge [sflag:s14], $0x3800  }
0x1c: {  	[sflag:s14] =	ssyncset.done $0x0  }
0x1d: {  	[sflag:s14] =	ssyncadd.s32 $0xFFFFC800  }
0x1e: {  	[spmem:s2] =	stream.indirect.scatter.add.f32 [tilespmem:s13], [sflag:$0x2], $0x80, s15, s12, $0xb8;
	[tilespmem:$0x1B400] =	vst v63  }
0x1f: {  	_ =	swait.ge [sflag:s11], $0x3800  }
0x20: {  	s18 =	simm.s32 $0x40;
	s17 =	simm.s32 $0x20;
	[sflag:s11] =	ssyncset.done $0x0  }
.LBB2_2:
0x21: {  	s19 =	sadd.s32 s17, s9  }
0x22: {  	[sflag:s11] =	ssyncadd.s32 $0xFFFFC800;
	s17 =	smov.u32 s18;
	s20 =	sadd.s32 $0x20, s18  }
0x23: {  	[tilespmem:s3], [sflag:$0x2] =	stream.linear.gather [hbm4b:s19+s3], $0x100, $0x38;
	[tilespmem:$0x1B400] =	vst v63  }
0x24: {  	p0 =	sne.s32 s18, $0xB20;
	_ =	swait.ge [sflag:s11], $0x100  }
0x25: {  	[sflag:s11] =	ssyncset.done $0x0  }
0x26: {  	[sflag:s11] =	ssyncadd.s32 $0xFFFFFF00  }
0x27: {  	[tilespmem:s13], [sflag:$0x1] =	stream.indirect.gather [hbm4b:s4+s12], $0x80, s3, s12, $0xb8;
	[tilespmem:$0x1B400] =	vst v63  }
0x28: {  	_ =	swait.ge [sflag:s14], $0x3800  }
.Ltmp0:
0x29: {  	[sflag:s14] =	ssyncset.done $0x0;
	(pc) =	sbr.rel @p0 .LBB2_2-.Ltmp0, $4  }
0x2a: {  	[sflag:s14] =	ssyncadd.s32 $0xFFFFC800  }
0x2b: {  	[spmem:s2] =	stream.indirect.scatter.add.f32 [tilespmem:s13], [sflag:$0x2], $0x80, s15, s12, $0xb8;
	[tilespmem:$0x1B400] =	vst v63  }
0x2c: {  	_ =	swait.ge [sflag:s11], $0x3800  }
0x2d: {  	s18 =	smov.u32 s20;
	[sflag:s11] =	ssyncset.done $0x0  }
0x2e: {  	s17 =	sadd.s32 s17, s9;
	[sflag:s11] =	ssyncadd.s32 $0xFFFFC800  }
0x2f: {  	[tilespmem:s3], [sflag:$0x2] =	stream.linear.gather [hbm4b:s17+s3], $0x100, $0x38;
	[tilespmem:$0x1B400] =	vst v63  }
0x30: {  	_ =	swait.ge [sflag:s11], $0x100  }
0x31: {  	[sflag:s11] =	ssyncset.done $0x0  }
0x32: {  	[sflag:s11] =	ssyncadd.s32 $0xFFFFFF00  }
0x33: {  	[tilespmem:s13], [sflag:$0x1] =	stream.indirect.gather [hbm4b:s4+s12], $0x80, s3, s12, $0xb8;
	[tilespmem:$0x1B400] =	vst v63  }
0x34: {  	_ =	swait.ge [sflag:s14], $0x3800  }
0x35: {  	[sflag:s14] =	ssyncset.done $0x0  }
0x36: {  	[sflag:s14] =	ssyncadd.s32 $0xFFFFC800  }
0x37: {  	[spmem:s2] =	stream.indirect.scatter.add.f32 [tilespmem:s13], [sflag:$0x2], $0x80, s15, s12, $0xb8;
	[tilespmem:$0x1B400] =	vst v63  }
0x38: {  	_ =	swait.ge [sflag:s11], $0x3800  }
0x39: {  	s16 =	sadd.s32 $0x1, s16;
	[sflag:s11] =	ssyncset.done $0x0  }
0x3a: {  	p0 =	sne.s32 s16, s8;
	[sflag:s11] =	ssyncadd.s32 $0xFFFFC800  }
.Ltmp1:
0x3b: {  	[bflag:$0x0] =	sbarrier.arrive $0xFFFF;
	(pc) =	sbr.rel @p0 .LBB2_1-.Ltmp1, $4  }
0x3c: {  	[hbm:s7], [sflag:s6] =	dma.local [spmem:s10], $0x2800  }
0x3d: {  	_ =	swait.ge [sflag:s11], $0x2800  }
0x3e: {  	[sflag:s11] =	ssyncset.done $0x0  }
0x3f: {  	[sflag:s11] =	ssyncadd.s32 $0xFFFFD800  }
0x40: {  	_ =	sfence.sel $0x180000  }
0x41: {  	[bflag:$0x0] =	sbarrier.arrive $0xFFFF  }
0x42: {  	p0 =	sne.s32 s1, $0x0;
	_ =	strace $0x9000004A  }
0x43: {  	s0 =	sadd.s32 @!p0 $0x100000, s0;
	[bflag:$0x2] =	sbarrier.arrive $0xFFFF  }
0x44: {  	[sflag:s0] =	ssyncadd.tile.s32 @!p0 $0x1;
	_ =	shalt  }
.Lfunc_end2:
_tile_overlayer_lowered:
.L_overlay_start_2:
0x45: {  	(tag) =	ssettag $0x2  }
0x46: {  	s0 =	rddreg [dreg:$0x0];
	s2 =	stileid.u32  }
0x47: {  	s1 =	rddreg [dreg:$0x1];
	p0 =	sne.s32 s2, $0x0  }
0x48: {  	s3 =	rddreg [dreg:$0x2];
	[bflag:$0x3] =	sbarrier.arrive $0xFFFF;
	s2 =	simm.s32 @!p0 $0x1C02  }
0x49: {  	[timem:s3], [sflag:s2] =	dma.local @!p0 [hbm:s0], s1  }
0x4a: {  	s0 =	simm.s32 @!p0 $0x2  }
0x4b: {  	_ =	swait.ge @!p0 [sflag:s0], s1  }
0x4c: {  	s1 =	ssub.s32 @!p0 $0x0, s1;
	[sflag:s0] =	ssyncset.done @!p0 $0x0  }
0x4d: {  	[sflag:s0] =	ssyncadd.s32 @!p0 s1  }
0x4e: {  	[bflag:$0x3] =	sbarrier.arrive $0xFFFF  }
0x4f: {  	_ =	shalt  }

// kernel: kernel.30.cloned.1.call-start
scs
__scs_entry_jumppad:
0x0: {  	(pc) =	sbr.rel $0x88, $3  }
0x1: {  	(tag) =	ssettag $0x0;
	lr =	simm.s32 $0x1  }
0x2: {  	[smem:$0x3F9F] =	sst lr;
	_ =	strace $0xD0000000  }
0x3: {  	_ = 	snop  }
0x4: {  	_ = 	snop  }
0x5: {  	_ = 	snop  }
0x6: {  	_ = 	snop  }
0x7: {  	_ = 	snop  }
__scs_overlays_trampoline_lowered:
0x8: {  	[smem:$0x3FAE] =	sst s0  }
0x9: {  	[smem:$0x3FAF] =	sst s1  }
0xa: {  	[smem:$0x3FB0] =	sst s2  }
0xb: {  	[smem:$0x3FB1] =	sst s3  }
0xc: {  	[smem:$0x3FB2] =	sst s4  }
0xd: {  	[smem:$0x3FB3] =	sst s5  }
0xe: {  	[smem:$0x3FB4] =	sst s6  }
0xf: {  	[smem:$0x3FB5] =	sst s7  }
0x10: {  	[smem:$0x3FB6] =	sst s8  }
0x11: {  	[smem:$0x3FB7] =	sst s9;
	s0 =	simm.s32 @!p0 $0x0  }
0x12: {  	s1 =	sld [smem:$0x3F9D];
	s0 =	simm.s32 @p0 $0x1  }
0x13: {  	[smem:$0x3FB8] =	sst s0;
	s0 =	simm.s32 @!p1 $0x0  }
0x14: {  	s2 =	sld [smem:$0x3F9C];
	s0 =	simm.s32 @p1 $0x1  }
0x15: {  	[smem:$0x3FB9] =	sst s0;
	s0 =	simm.s32 @!p2 $0x0  }
0x16: {  	s3 =	sld [smem:$0x3FDB];
	s0 =	simm.s32 @p2 $0x1  }
0x17: {  	s4 =	simm.s32 $0x1BF5;
	[smem:$0x3FBB] =	sst s0  }
0x18: {  	s0 =	sld [smem:$0x3F9E];
	_ =	swait.ge [sflag:s4], $0x0  }
0x19: {  	s7 =	sld [smem:$0x3F9F]  }
0x1a: {  	s8 =	sadd.s32 $0xFFFFE003, lr  }
0x1b: {  	s9 =	sadd.s32 $0xFFFFFEF7, lr;
	s5 =	simm.s32 $0xFFFFFFFF;
	p2 =	slt.u32 s8, $0xFFFFF086  }
0x1c: {  	p1 =	slt.u32 s9, $0xF7A;
	s5 =	simm.s32 @!p2 $0x0  }
0x1d: {  	s5 =	simm.s32 @p1 $0x1;
	p0 =	seq.s32 s7, s2  }
0x1e: {  	s7 =	smul.u32 @!p0 $0xF7A, s2;
	p2 =	seq.s32 @!p0 s5, $0x0  }
0x1f: {  	s9 =	smul.u32 $0xF7A, s1;
	s8 =	simm.s32 @!p0 $0x1BF5;
	p2 =	por !p2, p0  }
0x20: {  	[sflag:s8] =	ssyncset.s32 @!p0 $0xFFFFF086;
	s6 =	sadd.s32 @!p0 s3, s7;
	s7 =	simm.s32 @!p0 $0x108  }
0x21: {  	s3 =	sadd.s32 s3, s9;
	s6 =	sadd.s32 @!p0 $0x88, s6;
	s7 =	simm.s32 @p2 $0x1082  }
0x22: {  	[simem:s7], [sflag:s8] =	dma.local @!p0 [hbm:s6], $0xF7A  }
0x23: {  	s9 =	sor.u32 $0xD0000000, s2;
	s6 =	simm.s32 $0x108;
	_ =	swait.ge @!p0 [sflag:s8], $0x0  }
0x24: {  	s3 =	sadd.s32 $0x88, s3;
	s6 =	simm.s32 @!p1 $0x1082;
	[sflag:s4] =	ssyncset.s32 $0xFFFFF086  }
0x25: {  	[simem:s6], [sflag:s4] =	dma.local [hbm:s3], $0xF7A  }
0x26: {  	[smem:$0x3F9F] =	sst s1;
	(tag) =	ssettag s2;
	_ =	strace s9  }
0x27: {  	s1 =	sld [smem:$0x3FAF]  }
0x28: {  	s2 =	sld [smem:$0x3FB0]  }
0x29: {  	s4 =	sld [smem:$0x3FB2]  }
0x2a: {  	p0 =	seq.s32 s5, $0x0;
	s5 =	sld [smem:$0x3FB3]  }
0x2b: {  	s6 =	sld [smem:$0x3FB4]  }
0x2c: {  	s7 =	sld [smem:$0x3FB5]  }
0x2d: {  	s3 =	simm.s32 $0x108;
	s8 =	sld [smem:$0x3FB6]  }
0x2e: {  	s3 =	simm.s32 @!p0 $0x1082;
	s9 =	sld [smem:$0x3FB7]  }
0x2f: {  	lr =	sadd.s32 s0, s3;
	s0 =	sld [smem:$0x3FAE]  }
0x30: {  	s3 =	sld [smem:$0x3FB1]  }
0x31: {  	[smem:$0x3FBA] =	sst s10  }
0x32: {  	s10 =	sld [smem:$0x3FB8];
	_ =	sdelay $0x3  }
0x33: {  	p0 =	seq.s32 s10, $0x1;
	s10 =	sld [smem:$0x3FBA];
	_ =	sdelay $0x3  }
0x34: {  	[smem:$0x3FBA] =	sst s10  }
0x35: {  	s10 =	sld [smem:$0x3FB9];
	_ =	sdelay $0x3  }
0x36: {  	p1 =	seq.s32 s10, $0x1;
	s10 =	sld [smem:$0x3FBA];
	_ =	sdelay $0x3  }
0x37: {  	[smem:$0x3FBA] =	sst s10  }
0x38: {  	s10 =	sld [smem:$0x3FBB]  }
0x39: {  	_ = 	snop;
	(pc) =	sbr.ind lr, $3  }
0x3a: {  	_ = 	snop  }
0x3b: {  	_ = 	snop  }
0x3c: {  	p2 =	seq.s32 s10, $0x1;
	s10 =	sld [smem:$0x3FBA]  }
0x3d: {  	_ =	shalt  }
0x3e: {  	_ =	shalt  }
0x3f: {  	_ =	shalt  }
0x40: {  	_ =	shalt  }
0x41: {  	_ =	shalt  }
0x42: {  	_ =	shalt  }
0x43: {  	_ =	shalt  }
0x44: {  	_ =	shalt  }
0x45: {  	_ =	shalt  }
0x46: {  	_ =	shalt  }
0x47: {  	_ =	shalt  }
0x48: {  	_ =	shalt  }
0x49: {  	_ =	shalt  }
0x4a: {  	_ =	shalt  }
0x4b: {  	_ =	shalt  }
0x4c: {  	_ =	shalt  }
0x4d: {  	_ =	shalt  }
0x4e: {  	_ =	shalt  }
0x4f: {  	_ =	shalt  }
0x50: {  	_ =	shalt  }
0x51: {  	_ =	shalt  }
0x52: {  	_ =	shalt  }
0x53: {  	_ =	shalt  }
0x54: {  	_ =	shalt  }
0x55: {  	_ =	shalt  }
0x56: {  	_ =	shalt  }
0x57: {  	_ =	shalt  }
0x58: {  	_ =	shalt  }
0x59: {  	_ =	shalt  }
0x5a: {  	_ =	shalt  }
0x5b: {  	_ =	shalt  }
0x5c: {  	_ =	shalt  }
0x5d: {  	_ =	shalt  }
0x5e: {  	_ =	shalt  }
0x5f: {  	_ =	shalt  }
0x60: {  	_ =	shalt  }
0x61: {  	_ =	shalt  }
0x62: {  	_ =	shalt  }
0x63: {  	_ =	shalt  }
0x64: {  	_ =	shalt  }
0x65: {  	_ =	shalt  }
0x66: {  	_ =	shalt  }
0x67: {  	_ =	shalt  }
0x68: {  	_ =	shalt  }
0x69: {  	_ =	shalt  }
0x6a: {  	_ =	shalt  }
0x6b: {  	_ =	shalt  }
0x6c: {  	_ =	shalt  }
0x6d: {  	_ =	shalt  }
0x6e: {  	_ =	shalt  }
0x6f: {  	_ =	shalt  }
0x70: {  	_ =	shalt  }
0x71: {  	_ =	shalt  }
0x72: {  	_ =	shalt  }
0x73: {  	_ =	shalt  }
0x74: {  	_ =	shalt  }
0x75: {  	_ =	shalt  }
0x76: {  	_ =	shalt  }
0x77: {  	_ =	shalt  }
0x78: {  	_ =	shalt  }
0x79: {  	_ =	shalt  }
0x7a: {  	_ =	shalt  }
0x7b: {  	_ =	shalt  }
0x7c: {  	_ =	shalt  }
0x7d: {  	_ =	shalt  }
0x7e: {  	_ =	shalt  }
0x7f: {  	_ =	shalt  }
0x80: {  	_ =	shalt  }
0x81: {  	_ =	shalt  }
0x82: {  	_ =	shalt  }
0x83: {  	_ =	shalt  }
0x84: {  	_ =	shalt  }
0x85: {  	_ =	shalt  }
0x86: {  	_ =	shalt  }
0x87: {  	_ =	shalt  }
.Lfunc_end0:
.L_simem_size_0:
called_computation.2_lowered:
.L_overlay_start_0:
0x88: {  	s2 =	sld [smem:$0x3FD9]  }
0x89: {  	s3 =	sld [smem:$0x3FFE];
	_ =	sdelay $0x1  }
0x8a: {  	s1 =	srdreg.scid  }
0x8b: {  	s0 =	sand.u32 $0x1, s1  }
0x8c: {  	s17 =	sshll.u32 s0, $0xA;
	s2 =	sadd.s32 s3, s2  }
0x8d: {  	s2 =	sadd.s32 s2, s17  }
0x8e: {  	[smem:$0x3FC6] =	sst s2  }
0x8f: {  	_ = 	snop  }
0x90: {  	s2 =	sld [smem:$0x3FD0];
	(tm) =	ssettm $0x1  }
0x91: {  	s18 =	sld [smem:$0x3FFB];
	_ =	sdelay $0x3  }
0x92: {  	_ =	strace s18  }
0x93: {  	s3 =	sld [smem:$0x3FFC];
	_ =	sdelay $0x3  }
0x94: {  	_ =	strace s3  }
0x95: {  	s3 =	sld [smem:$0x3FFD];
	_ =	sdelay $0x3  }
0x96: {  	_ =	strace s3  }
0x97: {  	_ =	strace $0x8FFFFFFF  }
0x98: {  	s19 =	sld [smem:$0x3FDB];
	_ =	sdelay $0x1  }
0x99: {  	s4 =	simm.s32 $_scs_section_size  }
0x9a: {  	s5 =	simm.s32 $_size__tile_overlayer_lowered;
	s6 =	simm.s32 $_tile_overlayer_lowered  }
0x9b: {  	s22 =	simm.s32 $0x1BFF;
	s21 =	sshll.u32 s6, $0x1;
	s3 =	sadd.s32 s4, s19  }
0x9c: {  	s7 =	simm.s32 $0x0;
	s20 =	sshll.u32 s5, $0x1;
	s5 =	sadd.s32 s21, s3  }
0x9d: {  	[timem:s7], [sflag:s22] =	dma.local [hbm:s5], s20  }
0x9e: {  	_ =	swait.ge [sflag:s22], s20  }
0x9f: {  	s4 =	ssub.s32 $0x0, s20;
	[sflag:s22] =	ssyncset.done $0x0  }
0xa0: {  	[sflag:s22] =	ssyncadd.s32 s4;
	_ =	sdelay $0x1  }
0xa1: {  	s23 =	simm.s32 $0x1B8B  }
0xa2: {  	_ =	swait.ge [sflag:s23], $0x1  }
0xa3: {  	[sflag:s23] =	ssyncset.done $0x0  }
0xa4: {  	s25 =	simm.s32 $0x1B8E;
	s24 =	sld [smem:$0x3FFE];
	[sflag:s23] =	ssyncadd.s32 $0xFFFFFFFF  }
0xa5: {  	s26 =	simm.s32 $execute0_lowered;
	[smem:$0x3FD2] =	sst s25  }
0xa6: {  	s5 =	sshll.u32 s26, $0x1;
	_ =	strace $0x8000004C;
	[dreg:$0x1] =	wrdreg $0xFFFFFFFF  }
0xa7: {  	s28 =	simm.s32 $_size_execute0_lowered;
	s3 =	sadd.s32 s3, s5;
	[dreg:$0x0] =	wrdreg $0x0  }
0xa8: {  	s5 =	sshll.u32 s28, $0x1;
	[dreg:$0x2] =	wrdreg s3  }
0xa9: {  	[dreg:$0x3] =	wrdreg s5  }
0xaa: {  	[dreg:$0x4] =	wrdreg $0xC0  }
0xab: {  	_ =	task [dreg:s7], $0x5FFFF  }
0xac: {  	[dreg:$0x1] =	wrdreg $0xFFFFFFFF  }
0xad: {  	[dreg:$0x0] =	wrdreg $0x60  }
0xae: {  	[dreg:$0x2] =	wrdreg s24  }
0xaf: {  	[dreg:$0x3] =	wrdreg s2  }
0xb0: {  	[dreg:$0x4] =	wrdreg $0x74000  }
0xb1: {  	[dreg:$0x5] =	wrdreg $0x9  }
0xb2: {  	_ =	task.clear_ibuf [dreg:s7], $0x6FFFF;
	_ =	strace $0x9000004C  }
0xb3: {  	s29 =	simm.s32 $0x9;
	_ =	strace $0x8000004E  }
0xb4: {  	_ =	swait.ge [sflag:s29], $0x1  }
0xb5: {  	[sflag:s29] =	ssyncadd.s32 $0xFFFFFFFF  }
0xb6: {  	_ =	strace $0x9000004E  }
0xb7: {  	_ =	sfence  }
0xb8: {  	s30 =	sld [smem:$0x0];
	_ =	sdelay $0x2  }
0xb9: {  	s31 =	sshll.u32 s1, $0xD;
	s1 =	sshrl.u32 s1, $0x2  }
0xba: {  	s3 =	sand.u32 $0x4000, s31;
	s1 =	sadd.s32 s1, s30  }
0xbb: {  	s0 =	sor.u32 s3, s0;
	s1 =	sshll.u32 s1, $0x11  }
0xbc: {  	s0 =	sor.u32 s1, s0  }
0xbd: {  	s0 =	sadd.s32 $0x8F2B, s0  }
0xbe: {  	[sflag:s0] =	ssyncadd.remote.s32 $0x1  }
0xbf: {  	_ =	sfence.sel $0xFFFF  }
0xc0: {  	[dreg:$0x0] =	wrdreg $0xFFFFFFFF;
	(pc) =	sbr.abs _section_cstart, $3  }
0xc1: {  	[dreg:$0x1] =	wrdreg $0xFFFFFFFF  }
0xc2: {  	_ =	task.clear_ibuf [dreg:s7], $0x2FFFF;
	_ =	strace $0x9FFFFFFF  }
0xc3: {  	(tm) =	ssettm $0x7FFFFFFF  }
tec
execute0_lowered:
.L_overlay_start_1:
0x0: {  	(tag) =	ssettag $0x1  }
0x1: {  	s5 =	rddreg [dreg:$0x0]  }
0x2: {  	s9 =	rddreg [dreg:$0x1]  }
0x3: {  	s2 =	rddreg [dreg:$0x2]  }
0x4: {  	s0 =	rddreg [dreg:$0x3];
	s1 =	stileid.u32  }
0x5: {  	s4 =	srdreg.scid;
	s3 =	simm.s32 $0x0;
	s6 =	smul.u32 $0x14000, s1  }
0x6: {  	s15 =	simm.s32 $0x80;
	s16 =	simm.s32 $0x0;
	s26 =	smul.u32 $0x50000, s1  }
0x7: {  	s7 =	sand.u32 $0x1, s4;
	[smem:$0x7FF] =	sst s3;
	s12 =	smul.u32 $0xB400, s1  }
0x8: {  	s4 =	sadd.s32 $0x7A00, s5;
	s29 =	sshll.u32 s1, $0x6;
	s8 =	smul.u32 $0x140000, s7  }
0x9: {  	_ =	strace $0x8000004D;
	s11 =	ssub.s32 $0x2, s7;
	s10 =	sshrl.u32 s6, $0x3  }
0xa: {  	s7 =	smul.u32 $0x5A00, s7;
	s13 =	sshrl.u32 s11, $0x1;
	s10 =	sadd.s32 s10, s5  }
0xb: {  	s6 =	sadd.s32 s6, s8;
	s8 =	sshrl.u32 s26, $0x2;
	s11 =	ssub.s32 s11, s13  }
0xc: {  	s30 =	sadd.s32 s7, s12;
	s12 =	simm.s32 $0x70;
	s13 =	simm.s32 $0x400  }
0xd: {  	s6 =	sshrl.u32 s6, $0x3;
	s28 =	sadd.s32 s8, s2;
	s31 =	sshrl.u32 s30, $0x3  }
0xe: {  	s8 =	smax.u32 s11, $0x1;
	s11 =	simm.s32 $0x2;
	s14 =	sadd.s32 s6, s5  }
0xf: {  	s5 =	sadd.s32 $0xA7A00, s10;
	s6 =	sor.u32 $0x1C02, s29;
	s9 =	sadd.s32 s31, s9  }
0x10: {  	s10 =	sshrl.u32 s28, $0x3;
	s7 =	sadd.s32 $0xCFA00, s14;
	s14 =	simm.s32 $0x1  }
.LBB2_1:
0x11: {  	[spmem:s10], [sflag:s6] =	dma.local [hbm:s5], $0x2800  }
0x12: {  	_ =	swait.ge [sflag:s11], $0x2800  }
0x13: {  	[sflag:s11] =	ssyncset.done $0x0  }
0x14: {  	[sflag:s11] =	ssyncadd.s32 $0xFFFFD800  }
0x15: {  	s17 =	sadd.s32 $0x0, s9;
	[bflag:$0x0] =	sbarrier.arrive $0xFFFF  }
0x16: {  	[tilespmem:s3], [sflag:$0x2] =	stream.linear.gather [hbm4b:s17+s3], $0x100, $0x38;
	[tilespmem:$0x1B400] =	vst v63  }
0x17: {  	_ =	swait.ge [sflag:s11], $0x100  }
0x18: {  	[sflag:s11] =	ssyncset.done $0x0  }
0x19: {  	[sflag:s11] =	ssyncadd.s32 $0xFFFFFF00  }
0x1a: {  	[tilespmem:s13], [sflag:$0x1] =	stream.indirect.gather [hbm4b:s4+s12], $0x80, s3, s12, $0xb8;
	[tilespmem:$0x1B400] =	vst v63  }
0x1b: {  	_ =	swait.ge [sflag:s14], $0x3800  }
0x1c: {  	[sflag:s14] =	ssyncset.done $0x0  }
0x1d: {  	[sflag:s14] =	ssyncadd.s32 $0xFFFFC800  }
0x1e: {  	[spmem:s2] =	stream.indirect.scatter.add.f32 [tilespmem:s13], [sflag:$0x2], $0x80, s15, s12, $0xb8;
	[tilespmem:$0x1B400] =	vst v63  }
0x1f: {  	_ =	swait.ge [sflag:s11], $0x3800  }
0x20: {  	s18 =	simm.s32 $0x40;
	s17 =	simm.s32 $0x20;
	[sflag:s11] =	ssyncset.done $0x0  }
.LBB2_2:
0x21: {  	s19 =	sadd.s32 s17, s9  }
0x22: {  	[sflag:s11] =	ssyncadd.s32 $0xFFFFC800;
	s17 =	smov.u32 s18;
	s20 =	sadd.s32 $0x20, s18  }
0x23: {  	[tilespmem:s3], [sflag:$0x2] =	stream.linear.gather [hbm4b:s19+s3], $0x100, $0x38;
	[tilespmem:$0x1B400] =	vst v63  }
0x24: {  	p0 =	sne.s32 s18, $0xB20;
	_ =	swait.ge [sflag:s11], $0x100  }
0x25: {  	[sflag:s11] =	ssyncset.done $0x0  }
0x26: {  	[sflag:s11] =	ssyncadd.s32 $0xFFFFFF00  }
0x27: {  	[tilespmem:s13], [sflag:$0x1] =	stream.indirect.gather [hbm4b:s4+s12], $0x80, s3, s12, $0xb8;
	[tilespmem:$0x1B400] =	vst v63  }
0x28: {  	_ =	swait.ge [sflag:s14], $0x3800  }
.Ltmp0:
0x29: {  	[sflag:s14] =	ssyncset.done $0x0;
	(pc) =	sbr.rel @p0 .LBB2_2-.Ltmp0, $4  }
0x2a: {  	[sflag:s14] =	ssyncadd.s32 $0xFFFFC800  }
0x2b: {  	[spmem:s2] =	stream.indirect.scatter.add.f32 [tilespmem:s13], [sflag:$0x2], $0x80, s15, s12, $0xb8;
	[tilespmem:$0x1B400] =	vst v63  }
0x2c: {  	_ =	swait.ge [sflag:s11], $0x3800  }
0x2d: {  	s18 =	smov.u32 s20;
	[sflag:s11] =	ssyncset.done $0x0  }
0x2e: {  	s17 =	sadd.s32 s17, s9;
	[sflag:s11] =	ssyncadd.s32 $0xFFFFC800  }
0x2f: {  	[tilespmem:s3], [sflag:$0x2] =	stream.linear.gather [hbm4b:s17+s3], $0x100, $0x38;
	[tilespmem:$0x1B400] =	vst v63  }
0x30: {  	_ =	swait.ge [sflag:s11], $0x100  }
0x31: {  	[sflag:s11] =	ssyncset.done $0x0  }
0x32: {  	[sflag:s11] =	ssyncadd.s32 $0xFFFFFF00  }
0x33: {  	[tilespmem:s13], [sflag:$0x1] =	stream.indirect.gather [hbm4b:s4+s12], $0x80, s3, s12, $0xb8;
	[tilespmem:$0x1B400] =	vst v63  }
0x34: {  	_ =	swait.ge [sflag:s14], $0x3800  }
0x35: {  	[sflag:s14] =	ssyncset.done $0x0  }
0x36: {  	[sflag:s14] =	ssyncadd.s32 $0xFFFFC800  }
0x37: {  	[spmem:s2] =	stream.indirect.scatter.add.f32 [tilespmem:s13], [sflag:$0x2], $0x80, s15, s12, $0xb8;
	[tilespmem:$0x1B400] =	vst v63  }
0x38: {  	_ =	swait.ge [sflag:s11], $0x3800  }
0x39: {  	s16 =	sadd.s32 $0x1, s16;
	[sflag:s11] =	ssyncset.done $0x0  }
0x3a: {  	p0 =	sne.s32 s16, s8;
	[sflag:s11] =	ssyncadd.s32 $0xFFFFC800  }
.Ltmp1:
0x3b: {  	[bflag:$0x0] =	sbarrier.arrive $0xFFFF;
	(pc) =	sbr.rel @p0 .LBB2_1-.Ltmp1, $4  }
0x3c: {  	[hbm:s7], [sflag:s6] =	dma.local [spmem:s10], $0x2800  }
0x3d: {  	_ =	swait.ge [sflag:s11], $0x2800  }
0x3e: {  	[sflag:s11] =	ssyncset.done $0x0  }
0x3f: {  	[sflag:s11] =	ssyncadd.s32 $0xFFFFD800  }
0x40: {  	_ =	sfence.sel $0x180000  }
0x41: {  	[bflag:$0x0] =	sbarrier.arrive $0xFFFF  }
0x42: {  	p0 =	sne.s32 s1, $0x0;
	_ =	strace $0x9000004D  }
0x43: {  	s0 =	sadd.s32 @!p0 $0x100000, s0;
	[bflag:$0x2] =	sbarrier.arrive $0xFFFF  }
0x44: {  	[sflag:s0] =	ssyncadd.tile.s32 @!p0 $0x1;
	_ =	shalt  }
.Lfunc_end2:
_tile_overlayer_lowered:
.L_overlay_start_2:
0x45: {  	(tag) =	ssettag $0x2  }
0x46: {  	s0 =	rddreg [dreg:$0x0];
	s2 =	stileid.u32  }
0x47: {  	s1 =	rddreg [dreg:$0x1];
	p0 =	sne.s32 s2, $0x0  }
0x48: {  	s3 =	rddreg [dreg:$0x2];
	[bflag:$0x3] =	sbarrier.arrive $0xFFFF;
	s2 =	simm.s32 @!p0 $0x1C02  }
0x49: {  	[timem:s3], [sflag:s2] =	dma.local @!p0 [hbm:s0], s1  }
0x4a: {  	s0 =	simm.s32 @!p0 $0x2  }
0x4b: {  	_ =	swait.ge @!p0 [sflag:s0], s1  }
0x4c: {  	s1 =	ssub.s32 @!p0 $0x0, s1;
	[sflag:s0] =	ssyncset.done @!p0 $0x0  }
0x4d: {  	[sflag:s0] =	ssyncadd.s32 @!p0 s1  }
0x4e: {  	[bflag:$0x3] =	sbarrier.arrive $0xFFFF  }
0x4f: {  	_ =	shalt  }

// kernel: kernel.33.cloned.1.call-start
scs
__scs_entry_jumppad:
0x0: {  	(pc) =	sbr.rel $0x88, $3  }
0x1: {  	(tag) =	ssettag $0x0;
	lr =	simm.s32 $0x1  }
0x2: {  	[smem:$0x3F9F] =	sst lr;
	_ =	strace $0xD0000000  }
0x3: {  	_ = 	snop  }
0x4: {  	_ = 	snop  }
0x5: {  	_ = 	snop  }
0x6: {  	_ = 	snop  }
0x7: {  	_ = 	snop  }
__scs_overlays_trampoline_lowered:
0x8: {  	[smem:$0x3FAE] =	sst s0  }
0x9: {  	[smem:$0x3FAF] =	sst s1  }
0xa: {  	[smem:$0x3FB0] =	sst s2  }
0xb: {  	[smem:$0x3FB1] =	sst s3  }
0xc: {  	[smem:$0x3FB2] =	sst s4  }
0xd: {  	[smem:$0x3FB3] =	sst s5  }
0xe: {  	[smem:$0x3FB4] =	sst s6  }
0xf: {  	[smem:$0x3FB5] =	sst s7  }
0x10: {  	[smem:$0x3FB6] =	sst s8  }
0x11: {  	[smem:$0x3FB7] =	sst s9;
	s0 =	simm.s32 @!p0 $0x0  }
0x12: {  	s1 =	sld [smem:$0x3F9D];
	s0 =	simm.s32 @p0 $0x1  }
0x13: {  	[smem:$0x3FB8] =	sst s0;
	s0 =	simm.s32 @!p1 $0x0  }
0x14: {  	s2 =	sld [smem:$0x3F9C];
	s0 =	simm.s32 @p1 $0x1  }
0x15: {  	[smem:$0x3FB9] =	sst s0;
	s0 =	simm.s32 @!p2 $0x0  }
0x16: {  	s3 =	sld [smem:$0x3FDB];
	s0 =	simm.s32 @p2 $0x1  }
0x17: {  	s4 =	simm.s32 $0x1BF5;
	[smem:$0x3FBB] =	sst s0  }
0x18: {  	s0 =	sld [smem:$0x3F9E];
	_ =	swait.ge [sflag:s4], $0x0  }
0x19: {  	s7 =	sld [smem:$0x3F9F]  }
0x1a: {  	s8 =	sadd.s32 $0xFFFFE003, lr  }
0x1b: {  	s9 =	sadd.s32 $0xFFFFFEF7, lr;
	s5 =	simm.s32 $0xFFFFFFFF;
	p2 =	slt.u32 s8, $0xFFFFF086  }
0x1c: {  	p1 =	slt.u32 s9, $0xF7A;
	s5 =	simm.s32 @!p2 $0x0  }
0x1d: {  	s5 =	simm.s32 @p1 $0x1;
	p0 =	seq.s32 s7, s2  }
0x1e: {  	s7 =	smul.u32 @!p0 $0xF7A, s2;
	p2 =	seq.s32 @!p0 s5, $0x0  }
0x1f: {  	s9 =	smul.u32 $0xF7A, s1;
	s8 =	simm.s32 @!p0 $0x1BF5;
	p2 =	por !p2, p0  }
0x20: {  	[sflag:s8] =	ssyncset.s32 @!p0 $0xFFFFF086;
	s6 =	sadd.s32 @!p0 s3, s7;
	s7 =	simm.s32 @!p0 $0x108  }
0x21: {  	s3 =	sadd.s32 s3, s9;
	s6 =	sadd.s32 @!p0 $0x88, s6;
	s7 =	simm.s32 @p2 $0x1082  }
0x22: {  	[simem:s7], [sflag:s8] =	dma.local @!p0 [hbm:s6], $0xF7A  }
0x23: {  	s9 =	sor.u32 $0xD0000000, s2;
	s6 =	simm.s32 $0x108;
	_ =	swait.ge @!p0 [sflag:s8], $0x0  }
0x24: {  	s3 =	sadd.s32 $0x88, s3;
	s6 =	simm.s32 @!p1 $0x1082;
	[sflag:s4] =	ssyncset.s32 $0xFFFFF086  }
0x25: {  	[simem:s6], [sflag:s4] =	dma.local [hbm:s3], $0xF7A  }
0x26: {  	[smem:$0x3F9F] =	sst s1;
	(tag) =	ssettag s2;
	_ =	strace s9  }
0x27: {  	s1 =	sld [smem:$0x3FAF]  }
0x28: {  	s2 =	sld [smem:$0x3FB0]  }
0x29: {  	s4 =	sld [smem:$0x3FB2]  }
0x2a: {  	p0 =	seq.s32 s5, $0x0;
	s5 =	sld [smem:$0x3FB3]  }
0x2b: {  	s6 =	sld [smem:$0x3FB4]  }
0x2c: {  	s7 =	sld [smem:$0x3FB5]  }
0x2d: {  	s3 =	simm.s32 $0x108;
	s8 =	sld [smem:$0x3FB6]  }
0x2e: {  	s3 =	simm.s32 @!p0 $0x1082;
	s9 =	sld [smem:$0x3FB7]  }
0x2f: {  	lr =	sadd.s32 s0, s3;
	s0 =	sld [smem:$0x3FAE]  }
0x30: {  	s3 =	sld [smem:$0x3FB1]  }
0x31: {  	[smem:$0x3FBA] =	sst s10  }
0x32: {  	s10 =	sld [smem:$0x3FB8];
	_ =	sdelay $0x3  }
0x33: {  	p0 =	seq.s32 s10, $0x1;
	s10 =	sld [smem:$0x3FBA];
	_ =	sdelay $0x3  }
0x34: {  	[smem:$0x3FBA] =	sst s10  }
0x35: {  	s10 =	sld [smem:$0x3FB9];
	_ =	sdelay $0x3  }
0x36: {  	p1 =	seq.s32 s10, $0x1;
	s10 =	sld [smem:$0x3FBA];
	_ =	sdelay $0x3  }
0x37: {  	[smem:$0x3FBA] =	sst s10  }
0x38: {  	s10 =	sld [smem:$0x3FBB]  }
0x39: {  	_ = 	snop;
	(pc) =	sbr.ind lr, $3  }
0x3a: {  	_ = 	snop  }
0x3b: {  	_ = 	snop  }
0x3c: {  	p2 =	seq.s32 s10, $0x1;
	s10 =	sld [smem:$0x3FBA]  }
0x3d: {  	_ =	shalt  }
0x3e: {  	_ =	shalt  }
0x3f: {  	_ =	shalt  }
0x40: {  	_ =	shalt  }
0x41: {  	_ =	shalt  }
0x42: {  	_ =	shalt  }
0x43: {  	_ =	shalt  }
0x44: {  	_ =	shalt  }
0x45: {  	_ =	shalt  }
0x46: {  	_ =	shalt  }
0x47: {  	_ =	shalt  }
0x48: {  	_ =	shalt  }
0x49: {  	_ =	shalt  }
0x4a: {  	_ =	shalt  }
0x4b: {  	_ =	shalt  }
0x4c: {  	_ =	shalt  }
0x4d: {  	_ =	shalt  }
0x4e: {  	_ =	shalt  }
0x4f: {  	_ =	shalt  }
0x50: {  	_ =	shalt  }
0x51: {  	_ =	shalt  }
0x52: {  	_ =	shalt  }
0x53: {  	_ =	shalt  }
0x54: {  	_ =	shalt  }
0x55: {  	_ =	shalt  }
0x56: {  	_ =	shalt  }
0x57: {  	_ =	shalt  }
0x58: {  	_ =	shalt  }
0x59: {  	_ =	shalt  }
0x5a: {  	_ =	shalt  }
0x5b: {  	_ =	shalt  }
0x5c: {  	_ =	shalt  }
0x5d: {  	_ =	shalt  }
0x5e: {  	_ =	shalt  }
0x5f: {  	_ =	shalt  }
0x60: {  	_ =	shalt  }
0x61: {  	_ =	shalt  }
0x62: {  	_ =	shalt  }
0x63: {  	_ =	shalt  }
0x64: {  	_ =	shalt  }
0x65: {  	_ =	shalt  }
0x66: {  	_ =	shalt  }
0x67: {  	_ =	shalt  }
0x68: {  	_ =	shalt  }
0x69: {  	_ =	shalt  }
0x6a: {  	_ =	shalt  }
0x6b: {  	_ =	shalt  }
0x6c: {  	_ =	shalt  }
0x6d: {  	_ =	shalt  }
0x6e: {  	_ =	shalt  }
0x6f: {  	_ =	shalt  }
0x70: {  	_ =	shalt  }
0x71: {  	_ =	shalt  }
0x72: {  	_ =	shalt  }
0x73: {  	_ =	shalt  }
0x74: {  	_ =	shalt  }
0x75: {  	_ =	shalt  }
0x76: {  	_ =	shalt  }
0x77: {  	_ =	shalt  }
0x78: {  	_ =	shalt  }
0x79: {  	_ =	shalt  }
0x7a: {  	_ =	shalt  }
0x7b: {  	_ =	shalt  }
0x7c: {  	_ =	shalt  }
0x7d: {  	_ =	shalt  }
0x7e: {  	_ =	shalt  }
0x7f: {  	_ =	shalt  }
0x80: {  	_ =	shalt  }
0x81: {  	_ =	shalt  }
0x82: {  	_ =	shalt  }
0x83: {  	_ =	shalt  }
0x84: {  	_ =	shalt  }
0x85: {  	_ =	shalt  }
0x86: {  	_ =	shalt  }
0x87: {  	_ =	shalt  }
.Lfunc_end0:
.L_simem_size_0:
called_computation.3_lowered:
.L_overlay_start_0:
0x88: {  	s2 =	sld [smem:$0x3FD9]  }
0x89: {  	s3 =	sld [smem:$0x3FFE];
	_ =	sdelay $0x1  }
0x8a: {  	s1 =	srdreg.scid  }
0x8b: {  	s0 =	sand.u32 $0x1, s1  }
0x8c: {  	s17 =	sshll.u32 s0, $0xA;
	s2 =	sadd.s32 s3, s2  }
0x8d: {  	s2 =	sadd.s32 s2, s17  }
0x8e: {  	[smem:$0x3FC6] =	sst s2  }
0x8f: {  	_ = 	snop  }
0x90: {  	s2 =	sld [smem:$0x3FD0];
	(tm) =	ssettm $0x1  }
0x91: {  	s18 =	sld [smem:$0x3FFB];
	_ =	sdelay $0x3  }
0x92: {  	_ =	strace s18  }
0x93: {  	s3 =	sld [smem:$0x3FFC];
	_ =	sdelay $0x3  }
0x94: {  	_ =	strace s3  }
0x95: {  	s3 =	sld [smem:$0x3FFD];
	_ =	sdelay $0x3  }
0x96: {  	_ =	strace s3  }
0x97: {  	_ =	strace $0x8FFFFFFF  }
0x98: {  	s19 =	sld [smem:$0x3FDB];
	_ =	sdelay $0x1  }
0x99: {  	s4 =	simm.s32 $_scs_section_size  }
0x9a: {  	s5 =	simm.s32 $_size__tile_overlayer_lowered;
	s6 =	simm.s32 $_tile_overlayer_lowered  }
0x9b: {  	s22 =	simm.s32 $0x1BFF;
	s21 =	sshll.u32 s6, $0x1;
	s3 =	sadd.s32 s4, s19  }
0x9c: {  	s7 =	simm.s32 $0x0;
	s20 =	sshll.u32 s5, $0x1;
	s5 =	sadd.s32 s21, s3  }
0x9d: {  	[timem:s7], [sflag:s22] =	dma.local [hbm:s5], s20  }
0x9e: {  	_ =	swait.ge [sflag:s22], s20  }
0x9f: {  	s4 =	ssub.s32 $0x0, s20;
	[sflag:s22] =	ssyncset.done $0x0  }
0xa0: {  	[sflag:s22] =	ssyncadd.s32 s4;
	_ =	sdelay $0x1  }
0xa1: {  	s23 =	simm.s32 $0x1B8B  }
0xa2: {  	_ =	swait.ge [sflag:s23], $0x1  }
0xa3: {  	[sflag:s23] =	ssyncset.done $0x0  }
0xa4: {  	s25 =	simm.s32 $0x1B8E;
	s24 =	sld [smem:$0x3FFE];
	[sflag:s23] =	ssyncadd.s32 $0xFFFFFFFF  }
0xa5: {  	s26 =	simm.s32 $execute0_lowered;
	[smem:$0x3FD2] =	sst s25  }
0xa6: {  	s5 =	sshll.u32 s26, $0x1;
	_ =	strace $0x8000004F;
	[dreg:$0x1] =	wrdreg $0xFFFFFFFF  }
0xa7: {  	s28 =	simm.s32 $_size_execute0_lowered;
	s3 =	sadd.s32 s3, s5;
	[dreg:$0x0] =	wrdreg $0x0  }
0xa8: {  	s5 =	sshll.u32 s28, $0x1;
	[dreg:$0x2] =	wrdreg s3  }
0xa9: {  	[dreg:$0x3] =	wrdreg s5  }
0xaa: {  	[dreg:$0x4] =	wrdreg $0xC0  }
0xab: {  	_ =	task [dreg:s7], $0x5FFFF  }
0xac: {  	[dreg:$0x1] =	wrdreg $0xFFFFFFFF  }
0xad: {  	[dreg:$0x0] =	wrdreg $0x60  }
0xae: {  	[dreg:$0x2] =	wrdreg s24  }
0xaf: {  	[dreg:$0x3] =	wrdreg s2  }
0xb0: {  	[dreg:$0x4] =	wrdreg $0x74000  }
0xb1: {  	[dreg:$0x5] =	wrdreg $0x9  }
0xb2: {  	_ =	task.clear_ibuf [dreg:s7], $0x6FFFF;
	_ =	strace $0x9000004F  }
0xb3: {  	s29 =	simm.s32 $0x9;
	_ =	strace $0x80000051  }
0xb4: {  	_ =	swait.ge [sflag:s29], $0x1  }
0xb5: {  	[sflag:s29] =	ssyncadd.s32 $0xFFFFFFFF  }
0xb6: {  	_ =	strace $0x90000051  }
0xb7: {  	_ =	sfence  }
0xb8: {  	s30 =	sld [smem:$0x0];
	_ =	sdelay $0x2  }
0xb9: {  	s31 =	sshll.u32 s1, $0xD;
	s1 =	sshrl.u32 s1, $0x2  }
0xba: {  	s3 =	sand.u32 $0x4000, s31;
	s1 =	sadd.s32 s1, s30  }
0xbb: {  	s0 =	sor.u32 s3, s0;
	s1 =	sshll.u32 s1, $0x11  }
0xbc: {  	s0 =	sor.u32 s1, s0  }
0xbd: {  	s0 =	sadd.s32 $0x8F2B, s0  }
0xbe: {  	[sflag:s0] =	ssyncadd.remote.s32 $0x1  }
0xbf: {  	_ =	sfence.sel $0xFFFF  }
0xc0: {  	[dreg:$0x0] =	wrdreg $0xFFFFFFFF;
	(pc) =	sbr.abs _section_cstart, $3  }
0xc1: {  	[dreg:$0x1] =	wrdreg $0xFFFFFFFF  }
0xc2: {  	_ =	task.clear_ibuf [dreg:s7], $0x2FFFF;
	_ =	strace $0x9FFFFFFF  }
0xc3: {  	(tm) =	ssettm $0x7FFFFFFF  }
tec
execute0_lowered:
.L_overlay_start_1:
0x0: {  	(tag) =	ssettag $0x1  }
0x1: {  	s5 =	rddreg [dreg:$0x0]  }
0x2: {  	s9 =	rddreg [dreg:$0x1]  }
0x3: {  	s2 =	rddreg [dreg:$0x2]  }
0x4: {  	s0 =	rddreg [dreg:$0x3];
	s1 =	stileid.u32  }
0x5: {  	s4 =	srdreg.scid;
	s3 =	simm.s32 $0x0;
	s6 =	smul.u32 $0x14000, s1  }
0x6: {  	s15 =	simm.s32 $0x80;
	s16 =	simm.s32 $0x0;
	s26 =	smul.u32 $0x50000, s1  }
0x7: {  	s7 =	sand.u32 $0x1, s4;
	[smem:$0x7FF] =	sst s3;
	s12 =	smul.u32 $0xB400, s1  }
0x8: {  	s4 =	sadd.s32 $0x7A00, s5;
	s29 =	sshll.u32 s1, $0x6;
	s8 =	smul.u32 $0x140000, s7  }
0x9: {  	_ =	strace $0x80000050;
	s11 =	ssub.s32 $0x2, s7;
	s10 =	sshrl.u32 s6, $0x3  }
0xa: {  	s7 =	smul.u32 $0x5A00, s7;
	s13 =	sshrl.u32 s11, $0x1;
	s10 =	sadd.s32 s10, s5  }
0xb: {  	s6 =	sadd.s32 s6, s8;
	s8 =	sshrl.u32 s26, $0x2;
	s11 =	ssub.s32 s11, s13  }
0xc: {  	s30 =	sadd.s32 s7, s12;
	s12 =	simm.s32 $0x70;
	s13 =	simm.s32 $0x400  }
0xd: {  	s6 =	sshrl.u32 s6, $0x3;
	s28 =	sadd.s32 s8, s2;
	s31 =	sshrl.u32 s30, $0x3  }
0xe: {  	s8 =	smax.u32 s11, $0x1;
	s11 =	simm.s32 $0x2;
	s14 =	sadd.s32 s6, s5  }
0xf: {  	s5 =	sadd.s32 $0xA7A00, s10;
	s6 =	sor.u32 $0x1C02, s29;
	s9 =	sadd.s32 s31, s9  }
0x10: {  	s10 =	sshrl.u32 s28, $0x3;
	s7 =	sadd.s32 $0xCFA00, s14;
	s14 =	simm.s32 $0x1  }
.LBB2_1:
0x11: {  	[spmem:s10], [sflag:s6] =	dma.local [hbm:s5], $0x2800  }
0x12: {  	_ =	swait.ge [sflag:s11], $0x2800  }
0x13: {  	[sflag:s11] =	ssyncset.done $0x0  }
0x14: {  	[sflag:s11] =	ssyncadd.s32 $0xFFFFD800  }
0x15: {  	s17 =	sadd.s32 $0x0, s9;
	[bflag:$0x0] =	sbarrier.arrive $0xFFFF  }
0x16: {  	[tilespmem:s3], [sflag:$0x2] =	stream.linear.gather [hbm4b:s17+s3], $0x100, $0x38;
	[tilespmem:$0x1B400] =	vst v63  }
0x17: {  	_ =	swait.ge [sflag:s11], $0x100  }
0x18: {  	[sflag:s11] =	ssyncset.done $0x0  }
0x19: {  	[sflag:s11] =	ssyncadd.s32 $0xFFFFFF00  }
0x1a: {  	[tilespmem:s13], [sflag:$0x1] =	stream.indirect.gather [hbm4b:s4+s12], $0x80, s3, s12, $0xb8;
	[tilespmem:$0x1B400] =	vst v63  }
0x1b: {  	_ =	swait.ge [sflag:s14], $0x3800  }
0x1c: {  	[sflag:s14] =	ssyncset.done $0x0  }
0x1d: {  	[sflag:s14] =	ssyncadd.s32 $0xFFFFC800  }
0x1e: {  	[spmem:s2] =	stream.indirect.scatter.add.f32 [tilespmem:s13], [sflag:$0x2], $0x80, s15, s12, $0xb8;
	[tilespmem:$0x1B400] =	vst v63  }
0x1f: {  	_ =	swait.ge [sflag:s11], $0x3800  }
0x20: {  	s18 =	simm.s32 $0x40;
	s17 =	simm.s32 $0x20;
	[sflag:s11] =	ssyncset.done $0x0  }
.LBB2_2:
0x21: {  	s19 =	sadd.s32 s17, s9  }
0x22: {  	[sflag:s11] =	ssyncadd.s32 $0xFFFFC800;
	s17 =	smov.u32 s18;
	s20 =	sadd.s32 $0x20, s18  }
0x23: {  	[tilespmem:s3], [sflag:$0x2] =	stream.linear.gather [hbm4b:s19+s3], $0x100, $0x38;
	[tilespmem:$0x1B400] =	vst v63  }
0x24: {  	p0 =	sne.s32 s18, $0xB20;
	_ =	swait.ge [sflag:s11], $0x100  }
0x25: {  	[sflag:s11] =	ssyncset.done $0x0  }
0x26: {  	[sflag:s11] =	ssyncadd.s32 $0xFFFFFF00  }
0x27: {  	[tilespmem:s13], [sflag:$0x1] =	stream.indirect.gather [hbm4b:s4+s12], $0x80, s3, s12, $0xb8;
	[tilespmem:$0x1B400] =	vst v63  }
0x28: {  	_ =	swait.ge [sflag:s14], $0x3800  }
.Ltmp0:
0x29: {  	[sflag:s14] =	ssyncset.done $0x0;
	(pc) =	sbr.rel @p0 .LBB2_2-.Ltmp0, $4  }
0x2a: {  	[sflag:s14] =	ssyncadd.s32 $0xFFFFC800  }
0x2b: {  	[spmem:s2] =	stream.indirect.scatter.add.f32 [tilespmem:s13], [sflag:$0x2], $0x80, s15, s12, $0xb8;
	[tilespmem:$0x1B400] =	vst v63  }
0x2c: {  	_ =	swait.ge [sflag:s11], $0x3800  }
0x2d: {  	s18 =	smov.u32 s20;
	[sflag:s11] =	ssyncset.done $0x0  }
0x2e: {  	s17 =	sadd.s32 s17, s9;
	[sflag:s11] =	ssyncadd.s32 $0xFFFFC800  }
0x2f: {  	[tilespmem:s3], [sflag:$0x2] =	stream.linear.gather [hbm4b:s17+s3], $0x100, $0x38;
	[tilespmem:$0x1B400] =	vst v63  }
0x30: {  	_ =	swait.ge [sflag:s11], $0x100  }
0x31: {  	[sflag:s11] =	ssyncset.done $0x0  }
0x32: {  	[sflag:s11] =	ssyncadd.s32 $0xFFFFFF00  }
0x33: {  	[tilespmem:s13], [sflag:$0x1] =	stream.indirect.gather [hbm4b:s4+s12], $0x80, s3, s12, $0xb8;
	[tilespmem:$0x1B400] =	vst v63  }
0x34: {  	_ =	swait.ge [sflag:s14], $0x3800  }
0x35: {  	[sflag:s14] =	ssyncset.done $0x0  }
0x36: {  	[sflag:s14] =	ssyncadd.s32 $0xFFFFC800  }
0x37: {  	[spmem:s2] =	stream.indirect.scatter.add.f32 [tilespmem:s13], [sflag:$0x2], $0x80, s15, s12, $0xb8;
	[tilespmem:$0x1B400] =	vst v63  }
0x38: {  	_ =	swait.ge [sflag:s11], $0x3800  }
0x39: {  	s16 =	sadd.s32 $0x1, s16;
	[sflag:s11] =	ssyncset.done $0x0  }
0x3a: {  	p0 =	sne.s32 s16, s8;
	[sflag:s11] =	ssyncadd.s32 $0xFFFFC800  }
.Ltmp1:
0x3b: {  	[bflag:$0x0] =	sbarrier.arrive $0xFFFF;
	(pc) =	sbr.rel @p0 .LBB2_1-.Ltmp1, $4  }
0x3c: {  	[hbm:s7], [sflag:s6] =	dma.local [spmem:s10], $0x2800  }
0x3d: {  	_ =	swait.ge [sflag:s11], $0x2800  }
0x3e: {  	[sflag:s11] =	ssyncset.done $0x0  }
0x3f: {  	[sflag:s11] =	ssyncadd.s32 $0xFFFFD800  }
0x40: {  	_ =	sfence.sel $0x180000  }
0x41: {  	[bflag:$0x0] =	sbarrier.arrive $0xFFFF  }
0x42: {  	p0 =	sne.s32 s1, $0x0;
	_ =	strace $0x90000050  }
0x43: {  	s0 =	sadd.s32 @!p0 $0x100000, s0;
	[bflag:$0x2] =	sbarrier.arrive $0xFFFF  }
0x44: {  	[sflag:s0] =	ssyncadd.tile.s32 @!p0 $0x1;
	_ =	shalt  }
.Lfunc_end2:
_tile_overlayer_lowered:
.L_overlay_start_2:
0x45: {  	(tag) =	ssettag $0x2  }
0x46: {  	s0 =	rddreg [dreg:$0x0];
	s2 =	stileid.u32  }
0x47: {  	s1 =	rddreg [dreg:$0x1];
	p0 =	sne.s32 s2, $0x0  }
0x48: {  	s3 =	rddreg [dreg:$0x2];
	[bflag:$0x3] =	sbarrier.arrive $0xFFFF;
	s2 =	simm.s32 @!p0 $0x1C02  }
0x49: {  	[timem:s3], [sflag:s2] =	dma.local @!p0 [hbm:s0], s1  }
0x4a: {  	s0 =	simm.s32 @!p0 $0x2  }
0x4b: {  	_ =	swait.ge @!p0 [sflag:s0], s1  }
0x4c: {  	s1 =	ssub.s32 @!p0 $0x0, s1;
	[sflag:s0] =	ssyncset.done @!p0 $0x0  }
0x4d: {  	[sflag:s0] =	ssyncadd.s32 @!p0 s1  }
0x4e: {  	[bflag:$0x3] =	sbarrier.arrive $0xFFFF  }
0x4f: {  	_ =	shalt  }

// kernel: kernel.36.cloned.1.call-start
scs
__scs_entry_jumppad:
0x0: {  	(pc) =	sbr.rel $0x88, $3  }
0x1: {  	(tag) =	ssettag $0x0;
	lr =	simm.s32 $0x1  }
0x2: {  	[smem:$0x3F9F] =	sst lr;
	_ =	strace $0xD0000000  }
0x3: {  	_ = 	snop  }
0x4: {  	_ = 	snop  }
0x5: {  	_ = 	snop  }
0x6: {  	_ = 	snop  }
0x7: {  	_ = 	snop  }
__scs_overlays_trampoline_lowered:
0x8: {  	[smem:$0x3FAE] =	sst s0  }
0x9: {  	[smem:$0x3FAF] =	sst s1  }
0xa: {  	[smem:$0x3FB0] =	sst s2  }
0xb: {  	[smem:$0x3FB1] =	sst s3  }
0xc: {  	[smem:$0x3FB2] =	sst s4  }
0xd: {  	[smem:$0x3FB3] =	sst s5  }
0xe: {  	[smem:$0x3FB4] =	sst s6  }
0xf: {  	[smem:$0x3FB5] =	sst s7  }
0x10: {  	[smem:$0x3FB6] =	sst s8  }
0x11: {  	[smem:$0x3FB7] =	sst s9;
	s0 =	simm.s32 @!p0 $0x0  }
0x12: {  	s1 =	sld [smem:$0x3F9D];
	s0 =	simm.s32 @p0 $0x1  }
0x13: {  	[smem:$0x3FB8] =	sst s0;
	s0 =	simm.s32 @!p1 $0x0  }
0x14: {  	s2 =	sld [smem:$0x3F9C];
	s0 =	simm.s32 @p1 $0x1  }
0x15: {  	[smem:$0x3FB9] =	sst s0;
	s0 =	simm.s32 @!p2 $0x0  }
0x16: {  	s3 =	sld [smem:$0x3FDB];
	s0 =	simm.s32 @p2 $0x1  }
0x17: {  	s4 =	simm.s32 $0x1BF5;
	[smem:$0x3FBB] =	sst s0  }
0x18: {  	s0 =	sld [smem:$0x3F9E];
	_ =	swait.ge [sflag:s4], $0x0  }
0x19: {  	s7 =	sld [smem:$0x3F9F]  }
0x1a: {  	s8 =	sadd.s32 $0xFFFFE003, lr  }
0x1b: {  	s9 =	sadd.s32 $0xFFFFFEF7, lr;
	s5 =	simm.s32 $0xFFFFFFFF;
	p2 =	slt.u32 s8, $0xFFFFF086  }
0x1c: {  	p1 =	slt.u32 s9, $0xF7A;
	s5 =	simm.s32 @!p2 $0x0  }
0x1d: {  	s5 =	simm.s32 @p1 $0x1;
	p0 =	seq.s32 s7, s2  }
0x1e: {  	s7 =	smul.u32 @!p0 $0xF7A, s2;
	p2 =	seq.s32 @!p0 s5, $0x0  }
0x1f: {  	s9 =	smul.u32 $0xF7A, s1;
	s8 =	simm.s32 @!p0 $0x1BF5;
	p2 =	por !p2, p0  }
0x20: {  	[sflag:s8] =	ssyncset.s32 @!p0 $0xFFFFF086;
	s6 =	sadd.s32 @!p0 s3, s7;
	s7 =	simm.s32 @!p0 $0x108  }
0x21: {  	s3 =	sadd.s32 s3, s9;
	s6 =	sadd.s32 @!p0 $0x88, s6;
	s7 =	simm.s32 @p2 $0x1082  }
0x22: {  	[simem:s7], [sflag:s8] =	dma.local @!p0 [hbm:s6], $0xF7A  }
0x23: {  	s9 =	sor.u32 $0xD0000000, s2;
	s6 =	simm.s32 $0x108;
	_ =	swait.ge @!p0 [sflag:s8], $0x0  }
0x24: {  	s3 =	sadd.s32 $0x88, s3;
	s6 =	simm.s32 @!p1 $0x1082;
	[sflag:s4] =	ssyncset.s32 $0xFFFFF086  }
0x25: {  	[simem:s6], [sflag:s4] =	dma.local [hbm:s3], $0xF7A  }
0x26: {  	[smem:$0x3F9F] =	sst s1;
	(tag) =	ssettag s2;
	_ =	strace s9  }
0x27: {  	s1 =	sld [smem:$0x3FAF]  }
0x28: {  	s2 =	sld [smem:$0x3FB0]  }
0x29: {  	s4 =	sld [smem:$0x3FB2]  }
0x2a: {  	p0 =	seq.s32 s5, $0x0;
	s5 =	sld [smem:$0x3FB3]  }
0x2b: {  	s6 =	sld [smem:$0x3FB4]  }
0x2c: {  	s7 =	sld [smem:$0x3FB5]  }
0x2d: {  	s3 =	simm.s32 $0x108;
	s8 =	sld [smem:$0x3FB6]  }
0x2e: {  	s3 =	simm.s32 @!p0 $0x1082;
	s9 =	sld [smem:$0x3FB7]  }
0x2f: {  	lr =	sadd.s32 s0, s3;
	s0 =	sld [smem:$0x3FAE]  }
0x30: {  	s3 =	sld [smem:$0x3FB1]  }
0x31: {  	[smem:$0x3FBA] =	sst s10  }
0x32: {  	s10 =	sld [smem:$0x3FB8];
	_ =	sdelay $0x3  }
0x33: {  	p0 =	seq.s32 s10, $0x1;
	s10 =	sld [smem:$0x3FBA];
	_ =	sdelay $0x3  }
0x34: {  	[smem:$0x3FBA] =	sst s10  }
0x35: {  	s10 =	sld [smem:$0x3FB9];
	_ =	sdelay $0x3  }
0x36: {  	p1 =	seq.s32 s10, $0x1;
	s10 =	sld [smem:$0x3FBA];
	_ =	sdelay $0x3  }
0x37: {  	[smem:$0x3FBA] =	sst s10  }
0x38: {  	s10 =	sld [smem:$0x3FBB]  }
0x39: {  	_ = 	snop;
	(pc) =	sbr.ind lr, $3  }
0x3a: {  	_ = 	snop  }
0x3b: {  	_ = 	snop  }
0x3c: {  	p2 =	seq.s32 s10, $0x1;
	s10 =	sld [smem:$0x3FBA]  }
0x3d: {  	_ =	shalt  }
0x3e: {  	_ =	shalt  }
0x3f: {  	_ =	shalt  }
0x40: {  	_ =	shalt  }
0x41: {  	_ =	shalt  }
0x42: {  	_ =	shalt  }
0x43: {  	_ =	shalt  }
0x44: {  	_ =	shalt  }
0x45: {  	_ =	shalt  }
0x46: {  	_ =	shalt  }
0x47: {  	_ =	shalt  }
0x48: {  	_ =	shalt  }
0x49: {  	_ =	shalt  }
0x4a: {  	_ =	shalt  }
0x4b: {  	_ =	shalt  }
0x4c: {  	_ =	shalt  }
0x4d: {  	_ =	shalt  }
0x4e: {  	_ =	shalt  }
0x4f: {  	_ =	shalt  }
0x50: {  	_ =	shalt  }
0x51: {  	_ =	shalt  }
0x52: {  	_ =	shalt  }
0x53: {  	_ =	shalt  }
0x54: {  	_ =	shalt  }
0x55: {  	_ =	shalt  }
0x56: {  	_ =	shalt  }
0x57: {  	_ =	shalt  }
0x58: {  	_ =	shalt  }
0x59: {  	_ =	shalt  }
0x5a: {  	_ =	shalt  }
0x5b: {  	_ =	shalt  }
0x5c: {  	_ =	shalt  }
0x5d: {  	_ =	shalt  }
0x5e: {  	_ =	shalt  }
0x5f: {  	_ =	shalt  }
0x60: {  	_ =	shalt  }
0x61: {  	_ =	shalt  }
0x62: {  	_ =	shalt  }
0x63: {  	_ =	shalt  }
0x64: {  	_ =	shalt  }
0x65: {  	_ =	shalt  }
0x66: {  	_ =	shalt  }
0x67: {  	_ =	shalt  }
0x68: {  	_ =	shalt  }
0x69: {  	_ =	shalt  }
0x6a: {  	_ =	shalt  }
0x6b: {  	_ =	shalt  }
0x6c: {  	_ =	shalt  }
0x6d: {  	_ =	shalt  }
0x6e: {  	_ =	shalt  }
0x6f: {  	_ =	shalt  }
0x70: {  	_ =	shalt  }
0x71: {  	_ =	shalt  }
0x72: {  	_ =	shalt  }
0x73: {  	_ =	shalt  }
0x74: {  	_ =	shalt  }
0x75: {  	_ =	shalt  }
0x76: {  	_ =	shalt  }
0x77: {  	_ =	shalt  }
0x78: {  	_ =	shalt  }
0x79: {  	_ =	shalt  }
0x7a: {  	_ =	shalt  }
0x7b: {  	_ =	shalt  }
0x7c: {  	_ =	shalt  }
0x7d: {  	_ =	shalt  }
0x7e: {  	_ =	shalt  }
0x7f: {  	_ =	shalt  }
0x80: {  	_ =	shalt  }
0x81: {  	_ =	shalt  }
0x82: {  	_ =	shalt  }
0x83: {  	_ =	shalt  }
0x84: {  	_ =	shalt  }
0x85: {  	_ =	shalt  }
0x86: {  	_ =	shalt  }
0x87: {  	_ =	shalt  }
.Lfunc_end0:
.L_simem_size_0:
called_computation.4_lowered:
.L_overlay_start_0:
0x88: {  	s2 =	sld [smem:$0x3FD9]  }
0x89: {  	s3 =	sld [smem:$0x3FFE];
	_ =	sdelay $0x1  }
0x8a: {  	s1 =	srdreg.scid  }
0x8b: {  	s0 =	sand.u32 $0x1, s1  }
0x8c: {  	s17 =	sshll.u32 s0, $0xA;
	s2 =	sadd.s32 s3, s2  }
0x8d: {  	s2 =	sadd.s32 s2, s17  }
0x8e: {  	[smem:$0x3FC6] =	sst s2  }
0x8f: {  	_ = 	snop  }
0x90: {  	s2 =	sld [smem:$0x3FD0];
	(tm) =	ssettm $0x1  }
0x91: {  	s18 =	sld [smem:$0x3FFB];
	_ =	sdelay $0x3  }
0x92: {  	_ =	strace s18  }
0x93: {  	s3 =	sld [smem:$0x3FFC];
	_ =	sdelay $0x3  }
0x94: {  	_ =	strace s3  }
0x95: {  	s3 =	sld [smem:$0x3FFD];
	_ =	sdelay $0x3  }
0x96: {  	_ =	strace s3  }
0x97: {  	_ =	strace $0x8FFFFFFF  }
0x98: {  	s19 =	sld [smem:$0x3FDB];
	_ =	sdelay $0x1  }
0x99: {  	s4 =	simm.s32 $_scs_section_size  }
0x9a: {  	s5 =	simm.s32 $_size__tile_overlayer_lowered;
	s6 =	simm.s32 $_tile_overlayer_lowered  }
0x9b: {  	s22 =	simm.s32 $0x1BFF;
	s21 =	sshll.u32 s6, $0x1;
	s3 =	sadd.s32 s4, s19  }
0x9c: {  	s7 =	simm.s32 $0x0;
	s20 =	sshll.u32 s5, $0x1;
	s5 =	sadd.s32 s21, s3  }
0x9d: {  	[timem:s7], [sflag:s22] =	dma.local [hbm:s5], s20  }
0x9e: {  	_ =	swait.ge [sflag:s22], s20  }
0x9f: {  	s4 =	ssub.s32 $0x0, s20;
	[sflag:s22] =	ssyncset.done $0x0  }
0xa0: {  	[sflag:s22] =	ssyncadd.s32 s4;
	_ =	sdelay $0x1  }
0xa1: {  	s23 =	simm.s32 $0x1B8B  }
0xa2: {  	_ =	swait.ge [sflag:s23], $0x1  }
0xa3: {  	[sflag:s23] =	ssyncset.done $0x0  }
0xa4: {  	s25 =	simm.s32 $0x1B8E;
	s24 =	sld [smem:$0x3FFE];
	[sflag:s23] =	ssyncadd.s32 $0xFFFFFFFF  }
0xa5: {  	s26 =	simm.s32 $execute0_lowered;
	[smem:$0x3FD2] =	sst s25  }
0xa6: {  	s5 =	sshll.u32 s26, $0x1;
	_ =	strace $0x80000052;
	[dreg:$0x1] =	wrdreg $0xFFFFFFFF  }
0xa7: {  	s28 =	simm.s32 $_size_execute0_lowered;
	s3 =	sadd.s32 s3, s5;
	[dreg:$0x0] =	wrdreg $0x0  }
0xa8: {  	s5 =	sshll.u32 s28, $0x1;
	[dreg:$0x2] =	wrdreg s3  }
0xa9: {  	[dreg:$0x3] =	wrdreg s5  }
0xaa: {  	[dreg:$0x4] =	wrdreg $0xC0  }
0xab: {  	_ =	task [dreg:s7], $0x5FFFF  }
0xac: {  	[dreg:$0x1] =	wrdreg $0xFFFFFFFF  }
0xad: {  	[dreg:$0x0] =	wrdreg $0x60  }
0xae: {  	[dreg:$0x2] =	wrdreg s24  }
0xaf: {  	[dreg:$0x3] =	wrdreg s2  }
0xb0: {  	[dreg:$0x4] =	wrdreg $0x74000  }
0xb1: {  	[dreg:$0x5] =	wrdreg $0x9  }
0xb2: {  	_ =	task.clear_ibuf [dreg:s7], $0x6FFFF;
	_ =	strace $0x90000052  }
0xb3: {  	s29 =	simm.s32 $0x9;
	_ =	strace $0x80000054  }
0xb4: {  	_ =	swait.ge [sflag:s29], $0x1  }
0xb5: {  	[sflag:s29] =	ssyncadd.s32 $0xFFFFFFFF  }
0xb6: {  	_ =	strace $0x90000054  }
0xb7: {  	_ =	sfence  }
0xb8: {  	s30 =	sld [smem:$0x0];
	_ =	sdelay $0x2  }
0xb9: {  	s31 =	sshll.u32 s1, $0xD;
	s1 =	sshrl.u32 s1, $0x2  }
0xba: {  	s3 =	sand.u32 $0x4000, s31;
	s1 =	sadd.s32 s1, s30  }
0xbb: {  	s0 =	sor.u32 s3, s0;
	s1 =	sshll.u32 s1, $0x11  }
0xbc: {  	s0 =	sor.u32 s1, s0  }
0xbd: {  	s0 =	sadd.s32 $0x8F2B, s0  }
0xbe: {  	[sflag:s0] =	ssyncadd.remote.s32 $0x1  }
0xbf: {  	_ =	sfence.sel $0xFFFF  }
0xc0: {  	[dreg:$0x0] =	wrdreg $0xFFFFFFFF;
	(pc) =	sbr.abs _section_cstart, $3  }
0xc1: {  	[dreg:$0x1] =	wrdreg $0xFFFFFFFF  }
0xc2: {  	_ =	task.clear_ibuf [dreg:s7], $0x2FFFF;
	_ =	strace $0x9FFFFFFF  }
0xc3: {  	(tm) =	ssettm $0x7FFFFFFF  }
tec
execute0_lowered:
.L_overlay_start_1:
0x0: {  	(tag) =	ssettag $0x1  }
0x1: {  	s5 =	rddreg [dreg:$0x0]  }
0x2: {  	s9 =	rddreg [dreg:$0x1]  }
0x3: {  	s2 =	rddreg [dreg:$0x2]  }
0x4: {  	s0 =	rddreg [dreg:$0x3];
	s1 =	stileid.u32  }
0x5: {  	s4 =	srdreg.scid;
	s3 =	simm.s32 $0x0;
	s6 =	smul.u32 $0x14000, s1  }
0x6: {  	s15 =	simm.s32 $0x80;
	s16 =	simm.s32 $0x0;
	s26 =	smul.u32 $0x50000, s1  }
0x7: {  	s7 =	sand.u32 $0x1, s4;
	[smem:$0x7FF] =	sst s3;
	s12 =	smul.u32 $0xB400, s1  }
0x8: {  	s4 =	sadd.s32 $0x7A00, s5;
	s29 =	sshll.u32 s1, $0x6;
	s8 =	smul.u32 $0x140000, s7  }
0x9: {  	_ =	strace $0x80000053;
	s11 =	ssub.s32 $0x2, s7;
	s10 =	sshrl.u32 s6, $0x3  }
0xa: {  	s7 =	smul.u32 $0x5A00, s7;
	s13 =	sshrl.u32 s11, $0x1;
	s10 =	sadd.s32 s10, s5  }
0xb: {  	s6 =	sadd.s32 s6, s8;
	s8 =	sshrl.u32 s26, $0x2;
	s11 =	ssub.s32 s11, s13  }
0xc: {  	s30 =	sadd.s32 s7, s12;
	s12 =	simm.s32 $0x70;
	s13 =	simm.s32 $0x400  }
0xd: {  	s6 =	sshrl.u32 s6, $0x3;
	s28 =	sadd.s32 s8, s2;
	s31 =	sshrl.u32 s30, $0x3  }
0xe: {  	s8 =	smax.u32 s11, $0x1;
	s11 =	simm.s32 $0x2;
	s14 =	sadd.s32 s6, s5  }
0xf: {  	s5 =	sadd.s32 $0xA7A00, s10;
	s6 =	sor.u32 $0x1C02, s29;
	s9 =	sadd.s32 s31, s9  }
0x10: {  	s10 =	sshrl.u32 s28, $0x3;
	s7 =	sadd.s32 $0xCFA00, s14;
	s14 =	simm.s32 $0x1  }
.LBB2_1:
0x11: {  	[spmem:s10], [sflag:s6] =	dma.local [hbm:s5], $0x2800  }
0x12: {  	_ =	swait.ge [sflag:s11], $0x2800  }
0x13: {  	[sflag:s11] =	ssyncset.done $0x0  }
0x14: {  	[sflag:s11] =	ssyncadd.s32 $0xFFFFD800  }
0x15: {  	s17 =	sadd.s32 $0x0, s9;
	[bflag:$0x0] =	sbarrier.arrive $0xFFFF  }
0x16: {  	[tilespmem:s3], [sflag:$0x2] =	stream.linear.gather [hbm4b:s17+s3], $0x100, $0x38;
	[tilespmem:$0x1B400] =	vst v63  }
0x17: {  	_ =	swait.ge [sflag:s11], $0x100  }
0x18: {  	[sflag:s11] =	ssyncset.done $0x0  }
0x19: {  	[sflag:s11] =	ssyncadd.s32 $0xFFFFFF00  }
0x1a: {  	[tilespmem:s13], [sflag:$0x1] =	stream.indirect.gather [hbm4b:s4+s12], $0x80, s3, s12, $0xb8;
	[tilespmem:$0x1B400] =	vst v63  }
0x1b: {  	_ =	swait.ge [sflag:s14], $0x3800  }
0x1c: {  	[sflag:s14] =	ssyncset.done $0x0  }
0x1d: {  	[sflag:s14] =	ssyncadd.s32 $0xFFFFC800  }
0x1e: {  	[spmem:s2] =	stream.indirect.scatter.add.f32 [tilespmem:s13], [sflag:$0x2], $0x80, s15, s12, $0xb8;
	[tilespmem:$0x1B400] =	vst v63  }
0x1f: {  	_ =	swait.ge [sflag:s11], $0x3800  }
0x20: {  	s18 =	simm.s32 $0x40;
	s17 =	simm.s32 $0x20;
	[sflag:s11] =	ssyncset.done $0x0  }
.LBB2_2:
0x21: {  	s19 =	sadd.s32 s17, s9  }
0x22: {  	[sflag:s11] =	ssyncadd.s32 $0xFFFFC800;
	s17 =	smov.u32 s18;
	s20 =	sadd.s32 $0x20, s18  }
0x23: {  	[tilespmem:s3], [sflag:$0x2] =	stream.linear.gather [hbm4b:s19+s3], $0x100, $0x38;
	[tilespmem:$0x1B400] =	vst v63  }
0x24: {  	p0 =	sne.s32 s18, $0xB20;
	_ =	swait.ge [sflag:s11], $0x100  }
0x25: {  	[sflag:s11] =	ssyncset.done $0x0  }
0x26: {  	[sflag:s11] =	ssyncadd.s32 $0xFFFFFF00  }
0x27: {  	[tilespmem:s13], [sflag:$0x1] =	stream.indirect.gather [hbm4b:s4+s12], $0x80, s3, s12, $0xb8;
	[tilespmem:$0x1B400] =	vst v63  }
0x28: {  	_ =	swait.ge [sflag:s14], $0x3800  }
.Ltmp0:
0x29: {  	[sflag:s14] =	ssyncset.done $0x0;
	(pc) =	sbr.rel @p0 .LBB2_2-.Ltmp0, $4  }
0x2a: {  	[sflag:s14] =	ssyncadd.s32 $0xFFFFC800  }
0x2b: {  	[spmem:s2] =	stream.indirect.scatter.add.f32 [tilespmem:s13], [sflag:$0x2], $0x80, s15, s12, $0xb8;
	[tilespmem:$0x1B400] =	vst v63  }
0x2c: {  	_ =	swait.ge [sflag:s11], $0x3800  }
0x2d: {  	s18 =	smov.u32 s20;
	[sflag:s11] =	ssyncset.done $0x0  }
0x2e: {  	s17 =	sadd.s32 s17, s9;
	[sflag:s11] =	ssyncadd.s32 $0xFFFFC800  }
0x2f: {  	[tilespmem:s3], [sflag:$0x2] =	stream.linear.gather [hbm4b:s17+s3], $0x100, $0x38;
	[tilespmem:$0x1B400] =	vst v63  }
0x30: {  	_ =	swait.ge [sflag:s11], $0x100  }
0x31: {  	[sflag:s11] =	ssyncset.done $0x0  }
0x32: {  	[sflag:s11] =	ssyncadd.s32 $0xFFFFFF00  }
0x33: {  	[tilespmem:s13], [sflag:$0x1] =	stream.indirect.gather [hbm4b:s4+s12], $0x80, s3, s12, $0xb8;
	[tilespmem:$0x1B400] =	vst v63  }
0x34: {  	_ =	swait.ge [sflag:s14], $0x3800  }
0x35: {  	[sflag:s14] =	ssyncset.done $0x0  }
0x36: {  	[sflag:s14] =	ssyncadd.s32 $0xFFFFC800  }
0x37: {  	[spmem:s2] =	stream.indirect.scatter.add.f32 [tilespmem:s13], [sflag:$0x2], $0x80, s15, s12, $0xb8;
	[tilespmem:$0x1B400] =	vst v63  }
0x38: {  	_ =	swait.ge [sflag:s11], $0x3800  }
0x39: {  	s16 =	sadd.s32 $0x1, s16;
	[sflag:s11] =	ssyncset.done $0x0  }
0x3a: {  	p0 =	sne.s32 s16, s8;
	[sflag:s11] =	ssyncadd.s32 $0xFFFFC800  }
.Ltmp1:
0x3b: {  	[bflag:$0x0] =	sbarrier.arrive $0xFFFF;
	(pc) =	sbr.rel @p0 .LBB2_1-.Ltmp1, $4  }
0x3c: {  	[hbm:s7], [sflag:s6] =	dma.local [spmem:s10], $0x2800  }
0x3d: {  	_ =	swait.ge [sflag:s11], $0x2800  }
0x3e: {  	[sflag:s11] =	ssyncset.done $0x0  }
0x3f: {  	[sflag:s11] =	ssyncadd.s32 $0xFFFFD800  }
0x40: {  	_ =	sfence.sel $0x180000  }
0x41: {  	[bflag:$0x0] =	sbarrier.arrive $0xFFFF  }
0x42: {  	p0 =	sne.s32 s1, $0x0;
	_ =	strace $0x90000053  }
0x43: {  	s0 =	sadd.s32 @!p0 $0x100000, s0;
	[bflag:$0x2] =	sbarrier.arrive $0xFFFF  }
0x44: {  	[sflag:s0] =	ssyncadd.tile.s32 @!p0 $0x1;
	_ =	shalt  }
.Lfunc_end2:
_tile_overlayer_lowered:
.L_overlay_start_2:
0x45: {  	(tag) =	ssettag $0x2  }
0x46: {  	s0 =	rddreg [dreg:$0x0];
	s2 =	stileid.u32  }
0x47: {  	s1 =	rddreg [dreg:$0x1];
	p0 =	sne.s32 s2, $0x0  }
0x48: {  	s3 =	rddreg [dreg:$0x2];
	[bflag:$0x3] =	sbarrier.arrive $0xFFFF;
	s2 =	simm.s32 @!p0 $0x1C02  }
0x49: {  	[timem:s3], [sflag:s2] =	dma.local @!p0 [hbm:s0], s1  }
0x4a: {  	s0 =	simm.s32 @!p0 $0x2  }
0x4b: {  	_ =	swait.ge @!p0 [sflag:s0], s1  }
0x4c: {  	s1 =	ssub.s32 @!p0 $0x0, s1;
	[sflag:s0] =	ssyncset.done @!p0 $0x0  }
0x4d: {  	[sflag:s0] =	ssyncadd.s32 @!p0 s1  }
0x4e: {  	[bflag:$0x3] =	sbarrier.arrive $0xFFFF  }
0x4f: {  	_ =	shalt  }

// kernel: kernel.39.cloned.1.call-start
scs
__scs_entry_jumppad:
0x0: {  	(pc) =	sbr.rel $0x88, $3  }
0x1: {  	(tag) =	ssettag $0x0;
	lr =	simm.s32 $0x1  }
0x2: {  	[smem:$0x3F9F] =	sst lr;
	_ =	strace $0xD0000000  }
0x3: {  	_ = 	snop  }
0x4: {  	_ = 	snop  }
0x5: {  	_ = 	snop  }
0x6: {  	_ = 	snop  }
0x7: {  	_ = 	snop  }
__scs_overlays_trampoline_lowered:
0x8: {  	[smem:$0x3FAE] =	sst s0  }
0x9: {  	[smem:$0x3FAF] =	sst s1  }
0xa: {  	[smem:$0x3FB0] =	sst s2  }
0xb: {  	[smem:$0x3FB1] =	sst s3  }
0xc: {  	[smem:$0x3FB2] =	sst s4  }
0xd: {  	[smem:$0x3FB3] =	sst s5  }
0xe: {  	[smem:$0x3FB4] =	sst s6  }
0xf: {  	[smem:$0x3FB5] =	sst s7  }
0x10: {  	[smem:$0x3FB6] =	sst s8  }
0x11: {  	[smem:$0x3FB7] =	sst s9;
	s0 =	simm.s32 @!p0 $0x0  }
0x12: {  	s1 =	sld [smem:$0x3F9D];
	s0 =	simm.s32 @p0 $0x1  }
0x13: {  	[smem:$0x3FB8] =	sst s0;
	s0 =	simm.s32 @!p1 $0x0  }
0x14: {  	s2 =	sld [smem:$0x3F9C];
	s0 =	simm.s32 @p1 $0x1  }
0x15: {  	[smem:$0x3FB9] =	sst s0;
	s0 =	simm.s32 @!p2 $0x0  }
0x16: {  	s3 =	sld [smem:$0x3FDB];
	s0 =	simm.s32 @p2 $0x1  }
0x17: {  	s4 =	simm.s32 $0x1BF5;
	[smem:$0x3FBB] =	sst s0  }
0x18: {  	s0 =	sld [smem:$0x3F9E];
	_ =	swait.ge [sflag:s4], $0x0  }
0x19: {  	s7 =	sld [smem:$0x3F9F]  }
0x1a: {  	s8 =	sadd.s32 $0xFFFFE003, lr  }
0x1b: {  	s9 =	sadd.s32 $0xFFFFFEF7, lr;
	s5 =	simm.s32 $0xFFFFFFFF;
	p2 =	slt.u32 s8, $0xFFFFF086  }
0x1c: {  	p1 =	slt.u32 s9, $0xF7A;
	s5 =	simm.s32 @!p2 $0x0  }
0x1d: {  	s5 =	simm.s32 @p1 $0x1;
	p0 =	seq.s32 s7, s2  }
0x1e: {  	s7 =	smul.u32 @!p0 $0xF7A, s2;
	p2 =	seq.s32 @!p0 s5, $0x0  }
0x1f: {  	s9 =	smul.u32 $0xF7A, s1;
	s8 =	simm.s32 @!p0 $0x1BF5;
	p2 =	por !p2, p0  }
0x20: {  	[sflag:s8] =	ssyncset.s32 @!p0 $0xFFFFF086;
	s6 =	sadd.s32 @!p0 s3, s7;
	s7 =	simm.s32 @!p0 $0x108  }
0x21: {  	s3 =	sadd.s32 s3, s9;
	s6 =	sadd.s32 @!p0 $0x88, s6;
	s7 =	simm.s32 @p2 $0x1082  }
0x22: {  	[simem:s7], [sflag:s8] =	dma.local @!p0 [hbm:s6], $0xF7A  }
0x23: {  	s9 =	sor.u32 $0xD0000000, s2;
	s6 =	simm.s32 $0x108;
	_ =	swait.ge @!p0 [sflag:s8], $0x0  }
0x24: {  	s3 =	sadd.s32 $0x88, s3;
	s6 =	simm.s32 @!p1 $0x1082;
	[sflag:s4] =	ssyncset.s32 $0xFFFFF086  }
0x25: {  	[simem:s6], [sflag:s4] =	dma.local [hbm:s3], $0xF7A  }
0x26: {  	[smem:$0x3F9F] =	sst s1;
	(tag) =	ssettag s2;
	_ =	strace s9  }
0x27: {  	s1 =	sld [smem:$0x3FAF]  }
0x28: {  	s2 =	sld [smem:$0x3FB0]  }
0x29: {  	s4 =	sld [smem:$0x3FB2]  }
0x2a: {  	p0 =	seq.s32 s5, $0x0;
	s5 =	sld [smem:$0x3FB3]  }
0x2b: {  	s6 =	sld [smem:$0x3FB4]  }
0x2c: {  	s7 =	sld [smem:$0x3FB5]  }
0x2d: {  	s3 =	simm.s32 $0x108;
	s8 =	sld [smem:$0x3FB6]  }
0x2e: {  	s3 =	simm.s32 @!p0 $0x1082;
	s9 =	sld [smem:$0x3FB7]  }
0x2f: {  	lr =	sadd.s32 s0, s3;
	s0 =	sld [smem:$0x3FAE]  }
0x30: {  	s3 =	sld [smem:$0x3FB1]  }
0x31: {  	[smem:$0x3FBA] =	sst s10  }
0x32: {  	s10 =	sld [smem:$0x3FB8];
	_ =	sdelay $0x3  }
0x33: {  	p0 =	seq.s32 s10, $0x1;
	s10 =	sld [smem:$0x3FBA];
	_ =	sdelay $0x3  }
0x34: {  	[smem:$0x3FBA] =	sst s10  }
0x35: {  	s10 =	sld [smem:$0x3FB9];
	_ =	sdelay $0x3  }
0x36: {  	p1 =	seq.s32 s10, $0x1;
	s10 =	sld [smem:$0x3FBA];
	_ =	sdelay $0x3  }
0x37: {  	[smem:$0x3FBA] =	sst s10  }
0x38: {  	s10 =	sld [smem:$0x3FBB]  }
0x39: {  	_ = 	snop;
	(pc) =	sbr.ind lr, $3  }
0x3a: {  	_ = 	snop  }
0x3b: {  	_ = 	snop  }
0x3c: {  	p2 =	seq.s32 s10, $0x1;
	s10 =	sld [smem:$0x3FBA]  }
0x3d: {  	_ =	shalt  }
0x3e: {  	_ =	shalt  }
0x3f: {  	_ =	shalt  }
0x40: {  	_ =	shalt  }
0x41: {  	_ =	shalt  }
0x42: {  	_ =	shalt  }
0x43: {  	_ =	shalt  }
0x44: {  	_ =	shalt  }
0x45: {  	_ =	shalt  }
0x46: {  	_ =	shalt  }
0x47: {  	_ =	shalt  }
0x48: {  	_ =	shalt  }
0x49: {  	_ =	shalt  }
0x4a: {  	_ =	shalt  }
0x4b: {  	_ =	shalt  }
0x4c: {  	_ =	shalt  }
0x4d: {  	_ =	shalt  }
0x4e: {  	_ =	shalt  }
0x4f: {  	_ =	shalt  }
0x50: {  	_ =	shalt  }
0x51: {  	_ =	shalt  }
0x52: {  	_ =	shalt  }
0x53: {  	_ =	shalt  }
0x54: {  	_ =	shalt  }
0x55: {  	_ =	shalt  }
0x56: {  	_ =	shalt  }
0x57: {  	_ =	shalt  }
0x58: {  	_ =	shalt  }
0x59: {  	_ =	shalt  }
0x5a: {  	_ =	shalt  }
0x5b: {  	_ =	shalt  }
0x5c: {  	_ =	shalt  }
0x5d: {  	_ =	shalt  }
0x5e: {  	_ =	shalt  }
0x5f: {  	_ =	shalt  }
0x60: {  	_ =	shalt  }
0x61: {  	_ =	shalt  }
0x62: {  	_ =	shalt  }
0x63: {  	_ =	shalt  }
0x64: {  	_ =	shalt  }
0x65: {  	_ =	shalt  }
0x66: {  	_ =	shalt  }
0x67: {  	_ =	shalt  }
0x68: {  	_ =	shalt  }
0x69: {  	_ =	shalt  }
0x6a: {  	_ =	shalt  }
0x6b: {  	_ =	shalt  }
0x6c: {  	_ =	shalt  }
0x6d: {  	_ =	shalt  }
0x6e: {  	_ =	shalt  }
0x6f: {  	_ =	shalt  }
0x70: {  	_ =	shalt  }
0x71: {  	_ =	shalt  }
0x72: {  	_ =	shalt  }
0x73: {  	_ =	shalt  }
0x74: {  	_ =	shalt  }
0x75: {  	_ =	shalt  }
0x76: {  	_ =	shalt  }
0x77: {  	_ =	shalt  }
0x78: {  	_ =	shalt  }
0x79: {  	_ =	shalt  }
0x7a: {  	_ =	shalt  }
0x7b: {  	_ =	shalt  }
0x7c: {  	_ =	shalt  }
0x7d: {  	_ =	shalt  }
0x7e: {  	_ =	shalt  }
0x7f: {  	_ =	shalt  }
0x80: {  	_ =	shalt  }
0x81: {  	_ =	shalt  }
0x82: {  	_ =	shalt  }
0x83: {  	_ =	shalt  }
0x84: {  	_ =	shalt  }
0x85: {  	_ =	shalt  }
0x86: {  	_ =	shalt  }
0x87: {  	_ =	shalt  }
.Lfunc_end0:
.L_simem_size_0:
called_computation.5_lowered:
.L_overlay_start_0:
0x88: {  	s2 =	sld [smem:$0x3FD9]  }
0x89: {  	s3 =	sld [smem:$0x3FFE];
	_ =	sdelay $0x1  }
0x8a: {  	s1 =	srdreg.scid  }
0x8b: {  	s0 =	sand.u32 $0x1, s1  }
0x8c: {  	s17 =	sshll.u32 s0, $0xA;
	s2 =	sadd.s32 s3, s2  }
0x8d: {  	s2 =	sadd.s32 s2, s17  }
0x8e: {  	[smem:$0x3FC6] =	sst s2  }
0x8f: {  	_ = 	snop  }
0x90: {  	s2 =	sld [smem:$0x3FD0];
	(tm) =	ssettm $0x1  }
0x91: {  	s18 =	sld [smem:$0x3FFB];
	_ =	sdelay $0x3  }
0x92: {  	_ =	strace s18  }
0x93: {  	s3 =	sld [smem:$0x3FFC];
	_ =	sdelay $0x3  }
0x94: {  	_ =	strace s3  }
0x95: {  	s3 =	sld [smem:$0x3FFD];
	_ =	sdelay $0x3  }
0x96: {  	_ =	strace s3  }
0x97: {  	_ =	strace $0x8FFFFFFF  }
0x98: {  	s19 =	sld [smem:$0x3FDB];
	_ =	sdelay $0x1  }
0x99: {  	s4 =	simm.s32 $_scs_section_size  }
0x9a: {  	s5 =	simm.s32 $_size__tile_overlayer_lowered;
	s6 =	simm.s32 $_tile_overlayer_lowered  }
0x9b: {  	s22 =	simm.s32 $0x1BFF;
	s21 =	sshll.u32 s6, $0x1;
	s3 =	sadd.s32 s4, s19  }
0x9c: {  	s7 =	simm.s32 $0x0;
	s20 =	sshll.u32 s5, $0x1;
	s5 =	sadd.s32 s21, s3  }
0x9d: {  	[timem:s7], [sflag:s22] =	dma.local [hbm:s5], s20  }
0x9e: {  	_ =	swait.ge [sflag:s22], s20  }
0x9f: {  	s4 =	ssub.s32 $0x0, s20;
	[sflag:s22] =	ssyncset.done $0x0  }
0xa0: {  	[sflag:s22] =	ssyncadd.s32 s4;
	_ =	sdelay $0x1  }
0xa1: {  	s23 =	simm.s32 $0x1B8B  }
0xa2: {  	_ =	swait.ge [sflag:s23], $0x1  }
0xa3: {  	[sflag:s23] =	ssyncset.done $0x0  }
0xa4: {  	s25 =	simm.s32 $0x1B8E;
	s24 =	sld [smem:$0x3FFE];
	[sflag:s23] =	ssyncadd.s32 $0xFFFFFFFF  }
0xa5: {  	s26 =	simm.s32 $execute0_lowered;
	[smem:$0x3FD2] =	sst s25  }
0xa6: {  	s5 =	sshll.u32 s26, $0x1;
	_ =	strace $0x80000055;
	[dreg:$0x1] =	wrdreg $0xFFFFFFFF  }
0xa7: {  	s28 =	simm.s32 $_size_execute0_lowered;
	s3 =	sadd.s32 s3, s5;
	[dreg:$0x0] =	wrdreg $0x0  }
0xa8: {  	s5 =	sshll.u32 s28, $0x1;
	[dreg:$0x2] =	wrdreg s3  }
0xa9: {  	[dreg:$0x3] =	wrdreg s5  }
0xaa: {  	[dreg:$0x4] =	wrdreg $0xC0  }
0xab: {  	_ =	task [dreg:s7], $0x5FFFF  }
0xac: {  	[dreg:$0x1] =	wrdreg $0xFFFFFFFF  }
0xad: {  	[dreg:$0x0] =	wrdreg $0x60  }
0xae: {  	[dreg:$0x2] =	wrdreg s24  }
0xaf: {  	[dreg:$0x3] =	wrdreg s2  }
0xb0: {  	[dreg:$0x4] =	wrdreg $0x74000  }
0xb1: {  	[dreg:$0x5] =	wrdreg $0x9  }
0xb2: {  	_ =	task.clear_ibuf [dreg:s7], $0x6FFFF;
	_ =	strace $0x90000055  }
0xb3: {  	s29 =	simm.s32 $0x9;
	_ =	strace $0x80000057  }
0xb4: {  	_ =	swait.ge [sflag:s29], $0x1  }
0xb5: {  	[sflag:s29] =	ssyncadd.s32 $0xFFFFFFFF  }
0xb6: {  	_ =	strace $0x90000057  }
0xb7: {  	_ =	sfence  }
0xb8: {  	s30 =	sld [smem:$0x0];
	_ =	sdelay $0x2  }
0xb9: {  	s31 =	sshll.u32 s1, $0xD;
	s1 =	sshrl.u32 s1, $0x2  }
0xba: {  	s3 =	sand.u32 $0x4000, s31;
	s1 =	sadd.s32 s1, s30  }
0xbb: {  	s0 =	sor.u32 s3, s0;
	s1 =	sshll.u32 s1, $0x11  }
0xbc: {  	s0 =	sor.u32 s1, s0  }
0xbd: {  	s0 =	sadd.s32 $0x8F2B, s0  }
0xbe: {  	[sflag:s0] =	ssyncadd.remote.s32 $0x1  }
0xbf: {  	_ =	sfence.sel $0xFFFF  }
0xc0: {  	[dreg:$0x0] =	wrdreg $0xFFFFFFFF;
	(pc) =	sbr.abs _section_cstart, $3  }
0xc1: {  	[dreg:$0x1] =	wrdreg $0xFFFFFFFF  }
0xc2: {  	_ =	task.clear_ibuf [dreg:s7], $0x2FFFF;
	_ =	strace $0x9FFFFFFF  }
0xc3: {  	(tm) =	ssettm $0x7FFFFFFF  }
tec
execute0_lowered:
.L_overlay_start_1:
0x0: {  	(tag) =	ssettag $0x1  }
0x1: {  	s5 =	rddreg [dreg:$0x0]  }
0x2: {  	s9 =	rddreg [dreg:$0x1]  }
0x3: {  	s2 =	rddreg [dreg:$0x2]  }
0x4: {  	s0 =	rddreg [dreg:$0x3];
	s1 =	stileid.u32  }
0x5: {  	s4 =	srdreg.scid;
	s3 =	simm.s32 $0x0;
	s6 =	smul.u32 $0x14000, s1  }
0x6: {  	s15 =	simm.s32 $0x80;
	s16 =	simm.s32 $0x0;
	s26 =	smul.u32 $0x50000, s1  }
0x7: {  	s7 =	sand.u32 $0x1, s4;
	[smem:$0x7FF] =	sst s3;
	s12 =	smul.u32 $0xB400, s1  }
0x8: {  	s4 =	sadd.s32 $0x7A00, s5;
	s29 =	sshll.u32 s1, $0x6;
	s8 =	smul.u32 $0x140000, s7  }
0x9: {  	_ =	strace $0x80000056;
	s11 =	ssub.s32 $0x2, s7;
	s10 =	sshrl.u32 s6, $0x3  }
0xa: {  	s7 =	smul.u32 $0x5A00, s7;
	s13 =	sshrl.u32 s11, $0x1;
	s10 =	sadd.s32 s10, s5  }
0xb: {  	s6 =	sadd.s32 s6, s8;
	s8 =	sshrl.u32 s26, $0x2;
	s11 =	ssub.s32 s11, s13  }
0xc: {  	s30 =	sadd.s32 s7, s12;
	s12 =	simm.s32 $0x70;
	s13 =	simm.s32 $0x400  }
0xd: {  	s6 =	sshrl.u32 s6, $0x3;
	s28 =	sadd.s32 s8, s2;
	s31 =	sshrl.u32 s30, $0x3  }
0xe: {  	s8 =	smax.u32 s11, $0x1;
	s11 =	simm.s32 $0x2;
	s14 =	sadd.s32 s6, s5  }
0xf: {  	s5 =	sadd.s32 $0xA7A00, s10;
	s6 =	sor.u32 $0x1C02, s29;
	s9 =	sadd.s32 s31, s9  }
0x10: {  	s10 =	sshrl.u32 s28, $0x3;
	s7 =	sadd.s32 $0xCFA00, s14;
	s14 =	simm.s32 $0x1  }
.LBB2_1:
0x11: {  	[spmem:s10], [sflag:s6] =	dma.local [hbm:s5], $0x2800  }
0x12: {  	_ =	swait.ge [sflag:s11], $0x2800  }
0x13: {  	[sflag:s11] =	ssyncset.done $0x0  }
0x14: {  	[sflag:s11] =	ssyncadd.s32 $0xFFFFD800  }
0x15: {  	s17 =	sadd.s32 $0x0, s9;
	[bflag:$0x0] =	sbarrier.arrive $0xFFFF  }
0x16: {  	[tilespmem:s3], [sflag:$0x2] =	stream.linear.gather [hbm4b:s17+s3], $0x100, $0x38;
	[tilespmem:$0x1B400] =	vst v63  }
0x17: {  	_ =	swait.ge [sflag:s11], $0x100  }
0x18: {  	[sflag:s11] =	ssyncset.done $0x0  }
0x19: {  	[sflag:s11] =	ssyncadd.s32 $0xFFFFFF00  }
0x1a: {  	[tilespmem:s13], [sflag:$0x1] =	stream.indirect.gather [hbm4b:s4+s12], $0x80, s3, s12, $0xb8;
	[tilespmem:$0x1B400] =	vst v63  }
0x1b: {  	_ =	swait.ge [sflag:s14], $0x3800  }
0x1c: {  	[sflag:s14] =	ssyncset.done $0x0  }
0x1d: {  	[sflag:s14] =	ssyncadd.s32 $0xFFFFC800  }
0x1e: {  	[spmem:s2] =	stream.indirect.scatter.add.f32 [tilespmem:s13], [sflag:$0x2], $0x80, s15, s12, $0xb8;
	[tilespmem:$0x1B400] =	vst v63  }
0x1f: {  	_ =	swait.ge [sflag:s11], $0x3800  }
0x20: {  	s18 =	simm.s32 $0x40;
	s17 =	simm.s32 $0x20;
	[sflag:s11] =	ssyncset.done $0x0  }
.LBB2_2:
0x21: {  	s19 =	sadd.s32 s17, s9  }
0x22: {  	[sflag:s11] =	ssyncadd.s32 $0xFFFFC800;
	s17 =	smov.u32 s18;
	s20 =	sadd.s32 $0x20, s18  }
0x23: {  	[tilespmem:s3], [sflag:$0x2] =	stream.linear.gather [hbm4b:s19+s3], $0x100, $0x38;
	[tilespmem:$0x1B400] =	vst v63  }
0x24: {  	p0 =	sne.s32 s18, $0xB20;
	_ =	swait.ge [sflag:s11], $0x100  }
0x25: {  	[sflag:s11] =	ssyncset.done $0x0  }
0x26: {  	[sflag:s11] =	ssyncadd.s32 $0xFFFFFF00  }
0x27: {  	[tilespmem:s13], [sflag:$0x1] =	stream.indirect.gather [hbm4b:s4+s12], $0x80, s3, s12, $0xb8;
	[tilespmem:$0x1B400] =	vst v63  }
0x28: {  	_ =	swait.ge [sflag:s14], $0x3800  }
.Ltmp0:
0x29: {  	[sflag:s14] =	ssyncset.done $0x0;
	(pc) =	sbr.rel @p0 .LBB2_2-.Ltmp0, $4  }
0x2a: {  	[sflag:s14] =	ssyncadd.s32 $0xFFFFC800  }
0x2b: {  	[spmem:s2] =	stream.indirect.scatter.add.f32 [tilespmem:s13], [sflag:$0x2], $0x80, s15, s12, $0xb8;
	[tilespmem:$0x1B400] =	vst v63  }
0x2c: {  	_ =	swait.ge [sflag:s11], $0x3800  }
0x2d: {  	s18 =	smov.u32 s20;
	[sflag:s11] =	ssyncset.done $0x0  }
0x2e: {  	s17 =	sadd.s32 s17, s9;
	[sflag:s11] =	ssyncadd.s32 $0xFFFFC800  }
0x2f: {  	[tilespmem:s3], [sflag:$0x2] =	stream.linear.gather [hbm4b:s17+s3], $0x100, $0x38;
	[tilespmem:$0x1B400] =	vst v63  }
0x30: {  	_ =	swait.ge [sflag:s11], $0x100  }
0x31: {  	[sflag:s11] =	ssyncset.done $0x0  }
0x32: {  	[sflag:s11] =	ssyncadd.s32 $0xFFFFFF00  }
0x33: {  	[tilespmem:s13], [sflag:$0x1] =	stream.indirect.gather [hbm4b:s4+s12], $0x80, s3, s12, $0xb8;
	[tilespmem:$0x1B400] =	vst v63  }
0x34: {  	_ =	swait.ge [sflag:s14], $0x3800  }
0x35: {  	[sflag:s14] =	ssyncset.done $0x0  }
0x36: {  	[sflag:s14] =	ssyncadd.s32 $0xFFFFC800  }
0x37: {  	[spmem:s2] =	stream.indirect.scatter.add.f32 [tilespmem:s13], [sflag:$0x2], $0x80, s15, s12, $0xb8;
	[tilespmem:$0x1B400] =	vst v63  }
0x38: {  	_ =	swait.ge [sflag:s11], $0x3800  }
0x39: {  	s16 =	sadd.s32 $0x1, s16;
	[sflag:s11] =	ssyncset.done $0x0  }
0x3a: {  	p0 =	sne.s32 s16, s8;
	[sflag:s11] =	ssyncadd.s32 $0xFFFFC800  }
.Ltmp1:
0x3b: {  	[bflag:$0x0] =	sbarrier.arrive $0xFFFF;
	(pc) =	sbr.rel @p0 .LBB2_1-.Ltmp1, $4  }
0x3c: {  	[hbm:s7], [sflag:s6] =	dma.local [spmem:s10], $0x2800  }
0x3d: {  	_ =	swait.ge [sflag:s11], $0x2800  }
0x3e: {  	[sflag:s11] =	ssyncset.done $0x0  }
0x3f: {  	[sflag:s11] =	ssyncadd.s32 $0xFFFFD800  }
0x40: {  	_ =	sfence.sel $0x180000  }
0x41: {  	[bflag:$0x0] =	sbarrier.arrive $0xFFFF  }
0x42: {  	p0 =	sne.s32 s1, $0x0;
	_ =	strace $0x90000056  }
0x43: {  	s0 =	sadd.s32 @!p0 $0x100000, s0;
	[bflag:$0x2] =	sbarrier.arrive $0xFFFF  }
0x44: {  	[sflag:s0] =	ssyncadd.tile.s32 @!p0 $0x1;
	_ =	shalt  }
.Lfunc_end2:
_tile_overlayer_lowered:
.L_overlay_start_2:
0x45: {  	(tag) =	ssettag $0x2  }
0x46: {  	s0 =	rddreg [dreg:$0x0];
	s2 =	stileid.u32  }
0x47: {  	s1 =	rddreg [dreg:$0x1];
	p0 =	sne.s32 s2, $0x0  }
0x48: {  	s3 =	rddreg [dreg:$0x2];
	[bflag:$0x3] =	sbarrier.arrive $0xFFFF;
	s2 =	simm.s32 @!p0 $0x1C02  }
0x49: {  	[timem:s3], [sflag:s2] =	dma.local @!p0 [hbm:s0], s1  }
0x4a: {  	s0 =	simm.s32 @!p0 $0x2  }
0x4b: {  	_ =	swait.ge @!p0 [sflag:s0], s1  }
0x4c: {  	s1 =	ssub.s32 @!p0 $0x0, s1;
	[sflag:s0] =	ssyncset.done @!p0 $0x0  }
0x4d: {  	[sflag:s0] =	ssyncadd.s32 @!p0 s1  }
0x4e: {  	[bflag:$0x3] =	sbarrier.arrive $0xFFFF  }
0x4f: {  	_ =	shalt  }

// kernel: kernel.42.cloned.1.call-start
scs
__scs_entry_jumppad:
0x0: {  	(pc) =	sbr.rel $0x88, $3  }
0x1: {  	(tag) =	ssettag $0x0;
	lr =	simm.s32 $0x1  }
0x2: {  	[smem:$0x3F9F] =	sst lr;
	_ =	strace $0xD0000000  }
0x3: {  	_ = 	snop  }
0x4: {  	_ = 	snop  }
0x5: {  	_ = 	snop  }
0x6: {  	_ = 	snop  }
0x7: {  	_ = 	snop  }
__scs_overlays_trampoline_lowered:
0x8: {  	[smem:$0x3FAE] =	sst s0  }
0x9: {  	[smem:$0x3FAF] =	sst s1  }
0xa: {  	[smem:$0x3FB0] =	sst s2  }
0xb: {  	[smem:$0x3FB1] =	sst s3  }
0xc: {  	[smem:$0x3FB2] =	sst s4  }
0xd: {  	[smem:$0x3FB3] =	sst s5  }
0xe: {  	[smem:$0x3FB4] =	sst s6  }
0xf: {  	[smem:$0x3FB5] =	sst s7  }
0x10: {  	[smem:$0x3FB6] =	sst s8  }
0x11: {  	[smem:$0x3FB7] =	sst s9;
	s0 =	simm.s32 @!p0 $0x0  }
0x12: {  	s1 =	sld [smem:$0x3F9D];
	s0 =	simm.s32 @p0 $0x1  }
0x13: {  	[smem:$0x3FB8] =	sst s0;
	s0 =	simm.s32 @!p1 $0x0  }
0x14: {  	s2 =	sld [smem:$0x3F9C];
	s0 =	simm.s32 @p1 $0x1  }
0x15: {  	[smem:$0x3FB9] =	sst s0;
	s0 =	simm.s32 @!p2 $0x0  }
0x16: {  	s3 =	sld [smem:$0x3FDB];
	s0 =	simm.s32 @p2 $0x1  }
0x17: {  	s4 =	simm.s32 $0x1BF5;
	[smem:$0x3FBB] =	sst s0  }
0x18: {  	s0 =	sld [smem:$0x3F9E];
	_ =	swait.ge [sflag:s4], $0x0  }
0x19: {  	s7 =	sld [smem:$0x3F9F]  }
0x1a: {  	s8 =	sadd.s32 $0xFFFFE003, lr  }
0x1b: {  	s9 =	sadd.s32 $0xFFFFFEF7, lr;
	s5 =	simm.s32 $0xFFFFFFFF;
	p2 =	slt.u32 s8, $0xFFFFF086  }
0x1c: {  	p1 =	slt.u32 s9, $0xF7A;
	s5 =	simm.s32 @!p2 $0x0  }
0x1d: {  	s5 =	simm.s32 @p1 $0x1;
	p0 =	seq.s32 s7, s2  }
0x1e: {  	s7 =	smul.u32 @!p0 $0xF7A, s2;
	p2 =	seq.s32 @!p0 s5, $0x0  }
0x1f: {  	s9 =	smul.u32 $0xF7A, s1;
	s8 =	simm.s32 @!p0 $0x1BF5;
	p2 =	por !p2, p0  }
0x20: {  	[sflag:s8] =	ssyncset.s32 @!p0 $0xFFFFF086;
	s6 =	sadd.s32 @!p0 s3, s7;
	s7 =	simm.s32 @!p0 $0x108  }
0x21: {  	s3 =	sadd.s32 s3, s9;
	s6 =	sadd.s32 @!p0 $0x88, s6;
	s7 =	simm.s32 @p2 $0x1082  }
0x22: {  	[simem:s7], [sflag:s8] =	dma.local @!p0 [hbm:s6], $0xF7A  }
0x23: {  	s9 =	sor.u32 $0xD0000000, s2;
	s6 =	simm.s32 $0x108;
	_ =	swait.ge @!p0 [sflag:s8], $0x0  }
0x24: {  	s3 =	sadd.s32 $0x88, s3;
	s6 =	simm.s32 @!p1 $0x1082;
	[sflag:s4] =	ssyncset.s32 $0xFFFFF086  }
0x25: {  	[simem:s6], [sflag:s4] =	dma.local [hbm:s3], $0xF7A  }
0x26: {  	[smem:$0x3F9F] =	sst s1;
	(tag) =	ssettag s2;
	_ =	strace s9  }
0x27: {  	s1 =	sld [smem:$0x3FAF]  }
0x28: {  	s2 =	sld [smem:$0x3FB0]  }
0x29: {  	s4 =	sld [smem:$0x3FB2]  }
0x2a: {  	p0 =	seq.s32 s5, $0x0;
	s5 =	sld [smem:$0x3FB3]  }
0x2b: {  	s6 =	sld [smem:$0x3FB4]  }
0x2c: {  	s7 =	sld [smem:$0x3FB5]  }
0x2d: {  	s3 =	simm.s32 $0x108;
	s8 =	sld [smem:$0x3FB6]  }
0x2e: {  	s3 =	simm.s32 @!p0 $0x1082;
	s9 =	sld [smem:$0x3FB7]  }
0x2f: {  	lr =	sadd.s32 s0, s3;
	s0 =	sld [smem:$0x3FAE]  }
0x30: {  	s3 =	sld [smem:$0x3FB1]  }
0x31: {  	[smem:$0x3FBA] =	sst s10  }
0x32: {  	s10 =	sld [smem:$0x3FB8];
	_ =	sdelay $0x3  }
0x33: {  	p0 =	seq.s32 s10, $0x1;
	s10 =	sld [smem:$0x3FBA];
	_ =	sdelay $0x3  }
0x34: {  	[smem:$0x3FBA] =	sst s10  }
0x35: {  	s10 =	sld [smem:$0x3FB9];
	_ =	sdelay $0x3  }
0x36: {  	p1 =	seq.s32 s10, $0x1;
	s10 =	sld [smem:$0x3FBA];
	_ =	sdelay $0x3  }
0x37: {  	[smem:$0x3FBA] =	sst s10  }
0x38: {  	s10 =	sld [smem:$0x3FBB]  }
0x39: {  	_ = 	snop;
	(pc) =	sbr.ind lr, $3  }
0x3a: {  	_ = 	snop  }
0x3b: {  	_ = 	snop  }
0x3c: {  	p2 =	seq.s32 s10, $0x1;
	s10 =	sld [smem:$0x3FBA]  }
0x3d: {  	_ =	shalt  }
0x3e: {  	_ =	shalt  }
0x3f: {  	_ =	shalt  }
0x40: {  	_ =	shalt  }
0x41: {  	_ =	shalt  }
0x42: {  	_ =	shalt  }
0x43: {  	_ =	shalt  }
0x44: {  	_ =	shalt  }
0x45: {  	_ =	shalt  }
0x46: {  	_ =	shalt  }
0x47: {  	_ =	shalt  }
0x48: {  	_ =	shalt  }
0x49: {  	_ =	shalt  }
0x4a: {  	_ =	shalt  }
0x4b: {  	_ =	shalt  }
0x4c: {  	_ =	shalt  }
0x4d: {  	_ =	shalt  }
0x4e: {  	_ =	shalt  }
0x4f: {  	_ =	shalt  }
0x50: {  	_ =	shalt  }
0x51: {  	_ =	shalt  }
0x52: {  	_ =	shalt  }
0x53: {  	_ =	shalt  }
0x54: {  	_ =	shalt  }
0x55: {  	_ =	shalt  }
0x56: {  	_ =	shalt  }
0x57: {  	_ =	shalt  }
0x58: {  	_ =	shalt  }
0x59: {  	_ =	shalt  }
0x5a: {  	_ =	shalt  }
0x5b: {  	_ =	shalt  }
0x5c: {  	_ =	shalt  }
0x5d: {  	_ =	shalt  }
0x5e: {  	_ =	shalt  }
0x5f: {  	_ =	shalt  }
0x60: {  	_ =	shalt  }
0x61: {  	_ =	shalt  }
0x62: {  	_ =	shalt  }
0x63: {  	_ =	shalt  }
0x64: {  	_ =	shalt  }
0x65: {  	_ =	shalt  }
0x66: {  	_ =	shalt  }
0x67: {  	_ =	shalt  }
0x68: {  	_ =	shalt  }
0x69: {  	_ =	shalt  }
0x6a: {  	_ =	shalt  }
0x6b: {  	_ =	shalt  }
0x6c: {  	_ =	shalt  }
0x6d: {  	_ =	shalt  }
0x6e: {  	_ =	shalt  }
0x6f: {  	_ =	shalt  }
0x70: {  	_ =	shalt  }
0x71: {  	_ =	shalt  }
0x72: {  	_ =	shalt  }
0x73: {  	_ =	shalt  }
0x74: {  	_ =	shalt  }
0x75: {  	_ =	shalt  }
0x76: {  	_ =	shalt  }
0x77: {  	_ =	shalt  }
0x78: {  	_ =	shalt  }
0x79: {  	_ =	shalt  }
0x7a: {  	_ =	shalt  }
0x7b: {  	_ =	shalt  }
0x7c: {  	_ =	shalt  }
0x7d: {  	_ =	shalt  }
0x7e: {  	_ =	shalt  }
0x7f: {  	_ =	shalt  }
0x80: {  	_ =	shalt  }
0x81: {  	_ =	shalt  }
0x82: {  	_ =	shalt  }
0x83: {  	_ =	shalt  }
0x84: {  	_ =	shalt  }
0x85: {  	_ =	shalt  }
0x86: {  	_ =	shalt  }
0x87: {  	_ =	shalt  }
.Lfunc_end0:
.L_simem_size_0:
called_computation.6_lowered:
.L_overlay_start_0:
0x88: {  	s2 =	sld [smem:$0x3FD9]  }
0x89: {  	s3 =	sld [smem:$0x3FFE];
	_ =	sdelay $0x1  }
0x8a: {  	s1 =	srdreg.scid  }
0x8b: {  	s0 =	sand.u32 $0x1, s1  }
0x8c: {  	s17 =	sshll.u32 s0, $0xA;
	s2 =	sadd.s32 s3, s2  }
0x8d: {  	s2 =	sadd.s32 s2, s17  }
0x8e: {  	[smem:$0x3FC6] =	sst s2  }
0x8f: {  	_ = 	snop  }
0x90: {  	s2 =	sld [smem:$0x3FD0];
	(tm) =	ssettm $0x1  }
0x91: {  	s18 =	sld [smem:$0x3FFB];
	_ =	sdelay $0x3  }
0x92: {  	_ =	strace s18  }
0x93: {  	s3 =	sld [smem:$0x3FFC];
	_ =	sdelay $0x3  }
0x94: {  	_ =	strace s3  }
0x95: {  	s3 =	sld [smem:$0x3FFD];
	_ =	sdelay $0x3  }
0x96: {  	_ =	strace s3  }
0x97: {  	_ =	strace $0x8FFFFFFF  }
0x98: {  	s19 =	sld [smem:$0x3FDB];
	_ =	sdelay $0x1  }
0x99: {  	s4 =	simm.s32 $_scs_section_size  }
0x9a: {  	s5 =	simm.s32 $_size__tile_overlayer_lowered;
	s6 =	simm.s32 $_tile_overlayer_lowered  }
0x9b: {  	s22 =	simm.s32 $0x1BFF;
	s21 =	sshll.u32 s6, $0x1;
	s3 =	sadd.s32 s4, s19  }
0x9c: {  	s7 =	simm.s32 $0x0;
	s20 =	sshll.u32 s5, $0x1;
	s5 =	sadd.s32 s21, s3  }
0x9d: {  	[timem:s7], [sflag:s22] =	dma.local [hbm:s5], s20  }
0x9e: {  	_ =	swait.ge [sflag:s22], s20  }
0x9f: {  	s4 =	ssub.s32 $0x0, s20;
	[sflag:s22] =	ssyncset.done $0x0  }
0xa0: {  	[sflag:s22] =	ssyncadd.s32 s4;
	_ =	sdelay $0x1  }
0xa1: {  	s23 =	simm.s32 $0x1B8B  }
0xa2: {  	_ =	swait.ge [sflag:s23], $0x1  }
0xa3: {  	[sflag:s23] =	ssyncset.done $0x0  }
0xa4: {  	s25 =	simm.s32 $0x1B8E;
	s24 =	sld [smem:$0x3FFE];
	[sflag:s23] =	ssyncadd.s32 $0xFFFFFFFF  }
0xa5: {  	s26 =	simm.s32 $execute0_lowered;
	[smem:$0x3FD2] =	sst s25  }
0xa6: {  	s5 =	sshll.u32 s26, $0x1;
	_ =	strace $0x80000058;
	[dreg:$0x1] =	wrdreg $0xFFFFFFFF  }
0xa7: {  	s28 =	simm.s32 $_size_execute0_lowered;
	s3 =	sadd.s32 s3, s5;
	[dreg:$0x0] =	wrdreg $0x0  }
0xa8: {  	s5 =	sshll.u32 s28, $0x1;
	[dreg:$0x2] =	wrdreg s3  }
0xa9: {  	[dreg:$0x3] =	wrdreg s5  }
0xaa: {  	[dreg:$0x4] =	wrdreg $0xC0  }
0xab: {  	_ =	task [dreg:s7], $0x5FFFF  }
0xac: {  	[dreg:$0x1] =	wrdreg $0xFFFFFFFF  }
0xad: {  	[dreg:$0x0] =	wrdreg $0x60  }
0xae: {  	[dreg:$0x2] =	wrdreg s24  }
0xaf: {  	[dreg:$0x3] =	wrdreg s2  }
0xb0: {  	[dreg:$0x4] =	wrdreg $0x74000  }
0xb1: {  	[dreg:$0x5] =	wrdreg $0x9  }
0xb2: {  	_ =	task.clear_ibuf [dreg:s7], $0x6FFFF;
	_ =	strace $0x90000058  }
0xb3: {  	s29 =	simm.s32 $0x9;
	_ =	strace $0x8000005A  }
0xb4: {  	_ =	swait.ge [sflag:s29], $0x1  }
0xb5: {  	[sflag:s29] =	ssyncadd.s32 $0xFFFFFFFF  }
0xb6: {  	_ =	strace $0x9000005A  }
0xb7: {  	_ =	sfence  }
0xb8: {  	s30 =	sld [smem:$0x0];
	_ =	sdelay $0x2  }
0xb9: {  	s31 =	sshll.u32 s1, $0xD;
	s1 =	sshrl.u32 s1, $0x2  }
0xba: {  	s3 =	sand.u32 $0x4000, s31;
	s1 =	sadd.s32 s1, s30  }
0xbb: {  	s0 =	sor.u32 s3, s0;
	s1 =	sshll.u32 s1, $0x11  }
0xbc: {  	s0 =	sor.u32 s1, s0  }
0xbd: {  	s0 =	sadd.s32 $0x8F2B, s0  }
0xbe: {  	[sflag:s0] =	ssyncadd.remote.s32 $0x1  }
0xbf: {  	_ =	sfence.sel $0xFFFF  }
0xc0: {  	[dreg:$0x0] =	wrdreg $0xFFFFFFFF;
	(pc) =	sbr.abs _section_cstart, $3  }
0xc1: {  	[dreg:$0x1] =	wrdreg $0xFFFFFFFF  }
0xc2: {  	_ =	task.clear_ibuf [dreg:s7], $0x2FFFF;
	_ =	strace $0x9FFFFFFF  }
0xc3: {  	(tm) =	ssettm $0x7FFFFFFF  }
tec
execute0_lowered:
.L_overlay_start_1:
0x0: {  	(tag) =	ssettag $0x1  }
0x1: {  	s5 =	rddreg [dreg:$0x0]  }
0x2: {  	s9 =	rddreg [dreg:$0x1]  }
0x3: {  	s2 =	rddreg [dreg:$0x2]  }
0x4: {  	s0 =	rddreg [dreg:$0x3];
	s1 =	stileid.u32  }
0x5: {  	s4 =	srdreg.scid;
	s3 =	simm.s32 $0x0;
	s6 =	smul.u32 $0x14000, s1  }
0x6: {  	s15 =	simm.s32 $0x80;
	s16 =	simm.s32 $0x0;
	s26 =	smul.u32 $0x50000, s1  }
0x7: {  	s7 =	sand.u32 $0x1, s4;
	[smem:$0x7FF] =	sst s3;
	s12 =	smul.u32 $0xB400, s1  }
0x8: {  	s4 =	sadd.s32 $0x7A00, s5;
	s29 =	sshll.u32 s1, $0x6;
	s8 =	smul.u32 $0x140000, s7  }
0x9: {  	_ =	strace $0x80000059;
	s11 =	ssub.s32 $0x2, s7;
	s10 =	sshrl.u32 s6, $0x3  }
0xa: {  	s7 =	smul.u32 $0x5A00, s7;
	s13 =	sshrl.u32 s11, $0x1;
	s10 =	sadd.s32 s10, s5  }
0xb: {  	s6 =	sadd.s32 s6, s8;
	s8 =	sshrl.u32 s26, $0x2;
	s11 =	ssub.s32 s11, s13  }
0xc: {  	s30 =	sadd.s32 s7, s12;
	s12 =	simm.s32 $0x70;
	s13 =	simm.s32 $0x400  }
0xd: {  	s6 =	sshrl.u32 s6, $0x3;
	s28 =	sadd.s32 s8, s2;
	s31 =	sshrl.u32 s30, $0x3  }
0xe: {  	s8 =	smax.u32 s11, $0x1;
	s11 =	simm.s32 $0x2;
	s14 =	sadd.s32 s6, s5  }
0xf: {  	s5 =	sadd.s32 $0xA7A00, s10;
	s6 =	sor.u32 $0x1C02, s29;
	s9 =	sadd.s32 s31, s9  }
0x10: {  	s10 =	sshrl.u32 s28, $0x3;
	s7 =	sadd.s32 $0xCFA00, s14;
	s14 =	simm.s32 $0x1  }
.LBB2_1:
0x11: {  	[spmem:s10], [sflag:s6] =	dma.local [hbm:s5], $0x2800  }
0x12: {  	_ =	swait.ge [sflag:s11], $0x2800  }
0x13: {  	[sflag:s11] =	ssyncset.done $0x0  }
0x14: {  	[sflag:s11] =	ssyncadd.s32 $0xFFFFD800  }
0x15: {  	s17 =	sadd.s32 $0x0, s9;
	[bflag:$0x0] =	sbarrier.arrive $0xFFFF  }
0x16: {  	[tilespmem:s3], [sflag:$0x2] =	stream.linear.gather [hbm4b:s17+s3], $0x100, $0x38;
	[tilespmem:$0x1B400] =	vst v63  }
0x17: {  	_ =	swait.ge [sflag:s11], $0x100  }
0x18: {  	[sflag:s11] =	ssyncset.done $0x0  }
0x19: {  	[sflag:s11] =	ssyncadd.s32 $0xFFFFFF00  }
0x1a: {  	[tilespmem:s13], [sflag:$0x1] =	stream.indirect.gather [hbm4b:s4+s12], $0x80, s3, s12, $0xb8;
	[tilespmem:$0x1B400] =	vst v63  }
0x1b: {  	_ =	swait.ge [sflag:s14], $0x3800  }
0x1c: {  	[sflag:s14] =	ssyncset.done $0x0  }
0x1d: {  	[sflag:s14] =	ssyncadd.s32 $0xFFFFC800  }
0x1e: {  	[spmem:s2] =	stream.indirect.scatter.add.f32 [tilespmem:s13], [sflag:$0x2], $0x80, s15, s12, $0xb8;
	[tilespmem:$0x1B400] =	vst v63  }
0x1f: {  	_ =	swait.ge [sflag:s11], $0x3800  }
0x20: {  	s18 =	simm.s32 $0x40;
	s17 =	simm.s32 $0x20;
	[sflag:s11] =	ssyncset.done $0x0  }
.LBB2_2:
0x21: {  	s19 =	sadd.s32 s17, s9  }
0x22: {  	[sflag:s11] =	ssyncadd.s32 $0xFFFFC800;
	s17 =	smov.u32 s18;
	s20 =	sadd.s32 $0x20, s18  }
0x23: {  	[tilespmem:s3], [sflag:$0x2] =	stream.linear.gather [hbm4b:s19+s3], $0x100, $0x38;
	[tilespmem:$0x1B400] =	vst v63  }
0x24: {  	p0 =	sne.s32 s18, $0xB20;
	_ =	swait.ge [sflag:s11], $0x100  }
0x25: {  	[sflag:s11] =	ssyncset.done $0x0  }
0x26: {  	[sflag:s11] =	ssyncadd.s32 $0xFFFFFF00  }
0x27: {  	[tilespmem:s13], [sflag:$0x1] =	stream.indirect.gather [hbm4b:s4+s12], $0x80, s3, s12, $0xb8;
	[tilespmem:$0x1B400] =	vst v63  }
0x28: {  	_ =	swait.ge [sflag:s14], $0x3800  }
.Ltmp0:
0x29: {  	[sflag:s14] =	ssyncset.done $0x0;
	(pc) =	sbr.rel @p0 .LBB2_2-.Ltmp0, $4  }
0x2a: {  	[sflag:s14] =	ssyncadd.s32 $0xFFFFC800  }
0x2b: {  	[spmem:s2] =	stream.indirect.scatter.add.f32 [tilespmem:s13], [sflag:$0x2], $0x80, s15, s12, $0xb8;
	[tilespmem:$0x1B400] =	vst v63  }
0x2c: {  	_ =	swait.ge [sflag:s11], $0x3800  }
0x2d: {  	s18 =	smov.u32 s20;
	[sflag:s11] =	ssyncset.done $0x0  }
0x2e: {  	s17 =	sadd.s32 s17, s9;
	[sflag:s11] =	ssyncadd.s32 $0xFFFFC800  }
0x2f: {  	[tilespmem:s3], [sflag:$0x2] =	stream.linear.gather [hbm4b:s17+s3], $0x100, $0x38;
	[tilespmem:$0x1B400] =	vst v63  }
0x30: {  	_ =	swait.ge [sflag:s11], $0x100  }
0x31: {  	[sflag:s11] =	ssyncset.done $0x0  }
0x32: {  	[sflag:s11] =	ssyncadd.s32 $0xFFFFFF00  }
0x33: {  	[tilespmem:s13], [sflag:$0x1] =	stream.indirect.gather [hbm4b:s4+s12], $0x80, s3, s12, $0xb8;
	[tilespmem:$0x1B400] =	vst v63  }
0x34: {  	_ =	swait.ge [sflag:s14], $0x3800  }
0x35: {  	[sflag:s14] =	ssyncset.done $0x0  }
0x36: {  	[sflag:s14] =	ssyncadd.s32 $0xFFFFC800  }
0x37: {  	[spmem:s2] =	stream.indirect.scatter.add.f32 [tilespmem:s13], [sflag:$0x2], $0x80, s15, s12, $0xb8;
	[tilespmem:$0x1B400] =	vst v63  }
0x38: {  	_ =	swait.ge [sflag:s11], $0x3800  }
0x39: {  	s16 =	sadd.s32 $0x1, s16;
	[sflag:s11] =	ssyncset.done $0x0  }
0x3a: {  	p0 =	sne.s32 s16, s8;
	[sflag:s11] =	ssyncadd.s32 $0xFFFFC800  }
.Ltmp1:
0x3b: {  	[bflag:$0x0] =	sbarrier.arrive $0xFFFF;
	(pc) =	sbr.rel @p0 .LBB2_1-.Ltmp1, $4  }
0x3c: {  	[hbm:s7], [sflag:s6] =	dma.local [spmem:s10], $0x2800  }
0x3d: {  	_ =	swait.ge [sflag:s11], $0x2800  }
0x3e: {  	[sflag:s11] =	ssyncset.done $0x0  }
0x3f: {  	[sflag:s11] =	ssyncadd.s32 $0xFFFFD800  }
0x40: {  	_ =	sfence.sel $0x180000  }
0x41: {  	[bflag:$0x0] =	sbarrier.arrive $0xFFFF  }
0x42: {  	p0 =	sne.s32 s1, $0x0;
	_ =	strace $0x90000059  }
0x43: {  	s0 =	sadd.s32 @!p0 $0x100000, s0;
	[bflag:$0x2] =	sbarrier.arrive $0xFFFF  }
0x44: {  	[sflag:s0] =	ssyncadd.tile.s32 @!p0 $0x1;
	_ =	shalt  }
.Lfunc_end2:
_tile_overlayer_lowered:
.L_overlay_start_2:
0x45: {  	(tag) =	ssettag $0x2  }
0x46: {  	s0 =	rddreg [dreg:$0x0];
	s2 =	stileid.u32  }
0x47: {  	s1 =	rddreg [dreg:$0x1];
	p0 =	sne.s32 s2, $0x0  }
0x48: {  	s3 =	rddreg [dreg:$0x2];
	[bflag:$0x3] =	sbarrier.arrive $0xFFFF;
	s2 =	simm.s32 @!p0 $0x1C02  }
0x49: {  	[timem:s3], [sflag:s2] =	dma.local @!p0 [hbm:s0], s1  }
0x4a: {  	s0 =	simm.s32 @!p0 $0x2  }
0x4b: {  	_ =	swait.ge @!p0 [sflag:s0], s1  }
0x4c: {  	s1 =	ssub.s32 @!p0 $0x0, s1;
	[sflag:s0] =	ssyncset.done @!p0 $0x0  }
0x4d: {  	[sflag:s0] =	ssyncadd.s32 @!p0 s1  }
0x4e: {  	[bflag:$0x3] =	sbarrier.arrive $0xFFFF  }
0x4f: {  	_ =	shalt  }

// kernel: kernel.45.cloned.1.call-start
scs
__scs_entry_jumppad:
0x0: {  	(pc) =	sbr.rel $0x88, $3  }
0x1: {  	(tag) =	ssettag $0x0;
	lr =	simm.s32 $0x1  }
0x2: {  	[smem:$0x3F9F] =	sst lr;
	_ =	strace $0xD0000000  }
0x3: {  	_ = 	snop  }
0x4: {  	_ = 	snop  }
0x5: {  	_ = 	snop  }
0x6: {  	_ = 	snop  }
0x7: {  	_ = 	snop  }
__scs_overlays_trampoline_lowered:
0x8: {  	[smem:$0x3FAE] =	sst s0  }
0x9: {  	[smem:$0x3FAF] =	sst s1  }
0xa: {  	[smem:$0x3FB0] =	sst s2  }
0xb: {  	[smem:$0x3FB1] =	sst s3  }
0xc: {  	[smem:$0x3FB2] =	sst s4  }
0xd: {  	[smem:$0x3FB3] =	sst s5  }
0xe: {  	[smem:$0x3FB4] =	sst s6  }
0xf: {  	[smem:$0x3FB5] =	sst s7  }
0x10: {  	[smem:$0x3FB6] =	sst s8  }
0x11: {  	[smem:$0x3FB7] =	sst s9;
	s0 =	simm.s32 @!p0 $0x0  }
0x12: {  	s1 =	sld [smem:$0x3F9D];
	s0 =	simm.s32 @p0 $0x1  }
0x13: {  	[smem:$0x3FB8] =	sst s0;
	s0 =	simm.s32 @!p1 $0x0  }
0x14: {  	s2 =	sld [smem:$0x3F9C];
	s0 =	simm.s32 @p1 $0x1  }
0x15: {  	[smem:$0x3FB9] =	sst s0;
	s0 =	simm.s32 @!p2 $0x0  }
0x16: {  	s3 =	sld [smem:$0x3FDB];
	s0 =	simm.s32 @p2 $0x1  }
0x17: {  	s4 =	simm.s32 $0x1BF5;
	[smem:$0x3FBB] =	sst s0  }
0x18: {  	s0 =	sld [smem:$0x3F9E];
	_ =	swait.ge [sflag:s4], $0x0  }
0x19: {  	s7 =	sld [smem:$0x3F9F]  }
0x1a: {  	s8 =	sadd.s32 $0xFFFFE003, lr  }
0x1b: {  	s9 =	sadd.s32 $0xFFFFFEF7, lr;
	s5 =	simm.s32 $0xFFFFFFFF;
	p2 =	slt.u32 s8, $0xFFFFF086  }
0x1c: {  	p1 =	slt.u32 s9, $0xF7A;
	s5 =	simm.s32 @!p2 $0x0  }
0x1d: {  	s5 =	simm.s32 @p1 $0x1;
	p0 =	seq.s32 s7, s2  }
0x1e: {  	s7 =	smul.u32 @!p0 $0xF7A, s2;
	p2 =	seq.s32 @!p0 s5, $0x0  }
0x1f: {  	s9 =	smul.u32 $0xF7A, s1;
	s8 =	simm.s32 @!p0 $0x1BF5;
	p2 =	por !p2, p0  }
0x20: {  	[sflag:s8] =	ssyncset.s32 @!p0 $0xFFFFF086;
	s6 =	sadd.s32 @!p0 s3, s7;
	s7 =	simm.s32 @!p0 $0x108  }
0x21: {  	s3 =	sadd.s32 s3, s9;
	s6 =	sadd.s32 @!p0 $0x88, s6;
	s7 =	simm.s32 @p2 $0x1082  }
0x22: {  	[simem:s7], [sflag:s8] =	dma.local @!p0 [hbm:s6], $0xF7A  }
0x23: {  	s9 =	sor.u32 $0xD0000000, s2;
	s6 =	simm.s32 $0x108;
	_ =	swait.ge @!p0 [sflag:s8], $0x0  }
0x24: {  	s3 =	sadd.s32 $0x88, s3;
	s6 =	simm.s32 @!p1 $0x1082;
	[sflag:s4] =	ssyncset.s32 $0xFFFFF086  }
0x25: {  	[simem:s6], [sflag:s4] =	dma.local [hbm:s3], $0xF7A  }
0x26: {  	[smem:$0x3F9F] =	sst s1;
	(tag) =	ssettag s2;
	_ =	strace s9  }
0x27: {  	s1 =	sld [smem:$0x3FAF]  }
0x28: {  	s2 =	sld [smem:$0x3FB0]  }
0x29: {  	s4 =	sld [smem:$0x3FB2]  }
0x2a: {  	p0 =	seq.s32 s5, $0x0;
	s5 =	sld [smem:$0x3FB3]  }
0x2b: {  	s6 =	sld [smem:$0x3FB4]  }
0x2c: {  	s7 =	sld [smem:$0x3FB5]  }
0x2d: {  	s3 =	simm.s32 $0x108;
	s8 =	sld [smem:$0x3FB6]  }
0x2e: {  	s3 =	simm.s32 @!p0 $0x1082;
	s9 =	sld [smem:$0x3FB7]  }
0x2f: {  	lr =	sadd.s32 s0, s3;
	s0 =	sld [smem:$0x3FAE]  }
0x30: {  	s3 =	sld [smem:$0x3FB1]  }
0x31: {  	[smem:$0x3FBA] =	sst s10  }
0x32: {  	s10 =	sld [smem:$0x3FB8];
	_ =	sdelay $0x3  }
0x33: {  	p0 =	seq.s32 s10, $0x1;
	s10 =	sld [smem:$0x3FBA];
	_ =	sdelay $0x3  }
0x34: {  	[smem:$0x3FBA] =	sst s10  }
0x35: {  	s10 =	sld [smem:$0x3FB9];
	_ =	sdelay $0x3  }
0x36: {  	p1 =	seq.s32 s10, $0x1;
	s10 =	sld [smem:$0x3FBA];
	_ =	sdelay $0x3  }
0x37: {  	[smem:$0x3FBA] =	sst s10  }
0x38: {  	s10 =	sld [smem:$0x3FBB]  }
0x39: {  	_ = 	snop;
	(pc) =	sbr.ind lr, $3  }
0x3a: {  	_ = 	snop  }
0x3b: {  	_ = 	snop  }
0x3c: {  	p2 =	seq.s32 s10, $0x1;
	s10 =	sld [smem:$0x3FBA]  }
0x3d: {  	_ =	shalt  }
0x3e: {  	_ =	shalt  }
0x3f: {  	_ =	shalt  }
0x40: {  	_ =	shalt  }
0x41: {  	_ =	shalt  }
0x42: {  	_ =	shalt  }
0x43: {  	_ =	shalt  }
0x44: {  	_ =	shalt  }
0x45: {  	_ =	shalt  }
0x46: {  	_ =	shalt  }
0x47: {  	_ =	shalt  }
0x48: {  	_ =	shalt  }
0x49: {  	_ =	shalt  }
0x4a: {  	_ =	shalt  }
0x4b: {  	_ =	shalt  }
0x4c: {  	_ =	shalt  }
0x4d: {  	_ =	shalt  }
0x4e: {  	_ =	shalt  }
0x4f: {  	_ =	shalt  }
0x50: {  	_ =	shalt  }
0x51: {  	_ =	shalt  }
0x52: {  	_ =	shalt  }
0x53: {  	_ =	shalt  }
0x54: {  	_ =	shalt  }
0x55: {  	_ =	shalt  }
0x56: {  	_ =	shalt  }
0x57: {  	_ =	shalt  }
0x58: {  	_ =	shalt  }
0x59: {  	_ =	shalt  }
0x5a: {  	_ =	shalt  }
0x5b: {  	_ =	shalt  }
0x5c: {  	_ =	shalt  }
0x5d: {  	_ =	shalt  }
0x5e: {  	_ =	shalt  }
0x5f: {  	_ =	shalt  }
0x60: {  	_ =	shalt  }
0x61: {  	_ =	shalt  }
0x62: {  	_ =	shalt  }
0x63: {  	_ =	shalt  }
0x64: {  	_ =	shalt  }
0x65: {  	_ =	shalt  }
0x66: {  	_ =	shalt  }
0x67: {  	_ =	shalt  }
0x68: {  	_ =	shalt  }
0x69: {  	_ =	shalt  }
0x6a: {  	_ =	shalt  }
0x6b: {  	_ =	shalt  }
0x6c: {  	_ =	shalt  }
0x6d: {  	_ =	shalt  }
0x6e: {  	_ =	shalt  }
0x6f: {  	_ =	shalt  }
0x70: {  	_ =	shalt  }
0x71: {  	_ =	shalt  }
0x72: {  	_ =	shalt  }
0x73: {  	_ =	shalt  }
0x74: {  	_ =	shalt  }
0x75: {  	_ =	shalt  }
0x76: {  	_ =	shalt  }
0x77: {  	_ =	shalt  }
0x78: {  	_ =	shalt  }
0x79: {  	_ =	shalt  }
0x7a: {  	_ =	shalt  }
0x7b: {  	_ =	shalt  }
0x7c: {  	_ =	shalt  }
0x7d: {  	_ =	shalt  }
0x7e: {  	_ =	shalt  }
0x7f: {  	_ =	shalt  }
0x80: {  	_ =	shalt  }
0x81: {  	_ =	shalt  }
0x82: {  	_ =	shalt  }
0x83: {  	_ =	shalt  }
0x84: {  	_ =	shalt  }
0x85: {  	_ =	shalt  }
0x86: {  	_ =	shalt  }
0x87: {  	_ =	shalt  }
.Lfunc_end0:
.L_simem_size_0:
called_computation.7_lowered:
.L_overlay_start_0:
0x88: {  	s2 =	sld [smem:$0x3FD9]  }
0x89: {  	s3 =	sld [smem:$0x3FFE];
	_ =	sdelay $0x1  }
0x8a: {  	s1 =	srdreg.scid  }
0x8b: {  	s0 =	sand.u32 $0x1, s1  }
0x8c: {  	s17 =	sshll.u32 s0, $0xA;
	s2 =	sadd.s32 s3, s2  }
0x8d: {  	s2 =	sadd.s32 s2, s17  }
0x8e: {  	[smem:$0x3FC6] =	sst s2  }
0x8f: {  	_ = 	snop  }
0x90: {  	s2 =	sld [smem:$0x3FD0];
	(tm) =	ssettm $0x1  }
0x91: {  	s18 =	sld [smem:$0x3FFB];
	_ =	sdelay $0x3  }
0x92: {  	_ =	strace s18  }
0x93: {  	s3 =	sld [smem:$0x3FFC];
	_ =	sdelay $0x3  }
0x94: {  	_ =	strace s3  }
0x95: {  	s3 =	sld [smem:$0x3FFD];
	_ =	sdelay $0x3  }
0x96: {  	_ =	strace s3  }
0x97: {  	_ =	strace $0x8FFFFFFF  }
0x98: {  	s19 =	sld [smem:$0x3FDB];
	_ =	sdelay $0x1  }
0x99: {  	s4 =	simm.s32 $_scs_section_size  }
0x9a: {  	s5 =	simm.s32 $_size__tile_overlayer_lowered;
	s6 =	simm.s32 $_tile_overlayer_lowered  }
0x9b: {  	s22 =	simm.s32 $0x1BFF;
	s21 =	sshll.u32 s6, $0x1;
	s3 =	sadd.s32 s4, s19  }
0x9c: {  	s7 =	simm.s32 $0x0;
	s20 =	sshll.u32 s5, $0x1;
	s5 =	sadd.s32 s21, s3  }
0x9d: {  	[timem:s7], [sflag:s22] =	dma.local [hbm:s5], s20  }
0x9e: {  	_ =	swait.ge [sflag:s22], s20  }
0x9f: {  	s4 =	ssub.s32 $0x0, s20;
	[sflag:s22] =	ssyncset.done $0x0  }
0xa0: {  	[sflag:s22] =	ssyncadd.s32 s4;
	_ =	sdelay $0x1  }
0xa1: {  	s23 =	simm.s32 $0x1B8B  }
0xa2: {  	_ =	swait.ge [sflag:s23], $0x1  }
0xa3: {  	[sflag:s23] =	ssyncset.done $0x0  }
0xa4: {  	s25 =	simm.s32 $0x1B8E;
	s24 =	sld [smem:$0x3FFE];
	[sflag:s23] =	ssyncadd.s32 $0xFFFFFFFF  }
0xa5: {  	s26 =	simm.s32 $execute0_lowered;
	[smem:$0x3FD2] =	sst s25  }
0xa6: {  	s5 =	sshll.u32 s26, $0x1;
	_ =	strace $0x8000005B;
	[dreg:$0x1] =	wrdreg $0xFFFFFFFF  }
0xa7: {  	s28 =	simm.s32 $_size_execute0_lowered;
	s3 =	sadd.s32 s3, s5;
	[dreg:$0x0] =	wrdreg $0x0  }
0xa8: {  	s5 =	sshll.u32 s28, $0x1;
	[dreg:$0x2] =	wrdreg s3  }
0xa9: {  	[dreg:$0x3] =	wrdreg s5  }
0xaa: {  	[dreg:$0x4] =	wrdreg $0xC0  }
0xab: {  	_ =	task [dreg:s7], $0x5FFFF  }
0xac: {  	[dreg:$0x1] =	wrdreg $0xFFFFFFFF  }
0xad: {  	[dreg:$0x0] =	wrdreg $0x60  }
0xae: {  	[dreg:$0x2] =	wrdreg s24  }
0xaf: {  	[dreg:$0x3] =	wrdreg s2  }
0xb0: {  	[dreg:$0x4] =	wrdreg $0x74000  }
0xb1: {  	[dreg:$0x5] =	wrdreg $0x9  }
0xb2: {  	_ =	task.clear_ibuf [dreg:s7], $0x6FFFF;
	_ =	strace $0x9000005B  }
0xb3: {  	s29 =	simm.s32 $0x9;
	_ =	strace $0x8000005D  }
0xb4: {  	_ =	swait.ge [sflag:s29], $0x1  }
0xb5: {  	[sflag:s29] =	ssyncadd.s32 $0xFFFFFFFF  }
0xb6: {  	_ =	strace $0x9000005D  }
0xb7: {  	_ =	sfence  }
0xb8: {  	s30 =	sld [smem:$0x0];
	_ =	sdelay $0x2  }
0xb9: {  	s31 =	sshll.u32 s1, $0xD;
	s1 =	sshrl.u32 s1, $0x2  }
0xba: {  	s3 =	sand.u32 $0x4000, s31;
	s1 =	sadd.s32 s1, s30  }
0xbb: {  	s0 =	sor.u32 s3, s0;
	s1 =	sshll.u32 s1, $0x11  }
0xbc: {  	s0 =	sor.u32 s1, s0  }
0xbd: {  	s0 =	sadd.s32 $0x8F2B, s0  }
0xbe: {  	[sflag:s0] =	ssyncadd.remote.s32 $0x1  }
0xbf: {  	_ =	sfence.sel $0xFFFF  }
0xc0: {  	[dreg:$0x0] =	wrdreg $0xFFFFFFFF;
	(pc) =	sbr.abs _section_cstart, $3  }
0xc1: {  	[dreg:$0x1] =	wrdreg $0xFFFFFFFF  }
0xc2: {  	_ =	task.clear_ibuf [dreg:s7], $0x2FFFF;
	_ =	strace $0x9FFFFFFF  }
0xc3: {  	(tm) =	ssettm $0x7FFFFFFF  }
tec
execute0_lowered:
.L_overlay_start_1:
0x0: {  	(tag) =	ssettag $0x1  }
0x1: {  	s5 =	rddreg [dreg:$0x0]  }
0x2: {  	s9 =	rddreg [dreg:$0x1]  }
0x3: {  	s2 =	rddreg [dreg:$0x2]  }
0x4: {  	s0 =	rddreg [dreg:$0x3];
	s1 =	stileid.u32  }
0x5: {  	s4 =	srdreg.scid;
	s3 =	simm.s32 $0x0;
	s6 =	smul.u32 $0x14000, s1  }
0x6: {  	s15 =	simm.s32 $0x80;
	s16 =	simm.s32 $0x0;
	s26 =	smul.u32 $0x50000, s1  }
0x7: {  	s7 =	sand.u32 $0x1, s4;
	[smem:$0x7FF] =	sst s3;
	s12 =	smul.u32 $0xB400, s1  }
0x8: {  	s4 =	sadd.s32 $0x7A00, s5;
	s29 =	sshll.u32 s1, $0x6;
	s8 =	smul.u32 $0x140000, s7  }
0x9: {  	_ =	strace $0x8000005C;
	s11 =	ssub.s32 $0x2, s7;
	s10 =	sshrl.u32 s6, $0x3  }
0xa: {  	s7 =	smul.u32 $0x5A00, s7;
	s13 =	sshrl.u32 s11, $0x1;
	s10 =	sadd.s32 s10, s5  }
0xb: {  	s6 =	sadd.s32 s6, s8;
	s8 =	sshrl.u32 s26, $0x2;
	s11 =	ssub.s32 s11, s13  }
0xc: {  	s30 =	sadd.s32 s7, s12;
	s12 =	simm.s32 $0x70;
	s13 =	simm.s32 $0x400  }
0xd: {  	s6 =	sshrl.u32 s6, $0x3;
	s28 =	sadd.s32 s8, s2;
	s31 =	sshrl.u32 s30, $0x3  }
0xe: {  	s8 =	smax.u32 s11, $0x1;
	s11 =	simm.s32 $0x2;
	s14 =	sadd.s32 s6, s5  }
0xf: {  	s5 =	sadd.s32 $0xA7A00, s10;
	s6 =	sor.u32 $0x1C02, s29;
	s9 =	sadd.s32 s31, s9  }
0x10: {  	s10 =	sshrl.u32 s28, $0x3;
	s7 =	sadd.s32 $0xCFA00, s14;
	s14 =	simm.s32 $0x1  }
.LBB2_1:
0x11: {  	[spmem:s10], [sflag:s6] =	dma.local [hbm:s5], $0x2800  }
0x12: {  	_ =	swait.ge [sflag:s11], $0x2800  }
0x13: {  	[sflag:s11] =	ssyncset.done $0x0  }
0x14: {  	[sflag:s11] =	ssyncadd.s32 $0xFFFFD800  }
0x15: {  	s17 =	sadd.s32 $0x0, s9;
	[bflag:$0x0] =	sbarrier.arrive $0xFFFF  }
0x16: {  	[tilespmem:s3], [sflag:$0x2] =	stream.linear.gather [hbm4b:s17+s3], $0x100, $0x38;
	[tilespmem:$0x1B400] =	vst v63  }
0x17: {  	_ =	swait.ge [sflag:s11], $0x100  }
0x18: {  	[sflag:s11] =	ssyncset.done $0x0  }
0x19: {  	[sflag:s11] =	ssyncadd.s32 $0xFFFFFF00  }
0x1a: {  	[tilespmem:s13], [sflag:$0x1] =	stream.indirect.gather [hbm4b:s4+s12], $0x80, s3, s12, $0xb8;
	[tilespmem:$0x1B400] =	vst v63  }
0x1b: {  	_ =	swait.ge [sflag:s14], $0x3800  }
0x1c: {  	[sflag:s14] =	ssyncset.done $0x0  }
0x1d: {  	[sflag:s14] =	ssyncadd.s32 $0xFFFFC800  }
0x1e: {  	[spmem:s2] =	stream.indirect.scatter.add.f32 [tilespmem:s13], [sflag:$0x2], $0x80, s15, s12, $0xb8;
	[tilespmem:$0x1B400] =	vst v63  }
0x1f: {  	_ =	swait.ge [sflag:s11], $0x3800  }
0x20: {  	s18 =	simm.s32 $0x40;
	s17 =	simm.s32 $0x20;
	[sflag:s11] =	ssyncset.done $0x0  }
.LBB2_2:
0x21: {  	s19 =	sadd.s32 s17, s9  }
0x22: {  	[sflag:s11] =	ssyncadd.s32 $0xFFFFC800;
	s17 =	smov.u32 s18;
	s20 =	sadd.s32 $0x20, s18  }
0x23: {  	[tilespmem:s3], [sflag:$0x2] =	stream.linear.gather [hbm4b:s19+s3], $0x100, $0x38;
	[tilespmem:$0x1B400] =	vst v63  }
0x24: {  	p0 =	sne.s32 s18, $0xB20;
	_ =	swait.ge [sflag:s11], $0x100  }
0x25: {  	[sflag:s11] =	ssyncset.done $0x0  }
0x26: {  	[sflag:s11] =	ssyncadd.s32 $0xFFFFFF00  }
0x27: {  	[tilespmem:s13], [sflag:$0x1] =	stream.indirect.gather [hbm4b:s4+s12], $0x80, s3, s12, $0xb8;
	[tilespmem:$0x1B400] =	vst v63  }
0x28: {  	_ =	swait.ge [sflag:s14], $0x3800  }
.Ltmp0:
0x29: {  	[sflag:s14] =	ssyncset.done $0x0;
	(pc) =	sbr.rel @p0 .LBB2_2-.Ltmp0, $4  }
0x2a: {  	[sflag:s14] =	ssyncadd.s32 $0xFFFFC800  }
0x2b: {  	[spmem:s2] =	stream.indirect.scatter.add.f32 [tilespmem:s13], [sflag:$0x2], $0x80, s15, s12, $0xb8;
	[tilespmem:$0x1B400] =	vst v63  }
0x2c: {  	_ =	swait.ge [sflag:s11], $0x3800  }
0x2d: {  	s18 =	smov.u32 s20;
	[sflag:s11] =	ssyncset.done $0x0  }
0x2e: {  	s17 =	sadd.s32 s17, s9;
	[sflag:s11] =	ssyncadd.s32 $0xFFFFC800  }
0x2f: {  	[tilespmem:s3], [sflag:$0x2] =	stream.linear.gather [hbm4b:s17+s3], $0x100, $0x38;
	[tilespmem:$0x1B400] =	vst v63  }
0x30: {  	_ =	swait.ge [sflag:s11], $0x100  }
0x31: {  	[sflag:s11] =	ssyncset.done $0x0  }
0x32: {  	[sflag:s11] =	ssyncadd.s32 $0xFFFFFF00  }
0x33: {  	[tilespmem:s13], [sflag:$0x1] =	stream.indirect.gather [hbm4b:s4+s12], $0x80, s3, s12, $0xb8;
	[tilespmem:$0x1B400] =	vst v63  }
0x34: {  	_ =	swait.ge [sflag:s14], $0x3800  }
0x35: {  	[sflag:s14] =	ssyncset.done $0x0  }
0x36: {  	[sflag:s14] =	ssyncadd.s32 $0xFFFFC800  }
0x37: {  	[spmem:s2] =	stream.indirect.scatter.add.f32 [tilespmem:s13], [sflag:$0x2], $0x80, s15, s12, $0xb8;
	[tilespmem:$0x1B400] =	vst v63  }
0x38: {  	_ =	swait.ge [sflag:s11], $0x3800  }
0x39: {  	s16 =	sadd.s32 $0x1, s16;
	[sflag:s11] =	ssyncset.done $0x0  }
0x3a: {  	p0 =	sne.s32 s16, s8;
	[sflag:s11] =	ssyncadd.s32 $0xFFFFC800  }
.Ltmp1:
0x3b: {  	[bflag:$0x0] =	sbarrier.arrive $0xFFFF;
	(pc) =	sbr.rel @p0 .LBB2_1-.Ltmp1, $4  }
0x3c: {  	[hbm:s7], [sflag:s6] =	dma.local [spmem:s10], $0x2800  }
0x3d: {  	_ =	swait.ge [sflag:s11], $0x2800  }
0x3e: {  	[sflag:s11] =	ssyncset.done $0x0  }
0x3f: {  	[sflag:s11] =	ssyncadd.s32 $0xFFFFD800  }
0x40: {  	_ =	sfence.sel $0x180000  }
0x41: {  	[bflag:$0x0] =	sbarrier.arrive $0xFFFF  }
0x42: {  	p0 =	sne.s32 s1, $0x0;
	_ =	strace $0x9000005C  }
0x43: {  	s0 =	sadd.s32 @!p0 $0x100000, s0;
	[bflag:$0x2] =	sbarrier.arrive $0xFFFF  }
0x44: {  	[sflag:s0] =	ssyncadd.tile.s32 @!p0 $0x1;
	_ =	shalt  }
.Lfunc_end2:
_tile_overlayer_lowered:
.L_overlay_start_2:
0x45: {  	(tag) =	ssettag $0x2  }
0x46: {  	s0 =	rddreg [dreg:$0x0];
	s2 =	stileid.u32  }
0x47: {  	s1 =	rddreg [dreg:$0x1];
	p0 =	sne.s32 s2, $0x0  }
0x48: {  	s3 =	rddreg [dreg:$0x2];
	[bflag:$0x3] =	sbarrier.arrive $0xFFFF;
	s2 =	simm.s32 @!p0 $0x1C02  }
0x49: {  	[timem:s3], [sflag:s2] =	dma.local @!p0 [hbm:s0], s1  }
0x4a: {  	s0 =	simm.s32 @!p0 $0x2  }
0x4b: {  	_ =	swait.ge @!p0 [sflag:s0], s1  }
0x4c: {  	s1 =	ssub.s32 @!p0 $0x0, s1;
	[sflag:s0] =	ssyncset.done @!p0 $0x0  }
0x4d: {  	[sflag:s0] =	ssyncadd.s32 @!p0 s1  }
0x4e: {  	[bflag:$0x3] =	sbarrier.arrive $0xFFFF  }
0x4f: {  	_ =	shalt  }

// kernel: kernel.48.cloned.1.call-start
scs
__scs_entry_jumppad:
0x0: {  	(pc) =	sbr.rel $0x88, $3  }
0x1: {  	(tag) =	ssettag $0x0;
	lr =	simm.s32 $0x1  }
0x2: {  	[smem:$0x3F9F] =	sst lr;
	_ =	strace $0xD0000000  }
0x3: {  	_ = 	snop  }
0x4: {  	_ = 	snop  }
0x5: {  	_ = 	snop  }
0x6: {  	_ = 	snop  }
0x7: {  	_ = 	snop  }
__scs_overlays_trampoline_lowered:
0x8: {  	[smem:$0x3FAE] =	sst s0  }
0x9: {  	[smem:$0x3FAF] =	sst s1  }
0xa: {  	[smem:$0x3FB0] =	sst s2  }
0xb: {  	[smem:$0x3FB1] =	sst s3  }
0xc: {  	[smem:$0x3FB2] =	sst s4  }
0xd: {  	[smem:$0x3FB3] =	sst s5  }
0xe: {  	[smem:$0x3FB4] =	sst s6  }
0xf: {  	[smem:$0x3FB5] =	sst s7  }
0x10: {  	[smem:$0x3FB6] =	sst s8  }
0x11: {  	[smem:$0x3FB7] =	sst s9;
	s0 =	simm.s32 @!p0 $0x0  }
0x12: {  	s1 =	sld [smem:$0x3F9D];
	s0 =	simm.s32 @p0 $0x1  }
0x13: {  	[smem:$0x3FB8] =	sst s0;
	s0 =	simm.s32 @!p1 $0x0  }
0x14: {  	s2 =	sld [smem:$0x3F9C];
	s0 =	simm.s32 @p1 $0x1  }
0x15: {  	[smem:$0x3FB9] =	sst s0;
	s0 =	simm.s32 @!p2 $0x0  }
0x16: {  	s3 =	sld [smem:$0x3FDB];
	s0 =	simm.s32 @p2 $0x1  }
0x17: {  	s4 =	simm.s32 $0x1BF5;
	[smem:$0x3FBB] =	sst s0  }
0x18: {  	s0 =	sld [smem:$0x3F9E];
	_ =	swait.ge [sflag:s4], $0x0  }
0x19: {  	s7 =	sld [smem:$0x3F9F]  }
0x1a: {  	s8 =	sadd.s32 $0xFFFFE003, lr  }
0x1b: {  	s9 =	sadd.s32 $0xFFFFFEF7, lr;
	s5 =	simm.s32 $0xFFFFFFFF;
	p2 =	slt.u32 s8, $0xFFFFF086  }
0x1c: {  	p1 =	slt.u32 s9, $0xF7A;
	s5 =	simm.s32 @!p2 $0x0  }
0x1d: {  	s5 =	simm.s32 @p1 $0x1;
	p0 =	seq.s32 s7, s2  }
0x1e: {  	s7 =	smul.u32 @!p0 $0xF7A, s2;
	p2 =	seq.s32 @!p0 s5, $0x0  }
0x1f: {  	s9 =	smul.u32 $0xF7A, s1;
	s8 =	simm.s32 @!p0 $0x1BF5;
	p2 =	por !p2, p0  }
0x20: {  	[sflag:s8] =	ssyncset.s32 @!p0 $0xFFFFF086;
	s6 =	sadd.s32 @!p0 s3, s7;
	s7 =	simm.s32 @!p0 $0x108  }
0x21: {  	s3 =	sadd.s32 s3, s9;
	s6 =	sadd.s32 @!p0 $0x88, s6;
	s7 =	simm.s32 @p2 $0x1082  }
0x22: {  	[simem:s7], [sflag:s8] =	dma.local @!p0 [hbm:s6], $0xF7A  }
0x23: {  	s9 =	sor.u32 $0xD0000000, s2;
	s6 =	simm.s32 $0x108;
	_ =	swait.ge @!p0 [sflag:s8], $0x0  }
0x24: {  	s3 =	sadd.s32 $0x88, s3;
	s6 =	simm.s32 @!p1 $0x1082;
	[sflag:s4] =	ssyncset.s32 $0xFFFFF086  }
0x25: {  	[simem:s6], [sflag:s4] =	dma.local [hbm:s3], $0xF7A  }
0x26: {  	[smem:$0x3F9F] =	sst s1;
	(tag) =	ssettag s2;
	_ =	strace s9  }
0x27: {  	s1 =	sld [smem:$0x3FAF]  }
0x28: {  	s2 =	sld [smem:$0x3FB0]  }
0x29: {  	s4 =	sld [smem:$0x3FB2]  }
0x2a: {  	p0 =	seq.s32 s5, $0x0;
	s5 =	sld [smem:$0x3FB3]  }
0x2b: {  	s6 =	sld [smem:$0x3FB4]  }
0x2c: {  	s7 =	sld [smem:$0x3FB5]  }
0x2d: {  	s3 =	simm.s32 $0x108;
	s8 =	sld [smem:$0x3FB6]  }
0x2e: {  	s3 =	simm.s32 @!p0 $0x1082;
	s9 =	sld [smem:$0x3FB7]  }
0x2f: {  	lr =	sadd.s32 s0, s3;
	s0 =	sld [smem:$0x3FAE]  }
0x30: {  	s3 =	sld [smem:$0x3FB1]  }
0x31: {  	[smem:$0x3FBA] =	sst s10  }
0x32: {  	s10 =	sld [smem:$0x3FB8];
	_ =	sdelay $0x3  }
0x33: {  	p0 =	seq.s32 s10, $0x1;
	s10 =	sld [smem:$0x3FBA];
	_ =	sdelay $0x3  }
0x34: {  	[smem:$0x3FBA] =	sst s10  }
0x35: {  	s10 =	sld [smem:$0x3FB9];
	_ =	sdelay $0x3  }
0x36: {  	p1 =	seq.s32 s10, $0x1;
	s10 =	sld [smem:$0x3FBA];
	_ =	sdelay $0x3  }
0x37: {  	[smem:$0x3FBA] =	sst s10  }
0x38: {  	s10 =	sld [smem:$0x3FBB]  }
0x39: {  	_ = 	snop;
	(pc) =	sbr.ind lr, $3  }
0x3a: {  	_ = 	snop  }
0x3b: {  	_ = 	snop  }
0x3c: {  	p2 =	seq.s32 s10, $0x1;
	s10 =	sld [smem:$0x3FBA]  }
0x3d: {  	_ =	shalt  }
0x3e: {  	_ =	shalt  }
0x3f: {  	_ =	shalt  }
0x40: {  	_ =	shalt  }
0x41: {  	_ =	shalt  }
0x42: {  	_ =	shalt  }
0x43: {  	_ =	shalt  }
0x44: {  	_ =	shalt  }
0x45: {  	_ =	shalt  }
0x46: {  	_ =	shalt  }
0x47: {  	_ =	shalt  }
0x48: {  	_ =	shalt  }
0x49: {  	_ =	shalt  }
0x4a: {  	_ =	shalt  }
0x4b: {  	_ =	shalt  }
0x4c: {  	_ =	shalt  }
0x4d: {  	_ =	shalt  }
0x4e: {  	_ =	shalt  }
0x4f: {  	_ =	shalt  }
0x50: {  	_ =	shalt  }
0x51: {  	_ =	shalt  }
0x52: {  	_ =	shalt  }
0x53: {  	_ =	shalt  }
0x54: {  	_ =	shalt  }
0x55: {  	_ =	shalt  }
0x56: {  	_ =	shalt  }
0x57: {  	_ =	shalt  }
0x58: {  	_ =	shalt  }
0x59: {  	_ =	shalt  }
0x5a: {  	_ =	shalt  }
0x5b: {  	_ =	shalt  }
0x5c: {  	_ =	shalt  }
0x5d: {  	_ =	shalt  }
0x5e: {  	_ =	shalt  }
0x5f: {  	_ =	shalt  }
0x60: {  	_ =	shalt  }
0x61: {  	_ =	shalt  }
0x62: {  	_ =	shalt  }
0x63: {  	_ =	shalt  }
0x64: {  	_ =	shalt  }
0x65: {  	_ =	shalt  }
0x66: {  	_ =	shalt  }
0x67: {  	_ =	shalt  }
0x68: {  	_ =	shalt  }
0x69: {  	_ =	shalt  }
0x6a: {  	_ =	shalt  }
0x6b: {  	_ =	shalt  }
0x6c: {  	_ =	shalt  }
0x6d: {  	_ =	shalt  }
0x6e: {  	_ =	shalt  }
0x6f: {  	_ =	shalt  }
0x70: {  	_ =	shalt  }
0x71: {  	_ =	shalt  }
0x72: {  	_ =	shalt  }
0x73: {  	_ =	shalt  }
0x74: {  	_ =	shalt  }
0x75: {  	_ =	shalt  }
0x76: {  	_ =	shalt  }
0x77: {  	_ =	shalt  }
0x78: {  	_ =	shalt  }
0x79: {  	_ =	shalt  }
0x7a: {  	_ =	shalt  }
0x7b: {  	_ =	shalt  }
0x7c: {  	_ =	shalt  }
0x7d: {  	_ =	shalt  }
0x7e: {  	_ =	shalt  }
0x7f: {  	_ =	shalt  }
0x80: {  	_ =	shalt  }
0x81: {  	_ =	shalt  }
0x82: {  	_ =	shalt  }
0x83: {  	_ =	shalt  }
0x84: {  	_ =	shalt  }
0x85: {  	_ =	shalt  }
0x86: {  	_ =	shalt  }
0x87: {  	_ =	shalt  }
.Lfunc_end0:
.L_simem_size_0:
called_computation.8_lowered:
.L_overlay_start_0:
0x88: {  	s2 =	sld [smem:$0x3FD9]  }
0x89: {  	s3 =	sld [smem:$0x3FFE];
	_ =	sdelay $0x1  }
0x8a: {  	s1 =	srdreg.scid  }
0x8b: {  	s0 =	sand.u32 $0x1, s1  }
0x8c: {  	s17 =	sshll.u32 s0, $0xA;
	s2 =	sadd.s32 s3, s2  }
0x8d: {  	s2 =	sadd.s32 s2, s17  }
0x8e: {  	[smem:$0x3FC6] =	sst s2  }
0x8f: {  	_ = 	snop  }
0x90: {  	s2 =	sld [smem:$0x3FD0];
	(tm) =	ssettm $0x1  }
0x91: {  	s18 =	sld [smem:$0x3FFB];
	_ =	sdelay $0x3  }
0x92: {  	_ =	strace s18  }
0x93: {  	s3 =	sld [smem:$0x3FFC];
	_ =	sdelay $0x3  }
0x94: {  	_ =	strace s3  }
0x95: {  	s3 =	sld [smem:$0x3FFD];
	_ =	sdelay $0x3  }
0x96: {  	_ =	strace s3  }
0x97: {  	_ =	strace $0x8FFFFFFF  }
0x98: {  	s19 =	sld [smem:$0x3FDB];
	_ =	sdelay $0x1  }
0x99: {  	s4 =	simm.s32 $_scs_section_size  }
0x9a: {  	s5 =	simm.s32 $_size__tile_overlayer_lowered;
	s6 =	simm.s32 $_tile_overlayer_lowered  }
0x9b: {  	s22 =	simm.s32 $0x1BFF;
	s21 =	sshll.u32 s6, $0x1;
	s3 =	sadd.s32 s4, s19  }
0x9c: {  	s7 =	simm.s32 $0x0;
	s20 =	sshll.u32 s5, $0x1;
	s5 =	sadd.s32 s21, s3  }
0x9d: {  	[timem:s7], [sflag:s22] =	dma.local [hbm:s5], s20  }
0x9e: {  	_ =	swait.ge [sflag:s22], s20  }
0x9f: {  	s4 =	ssub.s32 $0x0, s20;
	[sflag:s22] =	ssyncset.done $0x0  }
0xa0: {  	[sflag:s22] =	ssyncadd.s32 s4;
	_ =	sdelay $0x1  }
0xa1: {  	s23 =	simm.s32 $0x1B8B  }
0xa2: {  	_ =	swait.ge [sflag:s23], $0x1  }
0xa3: {  	[sflag:s23] =	ssyncset.done $0x0  }
0xa4: {  	s25 =	simm.s32 $0x1B8E;
	s24 =	sld [smem:$0x3FFE];
	[sflag:s23] =	ssyncadd.s32 $0xFFFFFFFF  }
0xa5: {  	s26 =	simm.s32 $execute0_lowered;
	[smem:$0x3FD2] =	sst s25  }
0xa6: {  	s5 =	sshll.u32 s26, $0x1;
	_ =	strace $0x8000005E;
	[dreg:$0x1] =	wrdreg $0xFFFFFFFF  }
0xa7: {  	s28 =	simm.s32 $_size_execute0_lowered;
	s3 =	sadd.s32 s3, s5;
	[dreg:$0x0] =	wrdreg $0x0  }
0xa8: {  	s5 =	sshll.u32 s28, $0x1;
	[dreg:$0x2] =	wrdreg s3  }
0xa9: {  	[dreg:$0x3] =	wrdreg s5  }
0xaa: {  	[dreg:$0x4] =	wrdreg $0xC0  }
0xab: {  	_ =	task [dreg:s7], $0x5FFFF  }
0xac: {  	[dreg:$0x1] =	wrdreg $0xFFFFFFFF  }
0xad: {  	[dreg:$0x0] =	wrdreg $0x60  }
0xae: {  	[dreg:$0x2] =	wrdreg s24  }
0xaf: {  	[dreg:$0x3] =	wrdreg s2  }
0xb0: {  	[dreg:$0x4] =	wrdreg $0x74000  }
0xb1: {  	[dreg:$0x5] =	wrdreg $0x9  }
0xb2: {  	_ =	task.clear_ibuf [dreg:s7], $0x6FFFF;
	_ =	strace $0x9000005E  }
0xb3: {  	s29 =	simm.s32 $0x9;
	_ =	strace $0x80000060  }
0xb4: {  	_ =	swait.ge [sflag:s29], $0x1  }
0xb5: {  	[sflag:s29] =	ssyncadd.s32 $0xFFFFFFFF  }
0xb6: {  	_ =	strace $0x90000060  }
0xb7: {  	_ =	sfence  }
0xb8: {  	s30 =	sld [smem:$0x0];
	_ =	sdelay $0x2  }
0xb9: {  	s31 =	sshll.u32 s1, $0xD;
	s1 =	sshrl.u32 s1, $0x2  }
0xba: {  	s3 =	sand.u32 $0x4000, s31;
	s1 =	sadd.s32 s1, s30  }
0xbb: {  	s0 =	sor.u32 s3, s0;
	s1 =	sshll.u32 s1, $0x11  }
0xbc: {  	s0 =	sor.u32 s1, s0  }
0xbd: {  	s0 =	sadd.s32 $0x8F2B, s0  }
0xbe: {  	[sflag:s0] =	ssyncadd.remote.s32 $0x1  }
0xbf: {  	_ =	sfence.sel $0xFFFF  }
0xc0: {  	[dreg:$0x0] =	wrdreg $0xFFFFFFFF;
	(pc) =	sbr.abs _section_cstart, $3  }
0xc1: {  	[dreg:$0x1] =	wrdreg $0xFFFFFFFF  }
0xc2: {  	_ =	task.clear_ibuf [dreg:s7], $0x2FFFF;
	_ =	strace $0x9FFFFFFF  }
0xc3: {  	(tm) =	ssettm $0x7FFFFFFF  }
tec
execute0_lowered:
.L_overlay_start_1:
0x0: {  	(tag) =	ssettag $0x1  }
0x1: {  	s5 =	rddreg [dreg:$0x0]  }
0x2: {  	s9 =	rddreg [dreg:$0x1]  }
0x3: {  	s2 =	rddreg [dreg:$0x2]  }
0x4: {  	s0 =	rddreg [dreg:$0x3];
	s1 =	stileid.u32  }
0x5: {  	s4 =	srdreg.scid;
	s3 =	simm.s32 $0x0;
	s6 =	smul.u32 $0x14000, s1  }
0x6: {  	s15 =	simm.s32 $0x80;
	s16 =	simm.s32 $0x0;
	s26 =	smul.u32 $0x50000, s1  }
0x7: {  	s7 =	sand.u32 $0x1, s4;
	[smem:$0x7FF] =	sst s3;
	s12 =	smul.u32 $0xB400, s1  }
0x8: {  	s4 =	sadd.s32 $0x7A00, s5;
	s29 =	sshll.u32 s1, $0x6;
	s8 =	smul.u32 $0x140000, s7  }
0x9: {  	_ =	strace $0x8000005F;
	s11 =	ssub.s32 $0x2, s7;
	s10 =	sshrl.u32 s6, $0x3  }
0xa: {  	s7 =	smul.u32 $0x5A00, s7;
	s13 =	sshrl.u32 s11, $0x1;
	s10 =	sadd.s32 s10, s5  }
0xb: {  	s6 =	sadd.s32 s6, s8;
	s8 =	sshrl.u32 s26, $0x2;
	s11 =	ssub.s32 s11, s13  }
0xc: {  	s30 =	sadd.s32 s7, s12;
	s12 =	simm.s32 $0x70;
	s13 =	simm.s32 $0x400  }
0xd: {  	s6 =	sshrl.u32 s6, $0x3;
	s28 =	sadd.s32 s8, s2;
	s31 =	sshrl.u32 s30, $0x3  }
0xe: {  	s8 =	smax.u32 s11, $0x1;
	s11 =	simm.s32 $0x2;
	s14 =	sadd.s32 s6, s5  }
0xf: {  	s5 =	sadd.s32 $0xA7A00, s10;
	s6 =	sor.u32 $0x1C02, s29;
	s9 =	sadd.s32 s31, s9  }
0x10: {  	s10 =	sshrl.u32 s28, $0x3;
	s7 =	sadd.s32 $0xCFA00, s14;
	s14 =	simm.s32 $0x1  }
.LBB2_1:
0x11: {  	[spmem:s10], [sflag:s6] =	dma.local [hbm:s5], $0x2800  }
0x12: {  	_ =	swait.ge [sflag:s11], $0x2800  }
0x13: {  	[sflag:s11] =	ssyncset.done $0x0  }
0x14: {  	[sflag:s11] =	ssyncadd.s32 $0xFFFFD800  }
0x15: {  	s17 =	sadd.s32 $0x0, s9;
	[bflag:$0x0] =	sbarrier.arrive $0xFFFF  }
0x16: {  	[tilespmem:s3], [sflag:$0x2] =	stream.linear.gather [hbm4b:s17+s3], $0x100, $0x38;
	[tilespmem:$0x1B400] =	vst v63  }
0x17: {  	_ =	swait.ge [sflag:s11], $0x100  }
0x18: {  	[sflag:s11] =	ssyncset.done $0x0  }
0x19: {  	[sflag:s11] =	ssyncadd.s32 $0xFFFFFF00  }
0x1a: {  	[tilespmem:s13], [sflag:$0x1] =	stream.indirect.gather [hbm4b:s4+s12], $0x80, s3, s12, $0xb8;
	[tilespmem:$0x1B400] =	vst v63  }
0x1b: {  	_ =	swait.ge [sflag:s14], $0x3800  }
0x1c: {  	[sflag:s14] =	ssyncset.done $0x0  }
0x1d: {  	[sflag:s14] =	ssyncadd.s32 $0xFFFFC800  }
0x1e: {  	[spmem:s2] =	stream.indirect.scatter.add.f32 [tilespmem:s13], [sflag:$0x2], $0x80, s15, s12, $0xb8;
	[tilespmem:$0x1B400] =	vst v63  }
0x1f: {  	_ =	swait.ge [sflag:s11], $0x3800  }
0x20: {  	s18 =	simm.s32 $0x40;
	s17 =	simm.s32 $0x20;
	[sflag:s11] =	ssyncset.done $0x0  }
.LBB2_2:
0x21: {  	s19 =	sadd.s32 s17, s9  }
0x22: {  	[sflag:s11] =	ssyncadd.s32 $0xFFFFC800;
	s17 =	smov.u32 s18;
	s20 =	sadd.s32 $0x20, s18  }
0x23: {  	[tilespmem:s3], [sflag:$0x2] =	stream.linear.gather [hbm4b:s19+s3], $0x100, $0x38;
	[tilespmem:$0x1B400] =	vst v63  }
0x24: {  	p0 =	sne.s32 s18, $0xB20;
	_ =	swait.ge [sflag:s11], $0x100  }
0x25: {  	[sflag:s11] =	ssyncset.done $0x0  }
0x26: {  	[sflag:s11] =	ssyncadd.s32 $0xFFFFFF00  }
0x27: {  	[tilespmem:s13], [sflag:$0x1] =	stream.indirect.gather [hbm4b:s4+s12], $0x80, s3, s12, $0xb8;
	[tilespmem:$0x1B400] =	vst v63  }
0x28: {  	_ =	swait.ge [sflag:s14], $0x3800  }
.Ltmp0:
0x29: {  	[sflag:s14] =	ssyncset.done $0x0;
	(pc) =	sbr.rel @p0 .LBB2_2-.Ltmp0, $4  }
0x2a: {  	[sflag:s14] =	ssyncadd.s32 $0xFFFFC800  }
0x2b: {  	[spmem:s2] =	stream.indirect.scatter.add.f32 [tilespmem:s13], [sflag:$0x2], $0x80, s15, s12, $0xb8;
	[tilespmem:$0x1B400] =	vst v63  }
0x2c: {  	_ =	swait.ge [sflag:s11], $0x3800  }
0x2d: {  	s18 =	smov.u32 s20;
	[sflag:s11] =	ssyncset.done $0x0  }
0x2e: {  	s17 =	sadd.s32 s17, s9;
	[sflag:s11] =	ssyncadd.s32 $0xFFFFC800  }
0x2f: {  	[tilespmem:s3], [sflag:$0x2] =	stream.linear.gather [hbm4b:s17+s3], $0x100, $0x38;
	[tilespmem:$0x1B400] =	vst v63  }
0x30: {  	_ =	swait.ge [sflag:s11], $0x100  }
0x31: {  	[sflag:s11] =	ssyncset.done $0x0  }
0x32: {  	[sflag:s11] =	ssyncadd.s32 $0xFFFFFF00  }
0x33: {  	[tilespmem:s13], [sflag:$0x1] =	stream.indirect.gather [hbm4b:s4+s12], $0x80, s3, s12, $0xb8;
	[tilespmem:$0x1B400] =	vst v63  }
0x34: {  	_ =	swait.ge [sflag:s14], $0x3800  }
0x35: {  	[sflag:s14] =	ssyncset.done $0x0  }
0x36: {  	[sflag:s14] =	ssyncadd.s32 $0xFFFFC800  }
0x37: {  	[spmem:s2] =	stream.indirect.scatter.add.f32 [tilespmem:s13], [sflag:$0x2], $0x80, s15, s12, $0xb8;
	[tilespmem:$0x1B400] =	vst v63  }
0x38: {  	_ =	swait.ge [sflag:s11], $0x3800  }
0x39: {  	s16 =	sadd.s32 $0x1, s16;
	[sflag:s11] =	ssyncset.done $0x0  }
0x3a: {  	p0 =	sne.s32 s16, s8;
	[sflag:s11] =	ssyncadd.s32 $0xFFFFC800  }
.Ltmp1:
0x3b: {  	[bflag:$0x0] =	sbarrier.arrive $0xFFFF;
	(pc) =	sbr.rel @p0 .LBB2_1-.Ltmp1, $4  }
0x3c: {  	[hbm:s7], [sflag:s6] =	dma.local [spmem:s10], $0x2800  }
0x3d: {  	_ =	swait.ge [sflag:s11], $0x2800  }
0x3e: {  	[sflag:s11] =	ssyncset.done $0x0  }
0x3f: {  	[sflag:s11] =	ssyncadd.s32 $0xFFFFD800  }
0x40: {  	_ =	sfence.sel $0x180000  }
0x41: {  	[bflag:$0x0] =	sbarrier.arrive $0xFFFF  }
0x42: {  	p0 =	sne.s32 s1, $0x0;
	_ =	strace $0x9000005F  }
0x43: {  	s0 =	sadd.s32 @!p0 $0x100000, s0;
	[bflag:$0x2] =	sbarrier.arrive $0xFFFF  }
0x44: {  	[sflag:s0] =	ssyncadd.tile.s32 @!p0 $0x1;
	_ =	shalt  }
.Lfunc_end2:
_tile_overlayer_lowered:
.L_overlay_start_2:
0x45: {  	(tag) =	ssettag $0x2  }
0x46: {  	s0 =	rddreg [dreg:$0x0];
	s2 =	stileid.u32  }
0x47: {  	s1 =	rddreg [dreg:$0x1];
	p0 =	sne.s32 s2, $0x0  }
0x48: {  	s3 =	rddreg [dreg:$0x2];
	[bflag:$0x3] =	sbarrier.arrive $0xFFFF;
	s2 =	simm.s32 @!p0 $0x1C02  }
0x49: {  	[timem:s3], [sflag:s2] =	dma.local @!p0 [hbm:s0], s1  }
0x4a: {  	s0 =	simm.s32 @!p0 $0x2  }
0x4b: {  	_ =	swait.ge @!p0 [sflag:s0], s1  }
0x4c: {  	s1 =	ssub.s32 @!p0 $0x0, s1;
	[sflag:s0] =	ssyncset.done @!p0 $0x0  }
0x4d: {  	[sflag:s0] =	ssyncadd.s32 @!p0 s1  }
0x4e: {  	[bflag:$0x3] =	sbarrier.arrive $0xFFFF  }
0x4f: {  	_ =	shalt  }

// kernel: kernel.51.cloned.1.call-start
scs
__scs_entry_jumppad:
0x0: {  	(pc) =	sbr.rel $0x88, $3  }
0x1: {  	(tag) =	ssettag $0x0;
	lr =	simm.s32 $0x1  }
0x2: {  	[smem:$0x3F9F] =	sst lr;
	_ =	strace $0xD0000000  }
0x3: {  	_ = 	snop  }
0x4: {  	_ = 	snop  }
0x5: {  	_ = 	snop  }
0x6: {  	_ = 	snop  }
0x7: {  	_ = 	snop  }
__scs_overlays_trampoline_lowered:
0x8: {  	[smem:$0x3FAE] =	sst s0  }
0x9: {  	[smem:$0x3FAF] =	sst s1  }
0xa: {  	[smem:$0x3FB0] =	sst s2  }
0xb: {  	[smem:$0x3FB1] =	sst s3  }
0xc: {  	[smem:$0x3FB2] =	sst s4  }
0xd: {  	[smem:$0x3FB3] =	sst s5  }
0xe: {  	[smem:$0x3FB4] =	sst s6  }
0xf: {  	[smem:$0x3FB5] =	sst s7  }
0x10: {  	[smem:$0x3FB6] =	sst s8  }
0x11: {  	[smem:$0x3FB7] =	sst s9;
	s0 =	simm.s32 @!p0 $0x0  }
0x12: {  	s1 =	sld [smem:$0x3F9D];
	s0 =	simm.s32 @p0 $0x1  }
0x13: {  	[smem:$0x3FB8] =	sst s0;
	s0 =	simm.s32 @!p1 $0x0  }
0x14: {  	s2 =	sld [smem:$0x3F9C];
	s0 =	simm.s32 @p1 $0x1  }
0x15: {  	[smem:$0x3FB9] =	sst s0;
	s0 =	simm.s32 @!p2 $0x0  }
0x16: {  	s3 =	sld [smem:$0x3FDB];
	s0 =	simm.s32 @p2 $0x1  }
0x17: {  	s4 =	simm.s32 $0x1BF5;
	[smem:$0x3FBB] =	sst s0  }
0x18: {  	s0 =	sld [smem:$0x3F9E];
	_ =	swait.ge [sflag:s4], $0x0  }
0x19: {  	s7 =	sld [smem:$0x3F9F]  }
0x1a: {  	s8 =	sadd.s32 $0xFFFFE003, lr  }
0x1b: {  	s9 =	sadd.s32 $0xFFFFFEF7, lr;
	s5 =	simm.s32 $0xFFFFFFFF;
	p2 =	slt.u32 s8, $0xFFFFF086  }
0x1c: {  	p1 =	slt.u32 s9, $0xF7A;
	s5 =	simm.s32 @!p2 $0x0  }
0x1d: {  	s5 =	simm.s32 @p1 $0x1;
	p0 =	seq.s32 s7, s2  }
0x1e: {  	s7 =	smul.u32 @!p0 $0xF7A, s2;
	p2 =	seq.s32 @!p0 s5, $0x0  }
0x1f: {  	s9 =	smul.u32 $0xF7A, s1;
	s8 =	simm.s32 @!p0 $0x1BF5;
	p2 =	por !p2, p0  }
0x20: {  	[sflag:s8] =	ssyncset.s32 @!p0 $0xFFFFF086;
	s6 =	sadd.s32 @!p0 s3, s7;
	s7 =	simm.s32 @!p0 $0x108  }
0x21: {  	s3 =	sadd.s32 s3, s9;
	s6 =	sadd.s32 @!p0 $0x88, s6;
	s7 =	simm.s32 @p2 $0x1082  }
0x22: {  	[simem:s7], [sflag:s8] =	dma.local @!p0 [hbm:s6], $0xF7A  }
0x23: {  	s9 =	sor.u32 $0xD0000000, s2;
	s6 =	simm.s32 $0x108;
	_ =	swait.ge @!p0 [sflag:s8], $0x0  }
0x24: {  	s3 =	sadd.s32 $0x88, s3;
	s6 =	simm.s32 @!p1 $0x1082;
	[sflag:s4] =	ssyncset.s32 $0xFFFFF086  }
0x25: {  	[simem:s6], [sflag:s4] =	dma.local [hbm:s3], $0xF7A  }
0x26: {  	[smem:$0x3F9F] =	sst s1;
	(tag) =	ssettag s2;
	_ =	strace s9  }
0x27: {  	s1 =	sld [smem:$0x3FAF]  }
0x28: {  	s2 =	sld [smem:$0x3FB0]  }
0x29: {  	s4 =	sld [smem:$0x3FB2]  }
0x2a: {  	p0 =	seq.s32 s5, $0x0;
	s5 =	sld [smem:$0x3FB3]  }
0x2b: {  	s6 =	sld [smem:$0x3FB4]  }
0x2c: {  	s7 =	sld [smem:$0x3FB5]  }
0x2d: {  	s3 =	simm.s32 $0x108;
	s8 =	sld [smem:$0x3FB6]  }
0x2e: {  	s3 =	simm.s32 @!p0 $0x1082;
	s9 =	sld [smem:$0x3FB7]  }
0x2f: {  	lr =	sadd.s32 s0, s3;
	s0 =	sld [smem:$0x3FAE]  }
0x30: {  	s3 =	sld [smem:$0x3FB1]  }
0x31: {  	[smem:$0x3FBA] =	sst s10  }
0x32: {  	s10 =	sld [smem:$0x3FB8];
	_ =	sdelay $0x3  }
0x33: {  	p0 =	seq.s32 s10, $0x1;
	s10 =	sld [smem:$0x3FBA];
	_ =	sdelay $0x3  }
0x34: {  	[smem:$0x3FBA] =	sst s10  }
0x35: {  	s10 =	sld [smem:$0x3FB9];
	_ =	sdelay $0x3  }
0x36: {  	p1 =	seq.s32 s10, $0x1;
	s10 =	sld [smem:$0x3FBA];
	_ =	sdelay $0x3  }
0x37: {  	[smem:$0x3FBA] =	sst s10  }
0x38: {  	s10 =	sld [smem:$0x3FBB]  }
0x39: {  	_ = 	snop;
	(pc) =	sbr.ind lr, $3  }
0x3a: {  	_ = 	snop  }
0x3b: {  	_ = 	snop  }
0x3c: {  	p2 =	seq.s32 s10, $0x1;
	s10 =	sld [smem:$0x3FBA]  }
0x3d: {  	_ =	shalt  }
0x3e: {  	_ =	shalt  }
0x3f: {  	_ =	shalt  }
0x40: {  	_ =	shalt  }
0x41: {  	_ =	shalt  }
0x42: {  	_ =	shalt  }
0x43: {  	_ =	shalt  }
0x44: {  	_ =	shalt  }
0x45: {  	_ =	shalt  }
0x46: {  	_ =	shalt  }
0x47: {  	_ =	shalt  }
0x48: {  	_ =	shalt  }
0x49: {  	_ =	shalt  }
0x4a: {  	_ =	shalt  }
0x4b: {  	_ =	shalt  }
0x4c: {  	_ =	shalt  }
0x4d: {  	_ =	shalt  }
0x4e: {  	_ =	shalt  }
0x4f: {  	_ =	shalt  }
0x50: {  	_ =	shalt  }
0x51: {  	_ =	shalt  }
0x52: {  	_ =	shalt  }
0x53: {  	_ =	shalt  }
0x54: {  	_ =	shalt  }
0x55: {  	_ =	shalt  }
0x56: {  	_ =	shalt  }
0x57: {  	_ =	shalt  }
0x58: {  	_ =	shalt  }
0x59: {  	_ =	shalt  }
0x5a: {  	_ =	shalt  }
0x5b: {  	_ =	shalt  }
0x5c: {  	_ =	shalt  }
0x5d: {  	_ =	shalt  }
0x5e: {  	_ =	shalt  }
0x5f: {  	_ =	shalt  }
0x60: {  	_ =	shalt  }
0x61: {  	_ =	shalt  }
0x62: {  	_ =	shalt  }
0x63: {  	_ =	shalt  }
0x64: {  	_ =	shalt  }
0x65: {  	_ =	shalt  }
0x66: {  	_ =	shalt  }
0x67: {  	_ =	shalt  }
0x68: {  	_ =	shalt  }
0x69: {  	_ =	shalt  }
0x6a: {  	_ =	shalt  }
0x6b: {  	_ =	shalt  }
0x6c: {  	_ =	shalt  }
0x6d: {  	_ =	shalt  }
0x6e: {  	_ =	shalt  }
0x6f: {  	_ =	shalt  }
0x70: {  	_ =	shalt  }
0x71: {  	_ =	shalt  }
0x72: {  	_ =	shalt  }
0x73: {  	_ =	shalt  }
0x74: {  	_ =	shalt  }
0x75: {  	_ =	shalt  }
0x76: {  	_ =	shalt  }
0x77: {  	_ =	shalt  }
0x78: {  	_ =	shalt  }
0x79: {  	_ =	shalt  }
0x7a: {  	_ =	shalt  }
0x7b: {  	_ =	shalt  }
0x7c: {  	_ =	shalt  }
0x7d: {  	_ =	shalt  }
0x7e: {  	_ =	shalt  }
0x7f: {  	_ =	shalt  }
0x80: {  	_ =	shalt  }
0x81: {  	_ =	shalt  }
0x82: {  	_ =	shalt  }
0x83: {  	_ =	shalt  }
0x84: {  	_ =	shalt  }
0x85: {  	_ =	shalt  }
0x86: {  	_ =	shalt  }
0x87: {  	_ =	shalt  }
.Lfunc_end0:
.L_simem_size_0:
called_computation.9_lowered:
.L_overlay_start_0:
0x88: {  	s2 =	sld [smem:$0x3FD9]  }
0x89: {  	s3 =	sld [smem:$0x3FFE];
	_ =	sdelay $0x1  }
0x8a: {  	s1 =	srdreg.scid  }
0x8b: {  	s0 =	sand.u32 $0x1, s1  }
0x8c: {  	s17 =	sshll.u32 s0, $0xA;
	s2 =	sadd.s32 s3, s2  }
0x8d: {  	s2 =	sadd.s32 s2, s17  }
0x8e: {  	[smem:$0x3FC6] =	sst s2  }
0x8f: {  	_ = 	snop  }
0x90: {  	s2 =	sld [smem:$0x3FD0];
	(tm) =	ssettm $0x1  }
0x91: {  	s18 =	sld [smem:$0x3FFB];
	_ =	sdelay $0x3  }
0x92: {  	_ =	strace s18  }
0x93: {  	s3 =	sld [smem:$0x3FFC];
	_ =	sdelay $0x3  }
0x94: {  	_ =	strace s3  }
0x95: {  	s3 =	sld [smem:$0x3FFD];
	_ =	sdelay $0x3  }
0x96: {  	_ =	strace s3  }
0x97: {  	_ =	strace $0x8FFFFFFF  }
0x98: {  	s19 =	sld [smem:$0x3FDB];
	_ =	sdelay $0x1  }
0x99: {  	s4 =	simm.s32 $_scs_section_size  }
0x9a: {  	s5 =	simm.s32 $_size__tile_overlayer_lowered;
	s6 =	simm.s32 $_tile_overlayer_lowered  }
0x9b: {  	s22 =	simm.s32 $0x1BFF;
	s21 =	sshll.u32 s6, $0x1;
	s3 =	sadd.s32 s4, s19  }
0x9c: {  	s7 =	simm.s32 $0x0;
	s20 =	sshll.u32 s5, $0x1;
	s5 =	sadd.s32 s21, s3  }
0x9d: {  	[timem:s7], [sflag:s22] =	dma.local [hbm:s5], s20  }
0x9e: {  	_ =	swait.ge [sflag:s22], s20  }
0x9f: {  	s4 =	ssub.s32 $0x0, s20;
	[sflag:s22] =	ssyncset.done $0x0  }
0xa0: {  	[sflag:s22] =	ssyncadd.s32 s4;
	_ =	sdelay $0x1  }
0xa1: {  	s23 =	simm.s32 $0x1B8B  }
0xa2: {  	_ =	swait.ge [sflag:s23], $0x1  }
0xa3: {  	[sflag:s23] =	ssyncset.done $0x0  }
0xa4: {  	s25 =	simm.s32 $0x1B8E;
	s24 =	sld [smem:$0x3FFE];
	[sflag:s23] =	ssyncadd.s32 $0xFFFFFFFF  }
0xa5: {  	s26 =	simm.s32 $execute0_lowered;
	[smem:$0x3FD2] =	sst s25  }
0xa6: {  	s5 =	sshll.u32 s26, $0x1;
	_ =	strace $0x80000061;
	[dreg:$0x1] =	wrdreg $0xFFFFFFFF  }
0xa7: {  	s28 =	simm.s32 $_size_execute0_lowered;
	s3 =	sadd.s32 s3, s5;
	[dreg:$0x0] =	wrdreg $0x0  }
0xa8: {  	s5 =	sshll.u32 s28, $0x1;
	[dreg:$0x2] =	wrdreg s3  }
0xa9: {  	[dreg:$0x3] =	wrdreg s5  }
0xaa: {  	[dreg:$0x4] =	wrdreg $0xC0  }
0xab: {  	_ =	task [dreg:s7], $0x5FFFF  }
0xac: {  	[dreg:$0x1] =	wrdreg $0xFFFFFFFF  }
0xad: {  	[dreg:$0x0] =	wrdreg $0x60  }
0xae: {  	[dreg:$0x2] =	wrdreg s24  }
0xaf: {  	[dreg:$0x3] =	wrdreg s2  }
0xb0: {  	[dreg:$0x4] =	wrdreg $0x74000  }
0xb1: {  	[dreg:$0x5] =	wrdreg $0x9  }
0xb2: {  	_ =	task.clear_ibuf [dreg:s7], $0x6FFFF;
	_ =	strace $0x90000061  }
0xb3: {  	s29 =	simm.s32 $0x9;
	_ =	strace $0x80000063  }
0xb4: {  	_ =	swait.ge [sflag:s29], $0x1  }
0xb5: {  	[sflag:s29] =	ssyncadd.s32 $0xFFFFFFFF  }
0xb6: {  	_ =	strace $0x90000063  }
0xb7: {  	_ =	sfence  }
0xb8: {  	s30 =	sld [smem:$0x0];
	_ =	sdelay $0x2  }
0xb9: {  	s31 =	sshll.u32 s1, $0xD;
	s1 =	sshrl.u32 s1, $0x2  }
0xba: {  	s3 =	sand.u32 $0x4000, s31;
	s1 =	sadd.s32 s1, s30  }
0xbb: {  	s0 =	sor.u32 s3, s0;
	s1 =	sshll.u32 s1, $0x11  }
0xbc: {  	s0 =	sor.u32 s1, s0  }
0xbd: {  	s0 =	sadd.s32 $0x8F2B, s0  }
0xbe: {  	[sflag:s0] =	ssyncadd.remote.s32 $0x1  }
0xbf: {  	_ =	sfence.sel $0xFFFF  }
0xc0: {  	[dreg:$0x0] =	wrdreg $0xFFFFFFFF;
	(pc) =	sbr.abs _section_cstart, $3  }
0xc1: {  	[dreg:$0x1] =	wrdreg $0xFFFFFFFF  }
0xc2: {  	_ =	task.clear_ibuf [dreg:s7], $0x2FFFF;
	_ =	strace $0x9FFFFFFF  }
0xc3: {  	(tm) =	ssettm $0x7FFFFFFF  }
tec
execute0_lowered:
.L_overlay_start_1:
0x0: {  	(tag) =	ssettag $0x1  }
0x1: {  	s5 =	rddreg [dreg:$0x0]  }
0x2: {  	s9 =	rddreg [dreg:$0x1]  }
0x3: {  	s2 =	rddreg [dreg:$0x2]  }
0x4: {  	s0 =	rddreg [dreg:$0x3];
	s1 =	stileid.u32  }
0x5: {  	s4 =	srdreg.scid;
	s3 =	simm.s32 $0x0;
	s6 =	smul.u32 $0x14000, s1  }
0x6: {  	s15 =	simm.s32 $0x80;
	s16 =	simm.s32 $0x0;
	s26 =	smul.u32 $0x50000, s1  }
0x7: {  	s7 =	sand.u32 $0x1, s4;
	[smem:$0x7FF] =	sst s3;
	s12 =	smul.u32 $0xB400, s1  }
0x8: {  	s4 =	sadd.s32 $0x7A00, s5;
	s29 =	sshll.u32 s1, $0x6;
	s8 =	smul.u32 $0x140000, s7  }
0x9: {  	_ =	strace $0x80000062;
	s11 =	ssub.s32 $0x2, s7;
	s10 =	sshrl.u32 s6, $0x3  }
0xa: {  	s7 =	smul.u32 $0x5A00, s7;
	s13 =	sshrl.u32 s11, $0x1;
	s10 =	sadd.s32 s10, s5  }
0xb: {  	s6 =	sadd.s32 s6, s8;
	s8 =	sshrl.u32 s26, $0x2;
	s11 =	ssub.s32 s11, s13  }
0xc: {  	s30 =	sadd.s32 s7, s12;
	s12 =	simm.s32 $0x70;
	s13 =	simm.s32 $0x400  }
0xd: {  	s6 =	sshrl.u32 s6, $0x3;
	s28 =	sadd.s32 s8, s2;
	s31 =	sshrl.u32 s30, $0x3  }
0xe: {  	s8 =	smax.u32 s11, $0x1;
	s11 =	simm.s32 $0x2;
	s14 =	sadd.s32 s6, s5  }
0xf: {  	s5 =	sadd.s32 $0xA7A00, s10;
	s6 =	sor.u32 $0x1C02, s29;
	s9 =	sadd.s32 s31, s9  }
0x10: {  	s10 =	sshrl.u32 s28, $0x3;
	s7 =	sadd.s32 $0xCFA00, s14;
	s14 =	simm.s32 $0x1  }
.LBB2_1:
0x11: {  	[spmem:s10], [sflag:s6] =	dma.local [hbm:s5], $0x2800  }
0x12: {  	_ =	swait.ge [sflag:s11], $0x2800  }
0x13: {  	[sflag:s11] =	ssyncset.done $0x0  }
0x14: {  	[sflag:s11] =	ssyncadd.s32 $0xFFFFD800  }
0x15: {  	s17 =	sadd.s32 $0x0, s9;
	[bflag:$0x0] =	sbarrier.arrive $0xFFFF  }
0x16: {  	[tilespmem:s3], [sflag:$0x2] =	stream.linear.gather [hbm4b:s17+s3], $0x100, $0x38;
	[tilespmem:$0x1B400] =	vst v63  }
0x17: {  	_ =	swait.ge [sflag:s11], $0x100  }
0x18: {  	[sflag:s11] =	ssyncset.done $0x0  }
0x19: {  	[sflag:s11] =	ssyncadd.s32 $0xFFFFFF00  }
0x1a: {  	[tilespmem:s13], [sflag:$0x1] =	stream.indirect.gather [hbm4b:s4+s12], $0x80, s3, s12, $0xb8;
	[tilespmem:$0x1B400] =	vst v63  }
0x1b: {  	_ =	swait.ge [sflag:s14], $0x3800  }
0x1c: {  	[sflag:s14] =	ssyncset.done $0x0  }
0x1d: {  	[sflag:s14] =	ssyncadd.s32 $0xFFFFC800  }
0x1e: {  	[spmem:s2] =	stream.indirect.scatter.add.f32 [tilespmem:s13], [sflag:$0x2], $0x80, s15, s12, $0xb8;
	[tilespmem:$0x1B400] =	vst v63  }
0x1f: {  	_ =	swait.ge [sflag:s11], $0x3800  }
0x20: {  	s18 =	simm.s32 $0x40;
	s17 =	simm.s32 $0x20;
	[sflag:s11] =	ssyncset.done $0x0  }
.LBB2_2:
0x21: {  	s19 =	sadd.s32 s17, s9  }
0x22: {  	[sflag:s11] =	ssyncadd.s32 $0xFFFFC800;
	s17 =	smov.u32 s18;
	s20 =	sadd.s32 $0x20, s18  }
0x23: {  	[tilespmem:s3], [sflag:$0x2] =	stream.linear.gather [hbm4b:s19+s3], $0x100, $0x38;
	[tilespmem:$0x1B400] =	vst v63  }
0x24: {  	p0 =	sne.s32 s18, $0xB20;
	_ =	swait.ge [sflag:s11], $0x100  }
0x25: {  	[sflag:s11] =	ssyncset.done $0x0  }
0x26: {  	[sflag:s11] =	ssyncadd.s32 $0xFFFFFF00  }
0x27: {  	[tilespmem:s13], [sflag:$0x1] =	stream.indirect.gather [hbm4b:s4+s12], $0x80, s3, s12, $0xb8;
	[tilespmem:$0x1B400] =	vst v63  }
0x28: {  	_ =	swait.ge [sflag:s14], $0x3800  }
.Ltmp0:
0x29: {  	[sflag:s14] =	ssyncset.done $0x0;
	(pc) =	sbr.rel @p0 .LBB2_2-.Ltmp0, $4  }
0x2a: {  	[sflag:s14] =	ssyncadd.s32 $0xFFFFC800  }
0x2b: {  	[spmem:s2] =	stream.indirect.scatter.add.f32 [tilespmem:s13], [sflag:$0x2], $0x80, s15, s12, $0xb8;
	[tilespmem:$0x1B400] =	vst v63  }
0x2c: {  	_ =	swait.ge [sflag:s11], $0x3800  }
0x2d: {  	s18 =	smov.u32 s20;
	[sflag:s11] =	ssyncset.done $0x0  }
0x2e: {  	s17 =	sadd.s32 s17, s9;
	[sflag:s11] =	ssyncadd.s32 $0xFFFFC800  }
0x2f: {  	[tilespmem:s3], [sflag:$0x2] =	stream.linear.gather [hbm4b:s17+s3], $0x100, $0x38;
	[tilespmem:$0x1B400] =	vst v63  }
0x30: {  	_ =	swait.ge [sflag:s11], $0x100  }
0x31: {  	[sflag:s11] =	ssyncset.done $0x0  }
0x32: {  	[sflag:s11] =	ssyncadd.s32 $0xFFFFFF00  }
0x33: {  	[tilespmem:s13], [sflag:$0x1] =	stream.indirect.gather [hbm4b:s4+s12], $0x80, s3, s12, $0xb8;
	[tilespmem:$0x1B400] =	vst v63  }
0x34: {  	_ =	swait.ge [sflag:s14], $0x3800  }
0x35: {  	[sflag:s14] =	ssyncset.done $0x0  }
0x36: {  	[sflag:s14] =	ssyncadd.s32 $0xFFFFC800  }
0x37: {  	[spmem:s2] =	stream.indirect.scatter.add.f32 [tilespmem:s13], [sflag:$0x2], $0x80, s15, s12, $0xb8;
	[tilespmem:$0x1B400] =	vst v63  }
0x38: {  	_ =	swait.ge [sflag:s11], $0x3800  }
0x39: {  	s16 =	sadd.s32 $0x1, s16;
	[sflag:s11] =	ssyncset.done $0x0  }
0x3a: {  	p0 =	sne.s32 s16, s8;
	[sflag:s11] =	ssyncadd.s32 $0xFFFFC800  }
.Ltmp1:
0x3b: {  	[bflag:$0x0] =	sbarrier.arrive $0xFFFF;
	(pc) =	sbr.rel @p0 .LBB2_1-.Ltmp1, $4  }
0x3c: {  	[hbm:s7], [sflag:s6] =	dma.local [spmem:s10], $0x2800  }
0x3d: {  	_ =	swait.ge [sflag:s11], $0x2800  }
0x3e: {  	[sflag:s11] =	ssyncset.done $0x0  }
0x3f: {  	[sflag:s11] =	ssyncadd.s32 $0xFFFFD800  }
0x40: {  	_ =	sfence.sel $0x180000  }
0x41: {  	[bflag:$0x0] =	sbarrier.arrive $0xFFFF  }
0x42: {  	p0 =	sne.s32 s1, $0x0;
	_ =	strace $0x90000062  }
0x43: {  	s0 =	sadd.s32 @!p0 $0x100000, s0;
	[bflag:$0x2] =	sbarrier.arrive $0xFFFF  }
0x44: {  	[sflag:s0] =	ssyncadd.tile.s32 @!p0 $0x1;
	_ =	shalt  }
.Lfunc_end2:
_tile_overlayer_lowered:
.L_overlay_start_2:
0x45: {  	(tag) =	ssettag $0x2  }
0x46: {  	s0 =	rddreg [dreg:$0x0];
	s2 =	stileid.u32  }
0x47: {  	s1 =	rddreg [dreg:$0x1];
	p0 =	sne.s32 s2, $0x0  }
0x48: {  	s3 =	rddreg [dreg:$0x2];
	[bflag:$0x3] =	sbarrier.arrive $0xFFFF;
	s2 =	simm.s32 @!p0 $0x1C02  }
0x49: {  	[timem:s3], [sflag:s2] =	dma.local @!p0 [hbm:s0], s1  }
0x4a: {  	s0 =	simm.s32 @!p0 $0x2  }
0x4b: {  	_ =	swait.ge @!p0 [sflag:s0], s1  }
0x4c: {  	s1 =	ssub.s32 @!p0 $0x0, s1;
	[sflag:s0] =	ssyncset.done @!p0 $0x0  }
0x4d: {  	[sflag:s0] =	ssyncadd.s32 @!p0 s1  }
0x4e: {  	[bflag:$0x3] =	sbarrier.arrive $0xFFFF  }
0x4f: {  	_ =	shalt  }

// kernel: kernel.54.cloned.1.call-start
scs
__scs_entry_jumppad:
0x0: {  	(pc) =	sbr.rel $0x88, $3  }
0x1: {  	(tag) =	ssettag $0x0;
	lr =	simm.s32 $0x1  }
0x2: {  	[smem:$0x3F9F] =	sst lr;
	_ =	strace $0xD0000000  }
0x3: {  	_ = 	snop  }
0x4: {  	_ = 	snop  }
0x5: {  	_ = 	snop  }
0x6: {  	_ = 	snop  }
0x7: {  	_ = 	snop  }
__scs_overlays_trampoline_lowered:
0x8: {  	[smem:$0x3FAE] =	sst s0  }
0x9: {  	[smem:$0x3FAF] =	sst s1  }
0xa: {  	[smem:$0x3FB0] =	sst s2  }
0xb: {  	[smem:$0x3FB1] =	sst s3  }
0xc: {  	[smem:$0x3FB2] =	sst s4  }
0xd: {  	[smem:$0x3FB3] =	sst s5  }
0xe: {  	[smem:$0x3FB4] =	sst s6  }
0xf: {  	[smem:$0x3FB5] =	sst s7  }
0x10: {  	[smem:$0x3FB6] =	sst s8  }
0x11: {  	[smem:$0x3FB7] =	sst s9;
	s0 =	simm.s32 @!p0 $0x0  }
0x12: {  	s1 =	sld [smem:$0x3F9D];
	s0 =	simm.s32 @p0 $0x1  }
0x13: {  	[smem:$0x3FB8] =	sst s0;
	s0 =	simm.s32 @!p1 $0x0  }
0x14: {  	s2 =	sld [smem:$0x3F9C];
	s0 =	simm.s32 @p1 $0x1  }
0x15: {  	[smem:$0x3FB9] =	sst s0;
	s0 =	simm.s32 @!p2 $0x0  }
0x16: {  	s3 =	sld [smem:$0x3FDB];
	s0 =	simm.s32 @p2 $0x1  }
0x17: {  	s4 =	simm.s32 $0x1BF5;
	[smem:$0x3FBB] =	sst s0  }
0x18: {  	s0 =	sld [smem:$0x3F9E];
	_ =	swait.ge [sflag:s4], $0x0  }
0x19: {  	s7 =	sld [smem:$0x3F9F]  }
0x1a: {  	s8 =	sadd.s32 $0xFFFFE003, lr  }
0x1b: {  	s9 =	sadd.s32 $0xFFFFFEF7, lr;
	s5 =	simm.s32 $0xFFFFFFFF;
	p2 =	slt.u32 s8, $0xFFFFF086  }
0x1c: {  	p1 =	slt.u32 s9, $0xF7A;
	s5 =	simm.s32 @!p2 $0x0  }
0x1d: {  	s5 =	simm.s32 @p1 $0x1;
	p0 =	seq.s32 s7, s2  }
0x1e: {  	s7 =	smul.u32 @!p0 $0xF7A, s2;
	p2 =	seq.s32 @!p0 s5, $0x0  }
0x1f: {  	s9 =	smul.u32 $0xF7A, s1;
	s8 =	simm.s32 @!p0 $0x1BF5;
	p2 =	por !p2, p0  }
0x20: {  	[sflag:s8] =	ssyncset.s32 @!p0 $0xFFFFF086;
	s6 =	sadd.s32 @!p0 s3, s7;
	s7 =	simm.s32 @!p0 $0x108  }
0x21: {  	s3 =	sadd.s32 s3, s9;
	s6 =	sadd.s32 @!p0 $0x88, s6;
	s7 =	simm.s32 @p2 $0x1082  }
0x22: {  	[simem:s7], [sflag:s8] =	dma.local @!p0 [hbm:s6], $0xF7A  }
0x23: {  	s9 =	sor.u32 $0xD0000000, s2;
	s6 =	simm.s32 $0x108;
	_ =	swait.ge @!p0 [sflag:s8], $0x0  }
0x24: {  	s3 =	sadd.s32 $0x88, s3;
	s6 =	simm.s32 @!p1 $0x1082;
	[sflag:s4] =	ssyncset.s32 $0xFFFFF086  }
0x25: {  	[simem:s6], [sflag:s4] =	dma.local [hbm:s3], $0xF7A  }
0x26: {  	[smem:$0x3F9F] =	sst s1;
	(tag) =	ssettag s2;
	_ =	strace s9  }
0x27: {  	s1 =	sld [smem:$0x3FAF]  }
0x28: {  	s2 =	sld [smem:$0x3FB0]  }
0x29: {  	s4 =	sld [smem:$0x3FB2]  }
0x2a: {  	p0 =	seq.s32 s5, $0x0;
	s5 =	sld [smem:$0x3FB3]  }
0x2b: {  	s6 =	sld [smem:$0x3FB4]  }
0x2c: {  	s7 =	sld [smem:$0x3FB5]  }
0x2d: {  	s3 =	simm.s32 $0x108;
	s8 =	sld [smem:$0x3FB6]  }
0x2e: {  	s3 =	simm.s32 @!p0 $0x1082;
	s9 =	sld [smem:$0x3FB7]  }
0x2f: {  	lr =	sadd.s32 s0, s3;
	s0 =	sld [smem:$0x3FAE]  }
0x30: {  	s3 =	sld [smem:$0x3FB1]  }
0x31: {  	[smem:$0x3FBA] =	sst s10  }
0x32: {  	s10 =	sld [smem:$0x3FB8];
	_ =	sdelay $0x3  }
0x33: {  	p0 =	seq.s32 s10, $0x1;
	s10 =	sld [smem:$0x3FBA];
	_ =	sdelay $0x3  }
0x34: {  	[smem:$0x3FBA] =	sst s10  }
0x35: {  	s10 =	sld [smem:$0x3FB9];
	_ =	sdelay $0x3  }
0x36: {  	p1 =	seq.s32 s10, $0x1;
	s10 =	sld [smem:$0x3FBA];
	_ =	sdelay $0x3  }
0x37: {  	[smem:$0x3FBA] =	sst s10  }
0x38: {  	s10 =	sld [smem:$0x3FBB]  }
0x39: {  	_ = 	snop;
	(pc) =	sbr.ind lr, $3  }
0x3a: {  	_ = 	snop  }
0x3b: {  	_ = 	snop  }
0x3c: {  	p2 =	seq.s32 s10, $0x1;
	s10 =	sld [smem:$0x3FBA]  }
0x3d: {  	_ =	shalt  }
0x3e: {  	_ =	shalt  }
0x3f: {  	_ =	shalt  }
0x40: {  	_ =	shalt  }
0x41: {  	_ =	shalt  }
0x42: {  	_ =	shalt  }
0x43: {  	_ =	shalt  }
0x44: {  	_ =	shalt  }
0x45: {  	_ =	shalt  }
0x46: {  	_ =	shalt  }
0x47: {  	_ =	shalt  }
0x48: {  	_ =	shalt  }
0x49: {  	_ =	shalt  }
0x4a: {  	_ =	shalt  }
0x4b: {  	_ =	shalt  }
0x4c: {  	_ =	shalt  }
0x4d: {  	_ =	shalt  }
0x4e: {  	_ =	shalt  }
0x4f: {  	_ =	shalt  }
0x50: {  	_ =	shalt  }
0x51: {  	_ =	shalt  }
0x52: {  	_ =	shalt  }
0x53: {  	_ =	shalt  }
0x54: {  	_ =	shalt  }
0x55: {  	_ =	shalt  }
0x56: {  	_ =	shalt  }
0x57: {  	_ =	shalt  }
0x58: {  	_ =	shalt  }
0x59: {  	_ =	shalt  }
0x5a: {  	_ =	shalt  }
0x5b: {  	_ =	shalt  }
0x5c: {  	_ =	shalt  }
0x5d: {  	_ =	shalt  }
0x5e: {  	_ =	shalt  }
0x5f: {  	_ =	shalt  }
0x60: {  	_ =	shalt  }
0x61: {  	_ =	shalt  }
0x62: {  	_ =	shalt  }
0x63: {  	_ =	shalt  }
0x64: {  	_ =	shalt  }
0x65: {  	_ =	shalt  }
0x66: {  	_ =	shalt  }
0x67: {  	_ =	shalt  }
0x68: {  	_ =	shalt  }
0x69: {  	_ =	shalt  }
0x6a: {  	_ =	shalt  }
0x6b: {  	_ =	shalt  }
0x6c: {  	_ =	shalt  }
0x6d: {  	_ =	shalt  }
0x6e: {  	_ =	shalt  }
0x6f: {  	_ =	shalt  }
0x70: {  	_ =	shalt  }
0x71: {  	_ =	shalt  }
0x72: {  	_ =	shalt  }
0x73: {  	_ =	shalt  }
0x74: {  	_ =	shalt  }
0x75: {  	_ =	shalt  }
0x76: {  	_ =	shalt  }
0x77: {  	_ =	shalt  }
0x78: {  	_ =	shalt  }
0x79: {  	_ =	shalt  }
0x7a: {  	_ =	shalt  }
0x7b: {  	_ =	shalt  }
0x7c: {  	_ =	shalt  }
0x7d: {  	_ =	shalt  }
0x7e: {  	_ =	shalt  }
0x7f: {  	_ =	shalt  }
0x80: {  	_ =	shalt  }
0x81: {  	_ =	shalt  }
0x82: {  	_ =	shalt  }
0x83: {  	_ =	shalt  }
0x84: {  	_ =	shalt  }
0x85: {  	_ =	shalt  }
0x86: {  	_ =	shalt  }
0x87: {  	_ =	shalt  }
.Lfunc_end0:
.L_simem_size_0:
called_computation.10_lowered:
.L_overlay_start_0:
0x88: {  	s2 =	sld [smem:$0x3FD9]  }
0x89: {  	s3 =	sld [smem:$0x3FFE];
	_ =	sdelay $0x1  }
0x8a: {  	s1 =	srdreg.scid  }
0x8b: {  	s0 =	sand.u32 $0x1, s1  }
0x8c: {  	s17 =	sshll.u32 s0, $0xA;
	s2 =	sadd.s32 s3, s2  }
0x8d: {  	s2 =	sadd.s32 s2, s17  }
0x8e: {  	[smem:$0x3FC6] =	sst s2  }
0x8f: {  	_ = 	snop  }
0x90: {  	s2 =	sld [smem:$0x3FD0];
	(tm) =	ssettm $0x1  }
0x91: {  	s18 =	sld [smem:$0x3FFB];
	_ =	sdelay $0x3  }
0x92: {  	_ =	strace s18  }
0x93: {  	s3 =	sld [smem:$0x3FFC];
	_ =	sdelay $0x3  }
0x94: {  	_ =	strace s3  }
0x95: {  	s3 =	sld [smem:$0x3FFD];
	_ =	sdelay $0x3  }
0x96: {  	_ =	strace s3  }
0x97: {  	_ =	strace $0x8FFFFFFF  }
0x98: {  	s19 =	sld [smem:$0x3FDB];
	_ =	sdelay $0x1  }
0x99: {  	s4 =	simm.s32 $_scs_section_size  }
0x9a: {  	s5 =	simm.s32 $_size__tile_overlayer_lowered;
	s6 =	simm.s32 $_tile_overlayer_lowered  }
0x9b: {  	s22 =	simm.s32 $0x1BFF;
	s21 =	sshll.u32 s6, $0x1;
	s3 =	sadd.s32 s4, s19  }
0x9c: {  	s7 =	simm.s32 $0x0;
	s20 =	sshll.u32 s5, $0x1;
	s5 =	sadd.s32 s21, s3  }
0x9d: {  	[timem:s7], [sflag:s22] =	dma.local [hbm:s5], s20  }
0x9e: {  	_ =	swait.ge [sflag:s22], s20  }
0x9f: {  	s4 =	ssub.s32 $0x0, s20;
	[sflag:s22] =	ssyncset.done $0x0  }
0xa0: {  	[sflag:s22] =	ssyncadd.s32 s4;
	_ =	sdelay $0x1  }
0xa1: {  	s23 =	simm.s32 $0x1B8B  }
0xa2: {  	_ =	swait.ge [sflag:s23], $0x1  }
0xa3: {  	[sflag:s23] =	ssyncset.done $0x0  }
0xa4: {  	s25 =	simm.s32 $0x1B8E;
	s24 =	sld [smem:$0x3FFE];
	[sflag:s23] =	ssyncadd.s32 $0xFFFFFFFF  }
0xa5: {  	s26 =	simm.s32 $execute0_lowered;
	[smem:$0x3FD2] =	sst s25  }
0xa6: {  	s5 =	sshll.u32 s26, $0x1;
	_ =	strace $0x80000064;
	[dreg:$0x1] =	wrdreg $0xFFFFFFFF  }
0xa7: {  	s28 =	simm.s32 $_size_execute0_lowered;
	s3 =	sadd.s32 s3, s5;
	[dreg:$0x0] =	wrdreg $0x0  }
0xa8: {  	s5 =	sshll.u32 s28, $0x1;
	[dreg:$0x2] =	wrdreg s3  }
0xa9: {  	[dreg:$0x3] =	wrdreg s5  }
0xaa: {  	[dreg:$0x4] =	wrdreg $0xC0  }
0xab: {  	_ =	task [dreg:s7], $0x5FFFF  }
0xac: {  	[dreg:$0x1] =	wrdreg $0xFFFFFFFF  }
0xad: {  	[dreg:$0x0] =	wrdreg $0x60  }
0xae: {  	[dreg:$0x2] =	wrdreg s24  }
0xaf: {  	[dreg:$0x3] =	wrdreg s2  }
0xb0: {  	[dreg:$0x4] =	wrdreg $0x74000  }
0xb1: {  	[dreg:$0x5] =	wrdreg $0x9  }
0xb2: {  	_ =	task.clear_ibuf [dreg:s7], $0x6FFFF;
	_ =	strace $0x90000064  }
0xb3: {  	s29 =	simm.s32 $0x9;
	_ =	strace $0x80000066  }
0xb4: {  	_ =	swait.ge [sflag:s29], $0x1  }
0xb5: {  	[sflag:s29] =	ssyncadd.s32 $0xFFFFFFFF  }
0xb6: {  	_ =	strace $0x90000066  }
0xb7: {  	_ =	sfence  }
0xb8: {  	s30 =	sld [smem:$0x0];
	_ =	sdelay $0x2  }
0xb9: {  	s31 =	sshll.u32 s1, $0xD;
	s1 =	sshrl.u32 s1, $0x2  }
0xba: {  	s3 =	sand.u32 $0x4000, s31;
	s1 =	sadd.s32 s1, s30  }
0xbb: {  	s0 =	sor.u32 s3, s0;
	s1 =	sshll.u32 s1, $0x11  }
0xbc: {  	s0 =	sor.u32 s1, s0  }
0xbd: {  	s0 =	sadd.s32 $0x8F2B, s0  }
0xbe: {  	[sflag:s0] =	ssyncadd.remote.s32 $0x1  }
0xbf: {  	_ =	sfence.sel $0xFFFF  }
0xc0: {  	[dreg:$0x0] =	wrdreg $0xFFFFFFFF;
	(pc) =	sbr.abs _section_cstart, $3  }
0xc1: {  	[dreg:$0x1] =	wrdreg $0xFFFFFFFF  }
0xc2: {  	_ =	task.clear_ibuf [dreg:s7], $0x2FFFF;
	_ =	strace $0x9FFFFFFF  }
0xc3: {  	(tm) =	ssettm $0x7FFFFFFF  }
tec
execute0_lowered:
.L_overlay_start_1:
0x0: {  	(tag) =	ssettag $0x1  }
0x1: {  	s5 =	rddreg [dreg:$0x0]  }
0x2: {  	s9 =	rddreg [dreg:$0x1]  }
0x3: {  	s2 =	rddreg [dreg:$0x2]  }
0x4: {  	s0 =	rddreg [dreg:$0x3];
	s1 =	stileid.u32  }
0x5: {  	s4 =	srdreg.scid;
	s3 =	simm.s32 $0x0;
	s6 =	smul.u32 $0x14000, s1  }
0x6: {  	s15 =	simm.s32 $0x80;
	s16 =	simm.s32 $0x0;
	s26 =	smul.u32 $0x50000, s1  }
0x7: {  	s7 =	sand.u32 $0x1, s4;
	[smem:$0x7FF] =	sst s3;
	s12 =	smul.u32 $0xB400, s1  }
0x8: {  	s4 =	sadd.s32 $0x7A00, s5;
	s29 =	sshll.u32 s1, $0x6;
	s8 =	smul.u32 $0x140000, s7  }
0x9: {  	_ =	strace $0x80000065;
	s11 =	ssub.s32 $0x2, s7;
	s10 =	sshrl.u32 s6, $0x3  }
0xa: {  	s7 =	smul.u32 $0x5A00, s7;
	s13 =	sshrl.u32 s11, $0x1;
	s10 =	sadd.s32 s10, s5  }
0xb: {  	s6 =	sadd.s32 s6, s8;
	s8 =	sshrl.u32 s26, $0x2;
	s11 =	ssub.s32 s11, s13  }
0xc: {  	s30 =	sadd.s32 s7, s12;
	s12 =	simm.s32 $0x70;
	s13 =	simm.s32 $0x400  }
0xd: {  	s6 =	sshrl.u32 s6, $0x3;
	s28 =	sadd.s32 s8, s2;
	s31 =	sshrl.u32 s30, $0x3  }
0xe: {  	s8 =	smax.u32 s11, $0x1;
	s11 =	simm.s32 $0x2;
	s14 =	sadd.s32 s6, s5  }
0xf: {  	s5 =	sadd.s32 $0xA7A00, s10;
	s6 =	sor.u32 $0x1C02, s29;
	s9 =	sadd.s32 s31, s9  }
0x10: {  	s10 =	sshrl.u32 s28, $0x3;
	s7 =	sadd.s32 $0xCFA00, s14;
	s14 =	simm.s32 $0x1  }
.LBB2_1:
0x11: {  	[spmem:s10], [sflag:s6] =	dma.local [hbm:s5], $0x2800  }
0x12: {  	_ =	swait.ge [sflag:s11], $0x2800  }
0x13: {  	[sflag:s11] =	ssyncset.done $0x0  }
0x14: {  	[sflag:s11] =	ssyncadd.s32 $0xFFFFD800  }
0x15: {  	s17 =	sadd.s32 $0x0, s9;
	[bflag:$0x0] =	sbarrier.arrive $0xFFFF  }
0x16: {  	[tilespmem:s3], [sflag:$0x2] =	stream.linear.gather [hbm4b:s17+s3], $0x100, $0x38;
	[tilespmem:$0x1B400] =	vst v63  }
0x17: {  	_ =	swait.ge [sflag:s11], $0x100  }
0x18: {  	[sflag:s11] =	ssyncset.done $0x0  }
0x19: {  	[sflag:s11] =	ssyncadd.s32 $0xFFFFFF00  }
0x1a: {  	[tilespmem:s13], [sflag:$0x1] =	stream.indirect.gather [hbm4b:s4+s12], $0x80, s3, s12, $0xb8;
	[tilespmem:$0x1B400] =	vst v63  }
0x1b: {  	_ =	swait.ge [sflag:s14], $0x3800  }
0x1c: {  	[sflag:s14] =	ssyncset.done $0x0  }
0x1d: {  	[sflag:s14] =	ssyncadd.s32 $0xFFFFC800  }
0x1e: {  	[spmem:s2] =	stream.indirect.scatter.add.f32 [tilespmem:s13], [sflag:$0x2], $0x80, s15, s12, $0xb8;
	[tilespmem:$0x1B400] =	vst v63  }
0x1f: {  	_ =	swait.ge [sflag:s11], $0x3800  }
0x20: {  	s18 =	simm.s32 $0x40;
	s17 =	simm.s32 $0x20;
	[sflag:s11] =	ssyncset.done $0x0  }
.LBB2_2:
0x21: {  	s19 =	sadd.s32 s17, s9  }
0x22: {  	[sflag:s11] =	ssyncadd.s32 $0xFFFFC800;
	s17 =	smov.u32 s18;
	s20 =	sadd.s32 $0x20, s18  }
0x23: {  	[tilespmem:s3], [sflag:$0x2] =	stream.linear.gather [hbm4b:s19+s3], $0x100, $0x38;
	[tilespmem:$0x1B400] =	vst v63  }
0x24: {  	p0 =	sne.s32 s18, $0xB20;
	_ =	swait.ge [sflag:s11], $0x100  }
0x25: {  	[sflag:s11] =	ssyncset.done $0x0  }
0x26: {  	[sflag:s11] =	ssyncadd.s32 $0xFFFFFF00  }
0x27: {  	[tilespmem:s13], [sflag:$0x1] =	stream.indirect.gather [hbm4b:s4+s12], $0x80, s3, s12, $0xb8;
	[tilespmem:$0x1B400] =	vst v63  }
0x28: {  	_ =	swait.ge [sflag:s14], $0x3800  }
.Ltmp0:
0x29: {  	[sflag:s14] =	ssyncset.done $0x0;
	(pc) =	sbr.rel @p0 .LBB2_2-.Ltmp0, $4  }
0x2a: {  	[sflag:s14] =	ssyncadd.s32 $0xFFFFC800  }
0x2b: {  	[spmem:s2] =	stream.indirect.scatter.add.f32 [tilespmem:s13], [sflag:$0x2], $0x80, s15, s12, $0xb8;
	[tilespmem:$0x1B400] =	vst v63  }
0x2c: {  	_ =	swait.ge [sflag:s11], $0x3800  }
0x2d: {  	s18 =	smov.u32 s20;
	[sflag:s11] =	ssyncset.done $0x0  }
0x2e: {  	s17 =	sadd.s32 s17, s9;
	[sflag:s11] =	ssyncadd.s32 $0xFFFFC800  }
0x2f: {  	[tilespmem:s3], [sflag:$0x2] =	stream.linear.gather [hbm4b:s17+s3], $0x100, $0x38;
	[tilespmem:$0x1B400] =	vst v63  }
0x30: {  	_ =	swait.ge [sflag:s11], $0x100  }
0x31: {  	[sflag:s11] =	ssyncset.done $0x0  }
0x32: {  	[sflag:s11] =	ssyncadd.s32 $0xFFFFFF00  }
0x33: {  	[tilespmem:s13], [sflag:$0x1] =	stream.indirect.gather [hbm4b:s4+s12], $0x80, s3, s12, $0xb8;
	[tilespmem:$0x1B400] =	vst v63  }
0x34: {  	_ =	swait.ge [sflag:s14], $0x3800  }
0x35: {  	[sflag:s14] =	ssyncset.done $0x0  }
0x36: {  	[sflag:s14] =	ssyncadd.s32 $0xFFFFC800  }
0x37: {  	[spmem:s2] =	stream.indirect.scatter.add.f32 [tilespmem:s13], [sflag:$0x2], $0x80, s15, s12, $0xb8;
	[tilespmem:$0x1B400] =	vst v63  }
0x38: {  	_ =	swait.ge [sflag:s11], $0x3800  }
0x39: {  	s16 =	sadd.s32 $0x1, s16;
	[sflag:s11] =	ssyncset.done $0x0  }
0x3a: {  	p0 =	sne.s32 s16, s8;
	[sflag:s11] =	ssyncadd.s32 $0xFFFFC800  }
.Ltmp1:
0x3b: {  	[bflag:$0x0] =	sbarrier.arrive $0xFFFF;
	(pc) =	sbr.rel @p0 .LBB2_1-.Ltmp1, $4  }
0x3c: {  	[hbm:s7], [sflag:s6] =	dma.local [spmem:s10], $0x2800  }
0x3d: {  	_ =	swait.ge [sflag:s11], $0x2800  }
0x3e: {  	[sflag:s11] =	ssyncset.done $0x0  }
0x3f: {  	[sflag:s11] =	ssyncadd.s32 $0xFFFFD800  }
0x40: {  	_ =	sfence.sel $0x180000  }
0x41: {  	[bflag:$0x0] =	sbarrier.arrive $0xFFFF  }
0x42: {  	p0 =	sne.s32 s1, $0x0;
	_ =	strace $0x90000065  }
0x43: {  	s0 =	sadd.s32 @!p0 $0x100000, s0;
	[bflag:$0x2] =	sbarrier.arrive $0xFFFF  }
0x44: {  	[sflag:s0] =	ssyncadd.tile.s32 @!p0 $0x1;
	_ =	shalt  }
.Lfunc_end2:
_tile_overlayer_lowered:
.L_overlay_start_2:
0x45: {  	(tag) =	ssettag $0x2  }
0x46: {  	s0 =	rddreg [dreg:$0x0];
	s2 =	stileid.u32  }
0x47: {  	s1 =	rddreg [dreg:$0x1];
	p0 =	sne.s32 s2, $0x0  }
0x48: {  	s3 =	rddreg [dreg:$0x2];
	[bflag:$0x3] =	sbarrier.arrive $0xFFFF;
	s2 =	simm.s32 @!p0 $0x1C02  }
0x49: {  	[timem:s3], [sflag:s2] =	dma.local @!p0 [hbm:s0], s1  }
0x4a: {  	s0 =	simm.s32 @!p0 $0x2  }
0x4b: {  	_ =	swait.ge @!p0 [sflag:s0], s1  }
0x4c: {  	s1 =	ssub.s32 @!p0 $0x0, s1;
	[sflag:s0] =	ssyncset.done @!p0 $0x0  }
0x4d: {  	[sflag:s0] =	ssyncadd.s32 @!p0 s1  }
0x4e: {  	[bflag:$0x3] =	sbarrier.arrive $0xFFFF  }
0x4f: {  	_ =	shalt  }

</sc_bundles>
